<compile_context>
chip_gen: v7x
topology: tpu7x:2x2x1
jax: 0.10.2.dev20260603
libtpu: 0.0.44.dev20260713+nightly
codegen_flags: <defaults>
</compile_context>

<pallas_src>
import functools

import jax
import jax.numpy as jnp
from jax import lax
from jax.experimental import pallas as pl
from jax.experimental.pallas import tpu as pltpu
from jax.experimental.pallas import tpu_sc as plsc

_B = 1024
_S = 50
_D = 768
_NW = 32
_EPW = _B // _NW
_SPAD = 64
_SIDS = 56
_NEG = -1e30
_NDC = _D // 16


def _bf16_round(x):
    u = lax.bitcast_convert_type(x, jnp.uint32)
    r = (u + jnp.uint32(0x7FFF) + ((u >> jnp.uint32(16)) & jnp.uint32(1)))
    r = r & jnp.uint32(0xFFFF0000)
    return lax.bitcast_convert_type(r, jnp.float32)


def _sc_logits_body(w_hbm, b_hbm, reps_hbm, ids_hbm, out_hbm,
                    ids_v, reps_v, rows_a, rows_b, bias_a, bias_b,
                    log_v, sem_a, sem_b):
    wid = lax.axis_index("s") * 2 + lax.axis_index("c")
    base = wid * _EPW
    lanes = lax.broadcasted_iota(jnp.int32, (16,), 0)

    pltpu.sync_copy(ids_hbm.at[pl.ds(base, _EPW)], ids_v)
    pltpu.sync_copy(reps_hbm.at[pl.ds(base, _EPW)], reps_v)

    def start(e, rows_v, bias_v, sem):
        pltpu.async_copy(w_hbm.at[ids_v.at[e]], rows_v, sem)
        pltpu.async_copy(b_hbm.at[ids_v.at[e]], bias_v.at[pl.ds(0, _SIDS)], sem)

    def wait(e, rows_v, bias_v, sem):
        pltpu.make_async_copy(w_hbm.at[ids_v.at[e]], rows_v, sem).wait()
        pltpu.make_async_copy(
            b_hbm.at[ids_v.at[e]], bias_v.at[pl.ds(0, _SIDS)], sem).wait()

    def compute(e, rows_v, bias_v):
        for g in range(4):
            ns = 16 if g < 3 else _S - 48

            def dchunk(d, accs):
                rc = _bf16_round(reps_v[e, pl.ds(d * 16, 16)])
                def w16(j):
                    return _bf16_round(
                        rows_v[g * 16 + j, pl.ds(d * 16, 16)])
                return tuple(accs[j] + w16(j) * rc for j in range(ns))

            accs = lax.fori_loop(
                0, _NDC, dchunk,
                tuple(jnp.zeros((16,), jnp.float32) for _ in range(ns)))
            bs = bias_v[pl.ds(g * 16, 16)]
            if g < 3:
                lv = jnp.zeros((16,), jnp.float32)
                for j in range(ns):
                    lv = jnp.where(lanes == j, jnp.sum(accs[j]), lv)
                lv = lv + bs
            else:
                lv = jnp.full((16,), _NEG, jnp.float32)
                for j in range(ns):
                    lv = jnp.where(lanes == j, jnp.sum(accs[j]), lv)
                lv = jnp.where(lanes < ns, lv + bs, lv)
            log_v[e, pl.ds(g * 16, 16)] = lv

    start(0, rows_a, bias_a, sem_a)

    def pair_body(i, _):
        e0 = 2 * i
        start(e0 + 1, rows_b, bias_b, sem_b)
        wait(e0, rows_a, bias_a, sem_a)
        compute(e0, rows_a, bias_a)

        @pl.when(i < _EPW // 2 - 1)
        def _():
            start(e0 + 2, rows_a, bias_a, sem_a)

        wait(e0 + 1, rows_b, bias_b, sem_b)
        compute(e0 + 1, rows_b, bias_b)
        return 0

    lax.fori_loop(0, _EPW // 2, pair_body, 0)
    pltpu.sync_copy(log_v, out_hbm.at[pl.ds(base, _EPW)])


@jax.jit
def _sc_logits(W, b, reps, ids56):
    mesh = plsc.VectorSubcoreMesh(core_axis_name="c", subcore_axis_name="s")
    fn = functools.partial(
        pl.kernel,
        mesh=mesh,
        compiler_params=pltpu.CompilerParams(needs_layout_passes=False),
        out_type=jax.ShapeDtypeStruct((_B, _SPAD), jnp.float32),
        scratch_types=[
            pltpu.VMEM((_EPW, _SIDS), jnp.int32),
            pltpu.VMEM((_EPW, _D), jnp.float32),
            pltpu.VMEM((_SIDS, _D), jnp.float32),
            pltpu.VMEM((_SIDS, _D), jnp.float32),
            pltpu.VMEM((_SPAD,), jnp.float32),
            pltpu.VMEM((_SPAD,), jnp.float32),
            pltpu.VMEM((_EPW, _SPAD), jnp.float32),
            pltpu.SemaphoreType.DMA,
            pltpu.SemaphoreType.DMA,
        ],
    )(_sc_logits_body)
    return fn(W, b, reps, ids56)


def _ce_body(logits_ref, tgt_ref, loss_ref, corr_ref):
    x = logits_ref[...]
    tgt = tgt_ref[...]
    m = jnp.max(x, axis=1, keepdims=True)
    z = jnp.sum(jnp.exp(x - m), axis=1, keepdims=True)
    logz = jnp.log(z) + m
    cols = lax.broadcasted_iota(jnp.int32, (_B, _SPAD), 1)
    tlogit = jnp.max(jnp.where(cols == tgt, x, _NEG), axis=1, keepdims=True)
    losses = logz - tlogit
    loss_ref[...] = jnp.sum(losses, keepdims=True) / _B
    preds = jnp.min(jnp.where(x >= m, cols, _SPAD), axis=1, keepdims=True)
    corr_ref[...] = (preds == tgt).astype(jnp.int32)


@jax.jit
def _ce(logits, tgt2d):
    return pl.pallas_call(
        _ce_body,
        out_shape=(
            jax.ShapeDtypeStruct((1, 1), jnp.float32),
            jax.ShapeDtypeStruct((_B, 1), jnp.int32),
        ),
    )(logits, tgt2d)


def kernel(reps, sense_ids, target_ids, W, b):
    ids56 = jnp.pad(sense_ids.astype(jnp.int32), ((0, 0), (0, _SIDS - _S)))
    logits = _sc_logits(W, b, reps, ids56)
    loss, corr = _ce(logits, target_ids.astype(jnp.int32).reshape(-1, 1))
    return loss[0, 0], corr[:, 0].astype(bool)

# --- scband reference (transcript-rebuilt; emitter-appended) ---
"""Pipeline reference for scband-cbertlinear-11029476016379 (READ-ONLY COPY).

The authoritative reference and input builder live on the scoring server;
editing this copy changes nothing except your own understanding.
"""

import jax, jax.numpy as jnp
import numpy as np

VOCAB = 100000  # len(all_senses)
B = 1024        # batch of target-word examples
S = 50          # max candidate senses per word (padded with -1 in original)
D = 768         # bert_dim


def setup_inputs(seed: int = 0) -> dict:
    key = jax.random.key(seed)
    k1, k2, k3, k4, k5 = jax.random.split(key, 5)
    # reps: output of context_encoder(context_ids, spans) -> one BERT rep per target word.
    # The external context_encoder is replaced by precomputed reps (the module under test
    # is the sense-key linear lookup / per-word scoring, not the encoder).
    reps = jax.random.normal(k1, (B, D), dtype=jnp.float32)
    # sense_ids: candidate sense indices into the global sense inventory, padded with -1.
    # Here all entries are valid in-range indices (mask logic still exercised in reference).
    sense_ids = jax.random.randint(k2, (B, S), 0, VOCAB)
    target_ids = jax.random.randint(k3, (B,), 0, S)
    # Learned params of nn.Linear(bert_dim, len(all_senses))
    W = jax.random.normal(k4, (VOCAB, D), dtype=jnp.float32) * 0.02
    b = jax.random.normal(k5, (VOCAB,), dtype=jnp.float32) * 0.02
    return {"reps": reps, "sense_ids": sense_ids, "target_ids": target_ids, "W": W, "b": b}


def reference(reps, sense_ids, target_ids, W, b):
    # Vectorized, faithful translation of the per-example loop:
    #   sense_ids_word = sense_ids_word[sense_ids_word != -1]
    #   out = W[sense_ids_word] @ rep + b[sense_ids_word]
    #   loss += cross_entropy(out, target_id); correct = argmax(out) == target_id
    mask = sense_ids >= 0
    safe_ids = jnp.where(mask, sense_ids, 0)
    gw = jnp.take(W, safe_ids, axis=0)          # [B, S, D] gather of weight rows
    gb = jnp.take(b, safe_ids, axis=0)          # [B, S]
    out = jnp.einsum('bsd,bd->bs', gw, reps) + gb
    out = jnp.where(mask, out, -1e30)           # padded slots excluded (as filtering does)
    # cross entropy per example
    logz = jax.nn.logsumexp(out, axis=-1)
    tgt_logit = jnp.take_along_axis(out, target_ids[:, None], axis=1)[:, 0]
    losses = logz - tgt_logit
    batch_loss = jnp.sum(losses) / B            # batch_loss / len(targetwords)
    preds = jnp.argmax(out, axis=-1)
    correct = preds == target_ids
    return batch_loss, correct

if __name__ == "__main__":
    import jax
    _d = setup_inputs()
    print(jax.jit(kernel)(*tuple(_d.values())))

</pallas_src>

<mosaic_0001>
#map = affine_map<(d0, d1) -> (0, 0)>
#map1 = affine_map<(d0, d1) -> (0)>
module attributes {stable_mosaic.version = 14 : i64} {
  func.func @_sc_logits_body(%arg0: i32, %arg1: i32, %arg2: memref<100000x768xf32, #tpu.memory_space<hbm>>, %arg3: memref<100000xf32, #tpu.memory_space<hbm>>, %arg4: memref<1024x768xf32, #tpu.memory_space<hbm>>, %arg5: memref<1024x56xi32, #tpu.memory_space<hbm>>, %arg6: memref<1024x64xf32, #tpu.memory_space<hbm>>, %arg7: memref<32x56xi32, #tpu.memory_space<vmem>>, %arg8: memref<32x768xf32, #tpu.memory_space<vmem>>, %arg9: memref<56x768xf32, #tpu.memory_space<vmem>>, %arg10: memref<56x768xf32, #tpu.memory_space<vmem>>, %arg11: memref<64xf32, #tpu.memory_space<vmem>>, %arg12: memref<64xf32, #tpu.memory_space<vmem>>, %arg13: memref<32x64xf32, #tpu.memory_space<vmem>>, %arg14: memref<!tpu.dma_semaphore, #tpu.memory_space<semaphore_mem>>, %arg15: memref<!tpu.dma_semaphore, #tpu.memory_space<semaphore_mem>>) attributes {dimension_semantics = [#tpu.dimension_semantics<core_parallel>, #tpu.dimension_semantics<subcore_parallel>], iteration_bounds = array<i64: 2, 16>, scalar_prefetch = 0 : i64, scratch_operands = 9 : i64, tpu.core_type = #tpu.core_type<sc_vector_subcore>, window_params = [{transform_indices = #map}, {transform_indices = #map1}, {transform_indices = #map}, {transform_indices = #map}, {transform_indices = #map}]} {
    %mul3A = arith.constant 2 : i32
    %mul3A_0 = arith.muli %arg1, %mul3A : i32
    %add3A = arith.addi %mul3A_0, %arg0 : i32
    %mul3A_1 = arith.constant 32 : i32
    %mul3A_2 = arith.muli %add3A, %mul3A_1 : i32
    %iota3A = tpu.iota {dimensions = array<i32: 0>} : vector<16xi32>
    "tpu.region"() ({
      %run_scoped3A = tpu.sem_alloc : memref<!tpu.dma_semaphore, #tpu.memory_space<semaphore_mem>>
      %dma_start3A_23 = arith.constant 0 : i32
      %dma_start3A_24 = tpu.memref_slice %arg5[%mul3A_2, %dma_start3A_23] : memref<1024x56xi32, #tpu.memory_space<hbm>> -> memref<32x56xi32, #tpu.memory_space<hbm>>
      %dma_start3A_25 = arith.constant 0 : i32
      %dma_start3A_26 = tpu.memref_slice %arg5[%mul3A_2, %dma_start3A_25] : memref<1024x56xi32, #tpu.memory_space<hbm>> -> memref<32x56xi32, #tpu.memory_space<hbm>>
      tpu.enqueue_dma source(%dma_start3A_26 : memref<32x56xi32, #tpu.memory_space<hbm>>) target(%arg7 : memref<32x56xi32, #tpu.memory_space<vmem>>) target_semaphore(%run_scoped3A : memref<!tpu.dma_semaphore, #tpu.memory_space<semaphore_mem>>)
      %dma_wait3A = arith.constant 0 : i32
      %dma_wait3A_27 = tpu.memref_slice %arg5[%mul3A_2, %dma_wait3A] : memref<1024x56xi32, #tpu.memory_space<hbm>> -> memref<32x56xi32, #tpu.memory_space<hbm>>
      %dma_wait3A_28 = arith.constant 0 : i32
      %dma_wait3A_29 = tpu.memref_slice %arg5[%mul3A_2, %dma_wait3A_28] : memref<1024x56xi32, #tpu.memory_space<hbm>> -> memref<32x56xi32, #tpu.memory_space<hbm>>
      tpu.wait_dma2 semaphore(%run_scoped3A : memref<!tpu.dma_semaphore, #tpu.memory_space<semaphore_mem>>) src(%dma_wait3A_29 : memref<32x56xi32, #tpu.memory_space<hbm>>) dst(%arg7 : memref<32x56xi32, #tpu.memory_space<vmem>>)
      tpu.yield
    }) : () -> ()
    "tpu.region"() ({
      %run_scoped3A = tpu.sem_alloc : memref<!tpu.dma_semaphore, #tpu.memory_space<semaphore_mem>>
      %dma_start3A_23 = arith.constant 0 : i32
      %dma_start3A_24 = tpu.memref_slice %arg4[%mul3A_2, %dma_start3A_23] : memref<1024x768xf32, #tpu.memory_space<hbm>> -> memref<32x768xf32, #tpu.memory_space<hbm>>
      %dma_start3A_25 = arith.constant 0 : i32
      %dma_start3A_26 = tpu.memref_slice %arg4[%mul3A_2, %dma_start3A_25] : memref<1024x768xf32, #tpu.memory_space<hbm>> -> memref<32x768xf32, #tpu.memory_space<hbm>>
      tpu.enqueue_dma source(%dma_start3A_26 : memref<32x768xf32, #tpu.memory_space<hbm>>) target(%arg8 : memref<32x768xf32, #tpu.memory_space<vmem>>) target_semaphore(%run_scoped3A : memref<!tpu.dma_semaphore, #tpu.memory_space<semaphore_mem>>)
      %dma_wait3A = arith.constant 0 : i32
      %dma_wait3A_27 = tpu.memref_slice %arg4[%mul3A_2, %dma_wait3A] : memref<1024x768xf32, #tpu.memory_space<hbm>> -> memref<32x768xf32, #tpu.memory_space<hbm>>
      %dma_wait3A_28 = arith.constant 0 : i32
      %dma_wait3A_29 = tpu.memref_slice %arg4[%mul3A_2, %dma_wait3A_28] : memref<1024x768xf32, #tpu.memory_space<hbm>> -> memref<32x768xf32, #tpu.memory_space<hbm>>
      tpu.wait_dma2 semaphore(%run_scoped3A : memref<!tpu.dma_semaphore, #tpu.memory_space<semaphore_mem>>) src(%dma_wait3A_29 : memref<32x768xf32, #tpu.memory_space<hbm>>) dst(%arg8 : memref<32x768xf32, #tpu.memory_space<vmem>>)
      tpu.yield
    }) : () -> ()
    %dma_start3A = arith.constant 0 : i32
    %dma_start3A_3 = arith.constant 0 : i32
    %dma_start3A_4 = tpu.memref_slice %arg7[%dma_start3A, %dma_start3A_3] : memref<32x56xi32, #tpu.memory_space<vmem>> -> memref<1x56xi32, #tpu.memory_space<vmem>>
    %dma_start3A_5 = tpu.memref_squeeze %dma_start3A_4 : memref<1x56xi32, #tpu.memory_space<vmem>> -> memref<56xi32, #tpu.memory_space<vmem>>
    %dma_start3A_6 = arith.constant 0 : i32
    %dma_start3A_7 = arith.constant 0 : i32
    %dma_start3A_8 = tpu.memref_slice %arg2[%dma_start3A_6, %dma_start3A_7] : memref<100000x768xf32, #tpu.memory_space<hbm>> -> memref<100000x768xf32, #tpu.memory_space<hbm>>
    tpu.enqueue_indirect_dma source(%dma_start3A_8 : memref<100000x768xf32, #tpu.memory_space<hbm>>) target(%arg9 : memref<56x768xf32, #tpu.memory_space<vmem>>) offsets(%dma_start3A_5 : memref<56xi32, #tpu.memory_space<vmem>>) semaphore(%arg14 : memref<!tpu.dma_semaphore, #tpu.memory_space<semaphore_mem>>)
    %dma_start3A_9 = arith.constant 0 : i32
    %dma_start3A_10 = arith.constant 0 : i32
    %dma_start3A_11 = tpu.memref_slice %arg11[%dma_start3A_10] : memref<64xf32, #tpu.memory_space<vmem>> -> memref<56xf32, #tpu.memory_space<vmem>>
    %dma_start3A_12 = arith.constant 0 : i32
    %dma_start3A_13 = tpu.memref_slice %arg7[%dma_start3A_9, %dma_start3A_12] : memref<32x56xi32, #tpu.memory_space<vmem>> -> memref<1x56xi32, #tpu.memory_space<vmem>>
    %dma_start3A_14 = tpu.memref_squeeze %dma_start3A_13 : memref<1x56xi32, #tpu.memory_space<vmem>> -> memref<56xi32, #tpu.memory_space<vmem>>
    %dma_start3A_15 = arith.constant 0 : i32
    %dma_start3A_16 = tpu.memref_slice %arg3[%dma_start3A_15] : memref<100000xf32, #tpu.memory_space<hbm>> -> memref<100000xf32, #tpu.memory_space<hbm>>
    tpu.enqueue_indirect_dma source(%dma_start3A_16 : memref<100000xf32, #tpu.memory_space<hbm>>) target(%dma_start3A_11 : memref<56xf32, #tpu.memory_space<vmem>>) offsets(%dma_start3A_14 : memref<56xi32, #tpu.memory_space<vmem>>) semaphore(%arg14 : memref<!tpu.dma_semaphore, #tpu.memory_space<semaphore_mem>>)
    %scan3A = arith.constant 0 : i32
    %scan3A_17 = arith.constant 0 : i32
    %scan3A_18 = arith.constant 16 : i32
    %scan3A_19 = arith.addi %scan3A_17, %scan3A_18 : i32
    %scan3A_20 = arith.constant 1 : i32
    %scan3A_21 = scf.for %scan3A_23 = %scan3A_17 to %scan3A_19 step %scan3A_20 iter_args(%scan3A_24 = %scan3A) -> (i32)  : i32 {
      %mul3A_25 = arith.constant 2 : i32
      %mul3A_26 = arith.muli %mul3A_25, %scan3A_23 : i32
      %add3A_27 = arith.constant 1 : i32
      %add3A_28 = arith.addi %mul3A_26, %add3A_27 : i32
      %dma_start3A_29 = arith.constant 0 : i32
      %dma_start3A_30 = tpu.memref_slice %arg7[%add3A_28, %dma_start3A_29] : memref<32x56xi32, #tpu.memory_space<vmem>> -> memref<1x56xi32, #tpu.memory_space<vmem>>
      %dma_start3A_31 = tpu.memref_squeeze %dma_start3A_30 : memref<1x56xi32, #tpu.memory_space<vmem>> -> memref<56xi32, #tpu.memory_space<vmem>>
      %dma_start3A_32 = arith.constant 0 : i32
      %dma_start3A_33 = arith.constant 0 : i32
      %dma_start3A_34 = tpu.memref_slice %arg2[%dma_start3A_32, %dma_start3A_33] : memref<100000x768xf32, #tpu.memory_space<hbm>> -> memref<100000x768xf32, #tpu.memory_space<hbm>>
      tpu.enqueue_indirect_dma source(%dma_start3A_34 : memref<100000x768xf32, #tpu.memory_space<hbm>>) target(%arg10 : memref<56x768xf32, #tpu.memory_space<vmem>>) offsets(%dma_start3A_31 : memref<56xi32, #tpu.memory_space<vmem>>) semaphore(%arg15 : memref<!tpu.dma_semaphore, #tpu.memory_space<semaphore_mem>>)
      %dma_start3A_35 = arith.constant 0 : i32
      %dma_start3A_36 = tpu.memref_slice %arg12[%dma_start3A_35] : memref<64xf32, #tpu.memory_space<vmem>> -> memref<56xf32, #tpu.memory_space<vmem>>
      %dma_start3A_37 = arith.constant 0 : i32
      %dma_start3A_38 = tpu.memref_slice %arg7[%add3A_28, %dma_start3A_37] : memref<32x56xi32, #tpu.memory_space<vmem>> -> memref<1x56xi32, #tpu.memory_space<vmem>>
      %dma_start3A_39 = tpu.memref_squeeze %dma_start3A_38 : memref<1x56xi32, #tpu.memory_space<vmem>> -> memref<56xi32, #tpu.memory_space<vmem>>
      %dma_start3A_40 = arith.constant 0 : i32
      %dma_start3A_41 = tpu.memref_slice %arg3[%dma_start3A_40] : memref<100000xf32, #tpu.memory_space<hbm>> -> memref<100000xf32, #tpu.memory_space<hbm>>
      tpu.enqueue_indirect_dma source(%dma_start3A_41 : memref<100000xf32, #tpu.memory_space<hbm>>) target(%dma_start3A_36 : memref<56xf32, #tpu.memory_space<vmem>>) offsets(%dma_start3A_39 : memref<56xi32, #tpu.memory_space<vmem>>) semaphore(%arg15 : memref<!tpu.dma_semaphore, #tpu.memory_space<semaphore_mem>>)
      %dma_wait3A = arith.constant 0 : i32
      %dma_wait3A_42 = tpu.memref_slice %arg7[%mul3A_26, %dma_wait3A] : memref<32x56xi32, #tpu.memory_space<vmem>> -> memref<1x56xi32, #tpu.memory_space<vmem>>
      %dma_wait3A_43 = tpu.memref_squeeze %dma_wait3A_42 : memref<1x56xi32, #tpu.memory_space<vmem>> -> memref<56xi32, #tpu.memory_space<vmem>>
      %dma_wait3A_44 = arith.constant 0 : i32
      %dma_wait3A_45 = arith.constant 0 : i32
      %dma_wait3A_46 = tpu.memref_slice %arg2[%dma_wait3A_44, %dma_wait3A_45] : memref<100000x768xf32, #tpu.memory_space<hbm>> -> memref<100000x768xf32, #tpu.memory_space<hbm>>
      tpu.wait_indirect_dma semaphore(%arg14 : memref<!tpu.dma_semaphore, #tpu.memory_space<semaphore_mem>>) src(%dma_wait3A_46 : memref<100000x768xf32, #tpu.memory_space<hbm>>) dst(%arg9 : memref<56x768xf32, #tpu.memory_space<vmem>>)
      %dma_wait3A_47 = arith.constant 0 : i32
      %dma_wait3A_48 = tpu.memref_slice %arg11[%dma_wait3A_47] : memref<64xf32, #tpu.memory_space<vmem>> -> memref<56xf32, #tpu.memory_space<vmem>>
      %dma_wait3A_49 = arith.constant 0 : i32
      %dma_wait3A_50 = tpu.memref_slice %arg7[%mul3A_26, %dma_wait3A_49] : memref<32x56xi32, #tpu.memory_space<vmem>> -> memref<1x56xi32, #tpu.memory_space<vmem>>
      %dma_wait3A_51 = tpu.memref_squeeze %dma_wait3A_50 : memref<1x56xi32, #tpu.memory_space<vmem>> -> memref<56xi32, #tpu.memory_space<vmem>>
      %dma_wait3A_52 = arith.constant 0 : i32
      %dma_wait3A_53 = tpu.memref_slice %arg3[%dma_wait3A_52] : memref<100000xf32, #tpu.memory_space<hbm>> -> memref<100000xf32, #tpu.memory_space<hbm>>
      tpu.wait_indirect_dma semaphore(%arg14 : memref<!tpu.dma_semaphore, #tpu.memory_space<semaphore_mem>>) src(%dma_wait3A_53 : memref<100000xf32, #tpu.memory_space<hbm>>) dst(%dma_wait3A_48 : memref<56xf32, #tpu.memory_space<vmem>>)
      %broadcast_in_dim3A = arith.constant 0.000000e+00 : f32
      %broadcast_in_dim3A_54 = vector.broadcast %broadcast_in_dim3A : f32 to vector<16xf32>
      %broadcast_in_dim3A_55 = arith.constant 0.000000e+00 : f32
      %broadcast_in_dim3A_56 = vector.broadcast %broadcast_in_dim3A_55 : f32 to vector<16xf32>
      %broadcast_in_dim3A_57 = arith.constant 0.000000e+00 : f32
      %broadcast_in_dim3A_58 = vector.broadcast %broadcast_in_dim3A_57 : f32 to vector<16xf32>
      %broadcast_in_dim3A_59 = arith.constant 0.000000e+00 : f32
      %broadcast_in_dim3A_60 = vector.broadcast %broadcast_in_dim3A_59 : f32 to vector<16xf32>
      %broadcast_in_dim3A_61 = arith.constant 0.000000e+00 : f32
      %broadcast_in_dim3A_62 = vector.broadcast %broadcast_in_dim3A_61 : f32 to vector<16xf32>
      %broadcast_in_dim3A_63 = arith.constant 0.000000e+00 : f32
      %broadcast_in_dim3A_64 = vector.broadcast %broadcast_in_dim3A_63 : f32 to vector<16xf32>
      %broadcast_in_dim3A_65 = arith.constant 0.000000e+00 : f32
      %broadcast_in_dim3A_66 = vector.broadcast %broadcast_in_dim3A_65 : f32 to vector<16xf32>
      %broadcast_in_dim3A_67 = arith.constant 0.000000e+00 : f32
      %broadcast_in_dim3A_68 = vector.broadcast %broadcast_in_dim3A_67 : f32 to vector<16xf32>
      %broadcast_in_dim3A_69 = arith.constant 0.000000e+00 : f32
      %broadcast_in_dim3A_70 = vector.broadcast %broadcast_in_dim3A_69 : f32 to vector<16xf32>
      %broadcast_in_dim3A_71 = arith.constant 0.000000e+00 : f32
      %broadcast_in_dim3A_72 = vector.broadcast %broadcast_in_dim3A_71 : f32 to vector<16xf32>
      %broadcast_in_dim3A_73 = arith.constant 0.000000e+00 : f32
      %broadcast_in_dim3A_74 = vector.broadcast %broadcast_in_dim3A_73 : f32 to vector<16xf32>
      %broadcast_in_dim3A_75 = arith.constant 0.000000e+00 : f32
      %broadcast_in_dim3A_76 = vector.broadcast %broadcast_in_dim3A_75 : f32 to vector<16xf32>
      %broadcast_in_dim3A_77 = arith.constant 0.000000e+00 : f32
      %broadcast_in_dim3A_78 = vector.broadcast %broadcast_in_dim3A_77 : f32 to vector<16xf32>
      %broadcast_in_dim3A_79 = arith.constant 0.000000e+00 : f32
      %broadcast_in_dim3A_80 = vector.broadcast %broadcast_in_dim3A_79 : f32 to vector<16xf32>
      %broadcast_in_dim3A_81 = arith.constant 0.000000e+00 : f32
      %broadcast_in_dim3A_82 = vector.broadcast %broadcast_in_dim3A_81 : f32 to vector<16xf32>
      %broadcast_in_dim3A_83 = arith.constant 0.000000e+00 : f32
      %broadcast_in_dim3A_84 = vector.broadcast %broadcast_in_dim3A_83 : f32 to vector<16xf32>
      %scan3A_85 = arith.constant 0 : i32
      %scan3A_86 = arith.constant 48 : i32
      %scan3A_87 = arith.addi %scan3A_85, %scan3A_86 : i32
      %scan3A_88 = arith.constant 1 : i32
      %scan3A_89:16 = scf.for %scan3A_1288 = %scan3A_85 to %scan3A_87 step %scan3A_88 iter_args(%scan3A_1289 = %broadcast_in_dim3A_54, %scan3A_1290 = %broadcast_in_dim3A_56, %scan3A_1291 = %broadcast_in_dim3A_58, %scan3A_1292 = %broadcast_in_dim3A_60, %scan3A_1293 = %broadcast_in_dim3A_62, %scan3A_1294 = %broadcast_in_dim3A_64, %scan3A_1295 = %broadcast_in_dim3A_66, %scan3A_1296 = %broadcast_in_dim3A_68, %scan3A_1297 = %broadcast_in_dim3A_70, %scan3A_1298 = %broadcast_in_dim3A_72, %scan3A_1299 = %broadcast_in_dim3A_74, %scan3A_1300 = %broadcast_in_dim3A_76, %scan3A_1301 = %broadcast_in_dim3A_78, %scan3A_1302 = %broadcast_in_dim3A_80, %scan3A_1303 = %broadcast_in_dim3A_82, %scan3A_1304 = %broadcast_in_dim3A_84) -> (vector<16xf32>, vector<16xf32>, vector<16xf32>, vector<16xf32>, vector<16xf32>, vector<16xf32>, vector<16xf32>, vector<16xf32>, vector<16xf32>, vector<16xf32>, vector<16xf32>, vector<16xf32>, vector<16xf32>, vector<16xf32>, vector<16xf32>, vector<16xf32>)  : i32 {
        %mul3A_1305 = arith.constant 16 : i32
        %mul3A_1306 = arith.muli %scan3A_1288, %mul3A_1305 : i32
        %get3A_1307 = arith.index_cast %mul3A_26 : i32 to index
        %get3A_1308 = arith.index_cast %mul3A_1306 : i32 to index
        %get3A_1309 = tpu.vector_load %arg8[%get3A_1307, %get3A_1308] {strides = array<i32>} : memref<32x768xf32, #tpu.memory_space<vmem>>, vector<16xf32>,
        %bitcast_convert_type3A = tpu.bitcast %get3A_1309 : vector<16xf32> -> vector<16xi32>
        %add3A_1310 = arith.constant 32767 : i32
        %add3A_1311 = vector.broadcast %add3A_1310 : i32 to vector<16xi32>
        %add3A_1312 = arith.addi %bitcast_convert_type3A, %add3A_1311 : vector<16xi32>
        %shift_right_logical3A = arith.constant 16 : i32
        %shift_right_logical3A_1313 = vector.broadcast %shift_right_logical3A : i32 to vector<16xi32>
        %shift_right_logical3A_1314 = arith.shrui %bitcast_convert_type3A, %shift_right_logical3A_1313 : vector<16xi32>
        %and3A = arith.constant 1 : i32
        %and3A_1315 = vector.broadcast %and3A : i32 to vector<16xi32>
        %and3A_1316 = arith.andi %shift_right_logical3A_1314, %and3A_1315 : vector<16xi32>
        %add3A_1317 = arith.addi %add3A_1312, %and3A_1316 : vector<16xi32>
        %and3A_1318 = arith.constant -65536 : i32
        %and3A_1319 = vector.broadcast %and3A_1318 : i32 to vector<16xi32>
        %and3A_1320 = arith.andi %add3A_1317, %and3A_1319 : vector<16xi32>
        %bitcast_convert_type3A_1321 = tpu.bitcast %and3A_1320 : vector<16xi32> -> vector<16xf32>
        %mul3A_1322 = arith.constant 16 : i32
        %mul3A_1323 = arith.muli %scan3A_1288, %mul3A_1322 : i32
        %get3A_1324 = arith.constant 0 : i32
        %get3A_1325 = arith.index_cast %get3A_1324 : i32 to index
        %get3A_1326 = arith.index_cast %mul3A_1323 : i32 to index
        %get3A_1327 = tpu.vector_load %arg9[%get3A_1325, %get3A_1326] {strides = array<i32>} : memref<56x768xf32, #tpu.memory_space<vmem>>, vector<16xf32>,
        %bitcast_convert_type3A_1328 = tpu.bitcast %get3A_1327 : vector<16xf32> -> vector<16xi32>
        %add3A_1329 = arith.constant 32767 : i32
        %add3A_1330 = vector.broadcast %add3A_1329 : i32 to vector<16xi32>
        %add3A_1331 = arith.addi %bitcast_convert_type3A_1328, %add3A_1330 : vector<16xi32>
        %shift_right_logical3A_1332 = arith.constant 16 : i32
        %shift_right_logical3A_1333 = vector.broadcast %shift_right_logical3A_1332 : i32 to vector<16xi32>
        %shift_right_logical3A_1334 = arith.shrui %bitcast_convert_type3A_1328, %shift_right_logical3A_1333 : vector<16xi32>
        %and3A_1335 = arith.constant 1 : i32
        %and3A_1336 = vector.broadcast %and3A_1335 : i32 to vector<16xi32>
        %and3A_1337 = arith.andi %shift_right_logical3A_1334, %and3A_1336 : vector<16xi32>
        %add3A_1338 = arith.addi %add3A_1331, %and3A_1337 : vector<16xi32>
        %and3A_1339 = arith.constant -65536 : i32
        %and3A_1340 = vector.broadcast %and3A_1339 : i32 to vector<16xi32>
        %and3A_1341 = arith.andi %add3A_1338, %and3A_1340 : vector<16xi32>
        %bitcast_convert_type3A_1342 = tpu.bitcast %and3A_1341 : vector<16xi32> -> vector<16xf32>
        %mul3A_1343 = arith.mulf %bitcast_convert_type3A_1342, %bitcast_convert_type3A_1321 : vector<16xf32>
        %add3A_1344 = arith.addf %scan3A_1289, %mul3A_1343 : vector<16xf32>
        %mul3A_1345 = arith.constant 16 : i32
        %mul3A_1346 = arith.muli %scan3A_1288, %mul3A_1345 : i32
        %get3A_1347 = arith.constant 1 : i32
        %get3A_1348 = arith.index_cast %get3A_1347 : i32 to index
        %get3A_1349 = arith.index_cast %mul3A_1346 : i32 to index
        %get3A_1350 = tpu.vector_load %arg9[%get3A_1348, %get3A_1349] {strides = array<i32>} : memref<56x768xf32, #tpu.memory_space<vmem>>, vector<16xf32>,
        %bitcast_convert_type3A_1351 = tpu.bitcast %get3A_1350 : vector<16xf32> -> vector<16xi32>
        %add3A_1352 = arith.constant 32767 : i32
        %add3A_1353 = vector.broadcast %add3A_1352 : i32 to vector<16xi32>
        %add3A_1354 = arith.addi %bitcast_convert_type3A_1351, %add3A_1353 : vector<16xi32>
        %shift_right_logical3A_1355 = arith.constant 16 : i32
        %shift_right_logical3A_1356 = vector.broadcast %shift_right_logical3A_1355 : i32 to vector<16xi32>
        %shift_right_logical3A_1357 = arith.shrui %bitcast_convert_type3A_1351, %shift_right_logical3A_1356 : vector<16xi32>
        %and3A_1358 = arith.constant 1 : i32
        %and3A_1359 = vector.broadcast %and3A_1358 : i32 to vector<16xi32>
        %and3A_1360 = arith.andi %shift_right_logical3A_1357, %and3A_1359 : vector<16xi32>
        %add3A_1361 = arith.addi %add3A_1354, %and3A_1360 : vector<16xi32>
        %and3A_1362 = arith.constant -65536 : i32
        %and3A_1363 = vector.broadcast %and3A_1362 : i32 to vector<16xi32>
        %and3A_1364 = arith.andi %add3A_1361, %and3A_1363 : vector<16xi32>
        %bitcast_convert_type3A_1365 = tpu.bitcast %and3A_1364 : vector<16xi32> -> vector<16xf32>
        %mul3A_1366 = arith.mulf %bitcast_convert_type3A_1365, %bitcast_convert_type3A_1321 : vector<16xf32>
        %add3A_1367 = arith.addf %scan3A_1290, %mul3A_1366 : vector<16xf32>
        %mul3A_1368 = arith.constant 16 : i32
        %mul3A_1369 = arith.muli %scan3A_1288, %mul3A_1368 : i32
        %get3A_1370 = arith.constant 2 : i32
        %get3A_1371 = arith.index_cast %get3A_1370 : i32 to index
        %get3A_1372 = arith.index_cast %mul3A_1369 : i32 to index
        %get3A_1373 = tpu.vector_load %arg9[%get3A_1371, %get3A_1372] {strides = array<i32>} : memref<56x768xf32, #tpu.memory_space<vmem>>, vector<16xf32>,
        %bitcast_convert_type3A_1374 = tpu.bitcast %get3A_1373 : vector<16xf32> -> vector<16xi32>
        %add3A_1375 = arith.constant 32767 : i32
        %add3A_1376 = vector.broadcast %add3A_1375 : i32 to vector<16xi32>
        %add3A_1377 = arith.addi %bitcast_convert_type3A_1374, %add3A_1376 : vector<16xi32>
        %shift_right_logical3A_1378 = arith.constant 16 : i32
        %shift_right_logical3A_1379 = vector.broadcast %shift_right_logical3A_1378 : i32 to vector<16xi32>
        %shift_right_logical3A_1380 = arith.shrui %bitcast_convert_type3A_1374, %shift_right_logical3A_1379 : vector<16xi32>
        %and3A_1381 = arith.constant 1 : i32
        %and3A_1382 = vector.broadcast %and3A_1381 : i32 to vector<16xi32>
        %and3A_1383 = arith.andi %shift_right_logical3A_1380, %and3A_1382 : vector<16xi32>
        %add3A_1384 = arith.addi %add3A_1377, %and3A_1383 : vector<16xi32>
        %and3A_1385 = arith.constant -65536 : i32
        %and3A_1386 = vector.broadcast %and3A_1385 : i32 to vector<16xi32>
        %and3A_1387 = arith.andi %add3A_1384, %and3A_1386 : vector<16xi32>
        %bitcast_convert_type3A_1388 = tpu.bitcast %and3A_1387 : vector<16xi32> -> vector<16xf32>
        %mul3A_1389 = arith.mulf %bitcast_convert_type3A_1388, %bitcast_convert_type3A_1321 : vector<16xf32>
        %add3A_1390 = arith.addf %scan3A_1291, %mul3A_1389 : vector<16xf32>
        %mul3A_1391 = arith.constant 16 : i32
        %mul3A_1392 = arith.muli %scan3A_1288, %mul3A_1391 : i32
        %get3A_1393 = arith.constant 3 : i32
        %get3A_1394 = arith.index_cast %get3A_1393 : i32 to index
        %get3A_1395 = arith.index_cast %mul3A_1392 : i32 to index
        %get3A_1396 = tpu.vector_load %arg9[%get3A_1394, %get3A_1395] {strides = array<i32>} : memref<56x768xf32, #tpu.memory_space<vmem>>, vector<16xf32>,
        %bitcast_convert_type3A_1397 = tpu.bitcast %get3A_1396 : vector<16xf32> -> vector<16xi32>
        %add3A_1398 = arith.constant 32767 : i32
        %add3A_1399 = vector.broadcast %add3A_1398 : i32 to vector<16xi32>
        %add3A_1400 = arith.addi %bitcast_convert_type3A_1397, %add3A_1399 : vector<16xi32>
        %shift_right_logical3A_1401 = arith.constant 16 : i32
        %shift_right_logical3A_1402 = vector.broadcast %shift_right_logical3A_1401 : i32 to vector<16xi32>
        %shift_right_logical3A_1403 = arith.shrui %bitcast_convert_type3A_1397, %shift_right_logical3A_1402 : vector<16xi32>
        %and3A_1404 = arith.constant 1 : i32
        %and3A_1405 = vector.broadcast %and3A_1404 : i32 to vector<16xi32>
        %and3A_1406 = arith.andi %shift_right_logical3A_1403, %and3A_1405 : vector<16xi32>
        %add3A_1407 = arith.addi %add3A_1400, %and3A_1406 : vector<16xi32>
        %and3A_1408 = arith.constant -65536 : i32
        %and3A_1409 = vector.broadcast %and3A_1408 : i32 to vector<16xi32>
        %and3A_1410 = arith.andi %add3A_1407, %and3A_1409 : vector<16xi32>
        %bitcast_convert_type3A_1411 = tpu.bitcast %and3A_1410 : vector<16xi32> -> vector<16xf32>
        %mul3A_1412 = arith.mulf %bitcast_convert_type3A_1411, %bitcast_convert_type3A_1321 : vector<16xf32>
        %add3A_1413 = arith.addf %scan3A_1292, %mul3A_1412 : vector<16xf32>
        %mul3A_1414 = arith.constant 16 : i32
        %mul3A_1415 = arith.muli %scan3A_1288, %mul3A_1414 : i32
        %get3A_1416 = arith.constant 4 : i32
        %get3A_1417 = arith.index_cast %get3A_1416 : i32 to index
        %get3A_1418 = arith.index_cast %mul3A_1415 : i32 to index
        %get3A_1419 = tpu.vector_load %arg9[%get3A_1417, %get3A_1418] {strides = array<i32>} : memref<56x768xf32, #tpu.memory_space<vmem>>, vector<16xf32>,
        %bitcast_convert_type3A_1420 = tpu.bitcast %get3A_1419 : vector<16xf32> -> vector<16xi32>
        %add3A_1421 = arith.constant 32767 : i32
        %add3A_1422 = vector.broadcast %add3A_1421 : i32 to vector<16xi32>
        %add3A_1423 = arith.addi %bitcast_convert_type3A_1420, %add3A_1422 : vector<16xi32>
        %shift_right_logical3A_1424 = arith.constant 16 : i32
        %shift_right_logical3A_1425 = vector.broadcast %shift_right_logical3A_1424 : i32 to vector<16xi32>
        %shift_right_logical3A_1426 = arith.shrui %bitcast_convert_type3A_1420, %shift_right_logical3A_1425 : vector<16xi32>
        %and3A_1427 = arith.constant 1 : i32
        %and3A_1428 = vector.broadcast %and3A_1427 : i32 to vector<16xi32>
        %and3A_1429 = arith.andi %shift_right_logical3A_1426, %and3A_1428 : vector<16xi32>
        %add3A_1430 = arith.addi %add3A_1423, %and3A_1429 : vector<16xi32>
        %and3A_1431 = arith.constant -65536 : i32
        %and3A_1432 = vector.broadcast %and3A_1431 : i32 to vector<16xi32>
        %and3A_1433 = arith.andi %add3A_1430, %and3A_1432 : vector<16xi32>
        %bitcast_convert_type3A_1434 = tpu.bitcast %and3A_1433 : vector<16xi32> -> vector<16xf32>
        %mul3A_1435 = arith.mulf %bitcast_convert_type3A_1434, %bitcast_convert_type3A_1321 : vector<16xf32>
        %add3A_1436 = arith.addf %scan3A_1293, %mul3A_1435 : vector<16xf32>
        %mul3A_1437 = arith.constant 16 : i32
        %mul3A_1438 = arith.muli %scan3A_1288, %mul3A_1437 : i32
        %get3A_1439 = arith.constant 5 : i32
        %get3A_1440 = arith.index_cast %get3A_1439 : i32 to index
        %get3A_1441 = arith.index_cast %mul3A_1438 : i32 to index
        %get3A_1442 = tpu.vector_load %arg9[%get3A_1440, %get3A_1441] {strides = array<i32>} : memref<56x768xf32, #tpu.memory_space<vmem>>, vector<16xf32>,
        %bitcast_convert_type3A_1443 = tpu.bitcast %get3A_1442 : vector<16xf32> -> vector<16xi32>
        %add3A_1444 = arith.constant 32767 : i32
        %add3A_1445 = vector.broadcast %add3A_1444 : i32 to vector<16xi32>
        %add3A_1446 = arith.addi %bitcast_convert_type3A_1443, %add3A_1445 : vector<16xi32>
        %shift_right_logical3A_1447 = arith.constant 16 : i32
        %shift_right_logical3A_1448 = vector.broadcast %shift_right_logical3A_1447 : i32 to vector<16xi32>
        %shift_right_logical3A_1449 = arith.shrui %bitcast_convert_type3A_1443, %shift_right_logical3A_1448 : vector<16xi32>
        %and3A_1450 = arith.constant 1 : i32
        %and3A_1451 = vector.broadcast %and3A_1450 : i32 to vector<16xi32>
        %and3A_1452 = arith.andi %shift_right_logical3A_1449, %and3A_1451 : vector<16xi32>
        %add3A_1453 = arith.addi %add3A_1446, %and3A_1452 : vector<16xi32>
        %and3A_1454 = arith.constant -65536 : i32
        %and3A_1455 = vector.broadcast %and3A_1454 : i32 to vector<16xi32>
        %and3A_1456 = arith.andi %add3A_1453, %and3A_1455 : vector<16xi32>
        %bitcast_convert_type3A_1457 = tpu.bitcast %and3A_1456 : vector<16xi32> -> vector<16xf32>
        %mul3A_1458 = arith.mulf %bitcast_convert_type3A_1457, %bitcast_convert_type3A_1321 : vector<16xf32>
        %add3A_1459 = arith.addf %scan3A_1294, %mul3A_1458 : vector<16xf32>
        %mul3A_1460 = arith.constant 16 : i32
        %mul3A_1461 = arith.muli %scan3A_1288, %mul3A_1460 : i32
        %get3A_1462 = arith.constant 6 : i32
        %get3A_1463 = arith.index_cast %get3A_1462 : i32 to index
        %get3A_1464 = arith.index_cast %mul3A_1461 : i32 to index
        %get3A_1465 = tpu.vector_load %arg9[%get3A_1463, %get3A_1464] {strides = array<i32>} : memref<56x768xf32, #tpu.memory_space<vmem>>, vector<16xf32>,
        %bitcast_convert_type3A_1466 = tpu.bitcast %get3A_1465 : vector<16xf32> -> vector<16xi32>
        %add3A_1467 = arith.constant 32767 : i32
        %add3A_1468 = vector.broadcast %add3A_1467 : i32 to vector<16xi32>
        %add3A_1469 = arith.addi %bitcast_convert_type3A_1466, %add3A_1468 : vector<16xi32>
        %shift_right_logical3A_1470 = arith.constant 16 : i32
        %shift_right_logical3A_1471 = vector.broadcast %shift_right_logical3A_1470 : i32 to vector<16xi32>
        %shift_right_logical3A_1472 = arith.shrui %bitcast_convert_type3A_1466, %shift_right_logical3A_1471 : vector<16xi32>
        %and3A_1473 = arith.constant 1 : i32
        %and3A_1474 = vector.broadcast %and3A_1473 : i32 to vector<16xi32>
        %and3A_1475 = arith.andi %shift_right_logical3A_1472, %and3A_1474 : vector<16xi32>
        %add3A_1476 = arith.addi %add3A_1469, %and3A_1475 : vector<16xi32>
        %and3A_1477 = arith.constant -65536 : i32
        %and3A_1478 = vector.broadcast %and3A_1477 : i32 to vector<16xi32>
        %and3A_1479 = arith.andi %add3A_1476, %and3A_1478 : vector<16xi32>
        %bitcast_convert_type3A_1480 = tpu.bitcast %and3A_1479 : vector<16xi32> -> vector<16xf32>
        %mul3A_1481 = arith.mulf %bitcast_convert_type3A_1480, %bitcast_convert_type3A_1321 : vector<16xf32>
        %add3A_1482 = arith.addf %scan3A_1295, %mul3A_1481 : vector<16xf32>
        %mul3A_1483 = arith.constant 16 : i32
        %mul3A_1484 = arith.muli %scan3A_1288, %mul3A_1483 : i32
        %get3A_1485 = arith.constant 7 : i32
        %get3A_1486 = arith.index_cast %get3A_1485 : i32 to index
        %get3A_1487 = arith.index_cast %mul3A_1484 : i32 to index
        %get3A_1488 = tpu.vector_load %arg9[%get3A_1486, %get3A_1487] {strides = array<i32>} : memref<56x768xf32, #tpu.memory_space<vmem>>, vector<16xf32>,
        %bitcast_convert_type3A_1489 = tpu.bitcast %get3A_1488 : vector<16xf32> -> vector<16xi32>
        %add3A_1490 = arith.constant 32767 : i32
        %add3A_1491 = vector.broadcast %add3A_1490 : i32 to vector<16xi32>
        %add3A_1492 = arith.addi %bitcast_convert_type3A_1489, %add3A_1491 : vector<16xi32>
        %shift_right_logical3A_1493 = arith.constant 16 : i32
        %shift_right_logical3A_1494 = vector.broadcast %shift_right_logical3A_1493 : i32 to vector<16xi32>
        %shift_right_logical3A_1495 = arith.shrui %bitcast_convert_type3A_1489, %shift_right_logical3A_1494 : vector<16xi32>
        %and3A_1496 = arith.constant 1 : i32
        %and3A_1497 = vector.broadcast %and3A_1496 : i32 to vector<16xi32>
        %and3A_1498 = arith.andi %shift_right_logical3A_1495, %and3A_1497 : vector<16xi32>
        %add3A_1499 = arith.addi %add3A_1492, %and3A_1498 : vector<16xi32>
        %and3A_1500 = arith.constant -65536 : i32
        %and3A_1501 = vector.broadcast %and3A_1500 : i32 to vector<16xi32>
        %and3A_1502 = arith.andi %add3A_1499, %and3A_1501 : vector<16xi32>
        %bitcast_convert_type3A_1503 = tpu.bitcast %and3A_1502 : vector<16xi32> -> vector<16xf32>
        %mul3A_1504 = arith.mulf %bitcast_convert_type3A_1503, %bitcast_convert_type3A_1321 : vector<16xf32>
        %add3A_1505 = arith.addf %scan3A_1296, %mul3A_1504 : vector<16xf32>
        %mul3A_1506 = arith.constant 16 : i32
        %mul3A_1507 = arith.muli %scan3A_1288, %mul3A_1506 : i32
        %get3A_1508 = arith.constant 8 : i32
        %get3A_1509 = arith.index_cast %get3A_1508 : i32 to index
        %get3A_1510 = arith.index_cast %mul3A_1507 : i32 to index
        %get3A_1511 = tpu.vector_load %arg9[%get3A_1509, %get3A_1510] {strides = array<i32>} : memref<56x768xf32, #tpu.memory_space<vmem>>, vector<16xf32>,
        %bitcast_convert_type3A_1512 = tpu.bitcast %get3A_1511 : vector<16xf32> -> vector<16xi32>
        %add3A_1513 = arith.constant 32767 : i32
        %add3A_1514 = vector.broadcast %add3A_1513 : i32 to vector<16xi32>
        %add3A_1515 = arith.addi %bitcast_convert_type3A_1512, %add3A_1514 : vector<16xi32>
        %shift_right_logical3A_1516 = arith.constant 16 : i32
        %shift_right_logical3A_1517 = vector.broadcast %shift_right_logical3A_1516 : i32 to vector<16xi32>
        %shift_right_logical3A_1518 = arith.shrui %bitcast_convert_type3A_1512, %shift_right_logical3A_1517 : vector<16xi32>
        %and3A_1519 = arith.constant 1 : i32
        %and3A_1520 = vector.broadcast %and3A_1519 : i32 to vector<16xi32>
        %and3A_1521 = arith.andi %shift_right_logical3A_1518, %and3A_1520 : vector<16xi32>
        %add3A_1522 = arith.addi %add3A_1515, %and3A_1521 : vector<16xi32>
        %and3A_1523 = arith.constant -65536 : i32
        %and3A_1524 = vector.broadcast %and3A_1523 : i32 to vector<16xi32>
        %and3A_1525 = arith.andi %add3A_1522, %and3A_1524 : vector<16xi32>
        %bitcast_convert_type3A_1526 = tpu.bitcast %and3A_1525 : vector<16xi32> -> vector<16xf32>
        %mul3A_1527 = arith.mulf %bitcast_convert_type3A_1526, %bitcast_convert_type3A_1321 : vector<16xf32>
        %add3A_1528 = arith.addf %scan3A_1297, %mul3A_1527 : vector<16xf32>
        %mul3A_1529 = arith.constant 16 : i32
        %mul3A_1530 = arith.muli %scan3A_1288, %mul3A_1529 : i32
        %get3A_1531 = arith.constant 9 : i32
        %get3A_1532 = arith.index_cast %get3A_1531 : i32 to index
        %get3A_1533 = arith.index_cast %mul3A_1530 : i32 to index
        %get3A_1534 = tpu.vector_load %arg9[%get3A_1532, %get3A_1533] {strides = array<i32>} : memref<56x768xf32, #tpu.memory_space<vmem>>, vector<16xf32>,
        %bitcast_convert_type3A_1535 = tpu.bitcast %get3A_1534 : vector<16xf32> -> vector<16xi32>
        %add3A_1536 = arith.constant 32767 : i32
        %add3A_1537 = vector.broadcast %add3A_1536 : i32 to vector<16xi32>
        %add3A_1538 = arith.addi %bitcast_convert_type3A_1535, %add3A_1537 : vector<16xi32>
        %shift_right_logical3A_1539 = arith.constant 16 : i32
        %shift_right_logical3A_1540 = vector.broadcast %shift_right_logical3A_1539 : i32 to vector<16xi32>
        %shift_right_logical3A_1541 = arith.shrui %bitcast_convert_type3A_1535, %shift_right_logical3A_1540 : vector<16xi32>
        %and3A_1542 = arith.constant 1 : i32
        %and3A_1543 = vector.broadcast %and3A_1542 : i32 to vector<16xi32>
        %and3A_1544 = arith.andi %shift_right_logical3A_1541, %and3A_1543 : vector<16xi32>
        %add3A_1545 = arith.addi %add3A_1538, %and3A_1544 : vector<16xi32>
        %and3A_1546 = arith.constant -65536 : i32
        %and3A_1547 = vector.broadcast %and3A_1546 : i32 to vector<16xi32>
        %and3A_1548 = arith.andi %add3A_1545, %and3A_1547 : vector<16xi32>
        %bitcast_convert_type3A_1549 = tpu.bitcast %and3A_1548 : vector<16xi32> -> vector<16xf32>
        %mul3A_1550 = arith.mulf %bitcast_convert_type3A_1549, %bitcast_convert_type3A_1321 : vector<16xf32>
        %add3A_1551 = arith.addf %scan3A_1298, %mul3A_1550 : vector<16xf32>
        %mul3A_1552 = arith.constant 16 : i32
        %mul3A_1553 = arith.muli %scan3A_1288, %mul3A_1552 : i32
        %get3A_1554 = arith.constant 10 : i32
        %get3A_1555 = arith.index_cast %get3A_1554 : i32 to index
        %get3A_1556 = arith.index_cast %mul3A_1553 : i32 to index
        %get3A_1557 = tpu.vector_load %arg9[%get3A_1555, %get3A_1556] {strides = array<i32>} : memref<56x768xf32, #tpu.memory_space<vmem>>, vector<16xf32>,
        %bitcast_convert_type3A_1558 = tpu.bitcast %get3A_1557 : vector<16xf32> -> vector<16xi32>
        %add3A_1559 = arith.constant 32767 : i32
        %add3A_1560 = vector.broadcast %add3A_1559 : i32 to vector<16xi32>
        %add3A_1561 = arith.addi %bitcast_convert_type3A_1558, %add3A_1560 : vector<16xi32>
        %shift_right_logical3A_1562 = arith.constant 16 : i32
        %shift_right_logical3A_1563 = vector.broadcast %shift_right_logical3A_1562 : i32 to vector<16xi32>
        %shift_right_logical3A_1564 = arith.shrui %bitcast_convert_type3A_1558, %shift_right_logical3A_1563 : vector<16xi32>
        %and3A_1565 = arith.constant 1 : i32
        %and3A_1566 = vector.broadcast %and3A_1565 : i32 to vector<16xi32>
        %and3A_1567 = arith.andi %shift_right_logical3A_1564, %and3A_1566 : vector<16xi32>
        %add3A_1568 = arith.addi %add3A_1561, %and3A_1567 : vector<16xi32>
        %and3A_1569 = arith.constant -65536 : i32
        %and3A_1570 = vector.broadcast %and3A_1569 : i32 to vector<16xi32>
        %and3A_1571 = arith.andi %add3A_1568, %and3A_1570 : vector<16xi32>
        %bitcast_convert_type3A_1572 = tpu.bitcast %and3A_1571 : vector<16xi32> -> vector<16xf32>
        %mul3A_1573 = arith.mulf %bitcast_convert_type3A_1572, %bitcast_convert_type3A_1321 : vector<16xf32>
        %add3A_1574 = arith.addf %scan3A_1299, %mul3A_1573 : vector<16xf32>
        %mul3A_1575 = arith.constant 16 : i32
        %mul3A_1576 = arith.muli %scan3A_1288, %mul3A_1575 : i32
        %get3A_1577 = arith.constant 11 : i32
        %get3A_1578 = arith.index_cast %get3A_1577 : i32 to index
        %get3A_1579 = arith.index_cast %mul3A_1576 : i32 to index
        %get3A_1580 = tpu.vector_load %arg9[%get3A_1578, %get3A_1579] {strides = array<i32>} : memref<56x768xf32, #tpu.memory_space<vmem>>, vector<16xf32>,
        %bitcast_convert_type3A_1581 = tpu.bitcast %get3A_1580 : vector<16xf32> -> vector<16xi32>
        %add3A_1582 = arith.constant 32767 : i32
        %add3A_1583 = vector.broadcast %add3A_1582 : i32 to vector<16xi32>
        %add3A_1584 = arith.addi %bitcast_convert_type3A_1581, %add3A_1583 : vector<16xi32>
        %shift_right_logical3A_1585 = arith.constant 16 : i32
        %shift_right_logical3A_1586 = vector.broadcast %shift_right_logical3A_1585 : i32 to vector<16xi32>
        %shift_right_logical3A_1587 = arith.shrui %bitcast_convert_type3A_1581, %shift_right_logical3A_1586 : vector<16xi32>
        %and3A_1588 = arith.constant 1 : i32
        %and3A_1589 = vector.broadcast %and3A_1588 : i32 to vector<16xi32>
        %and3A_1590 = arith.andi %shift_right_logical3A_1587, %and3A_1589 : vector<16xi32>
        %add3A_1591 = arith.addi %add3A_1584, %and3A_1590 : vector<16xi32>
        %and3A_1592 = arith.constant -65536 : i32
        %and3A_1593 = vector.broadcast %and3A_1592 : i32 to vector<16xi32>
        %and3A_1594 = arith.andi %add3A_1591, %and3A_1593 : vector<16xi32>
        %bitcast_convert_type3A_1595 = tpu.bitcast %and3A_1594 : vector<16xi32> -> vector<16xf32>
        %mul3A_1596 = arith.mulf %bitcast_convert_type3A_1595, %bitcast_convert_type3A_1321 : vector<16xf32>
        %add3A_1597 = arith.addf %scan3A_1300, %mul3A_1596 : vector<16xf32>
        %mul3A_1598 = arith.constant 16 : i32
        %mul3A_1599 = arith.muli %scan3A_1288, %mul3A_1598 : i32
        %get3A_1600 = arith.constant 12 : i32
        %get3A_1601 = arith.index_cast %get3A_1600 : i32 to index
        %get3A_1602 = arith.index_cast %mul3A_1599 : i32 to index
        %get3A_1603 = tpu.vector_load %arg9[%get3A_1601, %get3A_1602] {strides = array<i32>} : memref<56x768xf32, #tpu.memory_space<vmem>>, vector<16xf32>,
        %bitcast_convert_type3A_1604 = tpu.bitcast %get3A_1603 : vector<16xf32> -> vector<16xi32>
        %add3A_1605 = arith.constant 32767 : i32
        %add3A_1606 = vector.broadcast %add3A_1605 : i32 to vector<16xi32>
        %add3A_1607 = arith.addi %bitcast_convert_type3A_1604, %add3A_1606 : vector<16xi32>
        %shift_right_logical3A_1608 = arith.constant 16 : i32
        %shift_right_logical3A_1609 = vector.broadcast %shift_right_logical3A_1608 : i32 to vector<16xi32>
        %shift_right_logical3A_1610 = arith.shrui %bitcast_convert_type3A_1604, %shift_right_logical3A_1609 : vector<16xi32>
        %and3A_1611 = arith.constant 1 : i32
        %and3A_1612 = vector.broadcast %and3A_1611 : i32 to vector<16xi32>
        %and3A_1613 = arith.andi %shift_right_logical3A_1610, %and3A_1612 : vector<16xi32>
        %add3A_1614 = arith.addi %add3A_1607, %and3A_1613 : vector<16xi32>
        %and3A_1615 = arith.constant -65536 : i32
        %and3A_1616 = vector.broadcast %and3A_1615 : i32 to vector<16xi32>
        %and3A_1617 = arith.andi %add3A_1614, %and3A_1616 : vector<16xi32>
        %bitcast_convert_type3A_1618 = tpu.bitcast %and3A_1617 : vector<16xi32> -> vector<16xf32>
        %mul3A_1619 = arith.mulf %bitcast_convert_type3A_1618, %bitcast_convert_type3A_1321 : vector<16xf32>
        %add3A_1620 = arith.addf %scan3A_1301, %mul3A_1619 : vector<16xf32>
        %mul3A_1621 = arith.constant 16 : i32
        %mul3A_1622 = arith.muli %scan3A_1288, %mul3A_1621 : i32
        %get3A_1623 = arith.constant 13 : i32
        %get3A_1624 = arith.index_cast %get3A_1623 : i32 to index
        %get3A_1625 = arith.index_cast %mul3A_1622 : i32 to index
        %get3A_1626 = tpu.vector_load %arg9[%get3A_1624, %get3A_1625] {strides = array<i32>} : memref<56x768xf32, #tpu.memory_space<vmem>>, vector<16xf32>,
        %bitcast_convert_type3A_1627 = tpu.bitcast %get3A_1626 : vector<16xf32> -> vector<16xi32>
        %add3A_1628 = arith.constant 32767 : i32
        %add3A_1629 = vector.broadcast %add3A_1628 : i32 to vector<16xi32>
        %add3A_1630 = arith.addi %bitcast_convert_type3A_1627, %add3A_1629 : vector<16xi32>
        %shift_right_logical3A_1631 = arith.constant 16 : i32
        %shift_right_logical3A_1632 = vector.broadcast %shift_right_logical3A_1631 : i32 to vector<16xi32>
        %shift_right_logical3A_1633 = arith.shrui %bitcast_convert_type3A_1627, %shift_right_logical3A_1632 : vector<16xi32>
        %and3A_1634 = arith.constant 1 : i32
        %and3A_1635 = vector.broadcast %and3A_1634 : i32 to vector<16xi32>
        %and3A_1636 = arith.andi %shift_right_logical3A_1633, %and3A_1635 : vector<16xi32>
        %add3A_1637 = arith.addi %add3A_1630, %and3A_1636 : vector<16xi32>
        %and3A_1638 = arith.constant -65536 : i32
        %and3A_1639 = vector.broadcast %and3A_1638 : i32 to vector<16xi32>
        %and3A_1640 = arith.andi %add3A_1637, %and3A_1639 : vector<16xi32>
        %bitcast_convert_type3A_1641 = tpu.bitcast %and3A_1640 : vector<16xi32> -> vector<16xf32>
        %mul3A_1642 = arith.mulf %bitcast_convert_type3A_1641, %bitcast_convert_type3A_1321 : vector<16xf32>
        %add3A_1643 = arith.addf %scan3A_1302, %mul3A_1642 : vector<16xf32>
        %mul3A_1644 = arith.constant 16 : i32
        %mul3A_1645 = arith.muli %scan3A_1288, %mul3A_1644 : i32
        %get3A_1646 = arith.constant 14 : i32
        %get3A_1647 = arith.index_cast %get3A_1646 : i32 to index
        %get3A_1648 = arith.index_cast %mul3A_1645 : i32 to index
        %get3A_1649 = tpu.vector_load %arg9[%get3A_1647, %get3A_1648] {strides = array<i32>} : memref<56x768xf32, #tpu.memory_space<vmem>>, vector<16xf32>,
        %bitcast_convert_type3A_1650 = tpu.bitcast %get3A_1649 : vector<16xf32> -> vector<16xi32>
        %add3A_1651 = arith.constant 32767 : i32
        %add3A_1652 = vector.broadcast %add3A_1651 : i32 to vector<16xi32>
        %add3A_1653 = arith.addi %bitcast_convert_type3A_1650, %add3A_1652 : vector<16xi32>
        %shift_right_logical3A_1654 = arith.constant 16 : i32
        %shift_right_logical3A_1655 = vector.broadcast %shift_right_logical3A_1654 : i32 to vector<16xi32>
        %shift_right_logical3A_1656 = arith.shrui %bitcast_convert_type3A_1650, %shift_right_logical3A_1655 : vector<16xi32>
        %and3A_1657 = arith.constant 1 : i32
        %and3A_1658 = vector.broadcast %and3A_1657 : i32 to vector<16xi32>
        %and3A_1659 = arith.andi %shift_right_logical3A_1656, %and3A_1658 : vector<16xi32>
        %add3A_1660 = arith.addi %add3A_1653, %and3A_1659 : vector<16xi32>
        %and3A_1661 = arith.constant -65536 : i32
        %and3A_1662 = vector.broadcast %and3A_1661 : i32 to vector<16xi32>
        %and3A_1663 = arith.andi %add3A_1660, %and3A_1662 : vector<16xi32>
        %bitcast_convert_type3A_1664 = tpu.bitcast %and3A_1663 : vector<16xi32> -> vector<16xf32>
        %mul3A_1665 = arith.mulf %bitcast_convert_type3A_1664, %bitcast_convert_type3A_1321 : vector<16xf32>
        %add3A_1666 = arith.addf %scan3A_1303, %mul3A_1665 : vector<16xf32>
        %mul3A_1667 = arith.constant 16 : i32
        %mul3A_1668 = arith.muli %scan3A_1288, %mul3A_1667 : i32
        %get3A_1669 = arith.constant 15 : i32
        %get3A_1670 = arith.index_cast %get3A_1669 : i32 to index
        %get3A_1671 = arith.index_cast %mul3A_1668 : i32 to index
        %get3A_1672 = tpu.vector_load %arg9[%get3A_1670, %get3A_1671] {strides = array<i32>} : memref<56x768xf32, #tpu.memory_space<vmem>>, vector<16xf32>,
        %bitcast_convert_type3A_1673 = tpu.bitcast %get3A_1672 : vector<16xf32> -> vector<16xi32>
        %add3A_1674 = arith.constant 32767 : i32
        %add3A_1675 = vector.broadcast %add3A_1674 : i32 to vector<16xi32>
        %add3A_1676 = arith.addi %bitcast_convert_type3A_1673, %add3A_1675 : vector<16xi32>
        %shift_right_logical3A_1677 = arith.constant 16 : i32
        %shift_right_logical3A_1678 = vector.broadcast %shift_right_logical3A_1677 : i32 to vector<16xi32>
        %shift_right_logical3A_1679 = arith.shrui %bitcast_convert_type3A_1673, %shift_right_logical3A_1678 : vector<16xi32>
        %and3A_1680 = arith.constant 1 : i32
        %and3A_1681 = vector.broadcast %and3A_1680 : i32 to vector<16xi32>
        %and3A_1682 = arith.andi %shift_right_logical3A_1679, %and3A_1681 : vector<16xi32>
        %add3A_1683 = arith.addi %add3A_1676, %and3A_1682 : vector<16xi32>
        %and3A_1684 = arith.constant -65536 : i32
        %and3A_1685 = vector.broadcast %and3A_1684 : i32 to vector<16xi32>
        %and3A_1686 = arith.andi %add3A_1683, %and3A_1685 : vector<16xi32>
        %bitcast_convert_type3A_1687 = tpu.bitcast %and3A_1686 : vector<16xi32> -> vector<16xf32>
        %mul3A_1688 = arith.mulf %bitcast_convert_type3A_1687, %bitcast_convert_type3A_1321 : vector<16xf32>
        %add3A_1689 = arith.addf %scan3A_1304, %mul3A_1688 : vector<16xf32>
        scf.yield %add3A_1344, %add3A_1367, %add3A_1390, %add3A_1413, %add3A_1436, %add3A_1459, %add3A_1482, %add3A_1505, %add3A_1528, %add3A_1551, %add3A_1574, %add3A_1597, %add3A_1620, %add3A_1643, %add3A_1666, %add3A_1689 : vector<16xf32>, vector<16xf32>, vector<16xf32>, vector<16xf32>, vector<16xf32>, vector<16xf32>, vector<16xf32>, vector<16xf32>, vector<16xf32>, vector<16xf32>, vector<16xf32>, vector<16xf32>, vector<16xf32>, vector<16xf32>, vector<16xf32>, vector<16xf32>
      }
      %scan3A_90 = arith.constant 48 : i32
      %get3A = arith.constant 0 : index
      %get3A_91 = tpu.vector_load %arg11[%get3A] {strides = array<i32>} : memref<64xf32, #tpu.memory_space<vmem>>, vector<16xf32>,
      %broadcast_in_dim3A_92 = arith.constant 0.000000e+00 : f32
      %broadcast_in_dim3A_93 = vector.broadcast %broadcast_in_dim3A_92 : f32 to vector<16xf32>
      %eq3A = arith.constant 0 : i32
      %eq3A_94 = vector.broadcast %eq3A : i32 to vector<16xi32>
      %eq3A_95 = arith.cmpi eq, %iota3A, %eq3A_94 : vector<16xi32>
      %reduce_sum3A = arith.constant true
      %reduce_sum3A_96 = vector.broadcast %reduce_sum3A : i1 to vector<16xi1>
      %reduce_sum3A_97 = tpu.scan <sum>, %scan3A_89#0 masked %reduce_sum3A_96 : vector<16xf32>, vector<16xi1> -> vector<16xf32>
      %reduce_sum3A_98 = vector.extract %reduce_sum3A_97[15] : f32 from vector<16xf32>
      %broadcast_in_dim3A_99 = vector.broadcast %reduce_sum3A_98 : f32 to vector<16xf32>
      %select_n3A = arith.select %eq3A_95, %broadcast_in_dim3A_99, %broadcast_in_dim3A_93 : vector<16xi1>, vector<16xf32>
      %eq3A_100 = arith.constant 1 : i32
      %eq3A_101 = vector.broadcast %eq3A_100 : i32 to vector<16xi32>
      %eq3A_102 = arith.cmpi eq, %iota3A, %eq3A_101 : vector<16xi32>
      %reduce_sum3A_103 = arith.constant true
      %reduce_sum3A_104 = vector.broadcast %reduce_sum3A_103 : i1 to vector<16xi1>
      %reduce_sum3A_105 = tpu.scan <sum>, %scan3A_89#1 masked %reduce_sum3A_104 : vector<16xf32>, vector<16xi1> -> vector<16xf32>
      %reduce_sum3A_106 = vector.extract %reduce_sum3A_105[15] : f32 from vector<16xf32>
      %broadcast_in_dim3A_107 = vector.broadcast %reduce_sum3A_106 : f32 to vector<16xf32>
      %select_n3A_108 = arith.select %eq3A_102, %broadcast_in_dim3A_107, %select_n3A : vector<16xi1>, vector<16xf32>
      %eq3A_109 = arith.constant 2 : i32
      %eq3A_110 = vector.broadcast %eq3A_109 : i32 to vector<16xi32>
      %eq3A_111 = arith.cmpi eq, %iota3A, %eq3A_110 : vector<16xi32>
      %reduce_sum3A_112 = arith.constant true
      %reduce_sum3A_113 = vector.broadcast %reduce_sum3A_112 : i1 to vector<16xi1>
      %reduce_sum3A_114 = tpu.scan <sum>, %scan3A_89#2 masked %reduce_sum3A_113 : vector<16xf32>, vector<16xi1> -> vector<16xf32>
      %reduce_sum3A_115 = vector.extract %reduce_sum3A_114[15] : f32 from vector<16xf32>
      %broadcast_in_dim3A_116 = vector.broadcast %reduce_sum3A_115 : f32 to vector<16xf32>
      %select_n3A_117 = arith.select %eq3A_111, %broadcast_in_dim3A_116, %select_n3A_108 : vector<16xi1>, vector<16xf32>
      %eq3A_118 = arith.constant 3 : i32
      %eq3A_119 = vector.broadcast %eq3A_118 : i32 to vector<16xi32>
      %eq3A_120 = arith.cmpi eq, %iota3A, %eq3A_119 : vector<16xi32>
      %reduce_sum3A_121 = arith.constant true
      %reduce_sum3A_122 = vector.broadcast %reduce_sum3A_121 : i1 to vector<16xi1>
      %reduce_sum3A_123 = tpu.scan <sum>, %scan3A_89#3 masked %reduce_sum3A_122 : vector<16xf32>, vector<16xi1> -> vector<16xf32>
      %reduce_sum3A_124 = vector.extract %reduce_sum3A_123[15] : f32 from vector<16xf32>
      %broadcast_in_dim3A_125 = vector.broadcast %reduce_sum3A_124 : f32 to vector<16xf32>
      %select_n3A_126 = arith.select %eq3A_120, %broadcast_in_dim3A_125, %select_n3A_117 : vector<16xi1>, vector<16xf32>
      %eq3A_127 = arith.constant 4 : i32
      %eq3A_128 = vector.broadcast %eq3A_127 : i32 to vector<16xi32>
      %eq3A_129 = arith.cmpi eq, %iota3A, %eq3A_128 : vector<16xi32>
      %reduce_sum3A_130 = arith.constant true
      %reduce_sum3A_131 = vector.broadcast %reduce_sum3A_130 : i1 to vector<16xi1>
      %reduce_sum3A_132 = tpu.scan <sum>, %scan3A_89#4 masked %reduce_sum3A_131 : vector<16xf32>, vector<16xi1> -> vector<16xf32>
      %reduce_sum3A_133 = vector.extract %reduce_sum3A_132[15] : f32 from vector<16xf32>
      %broadcast_in_dim3A_134 = vector.broadcast %reduce_sum3A_133 : f32 to vector<16xf32>
      %select_n3A_135 = arith.select %eq3A_129, %broadcast_in_dim3A_134, %select_n3A_126 : vector<16xi1>, vector<16xf32>
      %eq3A_136 = arith.constant 5 : i32
      %eq3A_137 = vector.broadcast %eq3A_136 : i32 to vector<16xi32>
      %eq3A_138 = arith.cmpi eq, %iota3A, %eq3A_137 : vector<16xi32>
      %reduce_sum3A_139 = arith.constant true
      %reduce_sum3A_140 = vector.broadcast %reduce_sum3A_139 : i1 to vector<16xi1>
      %reduce_sum3A_141 = tpu.scan <sum>, %scan3A_89#5 masked %reduce_sum3A_140 : vector<16xf32>, vector<16xi1> -> vector<16xf32>
      %reduce_sum3A_142 = vector.extract %reduce_sum3A_141[15] : f32 from vector<16xf32>
      %broadcast_in_dim3A_143 = vector.broadcast %reduce_sum3A_142 : f32 to vector<16xf32>
      %select_n3A_144 = arith.select %eq3A_138, %broadcast_in_dim3A_143, %select_n3A_135 : vector<16xi1>, vector<16xf32>
      %eq3A_145 = arith.constant 6 : i32
      %eq3A_146 = vector.broadcast %eq3A_145 : i32 to vector<16xi32>
      %eq3A_147 = arith.cmpi eq, %iota3A, %eq3A_146 : vector<16xi32>
      %reduce_sum3A_148 = arith.constant true
      %reduce_sum3A_149 = vector.broadcast %reduce_sum3A_148 : i1 to vector<16xi1>
      %reduce_sum3A_150 = tpu.scan <sum>, %scan3A_89#6 masked %reduce_sum3A_149 : vector<16xf32>, vector<16xi1> -> vector<16xf32>
      %reduce_sum3A_151 = vector.extract %reduce_sum3A_150[15] : f32 from vector<16xf32>
      %broadcast_in_dim3A_152 = vector.broadcast %reduce_sum3A_151 : f32 to vector<16xf32>
      %select_n3A_153 = arith.select %eq3A_147, %broadcast_in_dim3A_152, %select_n3A_144 : vector<16xi1>, vector<16xf32>
      %eq3A_154 = arith.constant 7 : i32
      %eq3A_155 = vector.broadcast %eq3A_154 : i32 to vector<16xi32>
      %eq3A_156 = arith.cmpi eq, %iota3A, %eq3A_155 : vector<16xi32>
      %reduce_sum3A_157 = arith.constant true
      %reduce_sum3A_158 = vector.broadcast %reduce_sum3A_157 : i1 to vector<16xi1>
      %reduce_sum3A_159 = tpu.scan <sum>, %scan3A_89#7 masked %reduce_sum3A_158 : vector<16xf32>, vector<16xi1> -> vector<16xf32>
      %reduce_sum3A_160 = vector.extract %reduce_sum3A_159[15] : f32 from vector<16xf32>
      %broadcast_in_dim3A_161 = vector.broadcast %reduce_sum3A_160 : f32 to vector<16xf32>
      %select_n3A_162 = arith.select %eq3A_156, %broadcast_in_dim3A_161, %select_n3A_153 : vector<16xi1>, vector<16xf32>
      %eq3A_163 = arith.constant 8 : i32
      %eq3A_164 = vector.broadcast %eq3A_163 : i32 to vector<16xi32>
      %eq3A_165 = arith.cmpi eq, %iota3A, %eq3A_164 : vector<16xi32>
      %reduce_sum3A_166 = arith.constant true
      %reduce_sum3A_167 = vector.broadcast %reduce_sum3A_166 : i1 to vector<16xi1>
      %reduce_sum3A_168 = tpu.scan <sum>, %scan3A_89#8 masked %reduce_sum3A_167 : vector<16xf32>, vector<16xi1> -> vector<16xf32>
      %reduce_sum3A_169 = vector.extract %reduce_sum3A_168[15] : f32 from vector<16xf32>
      %broadcast_in_dim3A_170 = vector.broadcast %reduce_sum3A_169 : f32 to vector<16xf32>
      %select_n3A_171 = arith.select %eq3A_165, %broadcast_in_dim3A_170, %select_n3A_162 : vector<16xi1>, vector<16xf32>
      %eq3A_172 = arith.constant 9 : i32
      %eq3A_173 = vector.broadcast %eq3A_172 : i32 to vector<16xi32>
      %eq3A_174 = arith.cmpi eq, %iota3A, %eq3A_173 : vector<16xi32>
      %reduce_sum3A_175 = arith.constant true
      %reduce_sum3A_176 = vector.broadcast %reduce_sum3A_175 : i1 to vector<16xi1>
      %reduce_sum3A_177 = tpu.scan <sum>, %scan3A_89#9 masked %reduce_sum3A_176 : vector<16xf32>, vector<16xi1> -> vector<16xf32>
      %reduce_sum3A_178 = vector.extract %reduce_sum3A_177[15] : f32 from vector<16xf32>
      %broadcast_in_dim3A_179 = vector.broadcast %reduce_sum3A_178 : f32 to vector<16xf32>
      %select_n3A_180 = arith.select %eq3A_174, %broadcast_in_dim3A_179, %select_n3A_171 : vector<16xi1>, vector<16xf32>
      %eq3A_181 = arith.constant 10 : i32
      %eq3A_182 = vector.broadcast %eq3A_181 : i32 to vector<16xi32>
      %eq3A_183 = arith.cmpi eq, %iota3A, %eq3A_182 : vector<16xi32>
      %reduce_sum3A_184 = arith.constant true
      %reduce_sum3A_185 = vector.broadcast %reduce_sum3A_184 : i1 to vector<16xi1>
      %reduce_sum3A_186 = tpu.scan <sum>, %scan3A_89#10 masked %reduce_sum3A_185 : vector<16xf32>, vector<16xi1> -> vector<16xf32>
      %reduce_sum3A_187 = vector.extract %reduce_sum3A_186[15] : f32 from vector<16xf32>
      %broadcast_in_dim3A_188 = vector.broadcast %reduce_sum3A_187 : f32 to vector<16xf32>
      %select_n3A_189 = arith.select %eq3A_183, %broadcast_in_dim3A_188, %select_n3A_180 : vector<16xi1>, vector<16xf32>
      %eq3A_190 = arith.constant 11 : i32
      %eq3A_191 = vector.broadcast %eq3A_190 : i32 to vector<16xi32>
      %eq3A_192 = arith.cmpi eq, %iota3A, %eq3A_191 : vector<16xi32>
      %reduce_sum3A_193 = arith.constant true
      %reduce_sum3A_194 = vector.broadcast %reduce_sum3A_193 : i1 to vector<16xi1>
      %reduce_sum3A_195 = tpu.scan <sum>, %scan3A_89#11 masked %reduce_sum3A_194 : vector<16xf32>, vector<16xi1> -> vector<16xf32>
      %reduce_sum3A_196 = vector.extract %reduce_sum3A_195[15] : f32 from vector<16xf32>
      %broadcast_in_dim3A_197 = vector.broadcast %reduce_sum3A_196 : f32 to vector<16xf32>
      %select_n3A_198 = arith.select %eq3A_192, %broadcast_in_dim3A_197, %select_n3A_189 : vector<16xi1>, vector<16xf32>
      %eq3A_199 = arith.constant 12 : i32
      %eq3A_200 = vector.broadcast %eq3A_199 : i32 to vector<16xi32>
      %eq3A_201 = arith.cmpi eq, %iota3A, %eq3A_200 : vector<16xi32>
      %reduce_sum3A_202 = arith.constant true
      %reduce_sum3A_203 = vector.broadcast %reduce_sum3A_202 : i1 to vector<16xi1>
      %reduce_sum3A_204 = tpu.scan <sum>, %scan3A_89#12 masked %reduce_sum3A_203 : vector<16xf32>, vector<16xi1> -> vector<16xf32>
      %reduce_sum3A_205 = vector.extract %reduce_sum3A_204[15] : f32 from vector<16xf32>
      %broadcast_in_dim3A_206 = vector.broadcast %reduce_sum3A_205 : f32 to vector<16xf32>
      %select_n3A_207 = arith.select %eq3A_201, %broadcast_in_dim3A_206, %select_n3A_198 : vector<16xi1>, vector<16xf32>
      %eq3A_208 = arith.constant 13 : i32
      %eq3A_209 = vector.broadcast %eq3A_208 : i32 to vector<16xi32>
      %eq3A_210 = arith.cmpi eq, %iota3A, %eq3A_209 : vector<16xi32>
      %reduce_sum3A_211 = arith.constant true
      %reduce_sum3A_212 = vector.broadcast %reduce_sum3A_211 : i1 to vector<16xi1>
      %reduce_sum3A_213 = tpu.scan <sum>, %scan3A_89#13 masked %reduce_sum3A_212 : vector<16xf32>, vector<16xi1> -> vector<16xf32>
      %reduce_sum3A_214 = vector.extract %reduce_sum3A_213[15] : f32 from vector<16xf32>
      %broadcast_in_dim3A_215 = vector.broadcast %reduce_sum3A_214 : f32 to vector<16xf32>
      %select_n3A_216 = arith.select %eq3A_210, %broadcast_in_dim3A_215, %select_n3A_207 : vector<16xi1>, vector<16xf32>
      %eq3A_217 = arith.constant 14 : i32
      %eq3A_218 = vector.broadcast %eq3A_217 : i32 to vector<16xi32>
      %eq3A_219 = arith.cmpi eq, %iota3A, %eq3A_218 : vector<16xi32>
      %reduce_sum3A_220 = arith.constant true
      %reduce_sum3A_221 = vector.broadcast %reduce_sum3A_220 : i1 to vector<16xi1>
      %reduce_sum3A_222 = tpu.scan <sum>, %scan3A_89#14 masked %reduce_sum3A_221 : vector<16xf32>, vector<16xi1> -> vector<16xf32>
      %reduce_sum3A_223 = vector.extract %reduce_sum3A_222[15] : f32 from vector<16xf32>
      %broadcast_in_dim3A_224 = vector.broadcast %reduce_sum3A_223 : f32 to vector<16xf32>
      %select_n3A_225 = arith.select %eq3A_219, %broadcast_in_dim3A_224, %select_n3A_216 : vector<16xi1>, vector<16xf32>
      %eq3A_226 = arith.constant 15 : i32
      %eq3A_227 = vector.broadcast %eq3A_226 : i32 to vector<16xi32>
      %eq3A_228 = arith.cmpi eq, %iota3A, %eq3A_227 : vector<16xi32>
      %reduce_sum3A_229 = arith.constant true
      %reduce_sum3A_230 = vector.broadcast %reduce_sum3A_229 : i1 to vector<16xi1>
      %reduce_sum3A_231 = tpu.scan <sum>, %scan3A_89#15 masked %reduce_sum3A_230 : vector<16xf32>, vector<16xi1> -> vector<16xf32>
      %reduce_sum3A_232 = vector.extract %reduce_sum3A_231[15] : f32 from vector<16xf32>
      %broadcast_in_dim3A_233 = vector.broadcast %reduce_sum3A_232 : f32 to vector<16xf32>
      %select_n3A_234 = arith.select %eq3A_228, %broadcast_in_dim3A_233, %select_n3A_225 : vector<16xi1>, vector<16xf32>
      %add3A_235 = arith.addf %select_n3A_234, %get3A_91 : vector<16xf32>
      %swap3A = arith.index_cast %mul3A_26 : i32 to index
      %swap3A_236 = arith.constant 0 : index
      %swap3A_237 = tpu.vector_load %arg13[%swap3A, %swap3A_236] {strides = array<i32>} : memref<32x64xf32, #tpu.memory_space<vmem>>, vector<16xf32>,
      tpu.vector_store %arg13[%swap3A, %swap3A_236], %add3A_235 {strides = array<i32>} : memref<32x64xf32, #tpu.memory_space<vmem>>, vector<16xf32>,
      %broadcast_in_dim3A_238 = arith.constant 0.000000e+00 : f32
      %broadcast_in_dim3A_239 = vector.broadcast %broadcast_in_dim3A_238 : f32 to vector<16xf32>
      %broadcast_in_dim3A_240 = arith.constant 0.000000e+00 : f32
      %broadcast_in_dim3A_241 = vector.broadcast %broadcast_in_dim3A_240 : f32 to vector<16xf32>
      %broadcast_in_dim3A_242 = arith.constant 0.000000e+00 : f32
      %broadcast_in_dim3A_243 = vector.broadcast %broadcast_in_dim3A_242 : f32 to vector<16xf32>
      %broadcast_in_dim3A_244 = arith.constant 0.000000e+00 : f32
      %broadcast_in_dim3A_245 = vector.broadcast %broadcast_in_dim3A_244 : f32 to vector<16xf32>
      %broadcast_in_dim3A_246 = arith.constant 0.000000e+00 : f32
      %broadcast_in_dim3A_247 = vector.broadcast %broadcast_in_dim3A_246 : f32 to vector<16xf32>
      %broadcast_in_dim3A_248 = arith.constant 0.000000e+00 : f32
      %broadcast_in_dim3A_249 = vector.broadcast %broadcast_in_dim3A_248 : f32 to vector<16xf32>
      %broadcast_in_dim3A_250 = arith.constant 0.000000e+00 : f32
      %broadcast_in_dim3A_251 = vector.broadcast %broadcast_in_dim3A_250 : f32 to vector<16xf32>
      %broadcast_in_dim3A_252 = arith.constant 0.000000e+00 : f32
      %broadcast_in_dim3A_253 = vector.broadcast %broadcast_in_dim3A_252 : f32 to vector<16xf32>
      %broadcast_in_dim3A_254 = arith.constant 0.000000e+00 : f32
      %broadcast_in_dim3A_255 = vector.broadcast %broadcast_in_dim3A_254 : f32 to vector<16xf32>
      %broadcast_in_dim3A_256 = arith.constant 0.000000e+00 : f32
      %broadcast_in_dim3A_257 = vector.broadcast %broadcast_in_dim3A_256 : f32 to vector<16xf32>
      %broadcast_in_dim3A_258 = arith.constant 0.000000e+00 : f32
      %broadcast_in_dim3A_259 = vector.broadcast %broadcast_in_dim3A_258 : f32 to vector<16xf32>
      %broadcast_in_dim3A_260 = arith.constant 0.000000e+00 : f32
      %broadcast_in_dim3A_261 = vector.broadcast %broadcast_in_dim3A_260 : f32 to vector<16xf32>
      %broadcast_in_dim3A_262 = arith.constant 0.000000e+00 : f32
      %broadcast_in_dim3A_263 = vector.broadcast %broadcast_in_dim3A_262 : f32 to vector<16xf32>
      %broadcast_in_dim3A_264 = arith.constant 0.000000e+00 : f32
      %broadcast_in_dim3A_265 = vector.broadcast %broadcast_in_dim3A_264 : f32 to vector<16xf32>
      %broadcast_in_dim3A_266 = arith.constant 0.000000e+00 : f32
      %broadcast_in_dim3A_267 = vector.broadcast %broadcast_in_dim3A_266 : f32 to vector<16xf32>
      %broadcast_in_dim3A_268 = arith.constant 0.000000e+00 : f32
      %broadcast_in_dim3A_269 = vector.broadcast %broadcast_in_dim3A_268 : f32 to vector<16xf32>
      %scan3A_270 = arith.constant 0 : i32
      %scan3A_271 = arith.constant 48 : i32
      %scan3A_272 = arith.addi %scan3A_270, %scan3A_271 : i32
      %scan3A_273 = arith.constant 1 : i32
      %scan3A_274:16 = scf.for %scan3A_1288 = %scan3A_270 to %scan3A_272 step %scan3A_273 iter_args(%scan3A_1289 = %broadcast_in_dim3A_239, %scan3A_1290 = %broadcast_in_dim3A_241, %scan3A_1291 = %broadcast_in_dim3A_243, %scan3A_1292 = %broadcast_in_dim3A_245, %scan3A_1293 = %broadcast_in_dim3A_247, %scan3A_1294 = %broadcast_in_dim3A_249, %scan3A_1295 = %broadcast_in_dim3A_251, %scan3A_1296 = %broadcast_in_dim3A_253, %scan3A_1297 = %broadcast_in_dim3A_255, %scan3A_1298 = %broadcast_in_dim3A_257, %scan3A_1299 = %broadcast_in_dim3A_259, %scan3A_1300 = %broadcast_in_dim3A_261, %scan3A_1301 = %broadcast_in_dim3A_263, %scan3A_1302 = %broadcast_in_dim3A_265, %scan3A_1303 = %broadcast_in_dim3A_267, %scan3A_1304 = %broadcast_in_dim3A_269) -> (vector<16xf32>, vector<16xf32>, vector<16xf32>, vector<16xf32>, vector<16xf32>, vector<16xf32>, vector<16xf32>, vector<16xf32>, vector<16xf32>, vector<16xf32>, vector<16xf32>, vector<16xf32>, vector<16xf32>, vector<16xf32>, vector<16xf32>, vector<16xf32>)  : i32 {
        %mul3A_1305 = arith.constant 16 : i32
        %mul3A_1306 = arith.muli %scan3A_1288, %mul3A_1305 : i32
        %get3A_1307 = arith.index_cast %mul3A_26 : i32 to index
        %get3A_1308 = arith.index_cast %mul3A_1306 : i32 to index
        %get3A_1309 = tpu.vector_load %arg8[%get3A_1307, %get3A_1308] {strides = array<i32>} : memref<32x768xf32, #tpu.memory_space<vmem>>, vector<16xf32>,
        %bitcast_convert_type3A = tpu.bitcast %get3A_1309 : vector<16xf32> -> vector<16xi32>
        %add3A_1310 = arith.constant 32767 : i32
        %add3A_1311 = vector.broadcast %add3A_1310 : i32 to vector<16xi32>
        %add3A_1312 = arith.addi %bitcast_convert_type3A, %add3A_1311 : vector<16xi32>
        %shift_right_logical3A = arith.constant 16 : i32
        %shift_right_logical3A_1313 = vector.broadcast %shift_right_logical3A : i32 to vector<16xi32>
        %shift_right_logical3A_1314 = arith.shrui %bitcast_convert_type3A, %shift_right_logical3A_1313 : vector<16xi32>
        %and3A = arith.constant 1 : i32
        %and3A_1315 = vector.broadcast %and3A : i32 to vector<16xi32>
        %and3A_1316 = arith.andi %shift_right_logical3A_1314, %and3A_1315 : vector<16xi32>
        %add3A_1317 = arith.addi %add3A_1312, %and3A_1316 : vector<16xi32>
        %and3A_1318 = arith.constant -65536 : i32
        %and3A_1319 = vector.broadcast %and3A_1318 : i32 to vector<16xi32>
        %and3A_1320 = arith.andi %add3A_1317, %and3A_1319 : vector<16xi32>
        %bitcast_convert_type3A_1321 = tpu.bitcast %and3A_1320 : vector<16xi32> -> vector<16xf32>
        %mul3A_1322 = arith.constant 16 : i32
        %mul3A_1323 = arith.muli %scan3A_1288, %mul3A_1322 : i32
        %get3A_1324 = arith.constant 16 : i32
        %get3A_1325 = arith.index_cast %get3A_1324 : i32 to index
        %get3A_1326 = arith.index_cast %mul3A_1323 : i32 to index
        %get3A_1327 = tpu.vector_load %arg9[%get3A_1325, %get3A_1326] {strides = array<i32>} : memref<56x768xf32, #tpu.memory_space<vmem>>, vector<16xf32>,
        %bitcast_convert_type3A_1328 = tpu.bitcast %get3A_1327 : vector<16xf32> -> vector<16xi32>
        %add3A_1329 = arith.constant 32767 : i32
        %add3A_1330 = vector.broadcast %add3A_1329 : i32 to vector<16xi32>
        %add3A_1331 = arith.addi %bitcast_convert_type3A_1328, %add3A_1330 : vector<16xi32>
        %shift_right_logical3A_1332 = arith.constant 16 : i32
        %shift_right_logical3A_1333 = vector.broadcast %shift_right_logical3A_1332 : i32 to vector<16xi32>
        %shift_right_logical3A_1334 = arith.shrui %bitcast_convert_type3A_1328, %shift_right_logical3A_1333 : vector<16xi32>
        %and3A_1335 = arith.constant 1 : i32
        %and3A_1336 = vector.broadcast %and3A_1335 : i32 to vector<16xi32>
        %and3A_1337 = arith.andi %shift_right_logical3A_1334, %and3A_1336 : vector<16xi32>
        %add3A_1338 = arith.addi %add3A_1331, %and3A_1337 : vector<16xi32>
        %and3A_1339 = arith.constant -65536 : i32
        %and3A_1340 = vector.broadcast %and3A_1339 : i32 to vector<16xi32>
        %and3A_1341 = arith.andi %add3A_1338, %and3A_1340 : vector<16xi32>
        %bitcast_convert_type3A_1342 = tpu.bitcast %and3A_1341 : vector<16xi32> -> vector<16xf32>
        %mul3A_1343 = arith.mulf %bitcast_convert_type3A_1342, %bitcast_convert_type3A_1321 : vector<16xf32>
        %add3A_1344 = arith.addf %scan3A_1289, %mul3A_1343 : vector<16xf32>
        %mul3A_1345 = arith.constant 16 : i32
        %mul3A_1346 = arith.muli %scan3A_1288, %mul3A_1345 : i32
        %get3A_1347 = arith.constant 17 : i32
        %get3A_1348 = arith.index_cast %get3A_1347 : i32 to index
        %get3A_1349 = arith.index_cast %mul3A_1346 : i32 to index
        %get3A_1350 = tpu.vector_load %arg9[%get3A_1348, %get3A_1349] {strides = array<i32>} : memref<56x768xf32, #tpu.memory_space<vmem>>, vector<16xf32>,
        %bitcast_convert_type3A_1351 = tpu.bitcast %get3A_1350 : vector<16xf32> -> vector<16xi32>
        %add3A_1352 = arith.constant 32767 : i32
        %add3A_1353 = vector.broadcast %add3A_1352 : i32 to vector<16xi32>
        %add3A_1354 = arith.addi %bitcast_convert_type3A_1351, %add3A_1353 : vector<16xi32>
        %shift_right_logical3A_1355 = arith.constant 16 : i32
        %shift_right_logical3A_1356 = vector.broadcast %shift_right_logical3A_1355 : i32 to vector<16xi32>
        %shift_right_logical3A_1357 = arith.shrui %bitcast_convert_type3A_1351, %shift_right_logical3A_1356 : vector<16xi32>
        %and3A_1358 = arith.constant 1 : i32
        %and3A_1359 = vector.broadcast %and3A_1358 : i32 to vector<16xi32>
        %and3A_1360 = arith.andi %shift_right_logical3A_1357, %and3A_1359 : vector<16xi32>
        %add3A_1361 = arith.addi %add3A_1354, %and3A_1360 : vector<16xi32>
        %and3A_1362 = arith.constant -65536 : i32
        %and3A_1363 = vector.broadcast %and3A_1362 : i32 to vector<16xi32>
        %and3A_1364 = arith.andi %add3A_1361, %and3A_1363 : vector<16xi32>
        %bitcast_convert_type3A_1365 = tpu.bitcast %and3A_1364 : vector<16xi32> -> vector<16xf32>
        %mul3A_1366 = arith.mulf %bitcast_convert_type3A_1365, %bitcast_convert_type3A_1321 : vector<16xf32>
        %add3A_1367 = arith.addf %scan3A_1290, %mul3A_1366 : vector<16xf32>
        %mul3A_1368 = arith.constant 16 : i32
        %mul3A_1369 = arith.muli %scan3A_1288, %mul3A_1368 : i32
        %get3A_1370 = arith.constant 18 : i32
        %get3A_1371 = arith.index_cast %get3A_1370 : i32 to index
        %get3A_1372 = arith.index_cast %mul3A_1369 : i32 to index
        %get3A_1373 = tpu.vector_load %arg9[%get3A_1371, %get3A_1372] {strides = array<i32>} : memref<56x768xf32, #tpu.memory_space<vmem>>, vector<16xf32>,
        %bitcast_convert_type3A_1374 = tpu.bitcast %get3A_1373 : vector<16xf32> -> vector<16xi32>
        %add3A_1375 = arith.constant 32767 : i32
        %add3A_1376 = vector.broadcast %add3A_1375 : i32 to vector<16xi32>
        %add3A_1377 = arith.addi %bitcast_convert_type3A_1374, %add3A_1376 : vector<16xi32>
        %shift_right_logical3A_1378 = arith.constant 16 : i32
        %shift_right_logical3A_1379 = vector.broadcast %shift_right_logical3A_1378 : i32 to vector<16xi32>
        %shift_right_logical3A_1380 = arith.shrui %bitcast_convert_type3A_1374, %shift_right_logical3A_1379 : vector<16xi32>
        %and3A_1381 = arith.constant 1 : i32
        %and3A_1382 = vector.broadcast %and3A_1381 : i32 to vector<16xi32>
        %and3A_1383 = arith.andi %shift_right_logical3A_1380, %and3A_1382 : vector<16xi32>
        %add3A_1384 = arith.addi %add3A_1377, %and3A_1383 : vector<16xi32>
        %and3A_1385 = arith.constant -65536 : i32
        %and3A_1386 = vector.broadcast %and3A_1385 : i32 to vector<16xi32>
        %and3A_1387 = arith.andi %add3A_1384, %and3A_1386 : vector<16xi32>
        %bitcast_convert_type3A_1388 = tpu.bitcast %and3A_1387 : vector<16xi32> -> vector<16xf32>
        %mul3A_1389 = arith.mulf %bitcast_convert_type3A_1388, %bitcast_convert_type3A_1321 : vector<16xf32>
        %add3A_1390 = arith.addf %scan3A_1291, %mul3A_1389 : vector<16xf32>
        %mul3A_1391 = arith.constant 16 : i32
        %mul3A_1392 = arith.muli %scan3A_1288, %mul3A_1391 : i32
        %get3A_1393 = arith.constant 19 : i32
        %get3A_1394 = arith.index_cast %get3A_1393 : i32 to index
        %get3A_1395 = arith.index_cast %mul3A_1392 : i32 to index
        %get3A_1396 = tpu.vector_load %arg9[%get3A_1394, %get3A_1395] {strides = array<i32>} : memref<56x768xf32, #tpu.memory_space<vmem>>, vector<16xf32>,
        %bitcast_convert_type3A_1397 = tpu.bitcast %get3A_1396 : vector<16xf32> -> vector<16xi32>
        %add3A_1398 = arith.constant 32767 : i32
        %add3A_1399 = vector.broadcast %add3A_1398 : i32 to vector<16xi32>
        %add3A_1400 = arith.addi %bitcast_convert_type3A_1397, %add3A_1399 : vector<16xi32>
        %shift_right_logical3A_1401 = arith.constant 16 : i32
        %shift_right_logical3A_1402 = vector.broadcast %shift_right_logical3A_1401 : i32 to vector<16xi32>
        %shift_right_logical3A_1403 = arith.shrui %bitcast_convert_type3A_1397, %shift_right_logical3A_1402 : vector<16xi32>
        %and3A_1404 = arith.constant 1 : i32
        %and3A_1405 = vector.broadcast %and3A_1404 : i32 to vector<16xi32>
        %and3A_1406 = arith.andi %shift_right_logical3A_1403, %and3A_1405 : vector<16xi32>
        %add3A_1407 = arith.addi %add3A_1400, %and3A_1406 : vector<16xi32>
        %and3A_1408 = arith.constant -65536 : i32
        %and3A_1409 = vector.broadcast %and3A_1408 : i32 to vector<16xi32>
        %and3A_1410 = arith.andi %add3A_1407, %and3A_1409 : vector<16xi32>
        %bitcast_convert_type3A_1411 = tpu.bitcast %and3A_1410 : vector<16xi32> -> vector<16xf32>
        %mul3A_1412 = arith.mulf %bitcast_convert_type3A_1411, %bitcast_convert_type3A_1321 : vector<16xf32>
        %add3A_1413 = arith.addf %scan3A_1292, %mul3A_1412 : vector<16xf32>
        %mul3A_1414 = arith.constant 16 : i32
        %mul3A_1415 = arith.muli %scan3A_1288, %mul3A_1414 : i32
        %get3A_1416 = arith.constant 20 : i32
        %get3A_1417 = arith.index_cast %get3A_1416 : i32 to index
        %get3A_1418 = arith.index_cast %mul3A_1415 : i32 to index
        %get3A_1419 = tpu.vector_load %arg9[%get3A_1417, %get3A_1418] {strides = array<i32>} : memref<56x768xf32, #tpu.memory_space<vmem>>, vector<16xf32>,
        %bitcast_convert_type3A_1420 = tpu.bitcast %get3A_1419 : vector<16xf32> -> vector<16xi32>
        %add3A_1421 = arith.constant 32767 : i32
        %add3A_1422 = vector.broadcast %add3A_1421 : i32 to vector<16xi32>
        %add3A_1423 = arith.addi %bitcast_convert_type3A_1420, %add3A_1422 : vector<16xi32>
        %shift_right_logical3A_1424 = arith.constant 16 : i32
        %shift_right_logical3A_1425 = vector.broadcast %shift_right_logical3A_1424 : i32 to vector<16xi32>
        %shift_right_logical3A_1426 = arith.shrui %bitcast_convert_type3A_1420, %shift_right_logical3A_1425 : vector<16xi32>
        %and3A_1427 = arith.constant 1 : i32
        %and3A_1428 = vector.broadcast %and3A_1427 : i32 to vector<16xi32>
        %and3A_1429 = arith.andi %shift_right_logical3A_1426, %and3A_1428 : vector<16xi32>
        %add3A_1430 = arith.addi %add3A_1423, %and3A_1429 : vector<16xi32>
        %and3A_1431 = arith.constant -65536 : i32
        %and3A_1432 = vector.broadcast %and3A_1431 : i32 to vector<16xi32>
        %and3A_1433 = arith.andi %add3A_1430, %and3A_1432 : vector<16xi32>
        %bitcast_convert_type3A_1434 = tpu.bitcast %and3A_1433 : vector<16xi32> -> vector<16xf32>
        %mul3A_1435 = arith.mulf %bitcast_convert_type3A_1434, %bitcast_convert_type3A_1321 : vector<16xf32>
        %add3A_1436 = arith.addf %scan3A_1293, %mul3A_1435 : vector<16xf32>
        %mul3A_1437 = arith.constant 16 : i32
        %mul3A_1438 = arith.muli %scan3A_1288, %mul3A_1437 : i32
        %get3A_1439 = arith.constant 21 : i32
        %get3A_1440 = arith.index_cast %get3A_1439 : i32 to index
        %get3A_1441 = arith.index_cast %mul3A_1438 : i32 to index
        %get3A_1442 = tpu.vector_load %arg9[%get3A_1440, %get3A_1441] {strides = array<i32>} : memref<56x768xf32, #tpu.memory_space<vmem>>, vector<16xf32>,
        %bitcast_convert_type3A_1443 = tpu.bitcast %get3A_1442 : vector<16xf32> -> vector<16xi32>
        %add3A_1444 = arith.constant 32767 : i32
        %add3A_1445 = vector.broadcast %add3A_1444 : i32 to vector<16xi32>
        %add3A_1446 = arith.addi %bitcast_convert_type3A_1443, %add3A_1445 : vector<16xi32>
        %shift_right_logical3A_1447 = arith.constant 16 : i32
        %shift_right_logical3A_1448 = vector.broadcast %shift_right_logical3A_1447 : i32 to vector<16xi32>
        %shift_right_logical3A_1449 = arith.shrui %bitcast_convert_type3A_1443, %shift_right_logical3A_1448 : vector<16xi32>
        %and3A_1450 = arith.constant 1 : i32
        %and3A_1451 = vector.broadcast %and3A_1450 : i32 to vector<16xi32>
        %and3A_1452 = arith.andi %shift_right_logical3A_1449, %and3A_1451 : vector<16xi32>
        %add3A_1453 = arith.addi %add3A_1446, %and3A_1452 : vector<16xi32>
        %and3A_1454 = arith.constant -65536 : i32
        %and3A_1455 = vector.broadcast %and3A_1454 : i32 to vector<16xi32>
        %and3A_1456 = arith.andi %add3A_1453, %and3A_1455 : vector<16xi32>
        %bitcast_convert_type3A_1457 = tpu.bitcast %and3A_1456 : vector<16xi32> -> vector<16xf32>
        %mul3A_1458 = arith.mulf %bitcast_convert_type3A_1457, %bitcast_convert_type3A_1321 : vector<16xf32>
        %add3A_1459 = arith.addf %scan3A_1294, %mul3A_1458 : vector<16xf32>
        %mul3A_1460 = arith.constant 16 : i32
        %mul3A_1461 = arith.muli %scan3A_1288, %mul3A_1460 : i32
        %get3A_1462 = arith.constant 22 : i32
        %get3A_1463 = arith.index_cast %get3A_1462 : i32 to index
        %get3A_1464 = arith.index_cast %mul3A_1461 : i32 to index
        %get3A_1465 = tpu.vector_load %arg9[%get3A_1463, %get3A_1464] {strides = array<i32>} : memref<56x768xf32, #tpu.memory_space<vmem>>, vector<16xf32>,
        %bitcast_convert_type3A_1466 = tpu.bitcast %get3A_1465 : vector<16xf32> -> vector<16xi32>
        %add3A_1467 = arith.constant 32767 : i32
        %add3A_1468 = vector.broadcast %add3A_1467 : i32 to vector<16xi32>
        %add3A_1469 = arith.addi %bitcast_convert_type3A_1466, %add3A_1468 : vector<16xi32>
        %shift_right_logical3A_1470 = arith.constant 16 : i32
        %shift_right_logical3A_1471 = vector.broadcast %shift_right_logical3A_1470 : i32 to vector<16xi32>
        %shift_right_logical3A_1472 = arith.shrui %bitcast_convert_type3A_1466, %shift_right_logical3A_1471 : vector<16xi32>
        %and3A_1473 = arith.constant 1 : i32
        %and3A_1474 = vector.broadcast %and3A_1473 : i32 to vector<16xi32>
        %and3A_1475 = arith.andi %shift_right_logical3A_1472, %and3A_1474 : vector<16xi32>
        %add3A_1476 = arith.addi %add3A_1469, %and3A_1475 : vector<16xi32>
        %and3A_1477 = arith.constant -65536 : i32
        %and3A_1478 = vector.broadcast %and3A_1477 : i32 to vector<16xi32>
        %and3A_1479 = arith.andi %add3A_1476, %and3A_1478 : vector<16xi32>
        %bitcast_convert_type3A_1480 = tpu.bitcast %and3A_1479 : vector<16xi32> -> vector<16xf32>
        %mul3A_1481 = arith.mulf %bitcast_convert_type3A_1480, %bitcast_convert_type3A_1321 : vector<16xf32>
        %add3A_1482 = arith.addf %scan3A_1295, %mul3A_1481 : vector<16xf32>
        %mul3A_1483 = arith.constant 16 : i32
        %mul3A_1484 = arith.muli %scan3A_1288, %mul3A_1483 : i32
        %get3A_1485 = arith.constant 23 : i32
        %get3A_1486 = arith.index_cast %get3A_1485 : i32 to index
        %get3A_1487 = arith.index_cast %mul3A_1484 : i32 to index
        %get3A_1488 = tpu.vector_load %arg9[%get3A_1486, %get3A_1487] {strides = array<i32>} : memref<56x768xf32, #tpu.memory_space<vmem>>, vector<16xf32>,
        %bitcast_convert_type3A_1489 = tpu.bitcast %get3A_1488 : vector<16xf32> -> vector<16xi32>
        %add3A_1490 = arith.constant 32767 : i32
        %add3A_1491 = vector.broadcast %add3A_1490 : i32 to vector<16xi32>
        %add3A_1492 = arith.addi %bitcast_convert_type3A_1489, %add3A_1491 : vector<16xi32>
        %shift_right_logical3A_1493 = arith.constant 16 : i32
        %shift_right_logical3A_1494 = vector.broadcast %shift_right_logical3A_1493 : i32 to vector<16xi32>
        %shift_right_logical3A_1495 = arith.shrui %bitcast_convert_type3A_1489, %shift_right_logical3A_1494 : vector<16xi32>
        %and3A_1496 = arith.constant 1 : i32
        %and3A_1497 = vector.broadcast %and3A_1496 : i32 to vector<16xi32>
        %and3A_1498 = arith.andi %shift_right_logical3A_1495, %and3A_1497 : vector<16xi32>
        %add3A_1499 = arith.addi %add3A_1492, %and3A_1498 : vector<16xi32>
        %and3A_1500 = arith.constant -65536 : i32
        %and3A_1501 = vector.broadcast %and3A_1500 : i32 to vector<16xi32>
        %and3A_1502 = arith.andi %add3A_1499, %and3A_1501 : vector<16xi32>
        %bitcast_convert_type3A_1503 = tpu.bitcast %and3A_1502 : vector<16xi32> -> vector<16xf32>
        %mul3A_1504 = arith.mulf %bitcast_convert_type3A_1503, %bitcast_convert_type3A_1321 : vector<16xf32>
        %add3A_1505 = arith.addf %scan3A_1296, %mul3A_1504 : vector<16xf32>
        %mul3A_1506 = arith.constant 16 : i32
        %mul3A_1507 = arith.muli %scan3A_1288, %mul3A_1506 : i32
        %get3A_1508 = arith.constant 24 : i32
        %get3A_1509 = arith.index_cast %get3A_1508 : i32 to index
        %get3A_1510 = arith.index_cast %mul3A_1507 : i32 to index
        %get3A_1511 = tpu.vector_load %arg9[%get3A_1509, %get3A_1510] {strides = array<i32>} : memref<56x768xf32, #tpu.memory_space<vmem>>, vector<16xf32>,
        %bitcast_convert_type3A_1512 = tpu.bitcast %get3A_1511 : vector<16xf32> -> vector<16xi32>
        %add3A_1513 = arith.constant 32767 : i32
        %add3A_1514 = vector.broadcast %add3A_1513 : i32 to vector<16xi32>
        %add3A_1515 = arith.addi %bitcast_convert_type3A_1512, %add3A_1514 : vector<16xi32>
        %shift_right_logical3A_1516 = arith.constant 16 : i32
        %shift_right_logical3A_1517 = vector.broadcast %shift_right_logical3A_1516 : i32 to vector<16xi32>
        %shift_right_logical3A_1518 = arith.shrui %bitcast_convert_type3A_1512, %shift_right_logical3A_1517 : vector<16xi32>
        %and3A_1519 = arith.constant 1 : i32
        %and3A_1520 = vector.broadcast %and3A_1519 : i32 to vector<16xi32>
        %and3A_1521 = arith.andi %shift_right_logical3A_1518, %and3A_1520 : vector<16xi32>
        %add3A_1522 = arith.addi %add3A_1515, %and3A_1521 : vector<16xi32>
        %and3A_1523 = arith.constant -65536 : i32
        %and3A_1524 = vector.broadcast %and3A_1523 : i32 to vector<16xi32>
        %and3A_1525 = arith.andi %add3A_1522, %and3A_1524 : vector<16xi32>
        %bitcast_convert_type3A_1526 = tpu.bitcast %and3A_1525 : vector<16xi32> -> vector<16xf32>
        %mul3A_1527 = arith.mulf %bitcast_convert_type3A_1526, %bitcast_convert_type3A_1321 : vector<16xf32>
        %add3A_1528 = arith.addf %scan3A_1297, %mul3A_1527 : vector<16xf32>
        %mul3A_1529 = arith.constant 16 : i32
        %mul3A_1530 = arith.muli %scan3A_1288, %mul3A_1529 : i32
        %get3A_1531 = arith.constant 25 : i32
        %get3A_1532 = arith.index_cast %get3A_1531 : i32 to index
        %get3A_1533 = arith.index_cast %mul3A_1530 : i32 to index
        %get3A_1534 = tpu.vector_load %arg9[%get3A_1532, %get3A_1533] {strides = array<i32>} : memref<56x768xf32, #tpu.memory_space<vmem>>, vector<16xf32>,
        %bitcast_convert_type3A_1535 = tpu.bitcast %get3A_1534 : vector<16xf32> -> vector<16xi32>
        %add3A_1536 = arith.constant 32767 : i32
        %add3A_1537 = vector.broadcast %add3A_1536 : i32 to vector<16xi32>
        %add3A_1538 = arith.addi %bitcast_convert_type3A_1535, %add3A_1537 : vector<16xi32>
        %shift_right_logical3A_1539 = arith.constant 16 : i32
        %shift_right_logical3A_1540 = vector.broadcast %shift_right_logical3A_1539 : i32 to vector<16xi32>
        %shift_right_logical3A_1541 = arith.shrui %bitcast_convert_type3A_1535, %shift_right_logical3A_1540 : vector<16xi32>
        %and3A_1542 = arith.constant 1 : i32
        %and3A_1543 = vector.broadcast %and3A_1542 : i32 to vector<16xi32>
        %and3A_1544 = arith.andi %shift_right_logical3A_1541, %and3A_1543 : vector<16xi32>
        %add3A_1545 = arith.addi %add3A_1538, %and3A_1544 : vector<16xi32>
        %and3A_1546 = arith.constant -65536 : i32
        %and3A_1547 = vector.broadcast %and3A_1546 : i32 to vector<16xi32>
        %and3A_1548 = arith.andi %add3A_1545, %and3A_1547 : vector<16xi32>
        %bitcast_convert_type3A_1549 = tpu.bitcast %and3A_1548 : vector<16xi32> -> vector<16xf32>
        %mul3A_1550 = arith.mulf %bitcast_convert_type3A_1549, %bitcast_convert_type3A_1321 : vector<16xf32>
        %add3A_1551 = arith.addf %scan3A_1298, %mul3A_1550 : vector<16xf32>
        %mul3A_1552 = arith.constant 16 : i32
        %mul3A_1553 = arith.muli %scan3A_1288, %mul3A_1552 : i32
        %get3A_1554 = arith.constant 26 : i32
        %get3A_1555 = arith.index_cast %get3A_1554 : i32 to index
        %get3A_1556 = arith.index_cast %mul3A_1553 : i32 to index
        %get3A_1557 = tpu.vector_load %arg9[%get3A_1555, %get3A_1556] {strides = array<i32>} : memref<56x768xf32, #tpu.memory_space<vmem>>, vector<16xf32>,
        %bitcast_convert_type3A_1558 = tpu.bitcast %get3A_1557 : vector<16xf32> -> vector<16xi32>
        %add3A_1559 = arith.constant 32767 : i32
        %add3A_1560 = vector.broadcast %add3A_1559 : i32 to vector<16xi32>
        %add3A_1561 = arith.addi %bitcast_convert_type3A_1558, %add3A_1560 : vector<16xi32>
        %shift_right_logical3A_1562 = arith.constant 16 : i32
        %shift_right_logical3A_1563 = vector.broadcast %shift_right_logical3A_1562 : i32 to vector<16xi32>
        %shift_right_logical3A_1564 = arith.shrui %bitcast_convert_type3A_1558, %shift_right_logical3A_1563 : vector<16xi32>
        %and3A_1565 = arith.constant 1 : i32
        %and3A_1566 = vector.broadcast %and3A_1565 : i32 to vector<16xi32>
        %and3A_1567 = arith.andi %shift_right_logical3A_1564, %and3A_1566 : vector<16xi32>
        %add3A_1568 = arith.addi %add3A_1561, %and3A_1567 : vector<16xi32>
        %and3A_1569 = arith.constant -65536 : i32
        %and3A_1570 = vector.broadcast %and3A_1569 : i32 to vector<16xi32>
        %and3A_1571 = arith.andi %add3A_1568, %and3A_1570 : vector<16xi32>
        %bitcast_convert_type3A_1572 = tpu.bitcast %and3A_1571 : vector<16xi32> -> vector<16xf32>
        %mul3A_1573 = arith.mulf %bitcast_convert_type3A_1572, %bitcast_convert_type3A_1321 : vector<16xf32>
        %add3A_1574 = arith.addf %scan3A_1299, %mul3A_1573 : vector<16xf32>
        %mul3A_1575 = arith.constant 16 : i32
        %mul3A_1576 = arith.muli %scan3A_1288, %mul3A_1575 : i32
        %get3A_1577 = arith.constant 27 : i32
        %get3A_1578 = arith.index_cast %get3A_1577 : i32 to index
        %get3A_1579 = arith.index_cast %mul3A_1576 : i32 to index
        %get3A_1580 = tpu.vector_load %arg9[%get3A_1578, %get3A_1579] {strides = array<i32>} : memref<56x768xf32, #tpu.memory_space<vmem>>, vector<16xf32>,
        %bitcast_convert_type3A_1581 = tpu.bitcast %get3A_1580 : vector<16xf32> -> vector<16xi32>
        %add3A_1582 = arith.constant 32767 : i32
        %add3A_1583 = vector.broadcast %add3A_1582 : i32 to vector<16xi32>
        %add3A_1584 = arith.addi %bitcast_convert_type3A_1581, %add3A_1583 : vector<16xi32>
        %shift_right_logical3A_1585 = arith.constant 16 : i32
        %shift_right_logical3A_1586 = vector.broadcast %shift_right_logical3A_1585 : i32 to vector<16xi32>
        %shift_right_logical3A_1587 = arith.shrui %bitcast_convert_type3A_1581, %shift_right_logical3A_1586 : vector<16xi32>
        %and3A_1588 = arith.constant 1 : i32
        %and3A_1589 = vector.broadcast %and3A_1588 : i32 to vector<16xi32>
        %and3A_1590 = arith.andi %shift_right_logical3A_1587, %and3A_1589 : vector<16xi32>
        %add3A_1591 = arith.addi %add3A_1584, %and3A_1590 : vector<16xi32>
        %and3A_1592 = arith.constant -65536 : i32
        %and3A_1593 = vector.broadcast %and3A_1592 : i32 to vector<16xi32>
        %and3A_1594 = arith.andi %add3A_1591, %and3A_1593 : vector<16xi32>
        %bitcast_convert_type3A_1595 = tpu.bitcast %and3A_1594 : vector<16xi32> -> vector<16xf32>
        %mul3A_1596 = arith.mulf %bitcast_convert_type3A_1595, %bitcast_convert_type3A_1321 : vector<16xf32>
        %add3A_1597 = arith.addf %scan3A_1300, %mul3A_1596 : vector<16xf32>
        %mul3A_1598 = arith.constant 16 : i32
        %mul3A_1599 = arith.muli %scan3A_1288, %mul3A_1598 : i32
        %get3A_1600 = arith.constant 28 : i32
        %get3A_1601 = arith.index_cast %get3A_1600 : i32 to index
        %get3A_1602 = arith.index_cast %mul3A_1599 : i32 to index
        %get3A_1603 = tpu.vector_load %arg9[%get3A_1601, %get3A_1602] {strides = array<i32>} : memref<56x768xf32, #tpu.memory_space<vmem>>, vector<16xf32>,
        %bitcast_convert_type3A_1604 = tpu.bitcast %get3A_1603 : vector<16xf32> -> vector<16xi32>
        %add3A_1605 = arith.constant 32767 : i32
        %add3A_1606 = vector.broadcast %add3A_1605 : i32 to vector<16xi32>
        %add3A_1607 = arith.addi %bitcast_convert_type3A_1604, %add3A_1606 : vector<16xi32>
        %shift_right_logical3A_1608 = arith.constant 16 : i32
        %shift_right_logical3A_1609 = vector.broadcast %shift_right_logical3A_1608 : i32 to vector<16xi32>
        %shift_right_logical3A_1610 = arith.shrui %bitcast_convert_type3A_1604, %shift_right_logical3A_1609 : vector<16xi32>
        %and3A_1611 = arith.constant 1 : i32
        %and3A_1612 = vector.broadcast %and3A_1611 : i32 to vector<16xi32>
        %and3A_1613 = arith.andi %shift_right_logical3A_1610, %and3A_1612 : vector<16xi32>
        %add3A_1614 = arith.addi %add3A_1607, %and3A_1613 : vector<16xi32>
        %and3A_1615 = arith.constant -65536 : i32
        %and3A_1616 = vector.broadcast %and3A_1615 : i32 to vector<16xi32>
        %and3A_1617 = arith.andi %add3A_1614, %and3A_1616 : vector<16xi32>
        %bitcast_convert_type3A_1618 = tpu.bitcast %and3A_1617 : vector<16xi32> -> vector<16xf32>
        %mul3A_1619 = arith.mulf %bitcast_convert_type3A_1618, %bitcast_convert_type3A_1321 : vector<16xf32>
        %add3A_1620 = arith.addf %scan3A_1301, %mul3A_1619 : vector<16xf32>
        %mul3A_1621 = arith.constant 16 : i32
        %mul3A_1622 = arith.muli %scan3A_1288, %mul3A_1621 : i32
        %get3A_1623 = arith.constant 29 : i32
        %get3A_1624 = arith.index_cast %get3A_1623 : i32 to index
        %get3A_1625 = arith.index_cast %mul3A_1622 : i32 to index
        %get3A_1626 = tpu.vector_load %arg9[%get3A_1624, %get3A_1625] {strides = array<i32>} : memref<56x768xf32, #tpu.memory_space<vmem>>, vector<16xf32>,
        %bitcast_convert_type3A_1627 = tpu.bitcast %get3A_1626 : vector<16xf32> -> vector<16xi32>
        %add3A_1628 = arith.constant 32767 : i32
        %add3A_1629 = vector.broadcast %add3A_1628 : i32 to vector<16xi32>
        %add3A_1630 = arith.addi %bitcast_convert_type3A_1627, %add3A_1629 : vector<16xi32>
        %shift_right_logical3A_1631 = arith.constant 16 : i32
        %shift_right_logical3A_1632 = vector.broadcast %shift_right_logical3A_1631 : i32 to vector<16xi32>
        %shift_right_logical3A_1633 = arith.shrui %bitcast_convert_type3A_1627, %shift_right_logical3A_1632 : vector<16xi32>
        %and3A_1634 = arith.constant 1 : i32
        %and3A_1635 = vector.broadcast %and3A_1634 : i32 to vector<16xi32>
        %and3A_1636 = arith.andi %shift_right_logical3A_1633, %and3A_1635 : vector<16xi32>
        %add3A_1637 = arith.addi %add3A_1630, %and3A_1636 : vector<16xi32>
        %and3A_1638 = arith.constant -65536 : i32
        %and3A_1639 = vector.broadcast %and3A_1638 : i32 to vector<16xi32>
        %and3A_1640 = arith.andi %add3A_1637, %and3A_1639 : vector<16xi32>
        %bitcast_convert_type3A_1641 = tpu.bitcast %and3A_1640 : vector<16xi32> -> vector<16xf32>
        %mul3A_1642 = arith.mulf %bitcast_convert_type3A_1641, %bitcast_convert_type3A_1321 : vector<16xf32>
        %add3A_1643 = arith.addf %scan3A_1302, %mul3A_1642 : vector<16xf32>
        %mul3A_1644 = arith.constant 16 : i32
        %mul3A_1645 = arith.muli %scan3A_1288, %mul3A_1644 : i32
        %get3A_1646 = arith.constant 30 : i32
        %get3A_1647 = arith.index_cast %get3A_1646 : i32 to index
        %get3A_1648 = arith.index_cast %mul3A_1645 : i32 to index
        %get3A_1649 = tpu.vector_load %arg9[%get3A_1647, %get3A_1648] {strides = array<i32>} : memref<56x768xf32, #tpu.memory_space<vmem>>, vector<16xf32>,
        %bitcast_convert_type3A_1650 = tpu.bitcast %get3A_1649 : vector<16xf32> -> vector<16xi32>
        %add3A_1651 = arith.constant 32767 : i32
        %add3A_1652 = vector.broadcast %add3A_1651 : i32 to vector<16xi32>
        %add3A_1653 = arith.addi %bitcast_convert_type3A_1650, %add3A_1652 : vector<16xi32>
        %shift_right_logical3A_1654 = arith.constant 16 : i32
        %shift_right_logical3A_1655 = vector.broadcast %shift_right_logical3A_1654 : i32 to vector<16xi32>
        %shift_right_logical3A_1656 = arith.shrui %bitcast_convert_type3A_1650, %shift_right_logical3A_1655 : vector<16xi32>
        %and3A_1657 = arith.constant 1 : i32
        %and3A_1658 = vector.broadcast %and3A_1657 : i32 to vector<16xi32>
        %and3A_1659 = arith.andi %shift_right_logical3A_1656, %and3A_1658 : vector<16xi32>
        %add3A_1660 = arith.addi %add3A_1653, %and3A_1659 : vector<16xi32>
        %and3A_1661 = arith.constant -65536 : i32
        %and3A_1662 = vector.broadcast %and3A_1661 : i32 to vector<16xi32>
        %and3A_1663 = arith.andi %add3A_1660, %and3A_1662 : vector<16xi32>
        %bitcast_convert_type3A_1664 = tpu.bitcast %and3A_1663 : vector<16xi32> -> vector<16xf32>
        %mul3A_1665 = arith.mulf %bitcast_convert_type3A_1664, %bitcast_convert_type3A_1321 : vector<16xf32>
        %add3A_1666 = arith.addf %scan3A_1303, %mul3A_1665 : vector<16xf32>
        %mul3A_1667 = arith.constant 16 : i32
        %mul3A_1668 = arith.muli %scan3A_1288, %mul3A_1667 : i32
        %get3A_1669 = arith.constant 31 : i32
        %get3A_1670 = arith.index_cast %get3A_1669 : i32 to index
        %get3A_1671 = arith.index_cast %mul3A_1668 : i32 to index
        %get3A_1672 = tpu.vector_load %arg9[%get3A_1670, %get3A_1671] {strides = array<i32>} : memref<56x768xf32, #tpu.memory_space<vmem>>, vector<16xf32>,
        %bitcast_convert_type3A_1673 = tpu.bitcast %get3A_1672 : vector<16xf32> -> vector<16xi32>
        %add3A_1674 = arith.constant 32767 : i32
        %add3A_1675 = vector.broadcast %add3A_1674 : i32 to vector<16xi32>
        %add3A_1676 = arith.addi %bitcast_convert_type3A_1673, %add3A_1675 : vector<16xi32>
        %shift_right_logical3A_1677 = arith.constant 16 : i32
        %shift_right_logical3A_1678 = vector.broadcast %shift_right_logical3A_1677 : i32 to vector<16xi32>
        %shift_right_logical3A_1679 = arith.shrui %bitcast_convert_type3A_1673, %shift_right_logical3A_1678 : vector<16xi32>
        %and3A_1680 = arith.constant 1 : i32
        %and3A_1681 = vector.broadcast %and3A_1680 : i32 to vector<16xi32>
        %and3A_1682 = arith.andi %shift_right_logical3A_1679, %and3A_1681 : vector<16xi32>
        %add3A_1683 = arith.addi %add3A_1676, %and3A_1682 : vector<16xi32>
        %and3A_1684 = arith.constant -65536 : i32
        %and3A_1685 = vector.broadcast %and3A_1684 : i32 to vector<16xi32>
        %and3A_1686 = arith.andi %add3A_1683, %and3A_1685 : vector<16xi32>
        %bitcast_convert_type3A_1687 = tpu.bitcast %and3A_1686 : vector<16xi32> -> vector<16xf32>
        %mul3A_1688 = arith.mulf %bitcast_convert_type3A_1687, %bitcast_convert_type3A_1321 : vector<16xf32>
        %add3A_1689 = arith.addf %scan3A_1304, %mul3A_1688 : vector<16xf32>
        scf.yield %add3A_1344, %add3A_1367, %add3A_1390, %add3A_1413, %add3A_1436, %add3A_1459, %add3A_1482, %add3A_1505, %add3A_1528, %add3A_1551, %add3A_1574, %add3A_1597, %add3A_1620, %add3A_1643, %add3A_1666, %add3A_1689 : vector<16xf32>, vector<16xf32>, vector<16xf32>, vector<16xf32>, vector<16xf32>, vector<16xf32>, vector<16xf32>, vector<16xf32>, vector<16xf32>, vector<16xf32>, vector<16xf32>, vector<16xf32>, vector<16xf32>, vector<16xf32>, vector<16xf32>, vector<16xf32>
      }
      %scan3A_275 = arith.constant 48 : i32
      %get3A_276 = arith.constant 16 : index
      %get3A_277 = tpu.vector_load %arg11[%get3A_276] {strides = array<i32>} : memref<64xf32, #tpu.memory_space<vmem>>, vector<16xf32>,
      %broadcast_in_dim3A_278 = arith.constant 0.000000e+00 : f32
      %broadcast_in_dim3A_279 = vector.broadcast %broadcast_in_dim3A_278 : f32 to vector<16xf32>
      %eq3A_280 = arith.constant 0 : i32
      %eq3A_281 = vector.broadcast %eq3A_280 : i32 to vector<16xi32>
      %eq3A_282 = arith.cmpi eq, %iota3A, %eq3A_281 : vector<16xi32>
      %reduce_sum3A_283 = arith.constant true
      %reduce_sum3A_284 = vector.broadcast %reduce_sum3A_283 : i1 to vector<16xi1>
      %reduce_sum3A_285 = tpu.scan <sum>, %scan3A_274#0 masked %reduce_sum3A_284 : vector<16xf32>, vector<16xi1> -> vector<16xf32>
      %reduce_sum3A_286 = vector.extract %reduce_sum3A_285[15] : f32 from vector<16xf32>
      %broadcast_in_dim3A_287 = vector.broadcast %reduce_sum3A_286 : f32 to vector<16xf32>
      %select_n3A_288 = arith.select %eq3A_282, %broadcast_in_dim3A_287, %broadcast_in_dim3A_279 : vector<16xi1>, vector<16xf32>
      %eq3A_289 = arith.constant 1 : i32
      %eq3A_290 = vector.broadcast %eq3A_289 : i32 to vector<16xi32>
      %eq3A_291 = arith.cmpi eq, %iota3A, %eq3A_290 : vector<16xi32>
      %reduce_sum3A_292 = arith.constant true
      %reduce_sum3A_293 = vector.broadcast %reduce_sum3A_292 : i1 to vector<16xi1>
      %reduce_sum3A_294 = tpu.scan <sum>, %scan3A_274#1 masked %reduce_sum3A_293 : vector<16xf32>, vector<16xi1> -> vector<16xf32>
      %reduce_sum3A_295 = vector.extract %reduce_sum3A_294[15] : f32 from vector<16xf32>
      %broadcast_in_dim3A_296 = vector.broadcast %reduce_sum3A_295 : f32 to vector<16xf32>
      %select_n3A_297 = arith.select %eq3A_291, %broadcast_in_dim3A_296, %select_n3A_288 : vector<16xi1>, vector<16xf32>
      %eq3A_298 = arith.constant 2 : i32
      %eq3A_299 = vector.broadcast %eq3A_298 : i32 to vector<16xi32>
      %eq3A_300 = arith.cmpi eq, %iota3A, %eq3A_299 : vector<16xi32>
      %reduce_sum3A_301 = arith.constant true
      %reduce_sum3A_302 = vector.broadcast %reduce_sum3A_301 : i1 to vector<16xi1>
      %reduce_sum3A_303 = tpu.scan <sum>, %scan3A_274#2 masked %reduce_sum3A_302 : vector<16xf32>, vector<16xi1> -> vector<16xf32>
      %reduce_sum3A_304 = vector.extract %reduce_sum3A_303[15] : f32 from vector<16xf32>
      %broadcast_in_dim3A_305 = vector.broadcast %reduce_sum3A_304 : f32 to vector<16xf32>
      %select_n3A_306 = arith.select %eq3A_300, %broadcast_in_dim3A_305, %select_n3A_297 : vector<16xi1>, vector<16xf32>
      %eq3A_307 = arith.constant 3 : i32
      %eq3A_308 = vector.broadcast %eq3A_307 : i32 to vector<16xi32>
      %eq3A_309 = arith.cmpi eq, %iota3A, %eq3A_308 : vector<16xi32>
      %reduce_sum3A_310 = arith.constant true
      %reduce_sum3A_311 = vector.broadcast %reduce_sum3A_310 : i1 to vector<16xi1>
      %reduce_sum3A_312 = tpu.scan <sum>, %scan3A_274#3 masked %reduce_sum3A_311 : vector<16xf32>, vector<16xi1> -> vector<16xf32>
      %reduce_sum3A_313 = vector.extract %reduce_sum3A_312[15] : f32 from vector<16xf32>
      %broadcast_in_dim3A_314 = vector.broadcast %reduce_sum3A_313 : f32 to vector<16xf32>
      %select_n3A_315 = arith.select %eq3A_309, %broadcast_in_dim3A_314, %select_n3A_306 : vector<16xi1>, vector<16xf32>
      %eq3A_316 = arith.constant 4 : i32
      %eq3A_317 = vector.broadcast %eq3A_316 : i32 to vector<16xi32>
      %eq3A_318 = arith.cmpi eq, %iota3A, %eq3A_317 : vector<16xi32>
      %reduce_sum3A_319 = arith.constant true
      %reduce_sum3A_320 = vector.broadcast %reduce_sum3A_319 : i1 to vector<16xi1>
      %reduce_sum3A_321 = tpu.scan <sum>, %scan3A_274#4 masked %reduce_sum3A_320 : vector<16xf32>, vector<16xi1> -> vector<16xf32>
      %reduce_sum3A_322 = vector.extract %reduce_sum3A_321[15] : f32 from vector<16xf32>
      %broadcast_in_dim3A_323 = vector.broadcast %reduce_sum3A_322 : f32 to vector<16xf32>
      %select_n3A_324 = arith.select %eq3A_318, %broadcast_in_dim3A_323, %select_n3A_315 : vector<16xi1>, vector<16xf32>
      %eq3A_325 = arith.constant 5 : i32
      %eq3A_326 = vector.broadcast %eq3A_325 : i32 to vector<16xi32>
      %eq3A_327 = arith.cmpi eq, %iota3A, %eq3A_326 : vector<16xi32>
      %reduce_sum3A_328 = arith.constant true
      %reduce_sum3A_329 = vector.broadcast %reduce_sum3A_328 : i1 to vector<16xi1>
      %reduce_sum3A_330 = tpu.scan <sum>, %scan3A_274#5 masked %reduce_sum3A_329 : vector<16xf32>, vector<16xi1> -> vector<16xf32>
      %reduce_sum3A_331 = vector.extract %reduce_sum3A_330[15] : f32 from vector<16xf32>
      %broadcast_in_dim3A_332 = vector.broadcast %reduce_sum3A_331 : f32 to vector<16xf32>
      %select_n3A_333 = arith.select %eq3A_327, %broadcast_in_dim3A_332, %select_n3A_324 : vector<16xi1>, vector<16xf32>
      %eq3A_334 = arith.constant 6 : i32
      %eq3A_335 = vector.broadcast %eq3A_334 : i32 to vector<16xi32>
      %eq3A_336 = arith.cmpi eq, %iota3A, %eq3A_335 : vector<16xi32>
      %reduce_sum3A_337 = arith.constant true
      %reduce_sum3A_338 = vector.broadcast %reduce_sum3A_337 : i1 to vector<16xi1>
      %reduce_sum3A_339 = tpu.scan <sum>, %scan3A_274#6 masked %reduce_sum3A_338 : vector<16xf32>, vector<16xi1> -> vector<16xf32>
      %reduce_sum3A_340 = vector.extract %reduce_sum3A_339[15] : f32 from vector<16xf32>
      %broadcast_in_dim3A_341 = vector.broadcast %reduce_sum3A_340 : f32 to vector<16xf32>
      %select_n3A_342 = arith.select %eq3A_336, %broadcast_in_dim3A_341, %select_n3A_333 : vector<16xi1>, vector<16xf32>
      %eq3A_343 = arith.constant 7 : i32
      %eq3A_344 = vector.broadcast %eq3A_343 : i32 to vector<16xi32>
      %eq3A_345 = arith.cmpi eq, %iota3A, %eq3A_344 : vector<16xi32>
      %reduce_sum3A_346 = arith.constant true
      %reduce_sum3A_347 = vector.broadcast %reduce_sum3A_346 : i1 to vector<16xi1>
      %reduce_sum3A_348 = tpu.scan <sum>, %scan3A_274#7 masked %reduce_sum3A_347 : vector<16xf32>, vector<16xi1> -> vector<16xf32>
      %reduce_sum3A_349 = vector.extract %reduce_sum3A_348[15] : f32 from vector<16xf32>
      %broadcast_in_dim3A_350 = vector.broadcast %reduce_sum3A_349 : f32 to vector<16xf32>
      %select_n3A_351 = arith.select %eq3A_345, %broadcast_in_dim3A_350, %select_n3A_342 : vector<16xi1>, vector<16xf32>
      %eq3A_352 = arith.constant 8 : i32
      %eq3A_353 = vector.broadcast %eq3A_352 : i32 to vector<16xi32>
      %eq3A_354 = arith.cmpi eq, %iota3A, %eq3A_353 : vector<16xi32>
      %reduce_sum3A_355 = arith.constant true
      %reduce_sum3A_356 = vector.broadcast %reduce_sum3A_355 : i1 to vector<16xi1>
      %reduce_sum3A_357 = tpu.scan <sum>, %scan3A_274#8 masked %reduce_sum3A_356 : vector<16xf32>, vector<16xi1> -> vector<16xf32>
      %reduce_sum3A_358 = vector.extract %reduce_sum3A_357[15] : f32 from vector<16xf32>
      %broadcast_in_dim3A_359 = vector.broadcast %reduce_sum3A_358 : f32 to vector<16xf32>
      %select_n3A_360 = arith.select %eq3A_354, %broadcast_in_dim3A_359, %select_n3A_351 : vector<16xi1>, vector<16xf32>
      %eq3A_361 = arith.constant 9 : i32
      %eq3A_362 = vector.broadcast %eq3A_361 : i32 to vector<16xi32>
      %eq3A_363 = arith.cmpi eq, %iota3A, %eq3A_362 : vector<16xi32>
      %reduce_sum3A_364 = arith.constant true
      %reduce_sum3A_365 = vector.broadcast %reduce_sum3A_364 : i1 to vector<16xi1>
      %reduce_sum3A_366 = tpu.scan <sum>, %scan3A_274#9 masked %reduce_sum3A_365 : vector<16xf32>, vector<16xi1> -> vector<16xf32>
      %reduce_sum3A_367 = vector.extract %reduce_sum3A_366[15] : f32 from vector<16xf32>
      %broadcast_in_dim3A_368 = vector.broadcast %reduce_sum3A_367 : f32 to vector<16xf32>
      %select_n3A_369 = arith.select %eq3A_363, %broadcast_in_dim3A_368, %select_n3A_360 : vector<16xi1>, vector<16xf32>
      %eq3A_370 = arith.constant 10 : i32
      %eq3A_371 = vector.broadcast %eq3A_370 : i32 to vector<16xi32>
      %eq3A_372 = arith.cmpi eq, %iota3A, %eq3A_371 : vector<16xi32>
      %reduce_sum3A_373 = arith.constant true
      %reduce_sum3A_374 = vector.broadcast %reduce_sum3A_373 : i1 to vector<16xi1>
      %reduce_sum3A_375 = tpu.scan <sum>, %scan3A_274#10 masked %reduce_sum3A_374 : vector<16xf32>, vector<16xi1> -> vector<16xf32>
      %reduce_sum3A_376 = vector.extract %reduce_sum3A_375[15] : f32 from vector<16xf32>
      %broadcast_in_dim3A_377 = vector.broadcast %reduce_sum3A_376 : f32 to vector<16xf32>
      %select_n3A_378 = arith.select %eq3A_372, %broadcast_in_dim3A_377, %select_n3A_369 : vector<16xi1>, vector<16xf32>
      %eq3A_379 = arith.constant 11 : i32
      %eq3A_380 = vector.broadcast %eq3A_379 : i32 to vector<16xi32>
      %eq3A_381 = arith.cmpi eq, %iota3A, %eq3A_380 : vector<16xi32>
      %reduce_sum3A_382 = arith.constant true
      %reduce_sum3A_383 = vector.broadcast %reduce_sum3A_382 : i1 to vector<16xi1>
      %reduce_sum3A_384 = tpu.scan <sum>, %scan3A_274#11 masked %reduce_sum3A_383 : vector<16xf32>, vector<16xi1> -> vector<16xf32>
      %reduce_sum3A_385 = vector.extract %reduce_sum3A_384[15] : f32 from vector<16xf32>
      %broadcast_in_dim3A_386 = vector.broadcast %reduce_sum3A_385 : f32 to vector<16xf32>
      %select_n3A_387 = arith.select %eq3A_381, %broadcast_in_dim3A_386, %select_n3A_378 : vector<16xi1>, vector<16xf32>
      %eq3A_388 = arith.constant 12 : i32
      %eq3A_389 = vector.broadcast %eq3A_388 : i32 to vector<16xi32>
      %eq3A_390 = arith.cmpi eq, %iota3A, %eq3A_389 : vector<16xi32>
      %reduce_sum3A_391 = arith.constant true
      %reduce_sum3A_392 = vector.broadcast %reduce_sum3A_391 : i1 to vector<16xi1>
      %reduce_sum3A_393 = tpu.scan <sum>, %scan3A_274#12 masked %reduce_sum3A_392 : vector<16xf32>, vector<16xi1> -> vector<16xf32>
      %reduce_sum3A_394 = vector.extract %reduce_sum3A_393[15] : f32 from vector<16xf32>
      %broadcast_in_dim3A_395 = vector.broadcast %reduce_sum3A_394 : f32 to vector<16xf32>
      %select_n3A_396 = arith.select %eq3A_390, %broadcast_in_dim3A_395, %select_n3A_387 : vector<16xi1>, vector<16xf32>
      %eq3A_397 = arith.constant 13 : i32
      %eq3A_398 = vector.broadcast %eq3A_397 : i32 to vector<16xi32>
      %eq3A_399 = arith.cmpi eq, %iota3A, %eq3A_398 : vector<16xi32>
      %reduce_sum3A_400 = arith.constant true
      %reduce_sum3A_401 = vector.broadcast %reduce_sum3A_400 : i1 to vector<16xi1>
      %reduce_sum3A_402 = tpu.scan <sum>, %scan3A_274#13 masked %reduce_sum3A_401 : vector<16xf32>, vector<16xi1> -> vector<16xf32>
      %reduce_sum3A_403 = vector.extract %reduce_sum3A_402[15] : f32 from vector<16xf32>
      %broadcast_in_dim3A_404 = vector.broadcast %reduce_sum3A_403 : f32 to vector<16xf32>
      %select_n3A_405 = arith.select %eq3A_399, %broadcast_in_dim3A_404, %select_n3A_396 : vector<16xi1>, vector<16xf32>
      %eq3A_406 = arith.constant 14 : i32
      %eq3A_407 = vector.broadcast %eq3A_406 : i32 to vector<16xi32>
      %eq3A_408 = arith.cmpi eq, %iota3A, %eq3A_407 : vector<16xi32>
      %reduce_sum3A_409 = arith.constant true
      %reduce_sum3A_410 = vector.broadcast %reduce_sum3A_409 : i1 to vector<16xi1>
      %reduce_sum3A_411 = tpu.scan <sum>, %scan3A_274#14 masked %reduce_sum3A_410 : vector<16xf32>, vector<16xi1> -> vector<16xf32>
      %reduce_sum3A_412 = vector.extract %reduce_sum3A_411[15] : f32 from vector<16xf32>
      %broadcast_in_dim3A_413 = vector.broadcast %reduce_sum3A_412 : f32 to vector<16xf32>
      %select_n3A_414 = arith.select %eq3A_408, %broadcast_in_dim3A_413, %select_n3A_405 : vector<16xi1>, vector<16xf32>
      %eq3A_415 = arith.constant 15 : i32
      %eq3A_416 = vector.broadcast %eq3A_415 : i32 to vector<16xi32>
      %eq3A_417 = arith.cmpi eq, %iota3A, %eq3A_416 : vector<16xi32>
      %reduce_sum3A_418 = arith.constant true
      %reduce_sum3A_419 = vector.broadcast %reduce_sum3A_418 : i1 to vector<16xi1>
      %reduce_sum3A_420 = tpu.scan <sum>, %scan3A_274#15 masked %reduce_sum3A_419 : vector<16xf32>, vector<16xi1> -> vector<16xf32>
      %reduce_sum3A_421 = vector.extract %reduce_sum3A_420[15] : f32 from vector<16xf32>
      %broadcast_in_dim3A_422 = vector.broadcast %reduce_sum3A_421 : f32 to vector<16xf32>
      %select_n3A_423 = arith.select %eq3A_417, %broadcast_in_dim3A_422, %select_n3A_414 : vector<16xi1>, vector<16xf32>
      %add3A_424 = arith.addf %select_n3A_423, %get3A_277 : vector<16xf32>
      %swap3A_425 = arith.index_cast %mul3A_26 : i32 to index
      %swap3A_426 = arith.constant 16 : index
      %swap3A_427 = tpu.vector_load %arg13[%swap3A_425, %swap3A_426] {strides = array<i32>} : memref<32x64xf32, #tpu.memory_space<vmem>>, vector<16xf32>,
      tpu.vector_store %arg13[%swap3A_425, %swap3A_426], %add3A_424 {strides = array<i32>} : memref<32x64xf32, #tpu.memory_space<vmem>>, vector<16xf32>,
      %broadcast_in_dim3A_428 = arith.constant 0.000000e+00 : f32
      %broadcast_in_dim3A_429 = vector.broadcast %broadcast_in_dim3A_428 : f32 to vector<16xf32>
      %broadcast_in_dim3A_430 = arith.constant 0.000000e+00 : f32
      %broadcast_in_dim3A_431 = vector.broadcast %broadcast_in_dim3A_430 : f32 to vector<16xf32>
      %broadcast_in_dim3A_432 = arith.constant 0.000000e+00 : f32
      %broadcast_in_dim3A_433 = vector.broadcast %broadcast_in_dim3A_432 : f32 to vector<16xf32>
      %broadcast_in_dim3A_434 = arith.constant 0.000000e+00 : f32
      %broadcast_in_dim3A_435 = vector.broadcast %broadcast_in_dim3A_434 : f32 to vector<16xf32>
      %broadcast_in_dim3A_436 = arith.constant 0.000000e+00 : f32
      %broadcast_in_dim3A_437 = vector.broadcast %broadcast_in_dim3A_436 : f32 to vector<16xf32>
      %broadcast_in_dim3A_438 = arith.constant 0.000000e+00 : f32
      %broadcast_in_dim3A_439 = vector.broadcast %broadcast_in_dim3A_438 : f32 to vector<16xf32>
      %broadcast_in_dim3A_440 = arith.constant 0.000000e+00 : f32
      %broadcast_in_dim3A_441 = vector.broadcast %broadcast_in_dim3A_440 : f32 to vector<16xf32>
      %broadcast_in_dim3A_442 = arith.constant 0.000000e+00 : f32
      %broadcast_in_dim3A_443 = vector.broadcast %broadcast_in_dim3A_442 : f32 to vector<16xf32>
      %broadcast_in_dim3A_444 = arith.constant 0.000000e+00 : f32
      %broadcast_in_dim3A_445 = vector.broadcast %broadcast_in_dim3A_444 : f32 to vector<16xf32>
      %broadcast_in_dim3A_446 = arith.constant 0.000000e+00 : f32
      %broadcast_in_dim3A_447 = vector.broadcast %broadcast_in_dim3A_446 : f32 to vector<16xf32>
      %broadcast_in_dim3A_448 = arith.constant 0.000000e+00 : f32
      %broadcast_in_dim3A_449 = vector.broadcast %broadcast_in_dim3A_448 : f32 to vector<16xf32>
      %broadcast_in_dim3A_450 = arith.constant 0.000000e+00 : f32
      %broadcast_in_dim3A_451 = vector.broadcast %broadcast_in_dim3A_450 : f32 to vector<16xf32>
      %broadcast_in_dim3A_452 = arith.constant 0.000000e+00 : f32
      %broadcast_in_dim3A_453 = vector.broadcast %broadcast_in_dim3A_452 : f32 to vector<16xf32>
      %broadcast_in_dim3A_454 = arith.constant 0.000000e+00 : f32
      %broadcast_in_dim3A_455 = vector.broadcast %broadcast_in_dim3A_454 : f32 to vector<16xf32>
      %broadcast_in_dim3A_456 = arith.constant 0.000000e+00 : f32
      %broadcast_in_dim3A_457 = vector.broadcast %broadcast_in_dim3A_456 : f32 to vector<16xf32>
      %broadcast_in_dim3A_458 = arith.constant 0.000000e+00 : f32
      %broadcast_in_dim3A_459 = vector.broadcast %broadcast_in_dim3A_458 : f32 to vector<16xf32>
      %scan3A_460 = arith.constant 0 : i32
      %scan3A_461 = arith.constant 48 : i32
      %scan3A_462 = arith.addi %scan3A_460, %scan3A_461 : i32
      %scan3A_463 = arith.constant 1 : i32
      %scan3A_464:16 = scf.for %scan3A_1288 = %scan3A_460 to %scan3A_462 step %scan3A_463 iter_args(%scan3A_1289 = %broadcast_in_dim3A_429, %scan3A_1290 = %broadcast_in_dim3A_431, %scan3A_1291 = %broadcast_in_dim3A_433, %scan3A_1292 = %broadcast_in_dim3A_435, %scan3A_1293 = %broadcast_in_dim3A_437, %scan3A_1294 = %broadcast_in_dim3A_439, %scan3A_1295 = %broadcast_in_dim3A_441, %scan3A_1296 = %broadcast_in_dim3A_443, %scan3A_1297 = %broadcast_in_dim3A_445, %scan3A_1298 = %broadcast_in_dim3A_447, %scan3A_1299 = %broadcast_in_dim3A_449, %scan3A_1300 = %broadcast_in_dim3A_451, %scan3A_1301 = %broadcast_in_dim3A_453, %scan3A_1302 = %broadcast_in_dim3A_455, %scan3A_1303 = %broadcast_in_dim3A_457, %scan3A_1304 = %broadcast_in_dim3A_459) -> (vector<16xf32>, vector<16xf32>, vector<16xf32>, vector<16xf32>, vector<16xf32>, vector<16xf32>, vector<16xf32>, vector<16xf32>, vector<16xf32>, vector<16xf32>, vector<16xf32>, vector<16xf32>, vector<16xf32>, vector<16xf32>, vector<16xf32>, vector<16xf32>)  : i32 {
        %mul3A_1305 = arith.constant 16 : i32
        %mul3A_1306 = arith.muli %scan3A_1288, %mul3A_1305 : i32
        %get3A_1307 = arith.index_cast %mul3A_26 : i32 to index
        %get3A_1308 = arith.index_cast %mul3A_1306 : i32 to index
        %get3A_1309 = tpu.vector_load %arg8[%get3A_1307, %get3A_1308] {strides = array<i32>} : memref<32x768xf32, #tpu.memory_space<vmem>>, vector<16xf32>,
        %bitcast_convert_type3A = tpu.bitcast %get3A_1309 : vector<16xf32> -> vector<16xi32>
        %add3A_1310 = arith.constant 32767 : i32
        %add3A_1311 = vector.broadcast %add3A_1310 : i32 to vector<16xi32>
        %add3A_1312 = arith.addi %bitcast_convert_type3A, %add3A_1311 : vector<16xi32>
        %shift_right_logical3A = arith.constant 16 : i32
        %shift_right_logical3A_1313 = vector.broadcast %shift_right_logical3A : i32 to vector<16xi32>
        %shift_right_logical3A_1314 = arith.shrui %bitcast_convert_type3A, %shift_right_logical3A_1313 : vector<16xi32>
        %and3A = arith.constant 1 : i32
        %and3A_1315 = vector.broadcast %and3A : i32 to vector<16xi32>
        %and3A_1316 = arith.andi %shift_right_logical3A_1314, %and3A_1315 : vector<16xi32>
        %add3A_1317 = arith.addi %add3A_1312, %and3A_1316 : vector<16xi32>
        %and3A_1318 = arith.constant -65536 : i32
        %and3A_1319 = vector.broadcast %and3A_1318 : i32 to vector<16xi32>
        %and3A_1320 = arith.andi %add3A_1317, %and3A_1319 : vector<16xi32>
        %bitcast_convert_type3A_1321 = tpu.bitcast %and3A_1320 : vector<16xi32> -> vector<16xf32>
        %mul3A_1322 = arith.constant 16 : i32
        %mul3A_1323 = arith.muli %scan3A_1288, %mul3A_1322 : i32
        %get3A_1324 = arith.constant 32 : i32
        %get3A_1325 = arith.index_cast %get3A_1324 : i32 to index
        %get3A_1326 = arith.index_cast %mul3A_1323 : i32 to index
        %get3A_1327 = tpu.vector_load %arg9[%get3A_1325, %get3A_1326] {strides = array<i32>} : memref<56x768xf32, #tpu.memory_space<vmem>>, vector<16xf32>,
        %bitcast_convert_type3A_1328 = tpu.bitcast %get3A_1327 : vector<16xf32> -> vector<16xi32>
        %add3A_1329 = arith.constant 32767 : i32
        %add3A_1330 = vector.broadcast %add3A_1329 : i32 to vector<16xi32>
        %add3A_1331 = arith.addi %bitcast_convert_type3A_1328, %add3A_1330 : vector<16xi32>
        %shift_right_logical3A_1332 = arith.constant 16 : i32
        %shift_right_logical3A_1333 = vector.broadcast %shift_right_logical3A_1332 : i32 to vector<16xi32>
        %shift_right_logical3A_1334 = arith.shrui %bitcast_convert_type3A_1328, %shift_right_logical3A_1333 : vector<16xi32>
        %and3A_1335 = arith.constant 1 : i32
        %and3A_1336 = vector.broadcast %and3A_1335 : i32 to vector<16xi32>
        %and3A_1337 = arith.andi %shift_right_logical3A_1334, %and3A_1336 : vector<16xi32>
        %add3A_1338 = arith.addi %add3A_1331, %and3A_1337 : vector<16xi32>
        %and3A_1339 = arith.constant -65536 : i32
        %and3A_1340 = vector.broadcast %and3A_1339 : i32 to vector<16xi32>
        %and3A_1341 = arith.andi %add3A_1338, %and3A_1340 : vector<16xi32>
        %bitcast_convert_type3A_1342 = tpu.bitcast %and3A_1341 : vector<16xi32> -> vector<16xf32>
        %mul3A_1343 = arith.mulf %bitcast_convert_type3A_1342, %bitcast_convert_type3A_1321 : vector<16xf32>
        %add3A_1344 = arith.addf %scan3A_1289, %mul3A_1343 : vector<16xf32>
        %mul3A_1345 = arith.constant 16 : i32
        %mul3A_1346 = arith.muli %scan3A_1288, %mul3A_1345 : i32
        %get3A_1347 = arith.constant 33 : i32
        %get3A_1348 = arith.index_cast %get3A_1347 : i32 to index
        %get3A_1349 = arith.index_cast %mul3A_1346 : i32 to index
        %get3A_1350 = tpu.vector_load %arg9[%get3A_1348, %get3A_1349] {strides = array<i32>} : memref<56x768xf32, #tpu.memory_space<vmem>>, vector<16xf32>,
        %bitcast_convert_type3A_1351 = tpu.bitcast %get3A_1350 : vector<16xf32> -> vector<16xi32>
        %add3A_1352 = arith.constant 32767 : i32
        %add3A_1353 = vector.broadcast %add3A_1352 : i32 to vector<16xi32>
        %add3A_1354 = arith.addi %bitcast_convert_type3A_1351, %add3A_1353 : vector<16xi32>
        %shift_right_logical3A_1355 = arith.constant 16 : i32
        %shift_right_logical3A_1356 = vector.broadcast %shift_right_logical3A_1355 : i32 to vector<16xi32>
        %shift_right_logical3A_1357 = arith.shrui %bitcast_convert_type3A_1351, %shift_right_logical3A_1356 : vector<16xi32>
        %and3A_1358 = arith.constant 1 : i32
        %and3A_1359 = vector.broadcast %and3A_1358 : i32 to vector<16xi32>
        %and3A_1360 = arith.andi %shift_right_logical3A_1357, %and3A_1359 : vector<16xi32>
        %add3A_1361 = arith.addi %add3A_1354, %and3A_1360 : vector<16xi32>
        %and3A_1362 = arith.constant -65536 : i32
        %and3A_1363 = vector.broadcast %and3A_1362 : i32 to vector<16xi32>
        %and3A_1364 = arith.andi %add3A_1361, %and3A_1363 : vector<16xi32>
        %bitcast_convert_type3A_1365 = tpu.bitcast %and3A_1364 : vector<16xi32> -> vector<16xf32>
        %mul3A_1366 = arith.mulf %bitcast_convert_type3A_1365, %bitcast_convert_type3A_1321 : vector<16xf32>
        %add3A_1367 = arith.addf %scan3A_1290, %mul3A_1366 : vector<16xf32>
        %mul3A_1368 = arith.constant 16 : i32
        %mul3A_1369 = arith.muli %scan3A_1288, %mul3A_1368 : i32
        %get3A_1370 = arith.constant 34 : i32
        %get3A_1371 = arith.index_cast %get3A_1370 : i32 to index
        %get3A_1372 = arith.index_cast %mul3A_1369 : i32 to index
        %get3A_1373 = tpu.vector_load %arg9[%get3A_1371, %get3A_1372] {strides = array<i32>} : memref<56x768xf32, #tpu.memory_space<vmem>>, vector<16xf32>,
        %bitcast_convert_type3A_1374 = tpu.bitcast %get3A_1373 : vector<16xf32> -> vector<16xi32>
        %add3A_1375 = arith.constant 32767 : i32
        %add3A_1376 = vector.broadcast %add3A_1375 : i32 to vector<16xi32>
        %add3A_1377 = arith.addi %bitcast_convert_type3A_1374, %add3A_1376 : vector<16xi32>
        %shift_right_logical3A_1378 = arith.constant 16 : i32
        %shift_right_logical3A_1379 = vector.broadcast %shift_right_logical3A_1378 : i32 to vector<16xi32>
        %shift_right_logical3A_1380 = arith.shrui %bitcast_convert_type3A_1374, %shift_right_logical3A_1379 : vector<16xi32>
        %and3A_1381 = arith.constant 1 : i32
        %and3A_1382 = vector.broadcast %and3A_1381 : i32 to vector<16xi32>
        %and3A_1383 = arith.andi %shift_right_logical3A_1380, %and3A_1382 : vector<16xi32>
        %add3A_1384 = arith.addi %add3A_1377, %and3A_1383 : vector<16xi32>
        %and3A_1385 = arith.constant -65536 : i32
        %and3A_1386 = vector.broadcast %and3A_1385 : i32 to vector<16xi32>
        %and3A_1387 = arith.andi %add3A_1384, %and3A_1386 : vector<16xi32>
        %bitcast_convert_type3A_1388 = tpu.bitcast %and3A_1387 : vector<16xi32> -> vector<16xf32>
        %mul3A_1389 = arith.mulf %bitcast_convert_type3A_1388, %bitcast_convert_type3A_1321 : vector<16xf32>
        %add3A_1390 = arith.addf %scan3A_1291, %mul3A_1389 : vector<16xf32>
        %mul3A_1391 = arith.constant 16 : i32
        %mul3A_1392 = arith.muli %scan3A_1288, %mul3A_1391 : i32
        %get3A_1393 = arith.constant 35 : i32
        %get3A_1394 = arith.index_cast %get3A_1393 : i32 to index
        %get3A_1395 = arith.index_cast %mul3A_1392 : i32 to index
        %get3A_1396 = tpu.vector_load %arg9[%get3A_1394, %get3A_1395] {strides = array<i32>} : memref<56x768xf32, #tpu.memory_space<vmem>>, vector<16xf32>,
        %bitcast_convert_type3A_1397 = tpu.bitcast %get3A_1396 : vector<16xf32> -> vector<16xi32>
        %add3A_1398 = arith.constant 32767 : i32
        %add3A_1399 = vector.broadcast %add3A_1398 : i32 to vector<16xi32>
        %add3A_1400 = arith.addi %bitcast_convert_type3A_1397, %add3A_1399 : vector<16xi32>
        %shift_right_logical3A_1401 = arith.constant 16 : i32
        %shift_right_logical3A_1402 = vector.broadcast %shift_right_logical3A_1401 : i32 to vector<16xi32>
        %shift_right_logical3A_1403 = arith.shrui %bitcast_convert_type3A_1397, %shift_right_logical3A_1402 : vector<16xi32>
        %and3A_1404 = arith.constant 1 : i32
        %and3A_1405 = vector.broadcast %and3A_1404 : i32 to vector<16xi32>
        %and3A_1406 = arith.andi %shift_right_logical3A_1403, %and3A_1405 : vector<16xi32>
        %add3A_1407 = arith.addi %add3A_1400, %and3A_1406 : vector<16xi32>
        %and3A_1408 = arith.constant -65536 : i32
        %and3A_1409 = vector.broadcast %and3A_1408 : i32 to vector<16xi32>
        %and3A_1410 = arith.andi %add3A_1407, %and3A_1409 : vector<16xi32>
        %bitcast_convert_type3A_1411 = tpu.bitcast %and3A_1410 : vector<16xi32> -> vector<16xf32>
        %mul3A_1412 = arith.mulf %bitcast_convert_type3A_1411, %bitcast_convert_type3A_1321 : vector<16xf32>
        %add3A_1413 = arith.addf %scan3A_1292, %mul3A_1412 : vector<16xf32>
        %mul3A_1414 = arith.constant 16 : i32
        %mul3A_1415 = arith.muli %scan3A_1288, %mul3A_1414 : i32
        %get3A_1416 = arith.constant 36 : i32
        %get3A_1417 = arith.index_cast %get3A_1416 : i32 to index
        %get3A_1418 = arith.index_cast %mul3A_1415 : i32 to index
        %get3A_1419 = tpu.vector_load %arg9[%get3A_1417, %get3A_1418] {strides = array<i32>} : memref<56x768xf32, #tpu.memory_space<vmem>>, vector<16xf32>,
        %bitcast_convert_type3A_1420 = tpu.bitcast %get3A_1419 : vector<16xf32> -> vector<16xi32>
        %add3A_1421 = arith.constant 32767 : i32
        %add3A_1422 = vector.broadcast %add3A_1421 : i32 to vector<16xi32>
        %add3A_1423 = arith.addi %bitcast_convert_type3A_1420, %add3A_1422 : vector<16xi32>
        %shift_right_logical3A_1424 = arith.constant 16 : i32
        %shift_right_logical3A_1425 = vector.broadcast %shift_right_logical3A_1424 : i32 to vector<16xi32>
        %shift_right_logical3A_1426 = arith.shrui %bitcast_convert_type3A_1420, %shift_right_logical3A_1425 : vector<16xi32>
        %and3A_1427 = arith.constant 1 : i32
        %and3A_1428 = vector.broadcast %and3A_1427 : i32 to vector<16xi32>
        %and3A_1429 = arith.andi %shift_right_logical3A_1426, %and3A_1428 : vector<16xi32>
        %add3A_1430 = arith.addi %add3A_1423, %and3A_1429 : vector<16xi32>
        %and3A_1431 = arith.constant -65536 : i32
        %and3A_1432 = vector.broadcast %and3A_1431 : i32 to vector<16xi32>
        %and3A_1433 = arith.andi %add3A_1430, %and3A_1432 : vector<16xi32>
        %bitcast_convert_type3A_1434 = tpu.bitcast %and3A_1433 : vector<16xi32> -> vector<16xf32>
        %mul3A_1435 = arith.mulf %bitcast_convert_type3A_1434, %bitcast_convert_type3A_1321 : vector<16xf32>
        %add3A_1436 = arith.addf %scan3A_1293, %mul3A_1435 : vector<16xf32>
        %mul3A_1437 = arith.constant 16 : i32
        %mul3A_1438 = arith.muli %scan3A_1288, %mul3A_1437 : i32
        %get3A_1439 = arith.constant 37 : i32
        %get3A_1440 = arith.index_cast %get3A_1439 : i32 to index
        %get3A_1441 = arith.index_cast %mul3A_1438 : i32 to index
        %get3A_1442 = tpu.vector_load %arg9[%get3A_1440, %get3A_1441] {strides = array<i32>} : memref<56x768xf32, #tpu.memory_space<vmem>>, vector<16xf32>,
        %bitcast_convert_type3A_1443 = tpu.bitcast %get3A_1442 : vector<16xf32> -> vector<16xi32>
        %add3A_1444 = arith.constant 32767 : i32
        %add3A_1445 = vector.broadcast %add3A_1444 : i32 to vector<16xi32>
        %add3A_1446 = arith.addi %bitcast_convert_type3A_1443, %add3A_1445 : vector<16xi32>
        %shift_right_logical3A_1447 = arith.constant 16 : i32
        %shift_right_logical3A_1448 = vector.broadcast %shift_right_logical3A_1447 : i32 to vector<16xi32>
        %shift_right_logical3A_1449 = arith.shrui %bitcast_convert_type3A_1443, %shift_right_logical3A_1448 : vector<16xi32>
        %and3A_1450 = arith.constant 1 : i32
        %and3A_1451 = vector.broadcast %and3A_1450 : i32 to vector<16xi32>
        %and3A_1452 = arith.andi %shift_right_logical3A_1449, %and3A_1451 : vector<16xi32>
        %add3A_1453 = arith.addi %add3A_1446, %and3A_1452 : vector<16xi32>
        %and3A_1454 = arith.constant -65536 : i32
        %and3A_1455 = vector.broadcast %and3A_1454 : i32 to vector<16xi32>
        %and3A_1456 = arith.andi %add3A_1453, %and3A_1455 : vector<16xi32>
        %bitcast_convert_type3A_1457 = tpu.bitcast %and3A_1456 : vector<16xi32> -> vector<16xf32>
        %mul3A_1458 = arith.mulf %bitcast_convert_type3A_1457, %bitcast_convert_type3A_1321 : vector<16xf32>
        %add3A_1459 = arith.addf %scan3A_1294, %mul3A_1458 : vector<16xf32>
        %mul3A_1460 = arith.constant 16 : i32
        %mul3A_1461 = arith.muli %scan3A_1288, %mul3A_1460 : i32
        %get3A_1462 = arith.constant 38 : i32
        %get3A_1463 = arith.index_cast %get3A_1462 : i32 to index
        %get3A_1464 = arith.index_cast %mul3A_1461 : i32 to index
        %get3A_1465 = tpu.vector_load %arg9[%get3A_1463, %get3A_1464] {strides = array<i32>} : memref<56x768xf32, #tpu.memory_space<vmem>>, vector<16xf32>,
        %bitcast_convert_type3A_1466 = tpu.bitcast %get3A_1465 : vector<16xf32> -> vector<16xi32>
        %add3A_1467 = arith.constant 32767 : i32
        %add3A_1468 = vector.broadcast %add3A_1467 : i32 to vector<16xi32>
        %add3A_1469 = arith.addi %bitcast_convert_type3A_1466, %add3A_1468 : vector<16xi32>
        %shift_right_logical3A_1470 = arith.constant 16 : i32
        %shift_right_logical3A_1471 = vector.broadcast %shift_right_logical3A_1470 : i32 to vector<16xi32>
        %shift_right_logical3A_1472 = arith.shrui %bitcast_convert_type3A_1466, %shift_right_logical3A_1471 : vector<16xi32>
        %and3A_1473 = arith.constant 1 : i32
        %and3A_1474 = vector.broadcast %and3A_1473 : i32 to vector<16xi32>
        %and3A_1475 = arith.andi %shift_right_logical3A_1472, %and3A_1474 : vector<16xi32>
        %add3A_1476 = arith.addi %add3A_1469, %and3A_1475 : vector<16xi32>
        %and3A_1477 = arith.constant -65536 : i32
        %and3A_1478 = vector.broadcast %and3A_1477 : i32 to vector<16xi32>
        %and3A_1479 = arith.andi %add3A_1476, %and3A_1478 : vector<16xi32>
        %bitcast_convert_type3A_1480 = tpu.bitcast %and3A_1479 : vector<16xi32> -> vector<16xf32>
        %mul3A_1481 = arith.mulf %bitcast_convert_type3A_1480, %bitcast_convert_type3A_1321 : vector<16xf32>
        %add3A_1482 = arith.addf %scan3A_1295, %mul3A_1481 : vector<16xf32>
        %mul3A_1483 = arith.constant 16 : i32
        %mul3A_1484 = arith.muli %scan3A_1288, %mul3A_1483 : i32
        %get3A_1485 = arith.constant 39 : i32
        %get3A_1486 = arith.index_cast %get3A_1485 : i32 to index
        %get3A_1487 = arith.index_cast %mul3A_1484 : i32 to index
        %get3A_1488 = tpu.vector_load %arg9[%get3A_1486, %get3A_1487] {strides = array<i32>} : memref<56x768xf32, #tpu.memory_space<vmem>>, vector<16xf32>,
        %bitcast_convert_type3A_1489 = tpu.bitcast %get3A_1488 : vector<16xf32> -> vector<16xi32>
        %add3A_1490 = arith.constant 32767 : i32
        %add3A_1491 = vector.broadcast %add3A_1490 : i32 to vector<16xi32>
        %add3A_1492 = arith.addi %bitcast_convert_type3A_1489, %add3A_1491 : vector<16xi32>
        %shift_right_logical3A_1493 = arith.constant 16 : i32
        %shift_right_logical3A_1494 = vector.broadcast %shift_right_logical3A_1493 : i32 to vector<16xi32>
        %shift_right_logical3A_1495 = arith.shrui %bitcast_convert_type3A_1489, %shift_right_logical3A_1494 : vector<16xi32>
        %and3A_1496 = arith.constant 1 : i32
        %and3A_1497 = vector.broadcast %and3A_1496 : i32 to vector<16xi32>
        %and3A_1498 = arith.andi %shift_right_logical3A_1495, %and3A_1497 : vector<16xi32>
        %add3A_1499 = arith.addi %add3A_1492, %and3A_1498 : vector<16xi32>
        %and3A_1500 = arith.constant -65536 : i32
        %and3A_1501 = vector.broadcast %and3A_1500 : i32 to vector<16xi32>
        %and3A_1502 = arith.andi %add3A_1499, %and3A_1501 : vector<16xi32>
        %bitcast_convert_type3A_1503 = tpu.bitcast %and3A_1502 : vector<16xi32> -> vector<16xf32>
        %mul3A_1504 = arith.mulf %bitcast_convert_type3A_1503, %bitcast_convert_type3A_1321 : vector<16xf32>
        %add3A_1505 = arith.addf %scan3A_1296, %mul3A_1504 : vector<16xf32>
        %mul3A_1506 = arith.constant 16 : i32
        %mul3A_1507 = arith.muli %scan3A_1288, %mul3A_1506 : i32
        %get3A_1508 = arith.constant 40 : i32
        %get3A_1509 = arith.index_cast %get3A_1508 : i32 to index
        %get3A_1510 = arith.index_cast %mul3A_1507 : i32 to index
        %get3A_1511 = tpu.vector_load %arg9[%get3A_1509, %get3A_1510] {strides = array<i32>} : memref<56x768xf32, #tpu.memory_space<vmem>>, vector<16xf32>,
        %bitcast_convert_type3A_1512 = tpu.bitcast %get3A_1511 : vector<16xf32> -> vector<16xi32>
        %add3A_1513 = arith.constant 32767 : i32
        %add3A_1514 = vector.broadcast %add3A_1513 : i32 to vector<16xi32>
        %add3A_1515 = arith.addi %bitcast_convert_type3A_1512, %add3A_1514 : vector<16xi32>
        %shift_right_logical3A_1516 = arith.constant 16 : i32
        %shift_right_logical3A_1517 = vector.broadcast %shift_right_logical3A_1516 : i32 to vector<16xi32>
        %shift_right_logical3A_1518 = arith.shrui %bitcast_convert_type3A_1512, %shift_right_logical3A_1517 : vector<16xi32>
        %and3A_1519 = arith.constant 1 : i32
        %and3A_1520 = vector.broadcast %and3A_1519 : i32 to vector<16xi32>
        %and3A_1521 = arith.andi %shift_right_logical3A_1518, %and3A_1520 : vector<16xi32>
        %add3A_1522 = arith.addi %add3A_1515, %and3A_1521 : vector<16xi32>
        %and3A_1523 = arith.constant -65536 : i32
        %and3A_1524 = vector.broadcast %and3A_1523 : i32 to vector<16xi32>
        %and3A_1525 = arith.andi %add3A_1522, %and3A_1524 : vector<16xi32>
        %bitcast_convert_type3A_1526 = tpu.bitcast %and3A_1525 : vector<16xi32> -> vector<16xf32>
        %mul3A_1527 = arith.mulf %bitcast_convert_type3A_1526, %bitcast_convert_type3A_1321 : vector<16xf32>
        %add3A_1528 = arith.addf %scan3A_1297, %mul3A_1527 : vector<16xf32>
        %mul3A_1529 = arith.constant 16 : i32
        %mul3A_1530 = arith.muli %scan3A_1288, %mul3A_1529 : i32
        %get3A_1531 = arith.constant 41 : i32
        %get3A_1532 = arith.index_cast %get3A_1531 : i32 to index
        %get3A_1533 = arith.index_cast %mul3A_1530 : i32 to index
        %get3A_1534 = tpu.vector_load %arg9[%get3A_1532, %get3A_1533] {strides = array<i32>} : memref<56x768xf32, #tpu.memory_space<vmem>>, vector<16xf32>,
        %bitcast_convert_type3A_1535 = tpu.bitcast %get3A_1534 : vector<16xf32> -> vector<16xi32>
        %add3A_1536 = arith.constant 32767 : i32
        %add3A_1537 = vector.broadcast %add3A_1536 : i32 to vector<16xi32>
        %add3A_1538 = arith.addi %bitcast_convert_type3A_1535, %add3A_1537 : vector<16xi32>
        %shift_right_logical3A_1539 = arith.constant 16 : i32
        %shift_right_logical3A_1540 = vector.broadcast %shift_right_logical3A_1539 : i32 to vector<16xi32>
        %shift_right_logical3A_1541 = arith.shrui %bitcast_convert_type3A_1535, %shift_right_logical3A_1540 : vector<16xi32>
        %and3A_1542 = arith.constant 1 : i32
        %and3A_1543 = vector.broadcast %and3A_1542 : i32 to vector<16xi32>
        %and3A_1544 = arith.andi %shift_right_logical3A_1541, %and3A_1543 : vector<16xi32>
        %add3A_1545 = arith.addi %add3A_1538, %and3A_1544 : vector<16xi32>
        %and3A_1546 = arith.constant -65536 : i32
        %and3A_1547 = vector.broadcast %and3A_1546 : i32 to vector<16xi32>
        %and3A_1548 = arith.andi %add3A_1545, %and3A_1547 : vector<16xi32>
        %bitcast_convert_type3A_1549 = tpu.bitcast %and3A_1548 : vector<16xi32> -> vector<16xf32>
        %mul3A_1550 = arith.mulf %bitcast_convert_type3A_1549, %bitcast_convert_type3A_1321 : vector<16xf32>
        %add3A_1551 = arith.addf %scan3A_1298, %mul3A_1550 : vector<16xf32>
        %mul3A_1552 = arith.constant 16 : i32
        %mul3A_1553 = arith.muli %scan3A_1288, %mul3A_1552 : i32
        %get3A_1554 = arith.constant 42 : i32
        %get3A_1555 = arith.index_cast %get3A_1554 : i32 to index
        %get3A_1556 = arith.index_cast %mul3A_1553 : i32 to index
        %get3A_1557 = tpu.vector_load %arg9[%get3A_1555, %get3A_1556] {strides = array<i32>} : memref<56x768xf32, #tpu.memory_space<vmem>>, vector<16xf32>,
        %bitcast_convert_type3A_1558 = tpu.bitcast %get3A_1557 : vector<16xf32> -> vector<16xi32>
        %add3A_1559 = arith.constant 32767 : i32
        %add3A_1560 = vector.broadcast %add3A_1559 : i32 to vector<16xi32>
        %add3A_1561 = arith.addi %bitcast_convert_type3A_1558, %add3A_1560 : vector<16xi32>
        %shift_right_logical3A_1562 = arith.constant 16 : i32
        %shift_right_logical3A_1563 = vector.broadcast %shift_right_logical3A_1562 : i32 to vector<16xi32>
        %shift_right_logical3A_1564 = arith.shrui %bitcast_convert_type3A_1558, %shift_right_logical3A_1563 : vector<16xi32>
        %and3A_1565 = arith.constant 1 : i32
        %and3A_1566 = vector.broadcast %and3A_1565 : i32 to vector<16xi32>
        %and3A_1567 = arith.andi %shift_right_logical3A_1564, %and3A_1566 : vector<16xi32>
        %add3A_1568 = arith.addi %add3A_1561, %and3A_1567 : vector<16xi32>
        %and3A_1569 = arith.constant -65536 : i32
        %and3A_1570 = vector.broadcast %and3A_1569 : i32 to vector<16xi32>
        %and3A_1571 = arith.andi %add3A_1568, %and3A_1570 : vector<16xi32>
        %bitcast_convert_type3A_1572 = tpu.bitcast %and3A_1571 : vector<16xi32> -> vector<16xf32>
        %mul3A_1573 = arith.mulf %bitcast_convert_type3A_1572, %bitcast_convert_type3A_1321 : vector<16xf32>
        %add3A_1574 = arith.addf %scan3A_1299, %mul3A_1573 : vector<16xf32>
        %mul3A_1575 = arith.constant 16 : i32
        %mul3A_1576 = arith.muli %scan3A_1288, %mul3A_1575 : i32
        %get3A_1577 = arith.constant 43 : i32
        %get3A_1578 = arith.index_cast %get3A_1577 : i32 to index
        %get3A_1579 = arith.index_cast %mul3A_1576 : i32 to index
        %get3A_1580 = tpu.vector_load %arg9[%get3A_1578, %get3A_1579] {strides = array<i32>} : memref<56x768xf32, #tpu.memory_space<vmem>>, vector<16xf32>,
        %bitcast_convert_type3A_1581 = tpu.bitcast %get3A_1580 : vector<16xf32> -> vector<16xi32>
        %add3A_1582 = arith.constant 32767 : i32
        %add3A_1583 = vector.broadcast %add3A_1582 : i32 to vector<16xi32>
        %add3A_1584 = arith.addi %bitcast_convert_type3A_1581, %add3A_1583 : vector<16xi32>
        %shift_right_logical3A_1585 = arith.constant 16 : i32
        %shift_right_logical3A_1586 = vector.broadcast %shift_right_logical3A_1585 : i32 to vector<16xi32>
        %shift_right_logical3A_1587 = arith.shrui %bitcast_convert_type3A_1581, %shift_right_logical3A_1586 : vector<16xi32>
        %and3A_1588 = arith.constant 1 : i32
        %and3A_1589 = vector.broadcast %and3A_1588 : i32 to vector<16xi32>
        %and3A_1590 = arith.andi %shift_right_logical3A_1587, %and3A_1589 : vector<16xi32>
        %add3A_1591 = arith.addi %add3A_1584, %and3A_1590 : vector<16xi32>
        %and3A_1592 = arith.constant -65536 : i32
        %and3A_1593 = vector.broadcast %and3A_1592 : i32 to vector<16xi32>
        %and3A_1594 = arith.andi %add3A_1591, %and3A_1593 : vector<16xi32>
        %bitcast_convert_type3A_1595 = tpu.bitcast %and3A_1594 : vector<16xi32> -> vector<16xf32>
        %mul3A_1596 = arith.mulf %bitcast_convert_type3A_1595, %bitcast_convert_type3A_1321 : vector<16xf32>
        %add3A_1597 = arith.addf %scan3A_1300, %mul3A_1596 : vector<16xf32>
        %mul3A_1598 = arith.constant 16 : i32
        %mul3A_1599 = arith.muli %scan3A_1288, %mul3A_1598 : i32
        %get3A_1600 = arith.constant 44 : i32
        %get3A_1601 = arith.index_cast %get3A_1600 : i32 to index
        %get3A_1602 = arith.index_cast %mul3A_1599 : i32 to index
        %get3A_1603 = tpu.vector_load %arg9[%get3A_1601, %get3A_1602] {strides = array<i32>} : memref<56x768xf32, #tpu.memory_space<vmem>>, vector<16xf32>,
        %bitcast_convert_type3A_1604 = tpu.bitcast %get3A_1603 : vector<16xf32> -> vector<16xi32>
        %add3A_1605 = arith.constant 32767 : i32
        %add3A_1606 = vector.broadcast %add3A_1605 : i32 to vector<16xi32>
        %add3A_1607 = arith.addi %bitcast_convert_type3A_1604, %add3A_1606 : vector<16xi32>
        %shift_right_logical3A_1608 = arith.constant 16 : i32
        %shift_right_logical3A_1609 = vector.broadcast %shift_right_logical3A_1608 : i32 to vector<16xi32>
        %shift_right_logical3A_1610 = arith.shrui %bitcast_convert_type3A_1604, %shift_right_logical3A_1609 : vector<16xi32>
        %and3A_1611 = arith.constant 1 : i32
        %and3A_1612 = vector.broadcast %and3A_1611 : i32 to vector<16xi32>
        %and3A_1613 = arith.andi %shift_right_logical3A_1610, %and3A_1612 : vector<16xi32>
        %add3A_1614 = arith.addi %add3A_1607, %and3A_1613 : vector<16xi32>
        %and3A_1615 = arith.constant -65536 : i32
        %and3A_1616 = vector.broadcast %and3A_1615 : i32 to vector<16xi32>
        %and3A_1617 = arith.andi %add3A_1614, %and3A_1616 : vector<16xi32>
        %bitcast_convert_type3A_1618 = tpu.bitcast %and3A_1617 : vector<16xi32> -> vector<16xf32>
        %mul3A_1619 = arith.mulf %bitcast_convert_type3A_1618, %bitcast_convert_type3A_1321 : vector<16xf32>
        %add3A_1620 = arith.addf %scan3A_1301, %mul3A_1619 : vector<16xf32>
        %mul3A_1621 = arith.constant 16 : i32
        %mul3A_1622 = arith.muli %scan3A_1288, %mul3A_1621 : i32
        %get3A_1623 = arith.constant 45 : i32
        %get3A_1624 = arith.index_cast %get3A_1623 : i32 to index
        %get3A_1625 = arith.index_cast %mul3A_1622 : i32 to index
        %get3A_1626 = tpu.vector_load %arg9[%get3A_1624, %get3A_1625] {strides = array<i32>} : memref<56x768xf32, #tpu.memory_space<vmem>>, vector<16xf32>,
        %bitcast_convert_type3A_1627 = tpu.bitcast %get3A_1626 : vector<16xf32> -> vector<16xi32>
        %add3A_1628 = arith.constant 32767 : i32
        %add3A_1629 = vector.broadcast %add3A_1628 : i32 to vector<16xi32>
        %add3A_1630 = arith.addi %bitcast_convert_type3A_1627, %add3A_1629 : vector<16xi32>
        %shift_right_logical3A_1631 = arith.constant 16 : i32
        %shift_right_logical3A_1632 = vector.broadcast %shift_right_logical3A_1631 : i32 to vector<16xi32>
        %shift_right_logical3A_1633 = arith.shrui %bitcast_convert_type3A_1627, %shift_right_logical3A_1632 : vector<16xi32>
        %and3A_1634 = arith.constant 1 : i32
        %and3A_1635 = vector.broadcast %and3A_1634 : i32 to vector<16xi32>
        %and3A_1636 = arith.andi %shift_right_logical3A_1633, %and3A_1635 : vector<16xi32>
        %add3A_1637 = arith.addi %add3A_1630, %and3A_1636 : vector<16xi32>
        %and3A_1638 = arith.constant -65536 : i32
        %and3A_1639 = vector.broadcast %and3A_1638 : i32 to vector<16xi32>
        %and3A_1640 = arith.andi %add3A_1637, %and3A_1639 : vector<16xi32>
        %bitcast_convert_type3A_1641 = tpu.bitcast %and3A_1640 : vector<16xi32> -> vector<16xf32>
        %mul3A_1642 = arith.mulf %bitcast_convert_type3A_1641, %bitcast_convert_type3A_1321 : vector<16xf32>
        %add3A_1643 = arith.addf %scan3A_1302, %mul3A_1642 : vector<16xf32>
        %mul3A_1644 = arith.constant 16 : i32
        %mul3A_1645 = arith.muli %scan3A_1288, %mul3A_1644 : i32
        %get3A_1646 = arith.constant 46 : i32
        %get3A_1647 = arith.index_cast %get3A_1646 : i32 to index
        %get3A_1648 = arith.index_cast %mul3A_1645 : i32 to index
        %get3A_1649 = tpu.vector_load %arg9[%get3A_1647, %get3A_1648] {strides = array<i32>} : memref<56x768xf32, #tpu.memory_space<vmem>>, vector<16xf32>,
        %bitcast_convert_type3A_1650 = tpu.bitcast %get3A_1649 : vector<16xf32> -> vector<16xi32>
        %add3A_1651 = arith.constant 32767 : i32
        %add3A_1652 = vector.broadcast %add3A_1651 : i32 to vector<16xi32>
        %add3A_1653 = arith.addi %bitcast_convert_type3A_1650, %add3A_1652 : vector<16xi32>
        %shift_right_logical3A_1654 = arith.constant 16 : i32
        %shift_right_logical3A_1655 = vector.broadcast %shift_right_logical3A_1654 : i32 to vector<16xi32>
        %shift_right_logical3A_1656 = arith.shrui %bitcast_convert_type3A_1650, %shift_right_logical3A_1655 : vector<16xi32>
        %and3A_1657 = arith.constant 1 : i32
        %and3A_1658 = vector.broadcast %and3A_1657 : i32 to vector<16xi32>
        %and3A_1659 = arith.andi %shift_right_logical3A_1656, %and3A_1658 : vector<16xi32>
        %add3A_1660 = arith.addi %add3A_1653, %and3A_1659 : vector<16xi32>
        %and3A_1661 = arith.constant -65536 : i32
        %and3A_1662 = vector.broadcast %and3A_1661 : i32 to vector<16xi32>
        %and3A_1663 = arith.andi %add3A_1660, %and3A_1662 : vector<16xi32>
        %bitcast_convert_type3A_1664 = tpu.bitcast %and3A_1663 : vector<16xi32> -> vector<16xf32>
        %mul3A_1665 = arith.mulf %bitcast_convert_type3A_1664, %bitcast_convert_type3A_1321 : vector<16xf32>
        %add3A_1666 = arith.addf %scan3A_1303, %mul3A_1665 : vector<16xf32>
        %mul3A_1667 = arith.constant 16 : i32
        %mul3A_1668 = arith.muli %scan3A_1288, %mul3A_1667 : i32
        %get3A_1669 = arith.constant 47 : i32
        %get3A_1670 = arith.index_cast %get3A_1669 : i32 to index
        %get3A_1671 = arith.index_cast %mul3A_1668 : i32 to index
        %get3A_1672 = tpu.vector_load %arg9[%get3A_1670, %get3A_1671] {strides = array<i32>} : memref<56x768xf32, #tpu.memory_space<vmem>>, vector<16xf32>,
        %bitcast_convert_type3A_1673 = tpu.bitcast %get3A_1672 : vector<16xf32> -> vector<16xi32>
        %add3A_1674 = arith.constant 32767 : i32
        %add3A_1675 = vector.broadcast %add3A_1674 : i32 to vector<16xi32>
        %add3A_1676 = arith.addi %bitcast_convert_type3A_1673, %add3A_1675 : vector<16xi32>
        %shift_right_logical3A_1677 = arith.constant 16 : i32
        %shift_right_logical3A_1678 = vector.broadcast %shift_right_logical3A_1677 : i32 to vector<16xi32>
        %shift_right_logical3A_1679 = arith.shrui %bitcast_convert_type3A_1673, %shift_right_logical3A_1678 : vector<16xi32>
        %and3A_1680 = arith.constant 1 : i32
        %and3A_1681 = vector.broadcast %and3A_1680 : i32 to vector<16xi32>
        %and3A_1682 = arith.andi %shift_right_logical3A_1679, %and3A_1681 : vector<16xi32>
        %add3A_1683 = arith.addi %add3A_1676, %and3A_1682 : vector<16xi32>
        %and3A_1684 = arith.constant -65536 : i32
        %and3A_1685 = vector.broadcast %and3A_1684 : i32 to vector<16xi32>
        %and3A_1686 = arith.andi %add3A_1683, %and3A_1685 : vector<16xi32>
        %bitcast_convert_type3A_1687 = tpu.bitcast %and3A_1686 : vector<16xi32> -> vector<16xf32>
        %mul3A_1688 = arith.mulf %bitcast_convert_type3A_1687, %bitcast_convert_type3A_1321 : vector<16xf32>
        %add3A_1689 = arith.addf %scan3A_1304, %mul3A_1688 : vector<16xf32>
        scf.yield %add3A_1344, %add3A_1367, %add3A_1390, %add3A_1413, %add3A_1436, %add3A_1459, %add3A_1482, %add3A_1505, %add3A_1528, %add3A_1551, %add3A_1574, %add3A_1597, %add3A_1620, %add3A_1643, %add3A_1666, %add3A_1689 : vector<16xf32>, vector<16xf32>, vector<16xf32>, vector<16xf32>, vector<16xf32>, vector<16xf32>, vector<16xf32>, vector<16xf32>, vector<16xf32>, vector<16xf32>, vector<16xf32>, vector<16xf32>, vector<16xf32>, vector<16xf32>, vector<16xf32>, vector<16xf32>
      }
      %scan3A_465 = arith.constant 48 : i32
      %get3A_466 = arith.constant 32 : index
      %get3A_467 = tpu.vector_load %arg11[%get3A_466] {strides = array<i32>} : memref<64xf32, #tpu.memory_space<vmem>>, vector<16xf32>,
      %broadcast_in_dim3A_468 = arith.constant 0.000000e+00 : f32
      %broadcast_in_dim3A_469 = vector.broadcast %broadcast_in_dim3A_468 : f32 to vector<16xf32>
      %eq3A_470 = arith.constant 0 : i32
      %eq3A_471 = vector.broadcast %eq3A_470 : i32 to vector<16xi32>
      %eq3A_472 = arith.cmpi eq, %iota3A, %eq3A_471 : vector<16xi32>
      %reduce_sum3A_473 = arith.constant true
      %reduce_sum3A_474 = vector.broadcast %reduce_sum3A_473 : i1 to vector<16xi1>
      %reduce_sum3A_475 = tpu.scan <sum>, %scan3A_464#0 masked %reduce_sum3A_474 : vector<16xf32>, vector<16xi1> -> vector<16xf32>
      %reduce_sum3A_476 = vector.extract %reduce_sum3A_475[15] : f32 from vector<16xf32>
      %broadcast_in_dim3A_477 = vector.broadcast %reduce_sum3A_476 : f32 to vector<16xf32>
      %select_n3A_478 = arith.select %eq3A_472, %broadcast_in_dim3A_477, %broadcast_in_dim3A_469 : vector<16xi1>, vector<16xf32>
      %eq3A_479 = arith.constant 1 : i32
      %eq3A_480 = vector.broadcast %eq3A_479 : i32 to vector<16xi32>
      %eq3A_481 = arith.cmpi eq, %iota3A, %eq3A_480 : vector<16xi32>
      %reduce_sum3A_482 = arith.constant true
      %reduce_sum3A_483 = vector.broadcast %reduce_sum3A_482 : i1 to vector<16xi1>
      %reduce_sum3A_484 = tpu.scan <sum>, %scan3A_464#1 masked %reduce_sum3A_483 : vector<16xf32>, vector<16xi1> -> vector<16xf32>
      %reduce_sum3A_485 = vector.extract %reduce_sum3A_484[15] : f32 from vector<16xf32>
      %broadcast_in_dim3A_486 = vector.broadcast %reduce_sum3A_485 : f32 to vector<16xf32>
      %select_n3A_487 = arith.select %eq3A_481, %broadcast_in_dim3A_486, %select_n3A_478 : vector<16xi1>, vector<16xf32>
      %eq3A_488 = arith.constant 2 : i32
      %eq3A_489 = vector.broadcast %eq3A_488 : i32 to vector<16xi32>
      %eq3A_490 = arith.cmpi eq, %iota3A, %eq3A_489 : vector<16xi32>
      %reduce_sum3A_491 = arith.constant true
      %reduce_sum3A_492 = vector.broadcast %reduce_sum3A_491 : i1 to vector<16xi1>
      %reduce_sum3A_493 = tpu.scan <sum>, %scan3A_464#2 masked %reduce_sum3A_492 : vector<16xf32>, vector<16xi1> -> vector<16xf32>
      %reduce_sum3A_494 = vector.extract %reduce_sum3A_493[15] : f32 from vector<16xf32>
      %broadcast_in_dim3A_495 = vector.broadcast %reduce_sum3A_494 : f32 to vector<16xf32>
      %select_n3A_496 = arith.select %eq3A_490, %broadcast_in_dim3A_495, %select_n3A_487 : vector<16xi1>, vector<16xf32>
      %eq3A_497 = arith.constant 3 : i32
      %eq3A_498 = vector.broadcast %eq3A_497 : i32 to vector<16xi32>
      %eq3A_499 = arith.cmpi eq, %iota3A, %eq3A_498 : vector<16xi32>
      %reduce_sum3A_500 = arith.constant true
      %reduce_sum3A_501 = vector.broadcast %reduce_sum3A_500 : i1 to vector<16xi1>
      %reduce_sum3A_502 = tpu.scan <sum>, %scan3A_464#3 masked %reduce_sum3A_501 : vector<16xf32>, vector<16xi1> -> vector<16xf32>
      %reduce_sum3A_503 = vector.extract %reduce_sum3A_502[15] : f32 from vector<16xf32>
      %broadcast_in_dim3A_504 = vector.broadcast %reduce_sum3A_503 : f32 to vector<16xf32>
      %select_n3A_505 = arith.select %eq3A_499, %broadcast_in_dim3A_504, %select_n3A_496 : vector<16xi1>, vector<16xf32>
      %eq3A_506 = arith.constant 4 : i32
      %eq3A_507 = vector.broadcast %eq3A_506 : i32 to vector<16xi32>
      %eq3A_508 = arith.cmpi eq, %iota3A, %eq3A_507 : vector<16xi32>
      %reduce_sum3A_509 = arith.constant true
      %reduce_sum3A_510 = vector.broadcast %reduce_sum3A_509 : i1 to vector<16xi1>
      %reduce_sum3A_511 = tpu.scan <sum>, %scan3A_464#4 masked %reduce_sum3A_510 : vector<16xf32>, vector<16xi1> -> vector<16xf32>
      %reduce_sum3A_512 = vector.extract %reduce_sum3A_511[15] : f32 from vector<16xf32>
      %broadcast_in_dim3A_513 = vector.broadcast %reduce_sum3A_512 : f32 to vector<16xf32>
      %select_n3A_514 = arith.select %eq3A_508, %broadcast_in_dim3A_513, %select_n3A_505 : vector<16xi1>, vector<16xf32>
      %eq3A_515 = arith.constant 5 : i32
      %eq3A_516 = vector.broadcast %eq3A_515 : i32 to vector<16xi32>
      %eq3A_517 = arith.cmpi eq, %iota3A, %eq3A_516 : vector<16xi32>
      %reduce_sum3A_518 = arith.constant true
      %reduce_sum3A_519 = vector.broadcast %reduce_sum3A_518 : i1 to vector<16xi1>
      %reduce_sum3A_520 = tpu.scan <sum>, %scan3A_464#5 masked %reduce_sum3A_519 : vector<16xf32>, vector<16xi1> -> vector<16xf32>
      %reduce_sum3A_521 = vector.extract %reduce_sum3A_520[15] : f32 from vector<16xf32>
      %broadcast_in_dim3A_522 = vector.broadcast %reduce_sum3A_521 : f32 to vector<16xf32>
      %select_n3A_523 = arith.select %eq3A_517, %broadcast_in_dim3A_522, %select_n3A_514 : vector<16xi1>, vector<16xf32>
      %eq3A_524 = arith.constant 6 : i32
      %eq3A_525 = vector.broadcast %eq3A_524 : i32 to vector<16xi32>
      %eq3A_526 = arith.cmpi eq, %iota3A, %eq3A_525 : vector<16xi32>
      %reduce_sum3A_527 = arith.constant true
      %reduce_sum3A_528 = vector.broadcast %reduce_sum3A_527 : i1 to vector<16xi1>
      %reduce_sum3A_529 = tpu.scan <sum>, %scan3A_464#6 masked %reduce_sum3A_528 : vector<16xf32>, vector<16xi1> -> vector<16xf32>
      %reduce_sum3A_530 = vector.extract %reduce_sum3A_529[15] : f32 from vector<16xf32>
      %broadcast_in_dim3A_531 = vector.broadcast %reduce_sum3A_530 : f32 to vector<16xf32>
      %select_n3A_532 = arith.select %eq3A_526, %broadcast_in_dim3A_531, %select_n3A_523 : vector<16xi1>, vector<16xf32>
      %eq3A_533 = arith.constant 7 : i32
      %eq3A_534 = vector.broadcast %eq3A_533 : i32 to vector<16xi32>
      %eq3A_535 = arith.cmpi eq, %iota3A, %eq3A_534 : vector<16xi32>
      %reduce_sum3A_536 = arith.constant true
      %reduce_sum3A_537 = vector.broadcast %reduce_sum3A_536 : i1 to vector<16xi1>
      %reduce_sum3A_538 = tpu.scan <sum>, %scan3A_464#7 masked %reduce_sum3A_537 : vector<16xf32>, vector<16xi1> -> vector<16xf32>
      %reduce_sum3A_539 = vector.extract %reduce_sum3A_538[15] : f32 from vector<16xf32>
      %broadcast_in_dim3A_540 = vector.broadcast %reduce_sum3A_539 : f32 to vector<16xf32>
      %select_n3A_541 = arith.select %eq3A_535, %broadcast_in_dim3A_540, %select_n3A_532 : vector<16xi1>, vector<16xf32>
      %eq3A_542 = arith.constant 8 : i32
      %eq3A_543 = vector.broadcast %eq3A_542 : i32 to vector<16xi32>
      %eq3A_544 = arith.cmpi eq, %iota3A, %eq3A_543 : vector<16xi32>
      %reduce_sum3A_545 = arith.constant true
      %reduce_sum3A_546 = vector.broadcast %reduce_sum3A_545 : i1 to vector<16xi1>
      %reduce_sum3A_547 = tpu.scan <sum>, %scan3A_464#8 masked %reduce_sum3A_546 : vector<16xf32>, vector<16xi1> -> vector<16xf32>
      %reduce_sum3A_548 = vector.extract %reduce_sum3A_547[15] : f32 from vector<16xf32>
      %broadcast_in_dim3A_549 = vector.broadcast %reduce_sum3A_548 : f32 to vector<16xf32>
      %select_n3A_550 = arith.select %eq3A_544, %broadcast_in_dim3A_549, %select_n3A_541 : vector<16xi1>, vector<16xf32>
      %eq3A_551 = arith.constant 9 : i32
      %eq3A_552 = vector.broadcast %eq3A_551 : i32 to vector<16xi32>
      %eq3A_553 = arith.cmpi eq, %iota3A, %eq3A_552 : vector<16xi32>
      %reduce_sum3A_554 = arith.constant true
      %reduce_sum3A_555 = vector.broadcast %reduce_sum3A_554 : i1 to vector<16xi1>
      %reduce_sum3A_556 = tpu.scan <sum>, %scan3A_464#9 masked %reduce_sum3A_555 : vector<16xf32>, vector<16xi1> -> vector<16xf32>
      %reduce_sum3A_557 = vector.extract %reduce_sum3A_556[15] : f32 from vector<16xf32>
      %broadcast_in_dim3A_558 = vector.broadcast %reduce_sum3A_557 : f32 to vector<16xf32>
      %select_n3A_559 = arith.select %eq3A_553, %broadcast_in_dim3A_558, %select_n3A_550 : vector<16xi1>, vector<16xf32>
      %eq3A_560 = arith.constant 10 : i32
      %eq3A_561 = vector.broadcast %eq3A_560 : i32 to vector<16xi32>
      %eq3A_562 = arith.cmpi eq, %iota3A, %eq3A_561 : vector<16xi32>
      %reduce_sum3A_563 = arith.constant true
      %reduce_sum3A_564 = vector.broadcast %reduce_sum3A_563 : i1 to vector<16xi1>
      %reduce_sum3A_565 = tpu.scan <sum>, %scan3A_464#10 masked %reduce_sum3A_564 : vector<16xf32>, vector<16xi1> -> vector<16xf32>
      %reduce_sum3A_566 = vector.extract %reduce_sum3A_565[15] : f32 from vector<16xf32>
      %broadcast_in_dim3A_567 = vector.broadcast %reduce_sum3A_566 : f32 to vector<16xf32>
      %select_n3A_568 = arith.select %eq3A_562, %broadcast_in_dim3A_567, %select_n3A_559 : vector<16xi1>, vector<16xf32>
      %eq3A_569 = arith.constant 11 : i32
      %eq3A_570 = vector.broadcast %eq3A_569 : i32 to vector<16xi32>
      %eq3A_571 = arith.cmpi eq, %iota3A, %eq3A_570 : vector<16xi32>
      %reduce_sum3A_572 = arith.constant true
      %reduce_sum3A_573 = vector.broadcast %reduce_sum3A_572 : i1 to vector<16xi1>
      %reduce_sum3A_574 = tpu.scan <sum>, %scan3A_464#11 masked %reduce_sum3A_573 : vector<16xf32>, vector<16xi1> -> vector<16xf32>
      %reduce_sum3A_575 = vector.extract %reduce_sum3A_574[15] : f32 from vector<16xf32>
      %broadcast_in_dim3A_576 = vector.broadcast %reduce_sum3A_575 : f32 to vector<16xf32>
      %select_n3A_577 = arith.select %eq3A_571, %broadcast_in_dim3A_576, %select_n3A_568 : vector<16xi1>, vector<16xf32>
      %eq3A_578 = arith.constant 12 : i32
      %eq3A_579 = vector.broadcast %eq3A_578 : i32 to vector<16xi32>
      %eq3A_580 = arith.cmpi eq, %iota3A, %eq3A_579 : vector<16xi32>
      %reduce_sum3A_581 = arith.constant true
      %reduce_sum3A_582 = vector.broadcast %reduce_sum3A_581 : i1 to vector<16xi1>
      %reduce_sum3A_583 = tpu.scan <sum>, %scan3A_464#12 masked %reduce_sum3A_582 : vector<16xf32>, vector<16xi1> -> vector<16xf32>
      %reduce_sum3A_584 = vector.extract %reduce_sum3A_583[15] : f32 from vector<16xf32>
      %broadcast_in_dim3A_585 = vector.broadcast %reduce_sum3A_584 : f32 to vector<16xf32>
      %select_n3A_586 = arith.select %eq3A_580, %broadcast_in_dim3A_585, %select_n3A_577 : vector<16xi1>, vector<16xf32>
      %eq3A_587 = arith.constant 13 : i32
      %eq3A_588 = vector.broadcast %eq3A_587 : i32 to vector<16xi32>
      %eq3A_589 = arith.cmpi eq, %iota3A, %eq3A_588 : vector<16xi32>
      %reduce_sum3A_590 = arith.constant true
      %reduce_sum3A_591 = vector.broadcast %reduce_sum3A_590 : i1 to vector<16xi1>
      %reduce_sum3A_592 = tpu.scan <sum>, %scan3A_464#13 masked %reduce_sum3A_591 : vector<16xf32>, vector<16xi1> -> vector<16xf32>
      %reduce_sum3A_593 = vector.extract %reduce_sum3A_592[15] : f32 from vector<16xf32>
      %broadcast_in_dim3A_594 = vector.broadcast %reduce_sum3A_593 : f32 to vector<16xf32>
      %select_n3A_595 = arith.select %eq3A_589, %broadcast_in_dim3A_594, %select_n3A_586 : vector<16xi1>, vector<16xf32>
      %eq3A_596 = arith.constant 14 : i32
      %eq3A_597 = vector.broadcast %eq3A_596 : i32 to vector<16xi32>
      %eq3A_598 = arith.cmpi eq, %iota3A, %eq3A_597 : vector<16xi32>
      %reduce_sum3A_599 = arith.constant true
      %reduce_sum3A_600 = vector.broadcast %reduce_sum3A_599 : i1 to vector<16xi1>
      %reduce_sum3A_601 = tpu.scan <sum>, %scan3A_464#14 masked %reduce_sum3A_600 : vector<16xf32>, vector<16xi1> -> vector<16xf32>
      %reduce_sum3A_602 = vector.extract %reduce_sum3A_601[15] : f32 from vector<16xf32>
      %broadcast_in_dim3A_603 = vector.broadcast %reduce_sum3A_602 : f32 to vector<16xf32>
      %select_n3A_604 = arith.select %eq3A_598, %broadcast_in_dim3A_603, %select_n3A_595 : vector<16xi1>, vector<16xf32>
      %eq3A_605 = arith.constant 15 : i32
      %eq3A_606 = vector.broadcast %eq3A_605 : i32 to vector<16xi32>
      %eq3A_607 = arith.cmpi eq, %iota3A, %eq3A_606 : vector<16xi32>
      %reduce_sum3A_608 = arith.constant true
      %reduce_sum3A_609 = vector.broadcast %reduce_sum3A_608 : i1 to vector<16xi1>
      %reduce_sum3A_610 = tpu.scan <sum>, %scan3A_464#15 masked %reduce_sum3A_609 : vector<16xf32>, vector<16xi1> -> vector<16xf32>
      %reduce_sum3A_611 = vector.extract %reduce_sum3A_610[15] : f32 from vector<16xf32>
      %broadcast_in_dim3A_612 = vector.broadcast %reduce_sum3A_611 : f32 to vector<16xf32>
      %select_n3A_613 = arith.select %eq3A_607, %broadcast_in_dim3A_612, %select_n3A_604 : vector<16xi1>, vector<16xf32>
      %add3A_614 = arith.addf %select_n3A_613, %get3A_467 : vector<16xf32>
      %swap3A_615 = arith.index_cast %mul3A_26 : i32 to index
      %swap3A_616 = arith.constant 32 : index
      %swap3A_617 = tpu.vector_load %arg13[%swap3A_615, %swap3A_616] {strides = array<i32>} : memref<32x64xf32, #tpu.memory_space<vmem>>, vector<16xf32>,
      tpu.vector_store %arg13[%swap3A_615, %swap3A_616], %add3A_614 {strides = array<i32>} : memref<32x64xf32, #tpu.memory_space<vmem>>, vector<16xf32>,
      %broadcast_in_dim3A_618 = arith.constant 0.000000e+00 : f32
      %broadcast_in_dim3A_619 = vector.broadcast %broadcast_in_dim3A_618 : f32 to vector<16xf32>
      %broadcast_in_dim3A_620 = arith.constant 0.000000e+00 : f32
      %broadcast_in_dim3A_621 = vector.broadcast %broadcast_in_dim3A_620 : f32 to vector<16xf32>
      %scan3A_622 = arith.constant 0 : i32
      %scan3A_623 = arith.constant 48 : i32
      %scan3A_624 = arith.addi %scan3A_622, %scan3A_623 : i32
      %scan3A_625 = arith.constant 1 : i32
      %scan3A_626:2 = scf.for %scan3A_1288 = %scan3A_622 to %scan3A_624 step %scan3A_625 iter_args(%scan3A_1289 = %broadcast_in_dim3A_619, %scan3A_1290 = %broadcast_in_dim3A_621) -> (vector<16xf32>, vector<16xf32>)  : i32 {
        %mul3A_1291 = arith.constant 16 : i32
        %mul3A_1292 = arith.muli %scan3A_1288, %mul3A_1291 : i32
        %get3A_1293 = arith.index_cast %mul3A_26 : i32 to index
        %get3A_1294 = arith.index_cast %mul3A_1292 : i32 to index
        %get3A_1295 = tpu.vector_load %arg8[%get3A_1293, %get3A_1294] {strides = array<i32>} : memref<32x768xf32, #tpu.memory_space<vmem>>, vector<16xf32>,
        %bitcast_convert_type3A = tpu.bitcast %get3A_1295 : vector<16xf32> -> vector<16xi32>
        %add3A_1296 = arith.constant 32767 : i32
        %add3A_1297 = vector.broadcast %add3A_1296 : i32 to vector<16xi32>
        %add3A_1298 = arith.addi %bitcast_convert_type3A, %add3A_1297 : vector<16xi32>
        %shift_right_logical3A = arith.constant 16 : i32
        %shift_right_logical3A_1299 = vector.broadcast %shift_right_logical3A : i32 to vector<16xi32>
        %shift_right_logical3A_1300 = arith.shrui %bitcast_convert_type3A, %shift_right_logical3A_1299 : vector<16xi32>
        %and3A = arith.constant 1 : i32
        %and3A_1301 = vector.broadcast %and3A : i32 to vector<16xi32>
        %and3A_1302 = arith.andi %shift_right_logical3A_1300, %and3A_1301 : vector<16xi32>
        %add3A_1303 = arith.addi %add3A_1298, %and3A_1302 : vector<16xi32>
        %and3A_1304 = arith.constant -65536 : i32
        %and3A_1305 = vector.broadcast %and3A_1304 : i32 to vector<16xi32>
        %and3A_1306 = arith.andi %add3A_1303, %and3A_1305 : vector<16xi32>
        %bitcast_convert_type3A_1307 = tpu.bitcast %and3A_1306 : vector<16xi32> -> vector<16xf32>
        %mul3A_1308 = arith.constant 16 : i32
        %mul3A_1309 = arith.muli %scan3A_1288, %mul3A_1308 : i32
        %get3A_1310 = arith.constant 48 : i32
        %get3A_1311 = arith.index_cast %get3A_1310 : i32 to index
        %get3A_1312 = arith.index_cast %mul3A_1309 : i32 to index
        %get3A_1313 = tpu.vector_load %arg9[%get3A_1311, %get3A_1312] {strides = array<i32>} : memref<56x768xf32, #tpu.memory_space<vmem>>, vector<16xf32>,
        %bitcast_convert_type3A_1314 = tpu.bitcast %get3A_1313 : vector<16xf32> -> vector<16xi32>
        %add3A_1315 = arith.constant 32767 : i32
        %add3A_1316 = vector.broadcast %add3A_1315 : i32 to vector<16xi32>
        %add3A_1317 = arith.addi %bitcast_convert_type3A_1314, %add3A_1316 : vector<16xi32>
        %shift_right_logical3A_1318 = arith.constant 16 : i32
        %shift_right_logical3A_1319 = vector.broadcast %shift_right_logical3A_1318 : i32 to vector<16xi32>
        %shift_right_logical3A_1320 = arith.shrui %bitcast_convert_type3A_1314, %shift_right_logical3A_1319 : vector<16xi32>
        %and3A_1321 = arith.constant 1 : i32
        %and3A_1322 = vector.broadcast %and3A_1321 : i32 to vector<16xi32>
        %and3A_1323 = arith.andi %shift_right_logical3A_1320, %and3A_1322 : vector<16xi32>
        %add3A_1324 = arith.addi %add3A_1317, %and3A_1323 : vector<16xi32>
        %and3A_1325 = arith.constant -65536 : i32
        %and3A_1326 = vector.broadcast %and3A_1325 : i32 to vector<16xi32>
        %and3A_1327 = arith.andi %add3A_1324, %and3A_1326 : vector<16xi32>
        %bitcast_convert_type3A_1328 = tpu.bitcast %and3A_1327 : vector<16xi32> -> vector<16xf32>
        %mul3A_1329 = arith.mulf %bitcast_convert_type3A_1328, %bitcast_convert_type3A_1307 : vector<16xf32>
        %add3A_1330 = arith.addf %scan3A_1289, %mul3A_1329 : vector<16xf32>
        %mul3A_1331 = arith.constant 16 : i32
        %mul3A_1332 = arith.muli %scan3A_1288, %mul3A_1331 : i32
        %get3A_1333 = arith.constant 49 : i32
        %get3A_1334 = arith.index_cast %get3A_1333 : i32 to index
        %get3A_1335 = arith.index_cast %mul3A_1332 : i32 to index
        %get3A_1336 = tpu.vector_load %arg9[%get3A_1334, %get3A_1335] {strides = array<i32>} : memref<56x768xf32, #tpu.memory_space<vmem>>, vector<16xf32>,
        %bitcast_convert_type3A_1337 = tpu.bitcast %get3A_1336 : vector<16xf32> -> vector<16xi32>
        %add3A_1338 = arith.constant 32767 : i32
        %add3A_1339 = vector.broadcast %add3A_1338 : i32 to vector<16xi32>
        %add3A_1340 = arith.addi %bitcast_convert_type3A_1337, %add3A_1339 : vector<16xi32>
        %shift_right_logical3A_1341 = arith.constant 16 : i32
        %shift_right_logical3A_1342 = vector.broadcast %shift_right_logical3A_1341 : i32 to vector<16xi32>
        %shift_right_logical3A_1343 = arith.shrui %bitcast_convert_type3A_1337, %shift_right_logical3A_1342 : vector<16xi32>
        %and3A_1344 = arith.constant 1 : i32
        %and3A_1345 = vector.broadcast %and3A_1344 : i32 to vector<16xi32>
        %and3A_1346 = arith.andi %shift_right_logical3A_1343, %and3A_1345 : vector<16xi32>
        %add3A_1347 = arith.addi %add3A_1340, %and3A_1346 : vector<16xi32>
        %and3A_1348 = arith.constant -65536 : i32
        %and3A_1349 = vector.broadcast %and3A_1348 : i32 to vector<16xi32>
        %and3A_1350 = arith.andi %add3A_1347, %and3A_1349 : vector<16xi32>
        %bitcast_convert_type3A_1351 = tpu.bitcast %and3A_1350 : vector<16xi32> -> vector<16xf32>
        %mul3A_1352 = arith.mulf %bitcast_convert_type3A_1351, %bitcast_convert_type3A_1307 : vector<16xf32>
        %add3A_1353 = arith.addf %scan3A_1290, %mul3A_1352 : vector<16xf32>
        scf.yield %add3A_1330, %add3A_1353 : vector<16xf32>, vector<16xf32>
      }
      %scan3A_627 = arith.constant 48 : i32
      %get3A_628 = arith.constant 48 : index
      %get3A_629 = tpu.vector_load %arg11[%get3A_628] {strides = array<i32>} : memref<64xf32, #tpu.memory_space<vmem>>, vector<16xf32>,
      %broadcast_in_dim3A_630 = arith.constant -1.000000e+30 : f32
      %broadcast_in_dim3A_631 = vector.broadcast %broadcast_in_dim3A_630 : f32 to vector<16xf32>
      %eq3A_632 = arith.constant 0 : i32
      %eq3A_633 = vector.broadcast %eq3A_632 : i32 to vector<16xi32>
      %eq3A_634 = arith.cmpi eq, %iota3A, %eq3A_633 : vector<16xi32>
      %reduce_sum3A_635 = arith.constant true
      %reduce_sum3A_636 = vector.broadcast %reduce_sum3A_635 : i1 to vector<16xi1>
      %reduce_sum3A_637 = tpu.scan <sum>, %scan3A_626#0 masked %reduce_sum3A_636 : vector<16xf32>, vector<16xi1> -> vector<16xf32>
      %reduce_sum3A_638 = vector.extract %reduce_sum3A_637[15] : f32 from vector<16xf32>
      %broadcast_in_dim3A_639 = vector.broadcast %reduce_sum3A_638 : f32 to vector<16xf32>
      %select_n3A_640 = arith.select %eq3A_634, %broadcast_in_dim3A_639, %broadcast_in_dim3A_631 : vector<16xi1>, vector<16xf32>
      %eq3A_641 = arith.constant 1 : i32
      %eq3A_642 = vector.broadcast %eq3A_641 : i32 to vector<16xi32>
      %eq3A_643 = arith.cmpi eq, %iota3A, %eq3A_642 : vector<16xi32>
      %reduce_sum3A_644 = arith.constant true
      %reduce_sum3A_645 = vector.broadcast %reduce_sum3A_644 : i1 to vector<16xi1>
      %reduce_sum3A_646 = tpu.scan <sum>, %scan3A_626#1 masked %reduce_sum3A_645 : vector<16xf32>, vector<16xi1> -> vector<16xf32>
      %reduce_sum3A_647 = vector.extract %reduce_sum3A_646[15] : f32 from vector<16xf32>
      %broadcast_in_dim3A_648 = vector.broadcast %reduce_sum3A_647 : f32 to vector<16xf32>
      %select_n3A_649 = arith.select %eq3A_643, %broadcast_in_dim3A_648, %select_n3A_640 : vector<16xi1>, vector<16xf32>
      %lt3A = arith.constant 2 : i32
      %lt3A_650 = vector.broadcast %lt3A : i32 to vector<16xi32>
      %lt3A_651 = arith.cmpi slt, %iota3A, %lt3A_650 : vector<16xi32>
      %add3A_652 = arith.addf %select_n3A_649, %get3A_629 : vector<16xf32>
      %select_n3A_653 = arith.select %lt3A_651, %add3A_652, %select_n3A_649 : vector<16xi1>, vector<16xf32>
      %swap3A_654 = arith.index_cast %mul3A_26 : i32 to index
      %swap3A_655 = arith.constant 48 : index
      %swap3A_656 = tpu.vector_load %arg13[%swap3A_654, %swap3A_655] {strides = array<i32>} : memref<32x64xf32, #tpu.memory_space<vmem>>, vector<16xf32>,
      tpu.vector_store %arg13[%swap3A_654, %swap3A_655], %select_n3A_653 {strides = array<i32>} : memref<32x64xf32, #tpu.memory_space<vmem>>, vector<16xf32>,
      %lt3A_657 = arith.constant 15 : i32
      %lt3A_658 = arith.cmpi slt, %scan3A_23, %lt3A_657 : i32
      %convert_element_type3A = arith.extui %lt3A_658 : i1 to i32
      %cond3A = arith.constant 0 : i32
      %cond3A_659 = arith.cmpi ne, %convert_element_type3A, %cond3A : i32
      scf.if %cond3A_659 {
        %add3A_1288 = arith.constant 2 : i32
        %add3A_1289 = arith.addi %mul3A_26, %add3A_1288 : i32
        %dma_start3A_1290 = arith.constant 0 : i32
        %dma_start3A_1291 = tpu.memref_slice %arg7[%add3A_1289, %dma_start3A_1290] : memref<32x56xi32, #tpu.memory_space<vmem>> -> memref<1x56xi32, #tpu.memory_space<vmem>>
        %dma_start3A_1292 = tpu.memref_squeeze %dma_start3A_1291 : memref<1x56xi32, #tpu.memory_space<vmem>> -> memref<56xi32, #tpu.memory_space<vmem>>
        %dma_start3A_1293 = arith.constant 0 : i32
        %dma_start3A_1294 = arith.constant 0 : i32
        %dma_start3A_1295 = tpu.memref_slice %arg2[%dma_start3A_1293, %dma_start3A_1294] : memref<100000x768xf32, #tpu.memory_space<hbm>> -> memref<100000x768xf32, #tpu.memory_space<hbm>>
        tpu.enqueue_indirect_dma source(%dma_start3A_1295 : memref<100000x768xf32, #tpu.memory_space<hbm>>) target(%arg9 : memref<56x768xf32, #tpu.memory_space<vmem>>) offsets(%dma_start3A_1292 : memref<56xi32, #tpu.memory_space<vmem>>) semaphore(%arg14 : memref<!tpu.dma_semaphore, #tpu.memory_space<semaphore_mem>>)
        %dma_start3A_1296 = arith.constant 0 : i32
        %dma_start3A_1297 = tpu.memref_slice %arg11[%dma_start3A_1296] : memref<64xf32, #tpu.memory_space<vmem>> -> memref<56xf32, #tpu.memory_space<vmem>>
        %dma_start3A_1298 = arith.constant 0 : i32
        %dma_start3A_1299 = tpu.memref_slice %arg7[%add3A_1289, %dma_start3A_1298] : memref<32x56xi32, #tpu.memory_space<vmem>> -> memref<1x56xi32, #tpu.memory_space<vmem>>
        %dma_start3A_1300 = tpu.memref_squeeze %dma_start3A_1299 : memref<1x56xi32, #tpu.memory_space<vmem>> -> memref<56xi32, #tpu.memory_space<vmem>>
        %dma_start3A_1301 = arith.constant 0 : i32
        %dma_start3A_1302 = tpu.memref_slice %arg3[%dma_start3A_1301] : memref<100000xf32, #tpu.memory_space<hbm>> -> memref<100000xf32, #tpu.memory_space<hbm>>
        tpu.enqueue_indirect_dma source(%dma_start3A_1302 : memref<100000xf32, #tpu.memory_space<hbm>>) target(%dma_start3A_1297 : memref<56xf32, #tpu.memory_space<vmem>>) offsets(%dma_start3A_1300 : memref<56xi32, #tpu.memory_space<vmem>>) semaphore(%arg14 : memref<!tpu.dma_semaphore, #tpu.memory_space<semaphore_mem>>)
      } else {
      }
      %add3A_660 = arith.constant 1 : i32
      %add3A_661 = arith.addi %mul3A_26, %add3A_660 : i32
      %dma_wait3A_662 = arith.constant 0 : i32
      %dma_wait3A_663 = tpu.memref_slice %arg7[%add3A_661, %dma_wait3A_662] : memref<32x56xi32, #tpu.memory_space<vmem>> -> memref<1x56xi32, #tpu.memory_space<vmem>>
      %dma_wait3A_664 = tpu.memref_squeeze %dma_wait3A_663 : memref<1x56xi32, #tpu.memory_space<vmem>> -> memref<56xi32, #tpu.memory_space<vmem>>
      %dma_wait3A_665 = arith.constant 0 : i32
      %dma_wait3A_666 = arith.constant 0 : i32
      %dma_wait3A_667 = tpu.memref_slice %arg2[%dma_wait3A_665, %dma_wait3A_666] : memref<100000x768xf32, #tpu.memory_space<hbm>> -> memref<100000x768xf32, #tpu.memory_space<hbm>>
      tpu.wait_indirect_dma semaphore(%arg15 : memref<!tpu.dma_semaphore, #tpu.memory_space<semaphore_mem>>) src(%dma_wait3A_667 : memref<100000x768xf32, #tpu.memory_space<hbm>>) dst(%arg10 : memref<56x768xf32, #tpu.memory_space<vmem>>)
      %dma_wait3A_668 = arith.constant 0 : i32
      %dma_wait3A_669 = tpu.memref_slice %arg12[%dma_wait3A_668] : memref<64xf32, #tpu.memory_space<vmem>> -> memref<56xf32, #tpu.memory_space<vmem>>
      %dma_wait3A_670 = arith.constant 0 : i32
      %dma_wait3A_671 = tpu.memref_slice %arg7[%add3A_661, %dma_wait3A_670] : memref<32x56xi32, #tpu.memory_space<vmem>> -> memref<1x56xi32, #tpu.memory_space<vmem>>
      %dma_wait3A_672 = tpu.memref_squeeze %dma_wait3A_671 : memref<1x56xi32, #tpu.memory_space<vmem>> -> memref<56xi32, #tpu.memory_space<vmem>>
      %dma_wait3A_673 = arith.constant 0 : i32
      %dma_wait3A_674 = tpu.memref_slice %arg3[%dma_wait3A_673] : memref<100000xf32, #tpu.memory_space<hbm>> -> memref<100000xf32, #tpu.memory_space<hbm>>
      tpu.wait_indirect_dma semaphore(%arg15 : memref<!tpu.dma_semaphore, #tpu.memory_space<semaphore_mem>>) src(%dma_wait3A_674 : memref<100000xf32, #tpu.memory_space<hbm>>) dst(%dma_wait3A_669 : memref<56xf32, #tpu.memory_space<vmem>>)
      %add3A_675 = arith.constant 1 : i32
      %add3A_676 = arith.addi %mul3A_26, %add3A_675 : i32
      %broadcast_in_dim3A_677 = arith.constant 0.000000e+00 : f32
      %broadcast_in_dim3A_678 = vector.broadcast %broadcast_in_dim3A_677 : f32 to vector<16xf32>
      %broadcast_in_dim3A_679 = arith.constant 0.000000e+00 : f32
      %broadcast_in_dim3A_680 = vector.broadcast %broadcast_in_dim3A_679 : f32 to vector<16xf32>
      %broadcast_in_dim3A_681 = arith.constant 0.000000e+00 : f32
      %broadcast_in_dim3A_682 = vector.broadcast %broadcast_in_dim3A_681 : f32 to vector<16xf32>
      %broadcast_in_dim3A_683 = arith.constant 0.000000e+00 : f32
      %broadcast_in_dim3A_684 = vector.broadcast %broadcast_in_dim3A_683 : f32 to vector<16xf32>
      %broadcast_in_dim3A_685 = arith.constant 0.000000e+00 : f32
      %broadcast_in_dim3A_686 = vector.broadcast %broadcast_in_dim3A_685 : f32 to vector<16xf32>
      %broadcast_in_dim3A_687 = arith.constant 0.000000e+00 : f32
      %broadcast_in_dim3A_688 = vector.broadcast %broadcast_in_dim3A_687 : f32 to vector<16xf32>
      %broadcast_in_dim3A_689 = arith.constant 0.000000e+00 : f32
      %broadcast_in_dim3A_690 = vector.broadcast %broadcast_in_dim3A_689 : f32 to vector<16xf32>
      %broadcast_in_dim3A_691 = arith.constant 0.000000e+00 : f32
      %broadcast_in_dim3A_692 = vector.broadcast %broadcast_in_dim3A_691 : f32 to vector<16xf32>
      %broadcast_in_dim3A_693 = arith.constant 0.000000e+00 : f32
      %broadcast_in_dim3A_694 = vector.broadcast %broadcast_in_dim3A_693 : f32 to vector<16xf32>
      %broadcast_in_dim3A_695 = arith.constant 0.000000e+00 : f32
      %broadcast_in_dim3A_696 = vector.broadcast %broadcast_in_dim3A_695 : f32 to vector<16xf32>
      %broadcast_in_dim3A_697 = arith.constant 0.000000e+00 : f32
      %broadcast_in_dim3A_698 = vector.broadcast %broadcast_in_dim3A_697 : f32 to vector<16xf32>
      %broadcast_in_dim3A_699 = arith.constant 0.000000e+00 : f32
      %broadcast_in_dim3A_700 = vector.broadcast %broadcast_in_dim3A_699 : f32 to vector<16xf32>
      %broadcast_in_dim3A_701 = arith.constant 0.000000e+00 : f32
      %broadcast_in_dim3A_702 = vector.broadcast %broadcast_in_dim3A_701 : f32 to vector<16xf32>
      %broadcast_in_dim3A_703 = arith.constant 0.000000e+00 : f32
      %broadcast_in_dim3A_704 = vector.broadcast %broadcast_in_dim3A_703 : f32 to vector<16xf32>
      %broadcast_in_dim3A_705 = arith.constant 0.000000e+00 : f32
      %broadcast_in_dim3A_706 = vector.broadcast %broadcast_in_dim3A_705 : f32 to vector<16xf32>
      %broadcast_in_dim3A_707 = arith.constant 0.000000e+00 : f32
      %broadcast_in_dim3A_708 = vector.broadcast %broadcast_in_dim3A_707 : f32 to vector<16xf32>
      %scan3A_709 = arith.constant 0 : i32
      %scan3A_710 = arith.constant 48 : i32
      %scan3A_711 = arith.addi %scan3A_709, %scan3A_710 : i32
      %scan3A_712 = arith.constant 1 : i32
      %scan3A_713:16 = scf.for %scan3A_1288 = %scan3A_709 to %scan3A_711 step %scan3A_712 iter_args(%scan3A_1289 = %broadcast_in_dim3A_678, %scan3A_1290 = %broadcast_in_dim3A_680, %scan3A_1291 = %broadcast_in_dim3A_682, %scan3A_1292 = %broadcast_in_dim3A_684, %scan3A_1293 = %broadcast_in_dim3A_686, %scan3A_1294 = %broadcast_in_dim3A_688, %scan3A_1295 = %broadcast_in_dim3A_690, %scan3A_1296 = %broadcast_in_dim3A_692, %scan3A_1297 = %broadcast_in_dim3A_694, %scan3A_1298 = %broadcast_in_dim3A_696, %scan3A_1299 = %broadcast_in_dim3A_698, %scan3A_1300 = %broadcast_in_dim3A_700, %scan3A_1301 = %broadcast_in_dim3A_702, %scan3A_1302 = %broadcast_in_dim3A_704, %scan3A_1303 = %broadcast_in_dim3A_706, %scan3A_1304 = %broadcast_in_dim3A_708) -> (vector<16xf32>, vector<16xf32>, vector<16xf32>, vector<16xf32>, vector<16xf32>, vector<16xf32>, vector<16xf32>, vector<16xf32>, vector<16xf32>, vector<16xf32>, vector<16xf32>, vector<16xf32>, vector<16xf32>, vector<16xf32>, vector<16xf32>, vector<16xf32>)  : i32 {
        %mul3A_1305 = arith.constant 16 : i32
        %mul3A_1306 = arith.muli %scan3A_1288, %mul3A_1305 : i32
        %get3A_1307 = arith.index_cast %add3A_676 : i32 to index
        %get3A_1308 = arith.index_cast %mul3A_1306 : i32 to index
        %get3A_1309 = tpu.vector_load %arg8[%get3A_1307, %get3A_1308] {strides = array<i32>} : memref<32x768xf32, #tpu.memory_space<vmem>>, vector<16xf32>,
        %bitcast_convert_type3A = tpu.bitcast %get3A_1309 : vector<16xf32> -> vector<16xi32>
        %add3A_1310 = arith.constant 32767 : i32
        %add3A_1311 = vector.broadcast %add3A_1310 : i32 to vector<16xi32>
        %add3A_1312 = arith.addi %bitcast_convert_type3A, %add3A_1311 : vector<16xi32>
        %shift_right_logical3A = arith.constant 16 : i32
        %shift_right_logical3A_1313 = vector.broadcast %shift_right_logical3A : i32 to vector<16xi32>
        %shift_right_logical3A_1314 = arith.shrui %bitcast_convert_type3A, %shift_right_logical3A_1313 : vector<16xi32>
        %and3A = arith.constant 1 : i32
        %and3A_1315 = vector.broadcast %and3A : i32 to vector<16xi32>
        %and3A_1316 = arith.andi %shift_right_logical3A_1314, %and3A_1315 : vector<16xi32>
        %add3A_1317 = arith.addi %add3A_1312, %and3A_1316 : vector<16xi32>
        %and3A_1318 = arith.constant -65536 : i32
        %and3A_1319 = vector.broadcast %and3A_1318 : i32 to vector<16xi32>
        %and3A_1320 = arith.andi %add3A_1317, %and3A_1319 : vector<16xi32>
        %bitcast_convert_type3A_1321 = tpu.bitcast %and3A_1320 : vector<16xi32> -> vector<16xf32>
        %mul3A_1322 = arith.constant 16 : i32
        %mul3A_1323 = arith.muli %scan3A_1288, %mul3A_1322 : i32
        %get3A_1324 = arith.constant 0 : i32
        %get3A_1325 = arith.index_cast %get3A_1324 : i32 to index
        %get3A_1326 = arith.index_cast %mul3A_1323 : i32 to index
        %get3A_1327 = tpu.vector_load %arg10[%get3A_1325, %get3A_1326] {strides = array<i32>} : memref<56x768xf32, #tpu.memory_space<vmem>>, vector<16xf32>,
        %bitcast_convert_type3A_1328 = tpu.bitcast %get3A_1327 : vector<16xf32> -> vector<16xi32>
        %add3A_1329 = arith.constant 32767 : i32
        %add3A_1330 = vector.broadcast %add3A_1329 : i32 to vector<16xi32>
        %add3A_1331 = arith.addi %bitcast_convert_type3A_1328, %add3A_1330 : vector<16xi32>
        %shift_right_logical3A_1332 = arith.constant 16 : i32
        %shift_right_logical3A_1333 = vector.broadcast %shift_right_logical3A_1332 : i32 to vector<16xi32>
        %shift_right_logical3A_1334 = arith.shrui %bitcast_convert_type3A_1328, %shift_right_logical3A_1333 : vector<16xi32>
        %and3A_1335 = arith.constant 1 : i32
        %and3A_1336 = vector.broadcast %and3A_1335 : i32 to vector<16xi32>
        %and3A_1337 = arith.andi %shift_right_logical3A_1334, %and3A_1336 : vector<16xi32>
        %add3A_1338 = arith.addi %add3A_1331, %and3A_1337 : vector<16xi32>
        %and3A_1339 = arith.constant -65536 : i32
        %and3A_1340 = vector.broadcast %and3A_1339 : i32 to vector<16xi32>
        %and3A_1341 = arith.andi %add3A_1338, %and3A_1340 : vector<16xi32>
        %bitcast_convert_type3A_1342 = tpu.bitcast %and3A_1341 : vector<16xi32> -> vector<16xf32>
        %mul3A_1343 = arith.mulf %bitcast_convert_type3A_1342, %bitcast_convert_type3A_1321 : vector<16xf32>
        %add3A_1344 = arith.addf %scan3A_1289, %mul3A_1343 : vector<16xf32>
        %mul3A_1345 = arith.constant 16 : i32
        %mul3A_1346 = arith.muli %scan3A_1288, %mul3A_1345 : i32
        %get3A_1347 = arith.constant 1 : i32
        %get3A_1348 = arith.index_cast %get3A_1347 : i32 to index
        %get3A_1349 = arith.index_cast %mul3A_1346 : i32 to index
        %get3A_1350 = tpu.vector_load %arg10[%get3A_1348, %get3A_1349] {strides = array<i32>} : memref<56x768xf32, #tpu.memory_space<vmem>>, vector<16xf32>,
        %bitcast_convert_type3A_1351 = tpu.bitcast %get3A_1350 : vector<16xf32> -> vector<16xi32>
        %add3A_1352 = arith.constant 32767 : i32
        %add3A_1353 = vector.broadcast %add3A_1352 : i32 to vector<16xi32>
        %add3A_1354 = arith.addi %bitcast_convert_type3A_1351, %add3A_1353 : vector<16xi32>
        %shift_right_logical3A_1355 = arith.constant 16 : i32
        %shift_right_logical3A_1356 = vector.broadcast %shift_right_logical3A_1355 : i32 to vector<16xi32>
        %shift_right_logical3A_1357 = arith.shrui %bitcast_convert_type3A_1351, %shift_right_logical3A_1356 : vector<16xi32>
        %and3A_1358 = arith.constant 1 : i32
        %and3A_1359 = vector.broadcast %and3A_1358 : i32 to vector<16xi32>
        %and3A_1360 = arith.andi %shift_right_logical3A_1357, %and3A_1359 : vector<16xi32>
        %add3A_1361 = arith.addi %add3A_1354, %and3A_1360 : vector<16xi32>
        %and3A_1362 = arith.constant -65536 : i32
        %and3A_1363 = vector.broadcast %and3A_1362 : i32 to vector<16xi32>
        %and3A_1364 = arith.andi %add3A_1361, %and3A_1363 : vector<16xi32>
        %bitcast_convert_type3A_1365 = tpu.bitcast %and3A_1364 : vector<16xi32> -> vector<16xf32>
        %mul3A_1366 = arith.mulf %bitcast_convert_type3A_1365, %bitcast_convert_type3A_1321 : vector<16xf32>
        %add3A_1367 = arith.addf %scan3A_1290, %mul3A_1366 : vector<16xf32>
        %mul3A_1368 = arith.constant 16 : i32
        %mul3A_1369 = arith.muli %scan3A_1288, %mul3A_1368 : i32
        %get3A_1370 = arith.constant 2 : i32
        %get3A_1371 = arith.index_cast %get3A_1370 : i32 to index
        %get3A_1372 = arith.index_cast %mul3A_1369 : i32 to index
        %get3A_1373 = tpu.vector_load %arg10[%get3A_1371, %get3A_1372] {strides = array<i32>} : memref<56x768xf32, #tpu.memory_space<vmem>>, vector<16xf32>,
        %bitcast_convert_type3A_1374 = tpu.bitcast %get3A_1373 : vector<16xf32> -> vector<16xi32>
        %add3A_1375 = arith.constant 32767 : i32
        %add3A_1376 = vector.broadcast %add3A_1375 : i32 to vector<16xi32>
        %add3A_1377 = arith.addi %bitcast_convert_type3A_1374, %add3A_1376 : vector<16xi32>
        %shift_right_logical3A_1378 = arith.constant 16 : i32
        %shift_right_logical3A_1379 = vector.broadcast %shift_right_logical3A_1378 : i32 to vector<16xi32>
        %shift_right_logical3A_1380 = arith.shrui %bitcast_convert_type3A_1374, %shift_right_logical3A_1379 : vector<16xi32>
        %and3A_1381 = arith.constant 1 : i32
        %and3A_1382 = vector.broadcast %and3A_1381 : i32 to vector<16xi32>
        %and3A_1383 = arith.andi %shift_right_logical3A_1380, %and3A_1382 : vector<16xi32>
        %add3A_1384 = arith.addi %add3A_1377, %and3A_1383 : vector<16xi32>
        %and3A_1385 = arith.constant -65536 : i32
        %and3A_1386 = vector.broadcast %and3A_1385 : i32 to vector<16xi32>
        %and3A_1387 = arith.andi %add3A_1384, %and3A_1386 : vector<16xi32>
        %bitcast_convert_type3A_1388 = tpu.bitcast %and3A_1387 : vector<16xi32> -> vector<16xf32>
        %mul3A_1389 = arith.mulf %bitcast_convert_type3A_1388, %bitcast_convert_type3A_1321 : vector<16xf32>
        %add3A_1390 = arith.addf %scan3A_1291, %mul3A_1389 : vector<16xf32>
        %mul3A_1391 = arith.constant 16 : i32
        %mul3A_1392 = arith.muli %scan3A_1288, %mul3A_1391 : i32
        %get3A_1393 = arith.constant 3 : i32
        %get3A_1394 = arith.index_cast %get3A_1393 : i32 to index
        %get3A_1395 = arith.index_cast %mul3A_1392 : i32 to index
        %get3A_1396 = tpu.vector_load %arg10[%get3A_1394, %get3A_1395] {strides = array<i32>} : memref<56x768xf32, #tpu.memory_space<vmem>>, vector<16xf32>,
        %bitcast_convert_type3A_1397 = tpu.bitcast %get3A_1396 : vector<16xf32> -> vector<16xi32>
        %add3A_1398 = arith.constant 32767 : i32
        %add3A_1399 = vector.broadcast %add3A_1398 : i32 to vector<16xi32>
        %add3A_1400 = arith.addi %bitcast_convert_type3A_1397, %add3A_1399 : vector<16xi32>
        %shift_right_logical3A_1401 = arith.constant 16 : i32
        %shift_right_logical3A_1402 = vector.broadcast %shift_right_logical3A_1401 : i32 to vector<16xi32>
        %shift_right_logical3A_1403 = arith.shrui %bitcast_convert_type3A_1397, %shift_right_logical3A_1402 : vector<16xi32>
        %and3A_1404 = arith.constant 1 : i32
        %and3A_1405 = vector.broadcast %and3A_1404 : i32 to vector<16xi32>
        %and3A_1406 = arith.andi %shift_right_logical3A_1403, %and3A_1405 : vector<16xi32>
        %add3A_1407 = arith.addi %add3A_1400, %and3A_1406 : vector<16xi32>
        %and3A_1408 = arith.constant -65536 : i32
        %and3A_1409 = vector.broadcast %and3A_1408 : i32 to vector<16xi32>
        %and3A_1410 = arith.andi %add3A_1407, %and3A_1409 : vector<16xi32>
        %bitcast_convert_type3A_1411 = tpu.bitcast %and3A_1410 : vector<16xi32> -> vector<16xf32>
        %mul3A_1412 = arith.mulf %bitcast_convert_type3A_1411, %bitcast_convert_type3A_1321 : vector<16xf32>
        %add3A_1413 = arith.addf %scan3A_1292, %mul3A_1412 : vector<16xf32>
        %mul3A_1414 = arith.constant 16 : i32
        %mul3A_1415 = arith.muli %scan3A_1288, %mul3A_1414 : i32
        %get3A_1416 = arith.constant 4 : i32
        %get3A_1417 = arith.index_cast %get3A_1416 : i32 to index
        %get3A_1418 = arith.index_cast %mul3A_1415 : i32 to index
        %get3A_1419 = tpu.vector_load %arg10[%get3A_1417, %get3A_1418] {strides = array<i32>} : memref<56x768xf32, #tpu.memory_space<vmem>>, vector<16xf32>,
        %bitcast_convert_type3A_1420 = tpu.bitcast %get3A_1419 : vector<16xf32> -> vector<16xi32>
        %add3A_1421 = arith.constant 32767 : i32
        %add3A_1422 = vector.broadcast %add3A_1421 : i32 to vector<16xi32>
        %add3A_1423 = arith.addi %bitcast_convert_type3A_1420, %add3A_1422 : vector<16xi32>
        %shift_right_logical3A_1424 = arith.constant 16 : i32
        %shift_right_logical3A_1425 = vector.broadcast %shift_right_logical3A_1424 : i32 to vector<16xi32>
        %shift_right_logical3A_1426 = arith.shrui %bitcast_convert_type3A_1420, %shift_right_logical3A_1425 : vector<16xi32>
        %and3A_1427 = arith.constant 1 : i32
        %and3A_1428 = vector.broadcast %and3A_1427 : i32 to vector<16xi32>
        %and3A_1429 = arith.andi %shift_right_logical3A_1426, %and3A_1428 : vector<16xi32>
        %add3A_1430 = arith.addi %add3A_1423, %and3A_1429 : vector<16xi32>
        %and3A_1431 = arith.constant -65536 : i32
        %and3A_1432 = vector.broadcast %and3A_1431 : i32 to vector<16xi32>
        %and3A_1433 = arith.andi %add3A_1430, %and3A_1432 : vector<16xi32>
        %bitcast_convert_type3A_1434 = tpu.bitcast %and3A_1433 : vector<16xi32> -> vector<16xf32>
        %mul3A_1435 = arith.mulf %bitcast_convert_type3A_1434, %bitcast_convert_type3A_1321 : vector<16xf32>
        %add3A_1436 = arith.addf %scan3A_1293, %mul3A_1435 : vector<16xf32>
        %mul3A_1437 = arith.constant 16 : i32
        %mul3A_1438 = arith.muli %scan3A_1288, %mul3A_1437 : i32
        %get3A_1439 = arith.constant 5 : i32
        %get3A_1440 = arith.index_cast %get3A_1439 : i32 to index
        %get3A_1441 = arith.index_cast %mul3A_1438 : i32 to index
        %get3A_1442 = tpu.vector_load %arg10[%get3A_1440, %get3A_1441] {strides = array<i32>} : memref<56x768xf32, #tpu.memory_space<vmem>>, vector<16xf32>,
        %bitcast_convert_type3A_1443 = tpu.bitcast %get3A_1442 : vector<16xf32> -> vector<16xi32>
        %add3A_1444 = arith.constant 32767 : i32
        %add3A_1445 = vector.broadcast %add3A_1444 : i32 to vector<16xi32>
        %add3A_1446 = arith.addi %bitcast_convert_type3A_1443, %add3A_1445 : vector<16xi32>
        %shift_right_logical3A_1447 = arith.constant 16 : i32
        %shift_right_logical3A_1448 = vector.broadcast %shift_right_logical3A_1447 : i32 to vector<16xi32>
        %shift_right_logical3A_1449 = arith.shrui %bitcast_convert_type3A_1443, %shift_right_logical3A_1448 : vector<16xi32>
        %and3A_1450 = arith.constant 1 : i32
        %and3A_1451 = vector.broadcast %and3A_1450 : i32 to vector<16xi32>
        %and3A_1452 = arith.andi %shift_right_logical3A_1449, %and3A_1451 : vector<16xi32>
        %add3A_1453 = arith.addi %add3A_1446, %and3A_1452 : vector<16xi32>
        %and3A_1454 = arith.constant -65536 : i32
        %and3A_1455 = vector.broadcast %and3A_1454 : i32 to vector<16xi32>
        %and3A_1456 = arith.andi %add3A_1453, %and3A_1455 : vector<16xi32>
        %bitcast_convert_type3A_1457 = tpu.bitcast %and3A_1456 : vector<16xi32> -> vector<16xf32>
        %mul3A_1458 = arith.mulf %bitcast_convert_type3A_1457, %bitcast_convert_type3A_1321 : vector<16xf32>
        %add3A_1459 = arith.addf %scan3A_1294, %mul3A_1458 : vector<16xf32>
        %mul3A_1460 = arith.constant 16 : i32
        %mul3A_1461 = arith.muli %scan3A_1288, %mul3A_1460 : i32
        %get3A_1462 = arith.constant 6 : i32
        %get3A_1463 = arith.index_cast %get3A_1462 : i32 to index
        %get3A_1464 = arith.index_cast %mul3A_1461 : i32 to index
        %get3A_1465 = tpu.vector_load %arg10[%get3A_1463, %get3A_1464] {strides = array<i32>} : memref<56x768xf32, #tpu.memory_space<vmem>>, vector<16xf32>,
        %bitcast_convert_type3A_1466 = tpu.bitcast %get3A_1465 : vector<16xf32> -> vector<16xi32>
        %add3A_1467 = arith.constant 32767 : i32
        %add3A_1468 = vector.broadcast %add3A_1467 : i32 to vector<16xi32>
        %add3A_1469 = arith.addi %bitcast_convert_type3A_1466, %add3A_1468 : vector<16xi32>
        %shift_right_logical3A_1470 = arith.constant 16 : i32
        %shift_right_logical3A_1471 = vector.broadcast %shift_right_logical3A_1470 : i32 to vector<16xi32>
        %shift_right_logical3A_1472 = arith.shrui %bitcast_convert_type3A_1466, %shift_right_logical3A_1471 : vector<16xi32>
        %and3A_1473 = arith.constant 1 : i32
        %and3A_1474 = vector.broadcast %and3A_1473 : i32 to vector<16xi32>
        %and3A_1475 = arith.andi %shift_right_logical3A_1472, %and3A_1474 : vector<16xi32>
        %add3A_1476 = arith.addi %add3A_1469, %and3A_1475 : vector<16xi32>
        %and3A_1477 = arith.constant -65536 : i32
        %and3A_1478 = vector.broadcast %and3A_1477 : i32 to vector<16xi32>
        %and3A_1479 = arith.andi %add3A_1476, %and3A_1478 : vector<16xi32>
        %bitcast_convert_type3A_1480 = tpu.bitcast %and3A_1479 : vector<16xi32> -> vector<16xf32>
        %mul3A_1481 = arith.mulf %bitcast_convert_type3A_1480, %bitcast_convert_type3A_1321 : vector<16xf32>
        %add3A_1482 = arith.addf %scan3A_1295, %mul3A_1481 : vector<16xf32>
        %mul3A_1483 = arith.constant 16 : i32
        %mul3A_1484 = arith.muli %scan3A_1288, %mul3A_1483 : i32
        %get3A_1485 = arith.constant 7 : i32
        %get3A_1486 = arith.index_cast %get3A_1485 : i32 to index
        %get3A_1487 = arith.index_cast %mul3A_1484 : i32 to index
        %get3A_1488 = tpu.vector_load %arg10[%get3A_1486, %get3A_1487] {strides = array<i32>} : memref<56x768xf32, #tpu.memory_space<vmem>>, vector<16xf32>,
        %bitcast_convert_type3A_1489 = tpu.bitcast %get3A_1488 : vector<16xf32> -> vector<16xi32>
        %add3A_1490 = arith.constant 32767 : i32
        %add3A_1491 = vector.broadcast %add3A_1490 : i32 to vector<16xi32>
        %add3A_1492 = arith.addi %bitcast_convert_type3A_1489, %add3A_1491 : vector<16xi32>
        %shift_right_logical3A_1493 = arith.constant 16 : i32
        %shift_right_logical3A_1494 = vector.broadcast %shift_right_logical3A_1493 : i32 to vector<16xi32>
        %shift_right_logical3A_1495 = arith.shrui %bitcast_convert_type3A_1489, %shift_right_logical3A_1494 : vector<16xi32>
        %and3A_1496 = arith.constant 1 : i32
        %and3A_1497 = vector.broadcast %and3A_1496 : i32 to vector<16xi32>
        %and3A_1498 = arith.andi %shift_right_logical3A_1495, %and3A_1497 : vector<16xi32>
        %add3A_1499 = arith.addi %add3A_1492, %and3A_1498 : vector<16xi32>
        %and3A_1500 = arith.constant -65536 : i32
        %and3A_1501 = vector.broadcast %and3A_1500 : i32 to vector<16xi32>
        %and3A_1502 = arith.andi %add3A_1499, %and3A_1501 : vector<16xi32>
        %bitcast_convert_type3A_1503 = tpu.bitcast %and3A_1502 : vector<16xi32> -> vector<16xf32>
        %mul3A_1504 = arith.mulf %bitcast_convert_type3A_1503, %bitcast_convert_type3A_1321 : vector<16xf32>
        %add3A_1505 = arith.addf %scan3A_1296, %mul3A_1504 : vector<16xf32>
        %mul3A_1506 = arith.constant 16 : i32
        %mul3A_1507 = arith.muli %scan3A_1288, %mul3A_1506 : i32
        %get3A_1508 = arith.constant 8 : i32
        %get3A_1509 = arith.index_cast %get3A_1508 : i32 to index
        %get3A_1510 = arith.index_cast %mul3A_1507 : i32 to index
        %get3A_1511 = tpu.vector_load %arg10[%get3A_1509, %get3A_1510] {strides = array<i32>} : memref<56x768xf32, #tpu.memory_space<vmem>>, vector<16xf32>,
        %bitcast_convert_type3A_1512 = tpu.bitcast %get3A_1511 : vector<16xf32> -> vector<16xi32>
        %add3A_1513 = arith.constant 32767 : i32
        %add3A_1514 = vector.broadcast %add3A_1513 : i32 to vector<16xi32>
        %add3A_1515 = arith.addi %bitcast_convert_type3A_1512, %add3A_1514 : vector<16xi32>
        %shift_right_logical3A_1516 = arith.constant 16 : i32
        %shift_right_logical3A_1517 = vector.broadcast %shift_right_logical3A_1516 : i32 to vector<16xi32>
        %shift_right_logical3A_1518 = arith.shrui %bitcast_convert_type3A_1512, %shift_right_logical3A_1517 : vector<16xi32>
        %and3A_1519 = arith.constant 1 : i32
        %and3A_1520 = vector.broadcast %and3A_1519 : i32 to vector<16xi32>
        %and3A_1521 = arith.andi %shift_right_logical3A_1518, %and3A_1520 : vector<16xi32>
        %add3A_1522 = arith.addi %add3A_1515, %and3A_1521 : vector<16xi32>
        %and3A_1523 = arith.constant -65536 : i32
        %and3A_1524 = vector.broadcast %and3A_1523 : i32 to vector<16xi32>
        %and3A_1525 = arith.andi %add3A_1522, %and3A_1524 : vector<16xi32>
        %bitcast_convert_type3A_1526 = tpu.bitcast %and3A_1525 : vector<16xi32> -> vector<16xf32>
        %mul3A_1527 = arith.mulf %bitcast_convert_type3A_1526, %bitcast_convert_type3A_1321 : vector<16xf32>
        %add3A_1528 = arith.addf %scan3A_1297, %mul3A_1527 : vector<16xf32>
        %mul3A_1529 = arith.constant 16 : i32
        %mul3A_1530 = arith.muli %scan3A_1288, %mul3A_1529 : i32
        %get3A_1531 = arith.constant 9 : i32
        %get3A_1532 = arith.index_cast %get3A_1531 : i32 to index
        %get3A_1533 = arith.index_cast %mul3A_1530 : i32 to index
        %get3A_1534 = tpu.vector_load %arg10[%get3A_1532, %get3A_1533] {strides = array<i32>} : memref<56x768xf32, #tpu.memory_space<vmem>>, vector<16xf32>,
        %bitcast_convert_type3A_1535 = tpu.bitcast %get3A_1534 : vector<16xf32> -> vector<16xi32>
        %add3A_1536 = arith.constant 32767 : i32
        %add3A_1537 = vector.broadcast %add3A_1536 : i32 to vector<16xi32>
        %add3A_1538 = arith.addi %bitcast_convert_type3A_1535, %add3A_1537 : vector<16xi32>
        %shift_right_logical3A_1539 = arith.constant 16 : i32
        %shift_right_logical3A_1540 = vector.broadcast %shift_right_logical3A_1539 : i32 to vector<16xi32>
        %shift_right_logical3A_1541 = arith.shrui %bitcast_convert_type3A_1535, %shift_right_logical3A_1540 : vector<16xi32>
        %and3A_1542 = arith.constant 1 : i32
        %and3A_1543 = vector.broadcast %and3A_1542 : i32 to vector<16xi32>
        %and3A_1544 = arith.andi %shift_right_logical3A_1541, %and3A_1543 : vector<16xi32>
        %add3A_1545 = arith.addi %add3A_1538, %and3A_1544 : vector<16xi32>
        %and3A_1546 = arith.constant -65536 : i32
        %and3A_1547 = vector.broadcast %and3A_1546 : i32 to vector<16xi32>
        %and3A_1548 = arith.andi %add3A_1545, %and3A_1547 : vector<16xi32>
        %bitcast_convert_type3A_1549 = tpu.bitcast %and3A_1548 : vector<16xi32> -> vector<16xf32>
        %mul3A_1550 = arith.mulf %bitcast_convert_type3A_1549, %bitcast_convert_type3A_1321 : vector<16xf32>
        %add3A_1551 = arith.addf %scan3A_1298, %mul3A_1550 : vector<16xf32>
        %mul3A_1552 = arith.constant 16 : i32
        %mul3A_1553 = arith.muli %scan3A_1288, %mul3A_1552 : i32
        %get3A_1554 = arith.constant 10 : i32
        %get3A_1555 = arith.index_cast %get3A_1554 : i32 to index
        %get3A_1556 = arith.index_cast %mul3A_1553 : i32 to index
        %get3A_1557 = tpu.vector_load %arg10[%get3A_1555, %get3A_1556] {strides = array<i32>} : memref<56x768xf32, #tpu.memory_space<vmem>>, vector<16xf32>,
        %bitcast_convert_type3A_1558 = tpu.bitcast %get3A_1557 : vector<16xf32> -> vector<16xi32>
        %add3A_1559 = arith.constant 32767 : i32
        %add3A_1560 = vector.broadcast %add3A_1559 : i32 to vector<16xi32>
        %add3A_1561 = arith.addi %bitcast_convert_type3A_1558, %add3A_1560 : vector<16xi32>
        %shift_right_logical3A_1562 = arith.constant 16 : i32
        %shift_right_logical3A_1563 = vector.broadcast %shift_right_logical3A_1562 : i32 to vector<16xi32>
        %shift_right_logical3A_1564 = arith.shrui %bitcast_convert_type3A_1558, %shift_right_logical3A_1563 : vector<16xi32>
        %and3A_1565 = arith.constant 1 : i32
        %and3A_1566 = vector.broadcast %and3A_1565 : i32 to vector<16xi32>
        %and3A_1567 = arith.andi %shift_right_logical3A_1564, %and3A_1566 : vector<16xi32>
        %add3A_1568 = arith.addi %add3A_1561, %and3A_1567 : vector<16xi32>
        %and3A_1569 = arith.constant -65536 : i32
        %and3A_1570 = vector.broadcast %and3A_1569 : i32 to vector<16xi32>
        %and3A_1571 = arith.andi %add3A_1568, %and3A_1570 : vector<16xi32>
        %bitcast_convert_type3A_1572 = tpu.bitcast %and3A_1571 : vector<16xi32> -> vector<16xf32>
        %mul3A_1573 = arith.mulf %bitcast_convert_type3A_1572, %bitcast_convert_type3A_1321 : vector<16xf32>
        %add3A_1574 = arith.addf %scan3A_1299, %mul3A_1573 : vector<16xf32>
        %mul3A_1575 = arith.constant 16 : i32
        %mul3A_1576 = arith.muli %scan3A_1288, %mul3A_1575 : i32
        %get3A_1577 = arith.constant 11 : i32
        %get3A_1578 = arith.index_cast %get3A_1577 : i32 to index
        %get3A_1579 = arith.index_cast %mul3A_1576 : i32 to index
        %get3A_1580 = tpu.vector_load %arg10[%get3A_1578, %get3A_1579] {strides = array<i32>} : memref<56x768xf32, #tpu.memory_space<vmem>>, vector<16xf32>,
        %bitcast_convert_type3A_1581 = tpu.bitcast %get3A_1580 : vector<16xf32> -> vector<16xi32>
        %add3A_1582 = arith.constant 32767 : i32
        %add3A_1583 = vector.broadcast %add3A_1582 : i32 to vector<16xi32>
        %add3A_1584 = arith.addi %bitcast_convert_type3A_1581, %add3A_1583 : vector<16xi32>
        %shift_right_logical3A_1585 = arith.constant 16 : i32
        %shift_right_logical3A_1586 = vector.broadcast %shift_right_logical3A_1585 : i32 to vector<16xi32>
        %shift_right_logical3A_1587 = arith.shrui %bitcast_convert_type3A_1581, %shift_right_logical3A_1586 : vector<16xi32>
        %and3A_1588 = arith.constant 1 : i32
        %and3A_1589 = vector.broadcast %and3A_1588 : i32 to vector<16xi32>
        %and3A_1590 = arith.andi %shift_right_logical3A_1587, %and3A_1589 : vector<16xi32>
        %add3A_1591 = arith.addi %add3A_1584, %and3A_1590 : vector<16xi32>
        %and3A_1592 = arith.constant -65536 : i32
        %and3A_1593 = vector.broadcast %and3A_1592 : i32 to vector<16xi32>
        %and3A_1594 = arith.andi %add3A_1591, %and3A_1593 : vector<16xi32>
        %bitcast_convert_type3A_1595 = tpu.bitcast %and3A_1594 : vector<16xi32> -> vector<16xf32>
        %mul3A_1596 = arith.mulf %bitcast_convert_type3A_1595, %bitcast_convert_type3A_1321 : vector<16xf32>
        %add3A_1597 = arith.addf %scan3A_1300, %mul3A_1596 : vector<16xf32>
        %mul3A_1598 = arith.constant 16 : i32
        %mul3A_1599 = arith.muli %scan3A_1288, %mul3A_1598 : i32
        %get3A_1600 = arith.constant 12 : i32
        %get3A_1601 = arith.index_cast %get3A_1600 : i32 to index
        %get3A_1602 = arith.index_cast %mul3A_1599 : i32 to index
        %get3A_1603 = tpu.vector_load %arg10[%get3A_1601, %get3A_1602] {strides = array<i32>} : memref<56x768xf32, #tpu.memory_space<vmem>>, vector<16xf32>,
        %bitcast_convert_type3A_1604 = tpu.bitcast %get3A_1603 : vector<16xf32> -> vector<16xi32>
        %add3A_1605 = arith.constant 32767 : i32
        %add3A_1606 = vector.broadcast %add3A_1605 : i32 to vector<16xi32>
        %add3A_1607 = arith.addi %bitcast_convert_type3A_1604, %add3A_1606 : vector<16xi32>
        %shift_right_logical3A_1608 = arith.constant 16 : i32
        %shift_right_logical3A_1609 = vector.broadcast %shift_right_logical3A_1608 : i32 to vector<16xi32>
        %shift_right_logical3A_1610 = arith.shrui %bitcast_convert_type3A_1604, %shift_right_logical3A_1609 : vector<16xi32>
        %and3A_1611 = arith.constant 1 : i32
        %and3A_1612 = vector.broadcast %and3A_1611 : i32 to vector<16xi32>
        %and3A_1613 = arith.andi %shift_right_logical3A_1610, %and3A_1612 : vector<16xi32>
        %add3A_1614 = arith.addi %add3A_1607, %and3A_1613 : vector<16xi32>
        %and3A_1615 = arith.constant -65536 : i32
        %and3A_1616 = vector.broadcast %and3A_1615 : i32 to vector<16xi32>
        %and3A_1617 = arith.andi %add3A_1614, %and3A_1616 : vector<16xi32>
        %bitcast_convert_type3A_1618 = tpu.bitcast %and3A_1617 : vector<16xi32> -> vector<16xf32>
        %mul3A_1619 = arith.mulf %bitcast_convert_type3A_1618, %bitcast_convert_type3A_1321 : vector<16xf32>
        %add3A_1620 = arith.addf %scan3A_1301, %mul3A_1619 : vector<16xf32>
        %mul3A_1621 = arith.constant 16 : i32
        %mul3A_1622 = arith.muli %scan3A_1288, %mul3A_1621 : i32
        %get3A_1623 = arith.constant 13 : i32
        %get3A_1624 = arith.index_cast %get3A_1623 : i32 to index
        %get3A_1625 = arith.index_cast %mul3A_1622 : i32 to index
        %get3A_1626 = tpu.vector_load %arg10[%get3A_1624, %get3A_1625] {strides = array<i32>} : memref<56x768xf32, #tpu.memory_space<vmem>>, vector<16xf32>,
        %bitcast_convert_type3A_1627 = tpu.bitcast %get3A_1626 : vector<16xf32> -> vector<16xi32>
        %add3A_1628 = arith.constant 32767 : i32
        %add3A_1629 = vector.broadcast %add3A_1628 : i32 to vector<16xi32>
        %add3A_1630 = arith.addi %bitcast_convert_type3A_1627, %add3A_1629 : vector<16xi32>
        %shift_right_logical3A_1631 = arith.constant 16 : i32
        %shift_right_logical3A_1632 = vector.broadcast %shift_right_logical3A_1631 : i32 to vector<16xi32>
        %shift_right_logical3A_1633 = arith.shrui %bitcast_convert_type3A_1627, %shift_right_logical3A_1632 : vector<16xi32>
        %and3A_1634 = arith.constant 1 : i32
        %and3A_1635 = vector.broadcast %and3A_1634 : i32 to vector<16xi32>
        %and3A_1636 = arith.andi %shift_right_logical3A_1633, %and3A_1635 : vector<16xi32>
        %add3A_1637 = arith.addi %add3A_1630, %and3A_1636 : vector<16xi32>
        %and3A_1638 = arith.constant -65536 : i32
        %and3A_1639 = vector.broadcast %and3A_1638 : i32 to vector<16xi32>
        %and3A_1640 = arith.andi %add3A_1637, %and3A_1639 : vector<16xi32>
        %bitcast_convert_type3A_1641 = tpu.bitcast %and3A_1640 : vector<16xi32> -> vector<16xf32>
        %mul3A_1642 = arith.mulf %bitcast_convert_type3A_1641, %bitcast_convert_type3A_1321 : vector<16xf32>
        %add3A_1643 = arith.addf %scan3A_1302, %mul3A_1642 : vector<16xf32>
        %mul3A_1644 = arith.constant 16 : i32
        %mul3A_1645 = arith.muli %scan3A_1288, %mul3A_1644 : i32
        %get3A_1646 = arith.constant 14 : i32
        %get3A_1647 = arith.index_cast %get3A_1646 : i32 to index
        %get3A_1648 = arith.index_cast %mul3A_1645 : i32 to index
        %get3A_1649 = tpu.vector_load %arg10[%get3A_1647, %get3A_1648] {strides = array<i32>} : memref<56x768xf32, #tpu.memory_space<vmem>>, vector<16xf32>,
        %bitcast_convert_type3A_1650 = tpu.bitcast %get3A_1649 : vector<16xf32> -> vector<16xi32>
        %add3A_1651 = arith.constant 32767 : i32
        %add3A_1652 = vector.broadcast %add3A_1651 : i32 to vector<16xi32>
        %add3A_1653 = arith.addi %bitcast_convert_type3A_1650, %add3A_1652 : vector<16xi32>
        %shift_right_logical3A_1654 = arith.constant 16 : i32
        %shift_right_logical3A_1655 = vector.broadcast %shift_right_logical3A_1654 : i32 to vector<16xi32>
        %shift_right_logical3A_1656 = arith.shrui %bitcast_convert_type3A_1650, %shift_right_logical3A_1655 : vector<16xi32>
        %and3A_1657 = arith.constant 1 : i32
        %and3A_1658 = vector.broadcast %and3A_1657 : i32 to vector<16xi32>
        %and3A_1659 = arith.andi %shift_right_logical3A_1656, %and3A_1658 : vector<16xi32>
        %add3A_1660 = arith.addi %add3A_1653, %and3A_1659 : vector<16xi32>
        %and3A_1661 = arith.constant -65536 : i32
        %and3A_1662 = vector.broadcast %and3A_1661 : i32 to vector<16xi32>
        %and3A_1663 = arith.andi %add3A_1660, %and3A_1662 : vector<16xi32>
        %bitcast_convert_type3A_1664 = tpu.bitcast %and3A_1663 : vector<16xi32> -> vector<16xf32>
        %mul3A_1665 = arith.mulf %bitcast_convert_type3A_1664, %bitcast_convert_type3A_1321 : vector<16xf32>
        %add3A_1666 = arith.addf %scan3A_1303, %mul3A_1665 : vector<16xf32>
        %mul3A_1667 = arith.constant 16 : i32
        %mul3A_1668 = arith.muli %scan3A_1288, %mul3A_1667 : i32
        %get3A_1669 = arith.constant 15 : i32
        %get3A_1670 = arith.index_cast %get3A_1669 : i32 to index
        %get3A_1671 = arith.index_cast %mul3A_1668 : i32 to index
        %get3A_1672 = tpu.vector_load %arg10[%get3A_1670, %get3A_1671] {strides = array<i32>} : memref<56x768xf32, #tpu.memory_space<vmem>>, vector<16xf32>,
        %bitcast_convert_type3A_1673 = tpu.bitcast %get3A_1672 : vector<16xf32> -> vector<16xi32>
        %add3A_1674 = arith.constant 32767 : i32
        %add3A_1675 = vector.broadcast %add3A_1674 : i32 to vector<16xi32>
        %add3A_1676 = arith.addi %bitcast_convert_type3A_1673, %add3A_1675 : vector<16xi32>
        %shift_right_logical3A_1677 = arith.constant 16 : i32
        %shift_right_logical3A_1678 = vector.broadcast %shift_right_logical3A_1677 : i32 to vector<16xi32>
        %shift_right_logical3A_1679 = arith.shrui %bitcast_convert_type3A_1673, %shift_right_logical3A_1678 : vector<16xi32>
        %and3A_1680 = arith.constant 1 : i32
        %and3A_1681 = vector.broadcast %and3A_1680 : i32 to vector<16xi32>
        %and3A_1682 = arith.andi %shift_right_logical3A_1679, %and3A_1681 : vector<16xi32>
        %add3A_1683 = arith.addi %add3A_1676, %and3A_1682 : vector<16xi32>
        %and3A_1684 = arith.constant -65536 : i32
        %and3A_1685 = vector.broadcast %and3A_1684 : i32 to vector<16xi32>
        %and3A_1686 = arith.andi %add3A_1683, %and3A_1685 : vector<16xi32>
        %bitcast_convert_type3A_1687 = tpu.bitcast %and3A_1686 : vector<16xi32> -> vector<16xf32>
        %mul3A_1688 = arith.mulf %bitcast_convert_type3A_1687, %bitcast_convert_type3A_1321 : vector<16xf32>
        %add3A_1689 = arith.addf %scan3A_1304, %mul3A_1688 : vector<16xf32>
        scf.yield %add3A_1344, %add3A_1367, %add3A_1390, %add3A_1413, %add3A_1436, %add3A_1459, %add3A_1482, %add3A_1505, %add3A_1528, %add3A_1551, %add3A_1574, %add3A_1597, %add3A_1620, %add3A_1643, %add3A_1666, %add3A_1689 : vector<16xf32>, vector<16xf32>, vector<16xf32>, vector<16xf32>, vector<16xf32>, vector<16xf32>, vector<16xf32>, vector<16xf32>, vector<16xf32>, vector<16xf32>, vector<16xf32>, vector<16xf32>, vector<16xf32>, vector<16xf32>, vector<16xf32>, vector<16xf32>
      }
      %scan3A_714 = arith.constant 48 : i32
      %get3A_715 = arith.constant 0 : index
      %get3A_716 = tpu.vector_load %arg12[%get3A_715] {strides = array<i32>} : memref<64xf32, #tpu.memory_space<vmem>>, vector<16xf32>,
      %broadcast_in_dim3A_717 = arith.constant 0.000000e+00 : f32
      %broadcast_in_dim3A_718 = vector.broadcast %broadcast_in_dim3A_717 : f32 to vector<16xf32>
      %eq3A_719 = arith.constant 0 : i32
      %eq3A_720 = vector.broadcast %eq3A_719 : i32 to vector<16xi32>
      %eq3A_721 = arith.cmpi eq, %iota3A, %eq3A_720 : vector<16xi32>
      %reduce_sum3A_722 = arith.constant true
      %reduce_sum3A_723 = vector.broadcast %reduce_sum3A_722 : i1 to vector<16xi1>
      %reduce_sum3A_724 = tpu.scan <sum>, %scan3A_713#0 masked %reduce_sum3A_723 : vector<16xf32>, vector<16xi1> -> vector<16xf32>
      %reduce_sum3A_725 = vector.extract %reduce_sum3A_724[15] : f32 from vector<16xf32>
      %broadcast_in_dim3A_726 = vector.broadcast %reduce_sum3A_725 : f32 to vector<16xf32>
      %select_n3A_727 = arith.select %eq3A_721, %broadcast_in_dim3A_726, %broadcast_in_dim3A_718 : vector<16xi1>, vector<16xf32>
      %eq3A_728 = arith.constant 1 : i32
      %eq3A_729 = vector.broadcast %eq3A_728 : i32 to vector<16xi32>
      %eq3A_730 = arith.cmpi eq, %iota3A, %eq3A_729 : vector<16xi32>
      %reduce_sum3A_731 = arith.constant true
      %reduce_sum3A_732 = vector.broadcast %reduce_sum3A_731 : i1 to vector<16xi1>
      %reduce_sum3A_733 = tpu.scan <sum>, %scan3A_713#1 masked %reduce_sum3A_732 : vector<16xf32>, vector<16xi1> -> vector<16xf32>
      %reduce_sum3A_734 = vector.extract %reduce_sum3A_733[15] : f32 from vector<16xf32>
      %broadcast_in_dim3A_735 = vector.broadcast %reduce_sum3A_734 : f32 to vector<16xf32>
      %select_n3A_736 = arith.select %eq3A_730, %broadcast_in_dim3A_735, %select_n3A_727 : vector<16xi1>, vector<16xf32>
      %eq3A_737 = arith.constant 2 : i32
      %eq3A_738 = vector.broadcast %eq3A_737 : i32 to vector<16xi32>
      %eq3A_739 = arith.cmpi eq, %iota3A, %eq3A_738 : vector<16xi32>
      %reduce_sum3A_740 = arith.constant true
      %reduce_sum3A_741 = vector.broadcast %reduce_sum3A_740 : i1 to vector<16xi1>
      %reduce_sum3A_742 = tpu.scan <sum>, %scan3A_713#2 masked %reduce_sum3A_741 : vector<16xf32>, vector<16xi1> -> vector<16xf32>
      %reduce_sum3A_743 = vector.extract %reduce_sum3A_742[15] : f32 from vector<16xf32>
      %broadcast_in_dim3A_744 = vector.broadcast %reduce_sum3A_743 : f32 to vector<16xf32>
      %select_n3A_745 = arith.select %eq3A_739, %broadcast_in_dim3A_744, %select_n3A_736 : vector<16xi1>, vector<16xf32>
      %eq3A_746 = arith.constant 3 : i32
      %eq3A_747 = vector.broadcast %eq3A_746 : i32 to vector<16xi32>
      %eq3A_748 = arith.cmpi eq, %iota3A, %eq3A_747 : vector<16xi32>
      %reduce_sum3A_749 = arith.constant true
      %reduce_sum3A_750 = vector.broadcast %reduce_sum3A_749 : i1 to vector<16xi1>
      %reduce_sum3A_751 = tpu.scan <sum>, %scan3A_713#3 masked %reduce_sum3A_750 : vector<16xf32>, vector<16xi1> -> vector<16xf32>
      %reduce_sum3A_752 = vector.extract %reduce_sum3A_751[15] : f32 from vector<16xf32>
      %broadcast_in_dim3A_753 = vector.broadcast %reduce_sum3A_752 : f32 to vector<16xf32>
      %select_n3A_754 = arith.select %eq3A_748, %broadcast_in_dim3A_753, %select_n3A_745 : vector<16xi1>, vector<16xf32>
      %eq3A_755 = arith.constant 4 : i32
      %eq3A_756 = vector.broadcast %eq3A_755 : i32 to vector<16xi32>
      %eq3A_757 = arith.cmpi eq, %iota3A, %eq3A_756 : vector<16xi32>
      %reduce_sum3A_758 = arith.constant true
      %reduce_sum3A_759 = vector.broadcast %reduce_sum3A_758 : i1 to vector<16xi1>
      %reduce_sum3A_760 = tpu.scan <sum>, %scan3A_713#4 masked %reduce_sum3A_759 : vector<16xf32>, vector<16xi1> -> vector<16xf32>
      %reduce_sum3A_761 = vector.extract %reduce_sum3A_760[15] : f32 from vector<16xf32>
      %broadcast_in_dim3A_762 = vector.broadcast %reduce_sum3A_761 : f32 to vector<16xf32>
      %select_n3A_763 = arith.select %eq3A_757, %broadcast_in_dim3A_762, %select_n3A_754 : vector<16xi1>, vector<16xf32>
      %eq3A_764 = arith.constant 5 : i32
      %eq3A_765 = vector.broadcast %eq3A_764 : i32 to vector<16xi32>
      %eq3A_766 = arith.cmpi eq, %iota3A, %eq3A_765 : vector<16xi32>
      %reduce_sum3A_767 = arith.constant true
      %reduce_sum3A_768 = vector.broadcast %reduce_sum3A_767 : i1 to vector<16xi1>
      %reduce_sum3A_769 = tpu.scan <sum>, %scan3A_713#5 masked %reduce_sum3A_768 : vector<16xf32>, vector<16xi1> -> vector<16xf32>
      %reduce_sum3A_770 = vector.extract %reduce_sum3A_769[15] : f32 from vector<16xf32>
      %broadcast_in_dim3A_771 = vector.broadcast %reduce_sum3A_770 : f32 to vector<16xf32>
      %select_n3A_772 = arith.select %eq3A_766, %broadcast_in_dim3A_771, %select_n3A_763 : vector<16xi1>, vector<16xf32>
      %eq3A_773 = arith.constant 6 : i32
      %eq3A_774 = vector.broadcast %eq3A_773 : i32 to vector<16xi32>
      %eq3A_775 = arith.cmpi eq, %iota3A, %eq3A_774 : vector<16xi32>
      %reduce_sum3A_776 = arith.constant true
      %reduce_sum3A_777 = vector.broadcast %reduce_sum3A_776 : i1 to vector<16xi1>
      %reduce_sum3A_778 = tpu.scan <sum>, %scan3A_713#6 masked %reduce_sum3A_777 : vector<16xf32>, vector<16xi1> -> vector<16xf32>
      %reduce_sum3A_779 = vector.extract %reduce_sum3A_778[15] : f32 from vector<16xf32>
      %broadcast_in_dim3A_780 = vector.broadcast %reduce_sum3A_779 : f32 to vector<16xf32>
      %select_n3A_781 = arith.select %eq3A_775, %broadcast_in_dim3A_780, %select_n3A_772 : vector<16xi1>, vector<16xf32>
      %eq3A_782 = arith.constant 7 : i32
      %eq3A_783 = vector.broadcast %eq3A_782 : i32 to vector<16xi32>
      %eq3A_784 = arith.cmpi eq, %iota3A, %eq3A_783 : vector<16xi32>
      %reduce_sum3A_785 = arith.constant true
      %reduce_sum3A_786 = vector.broadcast %reduce_sum3A_785 : i1 to vector<16xi1>
      %reduce_sum3A_787 = tpu.scan <sum>, %scan3A_713#7 masked %reduce_sum3A_786 : vector<16xf32>, vector<16xi1> -> vector<16xf32>
      %reduce_sum3A_788 = vector.extract %reduce_sum3A_787[15] : f32 from vector<16xf32>
      %broadcast_in_dim3A_789 = vector.broadcast %reduce_sum3A_788 : f32 to vector<16xf32>
      %select_n3A_790 = arith.select %eq3A_784, %broadcast_in_dim3A_789, %select_n3A_781 : vector<16xi1>, vector<16xf32>
      %eq3A_791 = arith.constant 8 : i32
      %eq3A_792 = vector.broadcast %eq3A_791 : i32 to vector<16xi32>
      %eq3A_793 = arith.cmpi eq, %iota3A, %eq3A_792 : vector<16xi32>
      %reduce_sum3A_794 = arith.constant true
      %reduce_sum3A_795 = vector.broadcast %reduce_sum3A_794 : i1 to vector<16xi1>
      %reduce_sum3A_796 = tpu.scan <sum>, %scan3A_713#8 masked %reduce_sum3A_795 : vector<16xf32>, vector<16xi1> -> vector<16xf32>
      %reduce_sum3A_797 = vector.extract %reduce_sum3A_796[15] : f32 from vector<16xf32>
      %broadcast_in_dim3A_798 = vector.broadcast %reduce_sum3A_797 : f32 to vector<16xf32>
      %select_n3A_799 = arith.select %eq3A_793, %broadcast_in_dim3A_798, %select_n3A_790 : vector<16xi1>, vector<16xf32>
      %eq3A_800 = arith.constant 9 : i32
      %eq3A_801 = vector.broadcast %eq3A_800 : i32 to vector<16xi32>
      %eq3A_802 = arith.cmpi eq, %iota3A, %eq3A_801 : vector<16xi32>
      %reduce_sum3A_803 = arith.constant true
      %reduce_sum3A_804 = vector.broadcast %reduce_sum3A_803 : i1 to vector<16xi1>
      %reduce_sum3A_805 = tpu.scan <sum>, %scan3A_713#9 masked %reduce_sum3A_804 : vector<16xf32>, vector<16xi1> -> vector<16xf32>
      %reduce_sum3A_806 = vector.extract %reduce_sum3A_805[15] : f32 from vector<16xf32>
      %broadcast_in_dim3A_807 = vector.broadcast %reduce_sum3A_806 : f32 to vector<16xf32>
      %select_n3A_808 = arith.select %eq3A_802, %broadcast_in_dim3A_807, %select_n3A_799 : vector<16xi1>, vector<16xf32>
      %eq3A_809 = arith.constant 10 : i32
      %eq3A_810 = vector.broadcast %eq3A_809 : i32 to vector<16xi32>
      %eq3A_811 = arith.cmpi eq, %iota3A, %eq3A_810 : vector<16xi32>
      %reduce_sum3A_812 = arith.constant true
      %reduce_sum3A_813 = vector.broadcast %reduce_sum3A_812 : i1 to vector<16xi1>
      %reduce_sum3A_814 = tpu.scan <sum>, %scan3A_713#10 masked %reduce_sum3A_813 : vector<16xf32>, vector<16xi1> -> vector<16xf32>
      %reduce_sum3A_815 = vector.extract %reduce_sum3A_814[15] : f32 from vector<16xf32>
      %broadcast_in_dim3A_816 = vector.broadcast %reduce_sum3A_815 : f32 to vector<16xf32>
      %select_n3A_817 = arith.select %eq3A_811, %broadcast_in_dim3A_816, %select_n3A_808 : vector<16xi1>, vector<16xf32>
      %eq3A_818 = arith.constant 11 : i32
      %eq3A_819 = vector.broadcast %eq3A_818 : i32 to vector<16xi32>
      %eq3A_820 = arith.cmpi eq, %iota3A, %eq3A_819 : vector<16xi32>
      %reduce_sum3A_821 = arith.constant true
      %reduce_sum3A_822 = vector.broadcast %reduce_sum3A_821 : i1 to vector<16xi1>
      %reduce_sum3A_823 = tpu.scan <sum>, %scan3A_713#11 masked %reduce_sum3A_822 : vector<16xf32>, vector<16xi1> -> vector<16xf32>
      %reduce_sum3A_824 = vector.extract %reduce_sum3A_823[15] : f32 from vector<16xf32>
      %broadcast_in_dim3A_825 = vector.broadcast %reduce_sum3A_824 : f32 to vector<16xf32>
      %select_n3A_826 = arith.select %eq3A_820, %broadcast_in_dim3A_825, %select_n3A_817 : vector<16xi1>, vector<16xf32>
      %eq3A_827 = arith.constant 12 : i32
      %eq3A_828 = vector.broadcast %eq3A_827 : i32 to vector<16xi32>
      %eq3A_829 = arith.cmpi eq, %iota3A, %eq3A_828 : vector<16xi32>
      %reduce_sum3A_830 = arith.constant true
      %reduce_sum3A_831 = vector.broadcast %reduce_sum3A_830 : i1 to vector<16xi1>
      %reduce_sum3A_832 = tpu.scan <sum>, %scan3A_713#12 masked %reduce_sum3A_831 : vector<16xf32>, vector<16xi1> -> vector<16xf32>
      %reduce_sum3A_833 = vector.extract %reduce_sum3A_832[15] : f32 from vector<16xf32>
      %broadcast_in_dim3A_834 = vector.broadcast %reduce_sum3A_833 : f32 to vector<16xf32>
      %select_n3A_835 = arith.select %eq3A_829, %broadcast_in_dim3A_834, %select_n3A_826 : vector<16xi1>, vector<16xf32>
      %eq3A_836 = arith.constant 13 : i32
      %eq3A_837 = vector.broadcast %eq3A_836 : i32 to vector<16xi32>
      %eq3A_838 = arith.cmpi eq, %iota3A, %eq3A_837 : vector<16xi32>
      %reduce_sum3A_839 = arith.constant true
      %reduce_sum3A_840 = vector.broadcast %reduce_sum3A_839 : i1 to vector<16xi1>
      %reduce_sum3A_841 = tpu.scan <sum>, %scan3A_713#13 masked %reduce_sum3A_840 : vector<16xf32>, vector<16xi1> -> vector<16xf32>
      %reduce_sum3A_842 = vector.extract %reduce_sum3A_841[15] : f32 from vector<16xf32>
      %broadcast_in_dim3A_843 = vector.broadcast %reduce_sum3A_842 : f32 to vector<16xf32>
      %select_n3A_844 = arith.select %eq3A_838, %broadcast_in_dim3A_843, %select_n3A_835 : vector<16xi1>, vector<16xf32>
      %eq3A_845 = arith.constant 14 : i32
      %eq3A_846 = vector.broadcast %eq3A_845 : i32 to vector<16xi32>
      %eq3A_847 = arith.cmpi eq, %iota3A, %eq3A_846 : vector<16xi32>
      %reduce_sum3A_848 = arith.constant true
      %reduce_sum3A_849 = vector.broadcast %reduce_sum3A_848 : i1 to vector<16xi1>
      %reduce_sum3A_850 = tpu.scan <sum>, %scan3A_713#14 masked %reduce_sum3A_849 : vector<16xf32>, vector<16xi1> -> vector<16xf32>
      %reduce_sum3A_851 = vector.extract %reduce_sum3A_850[15] : f32 from vector<16xf32>
      %broadcast_in_dim3A_852 = vector.broadcast %reduce_sum3A_851 : f32 to vector<16xf32>
      %select_n3A_853 = arith.select %eq3A_847, %broadcast_in_dim3A_852, %select_n3A_844 : vector<16xi1>, vector<16xf32>
      %eq3A_854 = arith.constant 15 : i32
      %eq3A_855 = vector.broadcast %eq3A_854 : i32 to vector<16xi32>
      %eq3A_856 = arith.cmpi eq, %iota3A, %eq3A_855 : vector<16xi32>
      %reduce_sum3A_857 = arith.constant true
      %reduce_sum3A_858 = vector.broadcast %reduce_sum3A_857 : i1 to vector<16xi1>
      %reduce_sum3A_859 = tpu.scan <sum>, %scan3A_713#15 masked %reduce_sum3A_858 : vector<16xf32>, vector<16xi1> -> vector<16xf32>
      %reduce_sum3A_860 = vector.extract %reduce_sum3A_859[15] : f32 from vector<16xf32>
      %broadcast_in_dim3A_861 = vector.broadcast %reduce_sum3A_860 : f32 to vector<16xf32>
      %select_n3A_862 = arith.select %eq3A_856, %broadcast_in_dim3A_861, %select_n3A_853 : vector<16xi1>, vector<16xf32>
      %add3A_863 = arith.addf %select_n3A_862, %get3A_716 : vector<16xf32>
      %swap3A_864 = arith.index_cast %add3A_676 : i32 to index
      %swap3A_865 = arith.constant 0 : index
      %swap3A_866 = tpu.vector_load %arg13[%swap3A_864, %swap3A_865] {strides = array<i32>} : memref<32x64xf32, #tpu.memory_space<vmem>>, vector<16xf32>,
      tpu.vector_store %arg13[%swap3A_864, %swap3A_865], %add3A_863 {strides = array<i32>} : memref<32x64xf32, #tpu.memory_space<vmem>>, vector<16xf32>,
      %broadcast_in_dim3A_867 = arith.constant 0.000000e+00 : f32
      %broadcast_in_dim3A_868 = vector.broadcast %broadcast_in_dim3A_867 : f32 to vector<16xf32>
      %broadcast_in_dim3A_869 = arith.constant 0.000000e+00 : f32
      %broadcast_in_dim3A_870 = vector.broadcast %broadcast_in_dim3A_869 : f32 to vector<16xf32>
      %broadcast_in_dim3A_871 = arith.constant 0.000000e+00 : f32
      %broadcast_in_dim3A_872 = vector.broadcast %broadcast_in_dim3A_871 : f32 to vector<16xf32>
      %broadcast_in_dim3A_873 = arith.constant 0.000000e+00 : f32
      %broadcast_in_dim3A_874 = vector.broadcast %broadcast_in_dim3A_873 : f32 to vector<16xf32>
      %broadcast_in_dim3A_875 = arith.constant 0.000000e+00 : f32
      %broadcast_in_dim3A_876 = vector.broadcast %broadcast_in_dim3A_875 : f32 to vector<16xf32>
      %broadcast_in_dim3A_877 = arith.constant 0.000000e+00 : f32
      %broadcast_in_dim3A_878 = vector.broadcast %broadcast_in_dim3A_877 : f32 to vector<16xf32>
      %broadcast_in_dim3A_879 = arith.constant 0.000000e+00 : f32
      %broadcast_in_dim3A_880 = vector.broadcast %broadcast_in_dim3A_879 : f32 to vector<16xf32>
      %broadcast_in_dim3A_881 = arith.constant 0.000000e+00 : f32
      %broadcast_in_dim3A_882 = vector.broadcast %broadcast_in_dim3A_881 : f32 to vector<16xf32>
      %broadcast_in_dim3A_883 = arith.constant 0.000000e+00 : f32
      %broadcast_in_dim3A_884 = vector.broadcast %broadcast_in_dim3A_883 : f32 to vector<16xf32>
      %broadcast_in_dim3A_885 = arith.constant 0.000000e+00 : f32
      %broadcast_in_dim3A_886 = vector.broadcast %broadcast_in_dim3A_885 : f32 to vector<16xf32>
      %broadcast_in_dim3A_887 = arith.constant 0.000000e+00 : f32
      %broadcast_in_dim3A_888 = vector.broadcast %broadcast_in_dim3A_887 : f32 to vector<16xf32>
      %broadcast_in_dim3A_889 = arith.constant 0.000000e+00 : f32
      %broadcast_in_dim3A_890 = vector.broadcast %broadcast_in_dim3A_889 : f32 to vector<16xf32>
      %broadcast_in_dim3A_891 = arith.constant 0.000000e+00 : f32
      %broadcast_in_dim3A_892 = vector.broadcast %broadcast_in_dim3A_891 : f32 to vector<16xf32>
      %broadcast_in_dim3A_893 = arith.constant 0.000000e+00 : f32
      %broadcast_in_dim3A_894 = vector.broadcast %broadcast_in_dim3A_893 : f32 to vector<16xf32>
      %broadcast_in_dim3A_895 = arith.constant 0.000000e+00 : f32
      %broadcast_in_dim3A_896 = vector.broadcast %broadcast_in_dim3A_895 : f32 to vector<16xf32>
      %broadcast_in_dim3A_897 = arith.constant 0.000000e+00 : f32
      %broadcast_in_dim3A_898 = vector.broadcast %broadcast_in_dim3A_897 : f32 to vector<16xf32>
      %scan3A_899 = arith.constant 0 : i32
      %scan3A_900 = arith.constant 48 : i32
      %scan3A_901 = arith.addi %scan3A_899, %scan3A_900 : i32
      %scan3A_902 = arith.constant 1 : i32
      %scan3A_903:16 = scf.for %scan3A_1288 = %scan3A_899 to %scan3A_901 step %scan3A_902 iter_args(%scan3A_1289 = %broadcast_in_dim3A_868, %scan3A_1290 = %broadcast_in_dim3A_870, %scan3A_1291 = %broadcast_in_dim3A_872, %scan3A_1292 = %broadcast_in_dim3A_874, %scan3A_1293 = %broadcast_in_dim3A_876, %scan3A_1294 = %broadcast_in_dim3A_878, %scan3A_1295 = %broadcast_in_dim3A_880, %scan3A_1296 = %broadcast_in_dim3A_882, %scan3A_1297 = %broadcast_in_dim3A_884, %scan3A_1298 = %broadcast_in_dim3A_886, %scan3A_1299 = %broadcast_in_dim3A_888, %scan3A_1300 = %broadcast_in_dim3A_890, %scan3A_1301 = %broadcast_in_dim3A_892, %scan3A_1302 = %broadcast_in_dim3A_894, %scan3A_1303 = %broadcast_in_dim3A_896, %scan3A_1304 = %broadcast_in_dim3A_898) -> (vector<16xf32>, vector<16xf32>, vector<16xf32>, vector<16xf32>, vector<16xf32>, vector<16xf32>, vector<16xf32>, vector<16xf32>, vector<16xf32>, vector<16xf32>, vector<16xf32>, vector<16xf32>, vector<16xf32>, vector<16xf32>, vector<16xf32>, vector<16xf32>)  : i32 {
        %mul3A_1305 = arith.constant 16 : i32
        %mul3A_1306 = arith.muli %scan3A_1288, %mul3A_1305 : i32
        %get3A_1307 = arith.index_cast %add3A_676 : i32 to index
        %get3A_1308 = arith.index_cast %mul3A_1306 : i32 to index
        %get3A_1309 = tpu.vector_load %arg8[%get3A_1307, %get3A_1308] {strides = array<i32>} : memref<32x768xf32, #tpu.memory_space<vmem>>, vector<16xf32>,
        %bitcast_convert_type3A = tpu.bitcast %get3A_1309 : vector<16xf32> -> vector<16xi32>
        %add3A_1310 = arith.constant 32767 : i32
        %add3A_1311 = vector.broadcast %add3A_1310 : i32 to vector<16xi32>
        %add3A_1312 = arith.addi %bitcast_convert_type3A, %add3A_1311 : vector<16xi32>
        %shift_right_logical3A = arith.constant 16 : i32
        %shift_right_logical3A_1313 = vector.broadcast %shift_right_logical3A : i32 to vector<16xi32>
        %shift_right_logical3A_1314 = arith.shrui %bitcast_convert_type3A, %shift_right_logical3A_1313 : vector<16xi32>
        %and3A = arith.constant 1 : i32
        %and3A_1315 = vector.broadcast %and3A : i32 to vector<16xi32>
        %and3A_1316 = arith.andi %shift_right_logical3A_1314, %and3A_1315 : vector<16xi32>
        %add3A_1317 = arith.addi %add3A_1312, %and3A_1316 : vector<16xi32>
        %and3A_1318 = arith.constant -65536 : i32
        %and3A_1319 = vector.broadcast %and3A_1318 : i32 to vector<16xi32>
        %and3A_1320 = arith.andi %add3A_1317, %and3A_1319 : vector<16xi32>
        %bitcast_convert_type3A_1321 = tpu.bitcast %and3A_1320 : vector<16xi32> -> vector<16xf32>
        %mul3A_1322 = arith.constant 16 : i32
        %mul3A_1323 = arith.muli %scan3A_1288, %mul3A_1322 : i32
        %get3A_1324 = arith.constant 16 : i32
        %get3A_1325 = arith.index_cast %get3A_1324 : i32 to index
        %get3A_1326 = arith.index_cast %mul3A_1323 : i32 to index
        %get3A_1327 = tpu.vector_load %arg10[%get3A_1325, %get3A_1326] {strides = array<i32>} : memref<56x768xf32, #tpu.memory_space<vmem>>, vector<16xf32>,
        %bitcast_convert_type3A_1328 = tpu.bitcast %get3A_1327 : vector<16xf32> -> vector<16xi32>
        %add3A_1329 = arith.constant 32767 : i32
        %add3A_1330 = vector.broadcast %add3A_1329 : i32 to vector<16xi32>
        %add3A_1331 = arith.addi %bitcast_convert_type3A_1328, %add3A_1330 : vector<16xi32>
        %shift_right_logical3A_1332 = arith.constant 16 : i32
        %shift_right_logical3A_1333 = vector.broadcast %shift_right_logical3A_1332 : i32 to vector<16xi32>
        %shift_right_logical3A_1334 = arith.shrui %bitcast_convert_type3A_1328, %shift_right_logical3A_1333 : vector<16xi32>
        %and3A_1335 = arith.constant 1 : i32
        %and3A_1336 = vector.broadcast %and3A_1335 : i32 to vector<16xi32>
        %and3A_1337 = arith.andi %shift_right_logical3A_1334, %and3A_1336 : vector<16xi32>
        %add3A_1338 = arith.addi %add3A_1331, %and3A_1337 : vector<16xi32>
        %and3A_1339 = arith.constant -65536 : i32
        %and3A_1340 = vector.broadcast %and3A_1339 : i32 to vector<16xi32>
        %and3A_1341 = arith.andi %add3A_1338, %and3A_1340 : vector<16xi32>
        %bitcast_convert_type3A_1342 = tpu.bitcast %and3A_1341 : vector<16xi32> -> vector<16xf32>
        %mul3A_1343 = arith.mulf %bitcast_convert_type3A_1342, %bitcast_convert_type3A_1321 : vector<16xf32>
        %add3A_1344 = arith.addf %scan3A_1289, %mul3A_1343 : vector<16xf32>
        %mul3A_1345 = arith.constant 16 : i32
        %mul3A_1346 = arith.muli %scan3A_1288, %mul3A_1345 : i32
        %get3A_1347 = arith.constant 17 : i32
        %get3A_1348 = arith.index_cast %get3A_1347 : i32 to index
        %get3A_1349 = arith.index_cast %mul3A_1346 : i32 to index
        %get3A_1350 = tpu.vector_load %arg10[%get3A_1348, %get3A_1349] {strides = array<i32>} : memref<56x768xf32, #tpu.memory_space<vmem>>, vector<16xf32>,
        %bitcast_convert_type3A_1351 = tpu.bitcast %get3A_1350 : vector<16xf32> -> vector<16xi32>
        %add3A_1352 = arith.constant 32767 : i32
        %add3A_1353 = vector.broadcast %add3A_1352 : i32 to vector<16xi32>
        %add3A_1354 = arith.addi %bitcast_convert_type3A_1351, %add3A_1353 : vector<16xi32>
        %shift_right_logical3A_1355 = arith.constant 16 : i32
        %shift_right_logical3A_1356 = vector.broadcast %shift_right_logical3A_1355 : i32 to vector<16xi32>
        %shift_right_logical3A_1357 = arith.shrui %bitcast_convert_type3A_1351, %shift_right_logical3A_1356 : vector<16xi32>
        %and3A_1358 = arith.constant 1 : i32
        %and3A_1359 = vector.broadcast %and3A_1358 : i32 to vector<16xi32>
        %and3A_1360 = arith.andi %shift_right_logical3A_1357, %and3A_1359 : vector<16xi32>
        %add3A_1361 = arith.addi %add3A_1354, %and3A_1360 : vector<16xi32>
        %and3A_1362 = arith.constant -65536 : i32
        %and3A_1363 = vector.broadcast %and3A_1362 : i32 to vector<16xi32>
        %and3A_1364 = arith.andi %add3A_1361, %and3A_1363 : vector<16xi32>
        %bitcast_convert_type3A_1365 = tpu.bitcast %and3A_1364 : vector<16xi32> -> vector<16xf32>
        %mul3A_1366 = arith.mulf %bitcast_convert_type3A_1365, %bitcast_convert_type3A_1321 : vector<16xf32>
        %add3A_1367 = arith.addf %scan3A_1290, %mul3A_1366 : vector<16xf32>
        %mul3A_1368 = arith.constant 16 : i32
        %mul3A_1369 = arith.muli %scan3A_1288, %mul3A_1368 : i32
        %get3A_1370 = arith.constant 18 : i32
        %get3A_1371 = arith.index_cast %get3A_1370 : i32 to index
        %get3A_1372 = arith.index_cast %mul3A_1369 : i32 to index
        %get3A_1373 = tpu.vector_load %arg10[%get3A_1371, %get3A_1372] {strides = array<i32>} : memref<56x768xf32, #tpu.memory_space<vmem>>, vector<16xf32>,
        %bitcast_convert_type3A_1374 = tpu.bitcast %get3A_1373 : vector<16xf32> -> vector<16xi32>
        %add3A_1375 = arith.constant 32767 : i32
        %add3A_1376 = vector.broadcast %add3A_1375 : i32 to vector<16xi32>
        %add3A_1377 = arith.addi %bitcast_convert_type3A_1374, %add3A_1376 : vector<16xi32>
        %shift_right_logical3A_1378 = arith.constant 16 : i32
        %shift_right_logical3A_1379 = vector.broadcast %shift_right_logical3A_1378 : i32 to vector<16xi32>
        %shift_right_logical3A_1380 = arith.shrui %bitcast_convert_type3A_1374, %shift_right_logical3A_1379 : vector<16xi32>
        %and3A_1381 = arith.constant 1 : i32
        %and3A_1382 = vector.broadcast %and3A_1381 : i32 to vector<16xi32>
        %and3A_1383 = arith.andi %shift_right_logical3A_1380, %and3A_1382 : vector<16xi32>
        %add3A_1384 = arith.addi %add3A_1377, %and3A_1383 : vector<16xi32>
        %and3A_1385 = arith.constant -65536 : i32
        %and3A_1386 = vector.broadcast %and3A_1385 : i32 to vector<16xi32>
        %and3A_1387 = arith.andi %add3A_1384, %and3A_1386 : vector<16xi32>
        %bitcast_convert_type3A_1388 = tpu.bitcast %and3A_1387 : vector<16xi32> -> vector<16xf32>
        %mul3A_1389 = arith.mulf %bitcast_convert_type3A_1388, %bitcast_convert_type3A_1321 : vector<16xf32>
        %add3A_1390 = arith.addf %scan3A_1291, %mul3A_1389 : vector<16xf32>
        %mul3A_1391 = arith.constant 16 : i32
        %mul3A_1392 = arith.muli %scan3A_1288, %mul3A_1391 : i32
        %get3A_1393 = arith.constant 19 : i32
        %get3A_1394 = arith.index_cast %get3A_1393 : i32 to index
        %get3A_1395 = arith.index_cast %mul3A_1392 : i32 to index
        %get3A_1396 = tpu.vector_load %arg10[%get3A_1394, %get3A_1395] {strides = array<i32>} : memref<56x768xf32, #tpu.memory_space<vmem>>, vector<16xf32>,
        %bitcast_convert_type3A_1397 = tpu.bitcast %get3A_1396 : vector<16xf32> -> vector<16xi32>
        %add3A_1398 = arith.constant 32767 : i32
        %add3A_1399 = vector.broadcast %add3A_1398 : i32 to vector<16xi32>
        %add3A_1400 = arith.addi %bitcast_convert_type3A_1397, %add3A_1399 : vector<16xi32>
        %shift_right_logical3A_1401 = arith.constant 16 : i32
        %shift_right_logical3A_1402 = vector.broadcast %shift_right_logical3A_1401 : i32 to vector<16xi32>
        %shift_right_logical3A_1403 = arith.shrui %bitcast_convert_type3A_1397, %shift_right_logical3A_1402 : vector<16xi32>
        %and3A_1404 = arith.constant 1 : i32
        %and3A_1405 = vector.broadcast %and3A_1404 : i32 to vector<16xi32>
        %and3A_1406 = arith.andi %shift_right_logical3A_1403, %and3A_1405 : vector<16xi32>
        %add3A_1407 = arith.addi %add3A_1400, %and3A_1406 : vector<16xi32>
        %and3A_1408 = arith.constant -65536 : i32
        %and3A_1409 = vector.broadcast %and3A_1408 : i32 to vector<16xi32>
        %and3A_1410 = arith.andi %add3A_1407, %and3A_1409 : vector<16xi32>
        %bitcast_convert_type3A_1411 = tpu.bitcast %and3A_1410 : vector<16xi32> -> vector<16xf32>
        %mul3A_1412 = arith.mulf %bitcast_convert_type3A_1411, %bitcast_convert_type3A_1321 : vector<16xf32>
        %add3A_1413 = arith.addf %scan3A_1292, %mul3A_1412 : vector<16xf32>
        %mul3A_1414 = arith.constant 16 : i32
        %mul3A_1415 = arith.muli %scan3A_1288, %mul3A_1414 : i32
        %get3A_1416 = arith.constant 20 : i32
        %get3A_1417 = arith.index_cast %get3A_1416 : i32 to index
        %get3A_1418 = arith.index_cast %mul3A_1415 : i32 to index
        %get3A_1419 = tpu.vector_load %arg10[%get3A_1417, %get3A_1418] {strides = array<i32>} : memref<56x768xf32, #tpu.memory_space<vmem>>, vector<16xf32>,
        %bitcast_convert_type3A_1420 = tpu.bitcast %get3A_1419 : vector<16xf32> -> vector<16xi32>
        %add3A_1421 = arith.constant 32767 : i32
        %add3A_1422 = vector.broadcast %add3A_1421 : i32 to vector<16xi32>
        %add3A_1423 = arith.addi %bitcast_convert_type3A_1420, %add3A_1422 : vector<16xi32>
        %shift_right_logical3A_1424 = arith.constant 16 : i32
        %shift_right_logical3A_1425 = vector.broadcast %shift_right_logical3A_1424 : i32 to vector<16xi32>
        %shift_right_logical3A_1426 = arith.shrui %bitcast_convert_type3A_1420, %shift_right_logical3A_1425 : vector<16xi32>
        %and3A_1427 = arith.constant 1 : i32
        %and3A_1428 = vector.broadcast %and3A_1427 : i32 to vector<16xi32>
        %and3A_1429 = arith.andi %shift_right_logical3A_1426, %and3A_1428 : vector<16xi32>
        %add3A_1430 = arith.addi %add3A_1423, %and3A_1429 : vector<16xi32>
        %and3A_1431 = arith.constant -65536 : i32
        %and3A_1432 = vector.broadcast %and3A_1431 : i32 to vector<16xi32>
        %and3A_1433 = arith.andi %add3A_1430, %and3A_1432 : vector<16xi32>
        %bitcast_convert_type3A_1434 = tpu.bitcast %and3A_1433 : vector<16xi32> -> vector<16xf32>
        %mul3A_1435 = arith.mulf %bitcast_convert_type3A_1434, %bitcast_convert_type3A_1321 : vector<16xf32>
        %add3A_1436 = arith.addf %scan3A_1293, %mul3A_1435 : vector<16xf32>
        %mul3A_1437 = arith.constant 16 : i32
        %mul3A_1438 = arith.muli %scan3A_1288, %mul3A_1437 : i32
        %get3A_1439 = arith.constant 21 : i32
        %get3A_1440 = arith.index_cast %get3A_1439 : i32 to index
        %get3A_1441 = arith.index_cast %mul3A_1438 : i32 to index
        %get3A_1442 = tpu.vector_load %arg10[%get3A_1440, %get3A_1441] {strides = array<i32>} : memref<56x768xf32, #tpu.memory_space<vmem>>, vector<16xf32>,
        %bitcast_convert_type3A_1443 = tpu.bitcast %get3A_1442 : vector<16xf32> -> vector<16xi32>
        %add3A_1444 = arith.constant 32767 : i32
        %add3A_1445 = vector.broadcast %add3A_1444 : i32 to vector<16xi32>
        %add3A_1446 = arith.addi %bitcast_convert_type3A_1443, %add3A_1445 : vector<16xi32>
        %shift_right_logical3A_1447 = arith.constant 16 : i32
        %shift_right_logical3A_1448 = vector.broadcast %shift_right_logical3A_1447 : i32 to vector<16xi32>
        %shift_right_logical3A_1449 = arith.shrui %bitcast_convert_type3A_1443, %shift_right_logical3A_1448 : vector<16xi32>
        %and3A_1450 = arith.constant 1 : i32
        %and3A_1451 = vector.broadcast %and3A_1450 : i32 to vector<16xi32>
        %and3A_1452 = arith.andi %shift_right_logical3A_1449, %and3A_1451 : vector<16xi32>
        %add3A_1453 = arith.addi %add3A_1446, %and3A_1452 : vector<16xi32>
        %and3A_1454 = arith.constant -65536 : i32
        %and3A_1455 = vector.broadcast %and3A_1454 : i32 to vector<16xi32>
        %and3A_1456 = arith.andi %add3A_1453, %and3A_1455 : vector<16xi32>
        %bitcast_convert_type3A_1457 = tpu.bitcast %and3A_1456 : vector<16xi32> -> vector<16xf32>
        %mul3A_1458 = arith.mulf %bitcast_convert_type3A_1457, %bitcast_convert_type3A_1321 : vector<16xf32>
        %add3A_1459 = arith.addf %scan3A_1294, %mul3A_1458 : vector<16xf32>
        %mul3A_1460 = arith.constant 16 : i32
        %mul3A_1461 = arith.muli %scan3A_1288, %mul3A_1460 : i32
        %get3A_1462 = arith.constant 22 : i32
        %get3A_1463 = arith.index_cast %get3A_1462 : i32 to index
        %get3A_1464 = arith.index_cast %mul3A_1461 : i32 to index
        %get3A_1465 = tpu.vector_load %arg10[%get3A_1463, %get3A_1464] {strides = array<i32>} : memref<56x768xf32, #tpu.memory_space<vmem>>, vector<16xf32>,
        %bitcast_convert_type3A_1466 = tpu.bitcast %get3A_1465 : vector<16xf32> -> vector<16xi32>
        %add3A_1467 = arith.constant 32767 : i32
        %add3A_1468 = vector.broadcast %add3A_1467 : i32 to vector<16xi32>
        %add3A_1469 = arith.addi %bitcast_convert_type3A_1466, %add3A_1468 : vector<16xi32>
        %shift_right_logical3A_1470 = arith.constant 16 : i32
        %shift_right_logical3A_1471 = vector.broadcast %shift_right_logical3A_1470 : i32 to vector<16xi32>
        %shift_right_logical3A_1472 = arith.shrui %bitcast_convert_type3A_1466, %shift_right_logical3A_1471 : vector<16xi32>
        %and3A_1473 = arith.constant 1 : i32
        %and3A_1474 = vector.broadcast %and3A_1473 : i32 to vector<16xi32>
        %and3A_1475 = arith.andi %shift_right_logical3A_1472, %and3A_1474 : vector<16xi32>
        %add3A_1476 = arith.addi %add3A_1469, %and3A_1475 : vector<16xi32>
        %and3A_1477 = arith.constant -65536 : i32
        %and3A_1478 = vector.broadcast %and3A_1477 : i32 to vector<16xi32>
        %and3A_1479 = arith.andi %add3A_1476, %and3A_1478 : vector<16xi32>
        %bitcast_convert_type3A_1480 = tpu.bitcast %and3A_1479 : vector<16xi32> -> vector<16xf32>
        %mul3A_1481 = arith.mulf %bitcast_convert_type3A_1480, %bitcast_convert_type3A_1321 : vector<16xf32>
        %add3A_1482 = arith.addf %scan3A_1295, %mul3A_1481 : vector<16xf32>
        %mul3A_1483 = arith.constant 16 : i32
        %mul3A_1484 = arith.muli %scan3A_1288, %mul3A_1483 : i32
        %get3A_1485 = arith.constant 23 : i32
        %get3A_1486 = arith.index_cast %get3A_1485 : i32 to index
        %get3A_1487 = arith.index_cast %mul3A_1484 : i32 to index
        %get3A_1488 = tpu.vector_load %arg10[%get3A_1486, %get3A_1487] {strides = array<i32>} : memref<56x768xf32, #tpu.memory_space<vmem>>, vector<16xf32>,
        %bitcast_convert_type3A_1489 = tpu.bitcast %get3A_1488 : vector<16xf32> -> vector<16xi32>
        %add3A_1490 = arith.constant 32767 : i32
        %add3A_1491 = vector.broadcast %add3A_1490 : i32 to vector<16xi32>
        %add3A_1492 = arith.addi %bitcast_convert_type3A_1489, %add3A_1491 : vector<16xi32>
        %shift_right_logical3A_1493 = arith.constant 16 : i32
        %shift_right_logical3A_1494 = vector.broadcast %shift_right_logical3A_1493 : i32 to vector<16xi32>
        %shift_right_logical3A_1495 = arith.shrui %bitcast_convert_type3A_1489, %shift_right_logical3A_1494 : vector<16xi32>
        %and3A_1496 = arith.constant 1 : i32
        %and3A_1497 = vector.broadcast %and3A_1496 : i32 to vector<16xi32>
        %and3A_1498 = arith.andi %shift_right_logical3A_1495, %and3A_1497 : vector<16xi32>
        %add3A_1499 = arith.addi %add3A_1492, %and3A_1498 : vector<16xi32>
        %and3A_1500 = arith.constant -65536 : i32
        %and3A_1501 = vector.broadcast %and3A_1500 : i32 to vector<16xi32>
        %and3A_1502 = arith.andi %add3A_1499, %and3A_1501 : vector<16xi32>
        %bitcast_convert_type3A_1503 = tpu.bitcast %and3A_1502 : vector<16xi32> -> vector<16xf32>
        %mul3A_1504 = arith.mulf %bitcast_convert_type3A_1503, %bitcast_convert_type3A_1321 : vector<16xf32>
        %add3A_1505 = arith.addf %scan3A_1296, %mul3A_1504 : vector<16xf32>
        %mul3A_1506 = arith.constant 16 : i32
        %mul3A_1507 = arith.muli %scan3A_1288, %mul3A_1506 : i32
        %get3A_1508 = arith.constant 24 : i32
        %get3A_1509 = arith.index_cast %get3A_1508 : i32 to index
        %get3A_1510 = arith.index_cast %mul3A_1507 : i32 to index
        %get3A_1511 = tpu.vector_load %arg10[%get3A_1509, %get3A_1510] {strides = array<i32>} : memref<56x768xf32, #tpu.memory_space<vmem>>, vector<16xf32>,
        %bitcast_convert_type3A_1512 = tpu.bitcast %get3A_1511 : vector<16xf32> -> vector<16xi32>
        %add3A_1513 = arith.constant 32767 : i32
        %add3A_1514 = vector.broadcast %add3A_1513 : i32 to vector<16xi32>
        %add3A_1515 = arith.addi %bitcast_convert_type3A_1512, %add3A_1514 : vector<16xi32>
        %shift_right_logical3A_1516 = arith.constant 16 : i32
        %shift_right_logical3A_1517 = vector.broadcast %shift_right_logical3A_1516 : i32 to vector<16xi32>
        %shift_right_logical3A_1518 = arith.shrui %bitcast_convert_type3A_1512, %shift_right_logical3A_1517 : vector<16xi32>
        %and3A_1519 = arith.constant 1 : i32
        %and3A_1520 = vector.broadcast %and3A_1519 : i32 to vector<16xi32>
        %and3A_1521 = arith.andi %shift_right_logical3A_1518, %and3A_1520 : vector<16xi32>
        %add3A_1522 = arith.addi %add3A_1515, %and3A_1521 : vector<16xi32>
        %and3A_1523 = arith.constant -65536 : i32
        %and3A_1524 = vector.broadcast %and3A_1523 : i32 to vector<16xi32>
        %and3A_1525 = arith.andi %add3A_1522, %and3A_1524 : vector<16xi32>
        %bitcast_convert_type3A_1526 = tpu.bitcast %and3A_1525 : vector<16xi32> -> vector<16xf32>
        %mul3A_1527 = arith.mulf %bitcast_convert_type3A_1526, %bitcast_convert_type3A_1321 : vector<16xf32>
        %add3A_1528 = arith.addf %scan3A_1297, %mul3A_1527 : vector<16xf32>
        %mul3A_1529 = arith.constant 16 : i32
        %mul3A_1530 = arith.muli %scan3A_1288, %mul3A_1529 : i32
        %get3A_1531 = arith.constant 25 : i32
        %get3A_1532 = arith.index_cast %get3A_1531 : i32 to index
        %get3A_1533 = arith.index_cast %mul3A_1530 : i32 to index
        %get3A_1534 = tpu.vector_load %arg10[%get3A_1532, %get3A_1533] {strides = array<i32>} : memref<56x768xf32, #tpu.memory_space<vmem>>, vector<16xf32>,
        %bitcast_convert_type3A_1535 = tpu.bitcast %get3A_1534 : vector<16xf32> -> vector<16xi32>
        %add3A_1536 = arith.constant 32767 : i32
        %add3A_1537 = vector.broadcast %add3A_1536 : i32 to vector<16xi32>
        %add3A_1538 = arith.addi %bitcast_convert_type3A_1535, %add3A_1537 : vector<16xi32>
        %shift_right_logical3A_1539 = arith.constant 16 : i32
        %shift_right_logical3A_1540 = vector.broadcast %shift_right_logical3A_1539 : i32 to vector<16xi32>
        %shift_right_logical3A_1541 = arith.shrui %bitcast_convert_type3A_1535, %shift_right_logical3A_1540 : vector<16xi32>
        %and3A_1542 = arith.constant 1 : i32
        %and3A_1543 = vector.broadcast %and3A_1542 : i32 to vector<16xi32>
        %and3A_1544 = arith.andi %shift_right_logical3A_1541, %and3A_1543 : vector<16xi32>
        %add3A_1545 = arith.addi %add3A_1538, %and3A_1544 : vector<16xi32>
        %and3A_1546 = arith.constant -65536 : i32
        %and3A_1547 = vector.broadcast %and3A_1546 : i32 to vector<16xi32>
        %and3A_1548 = arith.andi %add3A_1545, %and3A_1547 : vector<16xi32>
        %bitcast_convert_type3A_1549 = tpu.bitcast %and3A_1548 : vector<16xi32> -> vector<16xf32>
        %mul3A_1550 = arith.mulf %bitcast_convert_type3A_1549, %bitcast_convert_type3A_1321 : vector<16xf32>
        %add3A_1551 = arith.addf %scan3A_1298, %mul3A_1550 : vector<16xf32>
        %mul3A_1552 = arith.constant 16 : i32
        %mul3A_1553 = arith.muli %scan3A_1288, %mul3A_1552 : i32
        %get3A_1554 = arith.constant 26 : i32
        %get3A_1555 = arith.index_cast %get3A_1554 : i32 to index
        %get3A_1556 = arith.index_cast %mul3A_1553 : i32 to index
        %get3A_1557 = tpu.vector_load %arg10[%get3A_1555, %get3A_1556] {strides = array<i32>} : memref<56x768xf32, #tpu.memory_space<vmem>>, vector<16xf32>,
        %bitcast_convert_type3A_1558 = tpu.bitcast %get3A_1557 : vector<16xf32> -> vector<16xi32>
        %add3A_1559 = arith.constant 32767 : i32
        %add3A_1560 = vector.broadcast %add3A_1559 : i32 to vector<16xi32>
        %add3A_1561 = arith.addi %bitcast_convert_type3A_1558, %add3A_1560 : vector<16xi32>
        %shift_right_logical3A_1562 = arith.constant 16 : i32
        %shift_right_logical3A_1563 = vector.broadcast %shift_right_logical3A_1562 : i32 to vector<16xi32>
        %shift_right_logical3A_1564 = arith.shrui %bitcast_convert_type3A_1558, %shift_right_logical3A_1563 : vector<16xi32>
        %and3A_1565 = arith.constant 1 : i32
        %and3A_1566 = vector.broadcast %and3A_1565 : i32 to vector<16xi32>
        %and3A_1567 = arith.andi %shift_right_logical3A_1564, %and3A_1566 : vector<16xi32>
        %add3A_1568 = arith.addi %add3A_1561, %and3A_1567 : vector<16xi32>
        %and3A_1569 = arith.constant -65536 : i32
        %and3A_1570 = vector.broadcast %and3A_1569 : i32 to vector<16xi32>
        %and3A_1571 = arith.andi %add3A_1568, %and3A_1570 : vector<16xi32>
        %bitcast_convert_type3A_1572 = tpu.bitcast %and3A_1571 : vector<16xi32> -> vector<16xf32>
        %mul3A_1573 = arith.mulf %bitcast_convert_type3A_1572, %bitcast_convert_type3A_1321 : vector<16xf32>
        %add3A_1574 = arith.addf %scan3A_1299, %mul3A_1573 : vector<16xf32>
        %mul3A_1575 = arith.constant 16 : i32
        %mul3A_1576 = arith.muli %scan3A_1288, %mul3A_1575 : i32
        %get3A_1577 = arith.constant 27 : i32
        %get3A_1578 = arith.index_cast %get3A_1577 : i32 to index
        %get3A_1579 = arith.index_cast %mul3A_1576 : i32 to index
        %get3A_1580 = tpu.vector_load %arg10[%get3A_1578, %get3A_1579] {strides = array<i32>} : memref<56x768xf32, #tpu.memory_space<vmem>>, vector<16xf32>,
        %bitcast_convert_type3A_1581 = tpu.bitcast %get3A_1580 : vector<16xf32> -> vector<16xi32>
        %add3A_1582 = arith.constant 32767 : i32
        %add3A_1583 = vector.broadcast %add3A_1582 : i32 to vector<16xi32>
        %add3A_1584 = arith.addi %bitcast_convert_type3A_1581, %add3A_1583 : vector<16xi32>
        %shift_right_logical3A_1585 = arith.constant 16 : i32
        %shift_right_logical3A_1586 = vector.broadcast %shift_right_logical3A_1585 : i32 to vector<16xi32>
        %shift_right_logical3A_1587 = arith.shrui %bitcast_convert_type3A_1581, %shift_right_logical3A_1586 : vector<16xi32>
        %and3A_1588 = arith.constant 1 : i32
        %and3A_1589 = vector.broadcast %and3A_1588 : i32 to vector<16xi32>
        %and3A_1590 = arith.andi %shift_right_logical3A_1587, %and3A_1589 : vector<16xi32>
        %add3A_1591 = arith.addi %add3A_1584, %and3A_1590 : vector<16xi32>
        %and3A_1592 = arith.constant -65536 : i32
        %and3A_1593 = vector.broadcast %and3A_1592 : i32 to vector<16xi32>
        %and3A_1594 = arith.andi %add3A_1591, %and3A_1593 : vector<16xi32>
        %bitcast_convert_type3A_1595 = tpu.bitcast %and3A_1594 : vector<16xi32> -> vector<16xf32>
        %mul3A_1596 = arith.mulf %bitcast_convert_type3A_1595, %bitcast_convert_type3A_1321 : vector<16xf32>
        %add3A_1597 = arith.addf %scan3A_1300, %mul3A_1596 : vector<16xf32>
        %mul3A_1598 = arith.constant 16 : i32
        %mul3A_1599 = arith.muli %scan3A_1288, %mul3A_1598 : i32
        %get3A_1600 = arith.constant 28 : i32
        %get3A_1601 = arith.index_cast %get3A_1600 : i32 to index
        %get3A_1602 = arith.index_cast %mul3A_1599 : i32 to index
        %get3A_1603 = tpu.vector_load %arg10[%get3A_1601, %get3A_1602] {strides = array<i32>} : memref<56x768xf32, #tpu.memory_space<vmem>>, vector<16xf32>,
        %bitcast_convert_type3A_1604 = tpu.bitcast %get3A_1603 : vector<16xf32> -> vector<16xi32>
        %add3A_1605 = arith.constant 32767 : i32
        %add3A_1606 = vector.broadcast %add3A_1605 : i32 to vector<16xi32>
        %add3A_1607 = arith.addi %bitcast_convert_type3A_1604, %add3A_1606 : vector<16xi32>
        %shift_right_logical3A_1608 = arith.constant 16 : i32
        %shift_right_logical3A_1609 = vector.broadcast %shift_right_logical3A_1608 : i32 to vector<16xi32>
        %shift_right_logical3A_1610 = arith.shrui %bitcast_convert_type3A_1604, %shift_right_logical3A_1609 : vector<16xi32>
        %and3A_1611 = arith.constant 1 : i32
        %and3A_1612 = vector.broadcast %and3A_1611 : i32 to vector<16xi32>
        %and3A_1613 = arith.andi %shift_right_logical3A_1610, %and3A_1612 : vector<16xi32>
        %add3A_1614 = arith.addi %add3A_1607, %and3A_1613 : vector<16xi32>
        %and3A_1615 = arith.constant -65536 : i32
        %and3A_1616 = vector.broadcast %and3A_1615 : i32 to vector<16xi32>
        %and3A_1617 = arith.andi %add3A_1614, %and3A_1616 : vector<16xi32>
        %bitcast_convert_type3A_1618 = tpu.bitcast %and3A_1617 : vector<16xi32> -> vector<16xf32>
        %mul3A_1619 = arith.mulf %bitcast_convert_type3A_1618, %bitcast_convert_type3A_1321 : vector<16xf32>
        %add3A_1620 = arith.addf %scan3A_1301, %mul3A_1619 : vector<16xf32>
        %mul3A_1621 = arith.constant 16 : i32
        %mul3A_1622 = arith.muli %scan3A_1288, %mul3A_1621 : i32
        %get3A_1623 = arith.constant 29 : i32
        %get3A_1624 = arith.index_cast %get3A_1623 : i32 to index
        %get3A_1625 = arith.index_cast %mul3A_1622 : i32 to index
        %get3A_1626 = tpu.vector_load %arg10[%get3A_1624, %get3A_1625] {strides = array<i32>} : memref<56x768xf32, #tpu.memory_space<vmem>>, vector<16xf32>,
        %bitcast_convert_type3A_1627 = tpu.bitcast %get3A_1626 : vector<16xf32> -> vector<16xi32>
        %add3A_1628 = arith.constant 32767 : i32
        %add3A_1629 = vector.broadcast %add3A_1628 : i32 to vector<16xi32>
        %add3A_1630 = arith.addi %bitcast_convert_type3A_1627, %add3A_1629 : vector<16xi32>
        %shift_right_logical3A_1631 = arith.constant 16 : i32
        %shift_right_logical3A_1632 = vector.broadcast %shift_right_logical3A_1631 : i32 to vector<16xi32>
        %shift_right_logical3A_1633 = arith.shrui %bitcast_convert_type3A_1627, %shift_right_logical3A_1632 : vector<16xi32>
        %and3A_1634 = arith.constant 1 : i32
        %and3A_1635 = vector.broadcast %and3A_1634 : i32 to vector<16xi32>
        %and3A_1636 = arith.andi %shift_right_logical3A_1633, %and3A_1635 : vector<16xi32>
        %add3A_1637 = arith.addi %add3A_1630, %and3A_1636 : vector<16xi32>
        %and3A_1638 = arith.constant -65536 : i32
        %and3A_1639 = vector.broadcast %and3A_1638 : i32 to vector<16xi32>
        %and3A_1640 = arith.andi %add3A_1637, %and3A_1639 : vector<16xi32>
        %bitcast_convert_type3A_1641 = tpu.bitcast %and3A_1640 : vector<16xi32> -> vector<16xf32>
        %mul3A_1642 = arith.mulf %bitcast_convert_type3A_1641, %bitcast_convert_type3A_1321 : vector<16xf32>
        %add3A_1643 = arith.addf %scan3A_1302, %mul3A_1642 : vector<16xf32>
        %mul3A_1644 = arith.constant 16 : i32
        %mul3A_1645 = arith.muli %scan3A_1288, %mul3A_1644 : i32
        %get3A_1646 = arith.constant 30 : i32
        %get3A_1647 = arith.index_cast %get3A_1646 : i32 to index
        %get3A_1648 = arith.index_cast %mul3A_1645 : i32 to index
        %get3A_1649 = tpu.vector_load %arg10[%get3A_1647, %get3A_1648] {strides = array<i32>} : memref<56x768xf32, #tpu.memory_space<vmem>>, vector<16xf32>,
        %bitcast_convert_type3A_1650 = tpu.bitcast %get3A_1649 : vector<16xf32> -> vector<16xi32>
        %add3A_1651 = arith.constant 32767 : i32
        %add3A_1652 = vector.broadcast %add3A_1651 : i32 to vector<16xi32>
        %add3A_1653 = arith.addi %bitcast_convert_type3A_1650, %add3A_1652 : vector<16xi32>
        %shift_right_logical3A_1654 = arith.constant 16 : i32
        %shift_right_logical3A_1655 = vector.broadcast %shift_right_logical3A_1654 : i32 to vector<16xi32>
        %shift_right_logical3A_1656 = arith.shrui %bitcast_convert_type3A_1650, %shift_right_logical3A_1655 : vector<16xi32>
        %and3A_1657 = arith.constant 1 : i32
        %and3A_1658 = vector.broadcast %and3A_1657 : i32 to vector<16xi32>
        %and3A_1659 = arith.andi %shift_right_logical3A_1656, %and3A_1658 : vector<16xi32>
        %add3A_1660 = arith.addi %add3A_1653, %and3A_1659 : vector<16xi32>
        %and3A_1661 = arith.constant -65536 : i32
        %and3A_1662 = vector.broadcast %and3A_1661 : i32 to vector<16xi32>
        %and3A_1663 = arith.andi %add3A_1660, %and3A_1662 : vector<16xi32>
        %bitcast_convert_type3A_1664 = tpu.bitcast %and3A_1663 : vector<16xi32> -> vector<16xf32>
        %mul3A_1665 = arith.mulf %bitcast_convert_type3A_1664, %bitcast_convert_type3A_1321 : vector<16xf32>
        %add3A_1666 = arith.addf %scan3A_1303, %mul3A_1665 : vector<16xf32>
        %mul3A_1667 = arith.constant 16 : i32
        %mul3A_1668 = arith.muli %scan3A_1288, %mul3A_1667 : i32
        %get3A_1669 = arith.constant 31 : i32
        %get3A_1670 = arith.index_cast %get3A_1669 : i32 to index
        %get3A_1671 = arith.index_cast %mul3A_1668 : i32 to index
        %get3A_1672 = tpu.vector_load %arg10[%get3A_1670, %get3A_1671] {strides = array<i32>} : memref<56x768xf32, #tpu.memory_space<vmem>>, vector<16xf32>,
        %bitcast_convert_type3A_1673 = tpu.bitcast %get3A_1672 : vector<16xf32> -> vector<16xi32>
        %add3A_1674 = arith.constant 32767 : i32
        %add3A_1675 = vector.broadcast %add3A_1674 : i32 to vector<16xi32>
        %add3A_1676 = arith.addi %bitcast_convert_type3A_1673, %add3A_1675 : vector<16xi32>
        %shift_right_logical3A_1677 = arith.constant 16 : i32
        %shift_right_logical3A_1678 = vector.broadcast %shift_right_logical3A_1677 : i32 to vector<16xi32>
        %shift_right_logical3A_1679 = arith.shrui %bitcast_convert_type3A_1673, %shift_right_logical3A_1678 : vector<16xi32>
        %and3A_1680 = arith.constant 1 : i32
        %and3A_1681 = vector.broadcast %and3A_1680 : i32 to vector<16xi32>
        %and3A_1682 = arith.andi %shift_right_logical3A_1679, %and3A_1681 : vector<16xi32>
        %add3A_1683 = arith.addi %add3A_1676, %and3A_1682 : vector<16xi32>
        %and3A_1684 = arith.constant -65536 : i32
        %and3A_1685 = vector.broadcast %and3A_1684 : i32 to vector<16xi32>
        %and3A_1686 = arith.andi %add3A_1683, %and3A_1685 : vector<16xi32>
        %bitcast_convert_type3A_1687 = tpu.bitcast %and3A_1686 : vector<16xi32> -> vector<16xf32>
        %mul3A_1688 = arith.mulf %bitcast_convert_type3A_1687, %bitcast_convert_type3A_1321 : vector<16xf32>
        %add3A_1689 = arith.addf %scan3A_1304, %mul3A_1688 : vector<16xf32>
        scf.yield %add3A_1344, %add3A_1367, %add3A_1390, %add3A_1413, %add3A_1436, %add3A_1459, %add3A_1482, %add3A_1505, %add3A_1528, %add3A_1551, %add3A_1574, %add3A_1597, %add3A_1620, %add3A_1643, %add3A_1666, %add3A_1689 : vector<16xf32>, vector<16xf32>, vector<16xf32>, vector<16xf32>, vector<16xf32>, vector<16xf32>, vector<16xf32>, vector<16xf32>, vector<16xf32>, vector<16xf32>, vector<16xf32>, vector<16xf32>, vector<16xf32>, vector<16xf32>, vector<16xf32>, vector<16xf32>
      }
      %scan3A_904 = arith.constant 48 : i32
      %get3A_905 = arith.constant 16 : index
      %get3A_906 = tpu.vector_load %arg12[%get3A_905] {strides = array<i32>} : memref<64xf32, #tpu.memory_space<vmem>>, vector<16xf32>,
      %broadcast_in_dim3A_907 = arith.constant 0.000000e+00 : f32
      %broadcast_in_dim3A_908 = vector.broadcast %broadcast_in_dim3A_907 : f32 to vector<16xf32>
      %eq3A_909 = arith.constant 0 : i32
      %eq3A_910 = vector.broadcast %eq3A_909 : i32 to vector<16xi32>
      %eq3A_911 = arith.cmpi eq, %iota3A, %eq3A_910 : vector<16xi32>
      %reduce_sum3A_912 = arith.constant true
      %reduce_sum3A_913 = vector.broadcast %reduce_sum3A_912 : i1 to vector<16xi1>
      %reduce_sum3A_914 = tpu.scan <sum>, %scan3A_903#0 masked %reduce_sum3A_913 : vector<16xf32>, vector<16xi1> -> vector<16xf32>
      %reduce_sum3A_915 = vector.extract %reduce_sum3A_914[15] : f32 from vector<16xf32>
      %broadcast_in_dim3A_916 = vector.broadcast %reduce_sum3A_915 : f32 to vector<16xf32>
      %select_n3A_917 = arith.select %eq3A_911, %broadcast_in_dim3A_916, %broadcast_in_dim3A_908 : vector<16xi1>, vector<16xf32>
      %eq3A_918 = arith.constant 1 : i32
      %eq3A_919 = vector.broadcast %eq3A_918 : i32 to vector<16xi32>
      %eq3A_920 = arith.cmpi eq, %iota3A, %eq3A_919 : vector<16xi32>
      %reduce_sum3A_921 = arith.constant true
      %reduce_sum3A_922 = vector.broadcast %reduce_sum3A_921 : i1 to vector<16xi1>
      %reduce_sum3A_923 = tpu.scan <sum>, %scan3A_903#1 masked %reduce_sum3A_922 : vector<16xf32>, vector<16xi1> -> vector<16xf32>
      %reduce_sum3A_924 = vector.extract %reduce_sum3A_923[15] : f32 from vector<16xf32>
      %broadcast_in_dim3A_925 = vector.broadcast %reduce_sum3A_924 : f32 to vector<16xf32>
      %select_n3A_926 = arith.select %eq3A_920, %broadcast_in_dim3A_925, %select_n3A_917 : vector<16xi1>, vector<16xf32>
      %eq3A_927 = arith.constant 2 : i32
      %eq3A_928 = vector.broadcast %eq3A_927 : i32 to vector<16xi32>
      %eq3A_929 = arith.cmpi eq, %iota3A, %eq3A_928 : vector<16xi32>
      %reduce_sum3A_930 = arith.constant true
      %reduce_sum3A_931 = vector.broadcast %reduce_sum3A_930 : i1 to vector<16xi1>
      %reduce_sum3A_932 = tpu.scan <sum>, %scan3A_903#2 masked %reduce_sum3A_931 : vector<16xf32>, vector<16xi1> -> vector<16xf32>
      %reduce_sum3A_933 = vector.extract %reduce_sum3A_932[15] : f32 from vector<16xf32>
      %broadcast_in_dim3A_934 = vector.broadcast %reduce_sum3A_933 : f32 to vector<16xf32>
      %select_n3A_935 = arith.select %eq3A_929, %broadcast_in_dim3A_934, %select_n3A_926 : vector<16xi1>, vector<16xf32>
      %eq3A_936 = arith.constant 3 : i32
      %eq3A_937 = vector.broadcast %eq3A_936 : i32 to vector<16xi32>
      %eq3A_938 = arith.cmpi eq, %iota3A, %eq3A_937 : vector<16xi32>
      %reduce_sum3A_939 = arith.constant true
      %reduce_sum3A_940 = vector.broadcast %reduce_sum3A_939 : i1 to vector<16xi1>
      %reduce_sum3A_941 = tpu.scan <sum>, %scan3A_903#3 masked %reduce_sum3A_940 : vector<16xf32>, vector<16xi1> -> vector<16xf32>
      %reduce_sum3A_942 = vector.extract %reduce_sum3A_941[15] : f32 from vector<16xf32>
      %broadcast_in_dim3A_943 = vector.broadcast %reduce_sum3A_942 : f32 to vector<16xf32>
      %select_n3A_944 = arith.select %eq3A_938, %broadcast_in_dim3A_943, %select_n3A_935 : vector<16xi1>, vector<16xf32>
      %eq3A_945 = arith.constant 4 : i32
      %eq3A_946 = vector.broadcast %eq3A_945 : i32 to vector<16xi32>
      %eq3A_947 = arith.cmpi eq, %iota3A, %eq3A_946 : vector<16xi32>
      %reduce_sum3A_948 = arith.constant true
      %reduce_sum3A_949 = vector.broadcast %reduce_sum3A_948 : i1 to vector<16xi1>
      %reduce_sum3A_950 = tpu.scan <sum>, %scan3A_903#4 masked %reduce_sum3A_949 : vector<16xf32>, vector<16xi1> -> vector<16xf32>
      %reduce_sum3A_951 = vector.extract %reduce_sum3A_950[15] : f32 from vector<16xf32>
      %broadcast_in_dim3A_952 = vector.broadcast %reduce_sum3A_951 : f32 to vector<16xf32>
      %select_n3A_953 = arith.select %eq3A_947, %broadcast_in_dim3A_952, %select_n3A_944 : vector<16xi1>, vector<16xf32>
      %eq3A_954 = arith.constant 5 : i32
      %eq3A_955 = vector.broadcast %eq3A_954 : i32 to vector<16xi32>
      %eq3A_956 = arith.cmpi eq, %iota3A, %eq3A_955 : vector<16xi32>
      %reduce_sum3A_957 = arith.constant true
      %reduce_sum3A_958 = vector.broadcast %reduce_sum3A_957 : i1 to vector<16xi1>
      %reduce_sum3A_959 = tpu.scan <sum>, %scan3A_903#5 masked %reduce_sum3A_958 : vector<16xf32>, vector<16xi1> -> vector<16xf32>
      %reduce_sum3A_960 = vector.extract %reduce_sum3A_959[15] : f32 from vector<16xf32>
      %broadcast_in_dim3A_961 = vector.broadcast %reduce_sum3A_960 : f32 to vector<16xf32>
      %select_n3A_962 = arith.select %eq3A_956, %broadcast_in_dim3A_961, %select_n3A_953 : vector<16xi1>, vector<16xf32>
      %eq3A_963 = arith.constant 6 : i32
      %eq3A_964 = vector.broadcast %eq3A_963 : i32 to vector<16xi32>
      %eq3A_965 = arith.cmpi eq, %iota3A, %eq3A_964 : vector<16xi32>
      %reduce_sum3A_966 = arith.constant true
      %reduce_sum3A_967 = vector.broadcast %reduce_sum3A_966 : i1 to vector<16xi1>
      %reduce_sum3A_968 = tpu.scan <sum>, %scan3A_903#6 masked %reduce_sum3A_967 : vector<16xf32>, vector<16xi1> -> vector<16xf32>
      %reduce_sum3A_969 = vector.extract %reduce_sum3A_968[15] : f32 from vector<16xf32>
      %broadcast_in_dim3A_970 = vector.broadcast %reduce_sum3A_969 : f32 to vector<16xf32>
      %select_n3A_971 = arith.select %eq3A_965, %broadcast_in_dim3A_970, %select_n3A_962 : vector<16xi1>, vector<16xf32>
      %eq3A_972 = arith.constant 7 : i32
      %eq3A_973 = vector.broadcast %eq3A_972 : i32 to vector<16xi32>
      %eq3A_974 = arith.cmpi eq, %iota3A, %eq3A_973 : vector<16xi32>
      %reduce_sum3A_975 = arith.constant true
      %reduce_sum3A_976 = vector.broadcast %reduce_sum3A_975 : i1 to vector<16xi1>
      %reduce_sum3A_977 = tpu.scan <sum>, %scan3A_903#7 masked %reduce_sum3A_976 : vector<16xf32>, vector<16xi1> -> vector<16xf32>
      %reduce_sum3A_978 = vector.extract %reduce_sum3A_977[15] : f32 from vector<16xf32>
      %broadcast_in_dim3A_979 = vector.broadcast %reduce_sum3A_978 : f32 to vector<16xf32>
      %select_n3A_980 = arith.select %eq3A_974, %broadcast_in_dim3A_979, %select_n3A_971 : vector<16xi1>, vector<16xf32>
      %eq3A_981 = arith.constant 8 : i32
      %eq3A_982 = vector.broadcast %eq3A_981 : i32 to vector<16xi32>
      %eq3A_983 = arith.cmpi eq, %iota3A, %eq3A_982 : vector<16xi32>
      %reduce_sum3A_984 = arith.constant true
      %reduce_sum3A_985 = vector.broadcast %reduce_sum3A_984 : i1 to vector<16xi1>
      %reduce_sum3A_986 = tpu.scan <sum>, %scan3A_903#8 masked %reduce_sum3A_985 : vector<16xf32>, vector<16xi1> -> vector<16xf32>
      %reduce_sum3A_987 = vector.extract %reduce_sum3A_986[15] : f32 from vector<16xf32>
      %broadcast_in_dim3A_988 = vector.broadcast %reduce_sum3A_987 : f32 to vector<16xf32>
      %select_n3A_989 = arith.select %eq3A_983, %broadcast_in_dim3A_988, %select_n3A_980 : vector<16xi1>, vector<16xf32>
      %eq3A_990 = arith.constant 9 : i32
      %eq3A_991 = vector.broadcast %eq3A_990 : i32 to vector<16xi32>
      %eq3A_992 = arith.cmpi eq, %iota3A, %eq3A_991 : vector<16xi32>
      %reduce_sum3A_993 = arith.constant true
      %reduce_sum3A_994 = vector.broadcast %reduce_sum3A_993 : i1 to vector<16xi1>
      %reduce_sum3A_995 = tpu.scan <sum>, %scan3A_903#9 masked %reduce_sum3A_994 : vector<16xf32>, vector<16xi1> -> vector<16xf32>
      %reduce_sum3A_996 = vector.extract %reduce_sum3A_995[15] : f32 from vector<16xf32>
      %broadcast_in_dim3A_997 = vector.broadcast %reduce_sum3A_996 : f32 to vector<16xf32>
      %select_n3A_998 = arith.select %eq3A_992, %broadcast_in_dim3A_997, %select_n3A_989 : vector<16xi1>, vector<16xf32>
      %eq3A_999 = arith.constant 10 : i32
      %eq3A_1000 = vector.broadcast %eq3A_999 : i32 to vector<16xi32>
      %eq3A_1001 = arith.cmpi eq, %iota3A, %eq3A_1000 : vector<16xi32>
      %reduce_sum3A_1002 = arith.constant true
      %reduce_sum3A_1003 = vector.broadcast %reduce_sum3A_1002 : i1 to vector<16xi1>
      %reduce_sum3A_1004 = tpu.scan <sum>, %scan3A_903#10 masked %reduce_sum3A_1003 : vector<16xf32>, vector<16xi1> -> vector<16xf32>
      %reduce_sum3A_1005 = vector.extract %reduce_sum3A_1004[15] : f32 from vector<16xf32>
      %broadcast_in_dim3A_1006 = vector.broadcast %reduce_sum3A_1005 : f32 to vector<16xf32>
      %select_n3A_1007 = arith.select %eq3A_1001, %broadcast_in_dim3A_1006, %select_n3A_998 : vector<16xi1>, vector<16xf32>
      %eq3A_1008 = arith.constant 11 : i32
      %eq3A_1009 = vector.broadcast %eq3A_1008 : i32 to vector<16xi32>
      %eq3A_1010 = arith.cmpi eq, %iota3A, %eq3A_1009 : vector<16xi32>
      %reduce_sum3A_1011 = arith.constant true
      %reduce_sum3A_1012 = vector.broadcast %reduce_sum3A_1011 : i1 to vector<16xi1>
      %reduce_sum3A_1013 = tpu.scan <sum>, %scan3A_903#11 masked %reduce_sum3A_1012 : vector<16xf32>, vector<16xi1> -> vector<16xf32>
      %reduce_sum3A_1014 = vector.extract %reduce_sum3A_1013[15] : f32 from vector<16xf32>
      %broadcast_in_dim3A_1015 = vector.broadcast %reduce_sum3A_1014 : f32 to vector<16xf32>
      %select_n3A_1016 = arith.select %eq3A_1010, %broadcast_in_dim3A_1015, %select_n3A_1007 : vector<16xi1>, vector<16xf32>
      %eq3A_1017 = arith.constant 12 : i32
      %eq3A_1018 = vector.broadcast %eq3A_1017 : i32 to vector<16xi32>
      %eq3A_1019 = arith.cmpi eq, %iota3A, %eq3A_1018 : vector<16xi32>
      %reduce_sum3A_1020 = arith.constant true
      %reduce_sum3A_1021 = vector.broadcast %reduce_sum3A_1020 : i1 to vector<16xi1>
      %reduce_sum3A_1022 = tpu.scan <sum>, %scan3A_903#12 masked %reduce_sum3A_1021 : vector<16xf32>, vector<16xi1> -> vector<16xf32>
      %reduce_sum3A_1023 = vector.extract %reduce_sum3A_1022[15] : f32 from vector<16xf32>
      %broadcast_in_dim3A_1024 = vector.broadcast %reduce_sum3A_1023 : f32 to vector<16xf32>
      %select_n3A_1025 = arith.select %eq3A_1019, %broadcast_in_dim3A_1024, %select_n3A_1016 : vector<16xi1>, vector<16xf32>
      %eq3A_1026 = arith.constant 13 : i32
      %eq3A_1027 = vector.broadcast %eq3A_1026 : i32 to vector<16xi32>
      %eq3A_1028 = arith.cmpi eq, %iota3A, %eq3A_1027 : vector<16xi32>
      %reduce_sum3A_1029 = arith.constant true
      %reduce_sum3A_1030 = vector.broadcast %reduce_sum3A_1029 : i1 to vector<16xi1>
      %reduce_sum3A_1031 = tpu.scan <sum>, %scan3A_903#13 masked %reduce_sum3A_1030 : vector<16xf32>, vector<16xi1> -> vector<16xf32>
      %reduce_sum3A_1032 = vector.extract %reduce_sum3A_1031[15] : f32 from vector<16xf32>
      %broadcast_in_dim3A_1033 = vector.broadcast %reduce_sum3A_1032 : f32 to vector<16xf32>
      %select_n3A_1034 = arith.select %eq3A_1028, %broadcast_in_dim3A_1033, %select_n3A_1025 : vector<16xi1>, vector<16xf32>
      %eq3A_1035 = arith.constant 14 : i32
      %eq3A_1036 = vector.broadcast %eq3A_1035 : i32 to vector<16xi32>
      %eq3A_1037 = arith.cmpi eq, %iota3A, %eq3A_1036 : vector<16xi32>
      %reduce_sum3A_1038 = arith.constant true
      %reduce_sum3A_1039 = vector.broadcast %reduce_sum3A_1038 : i1 to vector<16xi1>
      %reduce_sum3A_1040 = tpu.scan <sum>, %scan3A_903#14 masked %reduce_sum3A_1039 : vector<16xf32>, vector<16xi1> -> vector<16xf32>
      %reduce_sum3A_1041 = vector.extract %reduce_sum3A_1040[15] : f32 from vector<16xf32>
      %broadcast_in_dim3A_1042 = vector.broadcast %reduce_sum3A_1041 : f32 to vector<16xf32>
      %select_n3A_1043 = arith.select %eq3A_1037, %broadcast_in_dim3A_1042, %select_n3A_1034 : vector<16xi1>, vector<16xf32>
      %eq3A_1044 = arith.constant 15 : i32
      %eq3A_1045 = vector.broadcast %eq3A_1044 : i32 to vector<16xi32>
      %eq3A_1046 = arith.cmpi eq, %iota3A, %eq3A_1045 : vector<16xi32>
      %reduce_sum3A_1047 = arith.constant true
      %reduce_sum3A_1048 = vector.broadcast %reduce_sum3A_1047 : i1 to vector<16xi1>
      %reduce_sum3A_1049 = tpu.scan <sum>, %scan3A_903#15 masked %reduce_sum3A_1048 : vector<16xf32>, vector<16xi1> -> vector<16xf32>
      %reduce_sum3A_1050 = vector.extract %reduce_sum3A_1049[15] : f32 from vector<16xf32>
      %broadcast_in_dim3A_1051 = vector.broadcast %reduce_sum3A_1050 : f32 to vector<16xf32>
      %select_n3A_1052 = arith.select %eq3A_1046, %broadcast_in_dim3A_1051, %select_n3A_1043 : vector<16xi1>, vector<16xf32>
      %add3A_1053 = arith.addf %select_n3A_1052, %get3A_906 : vector<16xf32>
      %swap3A_1054 = arith.index_cast %add3A_676 : i32 to index
      %swap3A_1055 = arith.constant 16 : index
      %swap3A_1056 = tpu.vector_load %arg13[%swap3A_1054, %swap3A_1055] {strides = array<i32>} : memref<32x64xf32, #tpu.memory_space<vmem>>, vector<16xf32>,
      tpu.vector_store %arg13[%swap3A_1054, %swap3A_1055], %add3A_1053 {strides = array<i32>} : memref<32x64xf32, #tpu.memory_space<vmem>>, vector<16xf32>,
      %broadcast_in_dim3A_1057 = arith.constant 0.000000e+00 : f32
      %broadcast_in_dim3A_1058 = vector.broadcast %broadcast_in_dim3A_1057 : f32 to vector<16xf32>
      %broadcast_in_dim3A_1059 = arith.constant 0.000000e+00 : f32
      %broadcast_in_dim3A_1060 = vector.broadcast %broadcast_in_dim3A_1059 : f32 to vector<16xf32>
      %broadcast_in_dim3A_1061 = arith.constant 0.000000e+00 : f32
      %broadcast_in_dim3A_1062 = vector.broadcast %broadcast_in_dim3A_1061 : f32 to vector<16xf32>
      %broadcast_in_dim3A_1063 = arith.constant 0.000000e+00 : f32
      %broadcast_in_dim3A_1064 = vector.broadcast %broadcast_in_dim3A_1063 : f32 to vector<16xf32>
      %broadcast_in_dim3A_1065 = arith.constant 0.000000e+00 : f32
      %broadcast_in_dim3A_1066 = vector.broadcast %broadcast_in_dim3A_1065 : f32 to vector<16xf32>
      %broadcast_in_dim3A_1067 = arith.constant 0.000000e+00 : f32
      %broadcast_in_dim3A_1068 = vector.broadcast %broadcast_in_dim3A_1067 : f32 to vector<16xf32>
      %broadcast_in_dim3A_1069 = arith.constant 0.000000e+00 : f32
      %broadcast_in_dim3A_1070 = vector.broadcast %broadcast_in_dim3A_1069 : f32 to vector<16xf32>
      %broadcast_in_dim3A_1071 = arith.constant 0.000000e+00 : f32
      %broadcast_in_dim3A_1072 = vector.broadcast %broadcast_in_dim3A_1071 : f32 to vector<16xf32>
      %broadcast_in_dim3A_1073 = arith.constant 0.000000e+00 : f32
      %broadcast_in_dim3A_1074 = vector.broadcast %broadcast_in_dim3A_1073 : f32 to vector<16xf32>
      %broadcast_in_dim3A_1075 = arith.constant 0.000000e+00 : f32
      %broadcast_in_dim3A_1076 = vector.broadcast %broadcast_in_dim3A_1075 : f32 to vector<16xf32>
      %broadcast_in_dim3A_1077 = arith.constant 0.000000e+00 : f32
      %broadcast_in_dim3A_1078 = vector.broadcast %broadcast_in_dim3A_1077 : f32 to vector<16xf32>
      %broadcast_in_dim3A_1079 = arith.constant 0.000000e+00 : f32
      %broadcast_in_dim3A_1080 = vector.broadcast %broadcast_in_dim3A_1079 : f32 to vector<16xf32>
      %broadcast_in_dim3A_1081 = arith.constant 0.000000e+00 : f32
      %broadcast_in_dim3A_1082 = vector.broadcast %broadcast_in_dim3A_1081 : f32 to vector<16xf32>
      %broadcast_in_dim3A_1083 = arith.constant 0.000000e+00 : f32
      %broadcast_in_dim3A_1084 = vector.broadcast %broadcast_in_dim3A_1083 : f32 to vector<16xf32>
      %broadcast_in_dim3A_1085 = arith.constant 0.000000e+00 : f32
      %broadcast_in_dim3A_1086 = vector.broadcast %broadcast_in_dim3A_1085 : f32 to vector<16xf32>
      %broadcast_in_dim3A_1087 = arith.constant 0.000000e+00 : f32
      %broadcast_in_dim3A_1088 = vector.broadcast %broadcast_in_dim3A_1087 : f32 to vector<16xf32>
      %scan3A_1089 = arith.constant 0 : i32
      %scan3A_1090 = arith.constant 48 : i32
      %scan3A_1091 = arith.addi %scan3A_1089, %scan3A_1090 : i32
      %scan3A_1092 = arith.constant 1 : i32
      %scan3A_1093:16 = scf.for %scan3A_1288 = %scan3A_1089 to %scan3A_1091 step %scan3A_1092 iter_args(%scan3A_1289 = %broadcast_in_dim3A_1058, %scan3A_1290 = %broadcast_in_dim3A_1060, %scan3A_1291 = %broadcast_in_dim3A_1062, %scan3A_1292 = %broadcast_in_dim3A_1064, %scan3A_1293 = %broadcast_in_dim3A_1066, %scan3A_1294 = %broadcast_in_dim3A_1068, %scan3A_1295 = %broadcast_in_dim3A_1070, %scan3A_1296 = %broadcast_in_dim3A_1072, %scan3A_1297 = %broadcast_in_dim3A_1074, %scan3A_1298 = %broadcast_in_dim3A_1076, %scan3A_1299 = %broadcast_in_dim3A_1078, %scan3A_1300 = %broadcast_in_dim3A_1080, %scan3A_1301 = %broadcast_in_dim3A_1082, %scan3A_1302 = %broadcast_in_dim3A_1084, %scan3A_1303 = %broadcast_in_dim3A_1086, %scan3A_1304 = %broadcast_in_dim3A_1088) -> (vector<16xf32>, vector<16xf32>, vector<16xf32>, vector<16xf32>, vector<16xf32>, vector<16xf32>, vector<16xf32>, vector<16xf32>, vector<16xf32>, vector<16xf32>, vector<16xf32>, vector<16xf32>, vector<16xf32>, vector<16xf32>, vector<16xf32>, vector<16xf32>)  : i32 {
        %mul3A_1305 = arith.constant 16 : i32
        %mul3A_1306 = arith.muli %scan3A_1288, %mul3A_1305 : i32
        %get3A_1307 = arith.index_cast %add3A_676 : i32 to index
        %get3A_1308 = arith.index_cast %mul3A_1306 : i32 to index
        %get3A_1309 = tpu.vector_load %arg8[%get3A_1307, %get3A_1308] {strides = array<i32>} : memref<32x768xf32, #tpu.memory_space<vmem>>, vector<16xf32>,
        %bitcast_convert_type3A = tpu.bitcast %get3A_1309 : vector<16xf32> -> vector<16xi32>
        %add3A_1310 = arith.constant 32767 : i32
        %add3A_1311 = vector.broadcast %add3A_1310 : i32 to vector<16xi32>
        %add3A_1312 = arith.addi %bitcast_convert_type3A, %add3A_1311 : vector<16xi32>
        %shift_right_logical3A = arith.constant 16 : i32
        %shift_right_logical3A_1313 = vector.broadcast %shift_right_logical3A : i32 to vector<16xi32>
        %shift_right_logical3A_1314 = arith.shrui %bitcast_convert_type3A, %shift_right_logical3A_1313 : vector<16xi32>
        %and3A = arith.constant 1 : i32
        %and3A_1315 = vector.broadcast %and3A : i32 to vector<16xi32>
        %and3A_1316 = arith.andi %shift_right_logical3A_1314, %and3A_1315 : vector<16xi32>
        %add3A_1317 = arith.addi %add3A_1312, %and3A_1316 : vector<16xi32>
        %and3A_1318 = arith.constant -65536 : i32
        %and3A_1319 = vector.broadcast %and3A_1318 : i32 to vector<16xi32>
        %and3A_1320 = arith.andi %add3A_1317, %and3A_1319 : vector<16xi32>
        %bitcast_convert_type3A_1321 = tpu.bitcast %and3A_1320 : vector<16xi32> -> vector<16xf32>
        %mul3A_1322 = arith.constant 16 : i32
        %mul3A_1323 = arith.muli %scan3A_1288, %mul3A_1322 : i32
        %get3A_1324 = arith.constant 32 : i32
        %get3A_1325 = arith.index_cast %get3A_1324 : i32 to index
        %get3A_1326 = arith.index_cast %mul3A_1323 : i32 to index
        %get3A_1327 = tpu.vector_load %arg10[%get3A_1325, %get3A_1326] {strides = array<i32>} : memref<56x768xf32, #tpu.memory_space<vmem>>, vector<16xf32>,
        %bitcast_convert_type3A_1328 = tpu.bitcast %get3A_1327 : vector<16xf32> -> vector<16xi32>
        %add3A_1329 = arith.constant 32767 : i32
        %add3A_1330 = vector.broadcast %add3A_1329 : i32 to vector<16xi32>
        %add3A_1331 = arith.addi %bitcast_convert_type3A_1328, %add3A_1330 : vector<16xi32>
        %shift_right_logical3A_1332 = arith.constant 16 : i32
        %shift_right_logical3A_1333 = vector.broadcast %shift_right_logical3A_1332 : i32 to vector<16xi32>
        %shift_right_logical3A_1334 = arith.shrui %bitcast_convert_type3A_1328, %shift_right_logical3A_1333 : vector<16xi32>
        %and3A_1335 = arith.constant 1 : i32
        %and3A_1336 = vector.broadcast %and3A_1335 : i32 to vector<16xi32>
        %and3A_1337 = arith.andi %shift_right_logical3A_1334, %and3A_1336 : vector<16xi32>
        %add3A_1338 = arith.addi %add3A_1331, %and3A_1337 : vector<16xi32>
        %and3A_1339 = arith.constant -65536 : i32
        %and3A_1340 = vector.broadcast %and3A_1339 : i32 to vector<16xi32>
        %and3A_1341 = arith.andi %add3A_1338, %and3A_1340 : vector<16xi32>
        %bitcast_convert_type3A_1342 = tpu.bitcast %and3A_1341 : vector<16xi32> -> vector<16xf32>
        %mul3A_1343 = arith.mulf %bitcast_convert_type3A_1342, %bitcast_convert_type3A_1321 : vector<16xf32>
        %add3A_1344 = arith.addf %scan3A_1289, %mul3A_1343 : vector<16xf32>
        %mul3A_1345 = arith.constant 16 : i32
        %mul3A_1346 = arith.muli %scan3A_1288, %mul3A_1345 : i32
        %get3A_1347 = arith.constant 33 : i32
        %get3A_1348 = arith.index_cast %get3A_1347 : i32 to index
        %get3A_1349 = arith.index_cast %mul3A_1346 : i32 to index
        %get3A_1350 = tpu.vector_load %arg10[%get3A_1348, %get3A_1349] {strides = array<i32>} : memref<56x768xf32, #tpu.memory_space<vmem>>, vector<16xf32>,
        %bitcast_convert_type3A_1351 = tpu.bitcast %get3A_1350 : vector<16xf32> -> vector<16xi32>
        %add3A_1352 = arith.constant 32767 : i32
        %add3A_1353 = vector.broadcast %add3A_1352 : i32 to vector<16xi32>
        %add3A_1354 = arith.addi %bitcast_convert_type3A_1351, %add3A_1353 : vector<16xi32>
        %shift_right_logical3A_1355 = arith.constant 16 : i32
        %shift_right_logical3A_1356 = vector.broadcast %shift_right_logical3A_1355 : i32 to vector<16xi32>
        %shift_right_logical3A_1357 = arith.shrui %bitcast_convert_type3A_1351, %shift_right_logical3A_1356 : vector<16xi32>
        %and3A_1358 = arith.constant 1 : i32
        %and3A_1359 = vector.broadcast %and3A_1358 : i32 to vector<16xi32>
        %and3A_1360 = arith.andi %shift_right_logical3A_1357, %and3A_1359 : vector<16xi32>
        %add3A_1361 = arith.addi %add3A_1354, %and3A_1360 : vector<16xi32>
        %and3A_1362 = arith.constant -65536 : i32
        %and3A_1363 = vector.broadcast %and3A_1362 : i32 to vector<16xi32>
        %and3A_1364 = arith.andi %add3A_1361, %and3A_1363 : vector<16xi32>
        %bitcast_convert_type3A_1365 = tpu.bitcast %and3A_1364 : vector<16xi32> -> vector<16xf32>
        %mul3A_1366 = arith.mulf %bitcast_convert_type3A_1365, %bitcast_convert_type3A_1321 : vector<16xf32>
        %add3A_1367 = arith.addf %scan3A_1290, %mul3A_1366 : vector<16xf32>
        %mul3A_1368 = arith.constant 16 : i32
        %mul3A_1369 = arith.muli %scan3A_1288, %mul3A_1368 : i32
        %get3A_1370 = arith.constant 34 : i32
        %get3A_1371 = arith.index_cast %get3A_1370 : i32 to index
        %get3A_1372 = arith.index_cast %mul3A_1369 : i32 to index
        %get3A_1373 = tpu.vector_load %arg10[%get3A_1371, %get3A_1372] {strides = array<i32>} : memref<56x768xf32, #tpu.memory_space<vmem>>, vector<16xf32>,
        %bitcast_convert_type3A_1374 = tpu.bitcast %get3A_1373 : vector<16xf32> -> vector<16xi32>
        %add3A_1375 = arith.constant 32767 : i32
        %add3A_1376 = vector.broadcast %add3A_1375 : i32 to vector<16xi32>
        %add3A_1377 = arith.addi %bitcast_convert_type3A_1374, %add3A_1376 : vector<16xi32>
        %shift_right_logical3A_1378 = arith.constant 16 : i32
        %shift_right_logical3A_1379 = vector.broadcast %shift_right_logical3A_1378 : i32 to vector<16xi32>
        %shift_right_logical3A_1380 = arith.shrui %bitcast_convert_type3A_1374, %shift_right_logical3A_1379 : vector<16xi32>
        %and3A_1381 = arith.constant 1 : i32
        %and3A_1382 = vector.broadcast %and3A_1381 : i32 to vector<16xi32>
        %and3A_1383 = arith.andi %shift_right_logical3A_1380, %and3A_1382 : vector<16xi32>
        %add3A_1384 = arith.addi %add3A_1377, %and3A_1383 : vector<16xi32>
        %and3A_1385 = arith.constant -65536 : i32
        %and3A_1386 = vector.broadcast %and3A_1385 : i32 to vector<16xi32>
        %and3A_1387 = arith.andi %add3A_1384, %and3A_1386 : vector<16xi32>
        %bitcast_convert_type3A_1388 = tpu.bitcast %and3A_1387 : vector<16xi32> -> vector<16xf32>
        %mul3A_1389 = arith.mulf %bitcast_convert_type3A_1388, %bitcast_convert_type3A_1321 : vector<16xf32>
        %add3A_1390 = arith.addf %scan3A_1291, %mul3A_1389 : vector<16xf32>
        %mul3A_1391 = arith.constant 16 : i32
        %mul3A_1392 = arith.muli %scan3A_1288, %mul3A_1391 : i32
        %get3A_1393 = arith.constant 35 : i32
        %get3A_1394 = arith.index_cast %get3A_1393 : i32 to index
        %get3A_1395 = arith.index_cast %mul3A_1392 : i32 to index
        %get3A_1396 = tpu.vector_load %arg10[%get3A_1394, %get3A_1395] {strides = array<i32>} : memref<56x768xf32, #tpu.memory_space<vmem>>, vector<16xf32>,
        %bitcast_convert_type3A_1397 = tpu.bitcast %get3A_1396 : vector<16xf32> -> vector<16xi32>
        %add3A_1398 = arith.constant 32767 : i32
        %add3A_1399 = vector.broadcast %add3A_1398 : i32 to vector<16xi32>
        %add3A_1400 = arith.addi %bitcast_convert_type3A_1397, %add3A_1399 : vector<16xi32>
        %shift_right_logical3A_1401 = arith.constant 16 : i32
        %shift_right_logical3A_1402 = vector.broadcast %shift_right_logical3A_1401 : i32 to vector<16xi32>
        %shift_right_logical3A_1403 = arith.shrui %bitcast_convert_type3A_1397, %shift_right_logical3A_1402 : vector<16xi32>
        %and3A_1404 = arith.constant 1 : i32
        %and3A_1405 = vector.broadcast %and3A_1404 : i32 to vector<16xi32>
        %and3A_1406 = arith.andi %shift_right_logical3A_1403, %and3A_1405 : vector<16xi32>
        %add3A_1407 = arith.addi %add3A_1400, %and3A_1406 : vector<16xi32>
        %and3A_1408 = arith.constant -65536 : i32
        %and3A_1409 = vector.broadcast %and3A_1408 : i32 to vector<16xi32>
        %and3A_1410 = arith.andi %add3A_1407, %and3A_1409 : vector<16xi32>
        %bitcast_convert_type3A_1411 = tpu.bitcast %and3A_1410 : vector<16xi32> -> vector<16xf32>
        %mul3A_1412 = arith.mulf %bitcast_convert_type3A_1411, %bitcast_convert_type3A_1321 : vector<16xf32>
        %add3A_1413 = arith.addf %scan3A_1292, %mul3A_1412 : vector<16xf32>
        %mul3A_1414 = arith.constant 16 : i32
        %mul3A_1415 = arith.muli %scan3A_1288, %mul3A_1414 : i32
        %get3A_1416 = arith.constant 36 : i32
        %get3A_1417 = arith.index_cast %get3A_1416 : i32 to index
        %get3A_1418 = arith.index_cast %mul3A_1415 : i32 to index
        %get3A_1419 = tpu.vector_load %arg10[%get3A_1417, %get3A_1418] {strides = array<i32>} : memref<56x768xf32, #tpu.memory_space<vmem>>, vector<16xf32>,
        %bitcast_convert_type3A_1420 = tpu.bitcast %get3A_1419 : vector<16xf32> -> vector<16xi32>
        %add3A_1421 = arith.constant 32767 : i32
        %add3A_1422 = vector.broadcast %add3A_1421 : i32 to vector<16xi32>
        %add3A_1423 = arith.addi %bitcast_convert_type3A_1420, %add3A_1422 : vector<16xi32>
        %shift_right_logical3A_1424 = arith.constant 16 : i32
        %shift_right_logical3A_1425 = vector.broadcast %shift_right_logical3A_1424 : i32 to vector<16xi32>
        %shift_right_logical3A_1426 = arith.shrui %bitcast_convert_type3A_1420, %shift_right_logical3A_1425 : vector<16xi32>
        %and3A_1427 = arith.constant 1 : i32
        %and3A_1428 = vector.broadcast %and3A_1427 : i32 to vector<16xi32>
        %and3A_1429 = arith.andi %shift_right_logical3A_1426, %and3A_1428 : vector<16xi32>
        %add3A_1430 = arith.addi %add3A_1423, %and3A_1429 : vector<16xi32>
        %and3A_1431 = arith.constant -65536 : i32
        %and3A_1432 = vector.broadcast %and3A_1431 : i32 to vector<16xi32>
        %and3A_1433 = arith.andi %add3A_1430, %and3A_1432 : vector<16xi32>
        %bitcast_convert_type3A_1434 = tpu.bitcast %and3A_1433 : vector<16xi32> -> vector<16xf32>
        %mul3A_1435 = arith.mulf %bitcast_convert_type3A_1434, %bitcast_convert_type3A_1321 : vector<16xf32>
        %add3A_1436 = arith.addf %scan3A_1293, %mul3A_1435 : vector<16xf32>
        %mul3A_1437 = arith.constant 16 : i32
        %mul3A_1438 = arith.muli %scan3A_1288, %mul3A_1437 : i32
        %get3A_1439 = arith.constant 37 : i32
        %get3A_1440 = arith.index_cast %get3A_1439 : i32 to index
        %get3A_1441 = arith.index_cast %mul3A_1438 : i32 to index
        %get3A_1442 = tpu.vector_load %arg10[%get3A_1440, %get3A_1441] {strides = array<i32>} : memref<56x768xf32, #tpu.memory_space<vmem>>, vector<16xf32>,
        %bitcast_convert_type3A_1443 = tpu.bitcast %get3A_1442 : vector<16xf32> -> vector<16xi32>
        %add3A_1444 = arith.constant 32767 : i32
        %add3A_1445 = vector.broadcast %add3A_1444 : i32 to vector<16xi32>
        %add3A_1446 = arith.addi %bitcast_convert_type3A_1443, %add3A_1445 : vector<16xi32>
        %shift_right_logical3A_1447 = arith.constant 16 : i32
        %shift_right_logical3A_1448 = vector.broadcast %shift_right_logical3A_1447 : i32 to vector<16xi32>
        %shift_right_logical3A_1449 = arith.shrui %bitcast_convert_type3A_1443, %shift_right_logical3A_1448 : vector<16xi32>
        %and3A_1450 = arith.constant 1 : i32
        %and3A_1451 = vector.broadcast %and3A_1450 : i32 to vector<16xi32>
        %and3A_1452 = arith.andi %shift_right_logical3A_1449, %and3A_1451 : vector<16xi32>
        %add3A_1453 = arith.addi %add3A_1446, %and3A_1452 : vector<16xi32>
        %and3A_1454 = arith.constant -65536 : i32
        %and3A_1455 = vector.broadcast %and3A_1454 : i32 to vector<16xi32>
        %and3A_1456 = arith.andi %add3A_1453, %and3A_1455 : vector<16xi32>
        %bitcast_convert_type3A_1457 = tpu.bitcast %and3A_1456 : vector<16xi32> -> vector<16xf32>
        %mul3A_1458 = arith.mulf %bitcast_convert_type3A_1457, %bitcast_convert_type3A_1321 : vector<16xf32>
        %add3A_1459 = arith.addf %scan3A_1294, %mul3A_1458 : vector<16xf32>
        %mul3A_1460 = arith.constant 16 : i32
        %mul3A_1461 = arith.muli %scan3A_1288, %mul3A_1460 : i32
        %get3A_1462 = arith.constant 38 : i32
        %get3A_1463 = arith.index_cast %get3A_1462 : i32 to index
        %get3A_1464 = arith.index_cast %mul3A_1461 : i32 to index
        %get3A_1465 = tpu.vector_load %arg10[%get3A_1463, %get3A_1464] {strides = array<i32>} : memref<56x768xf32, #tpu.memory_space<vmem>>, vector<16xf32>,
        %bitcast_convert_type3A_1466 = tpu.bitcast %get3A_1465 : vector<16xf32> -> vector<16xi32>
        %add3A_1467 = arith.constant 32767 : i32
        %add3A_1468 = vector.broadcast %add3A_1467 : i32 to vector<16xi32>
        %add3A_1469 = arith.addi %bitcast_convert_type3A_1466, %add3A_1468 : vector<16xi32>
        %shift_right_logical3A_1470 = arith.constant 16 : i32
        %shift_right_logical3A_1471 = vector.broadcast %shift_right_logical3A_1470 : i32 to vector<16xi32>
        %shift_right_logical3A_1472 = arith.shrui %bitcast_convert_type3A_1466, %shift_right_logical3A_1471 : vector<16xi32>
        %and3A_1473 = arith.constant 1 : i32
        %and3A_1474 = vector.broadcast %and3A_1473 : i32 to vector<16xi32>
        %and3A_1475 = arith.andi %shift_right_logical3A_1472, %and3A_1474 : vector<16xi32>
        %add3A_1476 = arith.addi %add3A_1469, %and3A_1475 : vector<16xi32>
        %and3A_1477 = arith.constant -65536 : i32
        %and3A_1478 = vector.broadcast %and3A_1477 : i32 to vector<16xi32>
        %and3A_1479 = arith.andi %add3A_1476, %and3A_1478 : vector<16xi32>
        %bitcast_convert_type3A_1480 = tpu.bitcast %and3A_1479 : vector<16xi32> -> vector<16xf32>
        %mul3A_1481 = arith.mulf %bitcast_convert_type3A_1480, %bitcast_convert_type3A_1321 : vector<16xf32>
        %add3A_1482 = arith.addf %scan3A_1295, %mul3A_1481 : vector<16xf32>
        %mul3A_1483 = arith.constant 16 : i32
        %mul3A_1484 = arith.muli %scan3A_1288, %mul3A_1483 : i32
        %get3A_1485 = arith.constant 39 : i32
        %get3A_1486 = arith.index_cast %get3A_1485 : i32 to index
        %get3A_1487 = arith.index_cast %mul3A_1484 : i32 to index
        %get3A_1488 = tpu.vector_load %arg10[%get3A_1486, %get3A_1487] {strides = array<i32>} : memref<56x768xf32, #tpu.memory_space<vmem>>, vector<16xf32>,
        %bitcast_convert_type3A_1489 = tpu.bitcast %get3A_1488 : vector<16xf32> -> vector<16xi32>
        %add3A_1490 = arith.constant 32767 : i32
        %add3A_1491 = vector.broadcast %add3A_1490 : i32 to vector<16xi32>
        %add3A_1492 = arith.addi %bitcast_convert_type3A_1489, %add3A_1491 : vector<16xi32>
        %shift_right_logical3A_1493 = arith.constant 16 : i32
        %shift_right_logical3A_1494 = vector.broadcast %shift_right_logical3A_1493 : i32 to vector<16xi32>
        %shift_right_logical3A_1495 = arith.shrui %bitcast_convert_type3A_1489, %shift_right_logical3A_1494 : vector<16xi32>
        %and3A_1496 = arith.constant 1 : i32
        %and3A_1497 = vector.broadcast %and3A_1496 : i32 to vector<16xi32>
        %and3A_1498 = arith.andi %shift_right_logical3A_1495, %and3A_1497 : vector<16xi32>
        %add3A_1499 = arith.addi %add3A_1492, %and3A_1498 : vector<16xi32>
        %and3A_1500 = arith.constant -65536 : i32
        %and3A_1501 = vector.broadcast %and3A_1500 : i32 to vector<16xi32>
        %and3A_1502 = arith.andi %add3A_1499, %and3A_1501 : vector<16xi32>
        %bitcast_convert_type3A_1503 = tpu.bitcast %and3A_1502 : vector<16xi32> -> vector<16xf32>
        %mul3A_1504 = arith.mulf %bitcast_convert_type3A_1503, %bitcast_convert_type3A_1321 : vector<16xf32>
        %add3A_1505 = arith.addf %scan3A_1296, %mul3A_1504 : vector<16xf32>
        %mul3A_1506 = arith.constant 16 : i32
        %mul3A_1507 = arith.muli %scan3A_1288, %mul3A_1506 : i32
        %get3A_1508 = arith.constant 40 : i32
        %get3A_1509 = arith.index_cast %get3A_1508 : i32 to index
        %get3A_1510 = arith.index_cast %mul3A_1507 : i32 to index
        %get3A_1511 = tpu.vector_load %arg10[%get3A_1509, %get3A_1510] {strides = array<i32>} : memref<56x768xf32, #tpu.memory_space<vmem>>, vector<16xf32>,
        %bitcast_convert_type3A_1512 = tpu.bitcast %get3A_1511 : vector<16xf32> -> vector<16xi32>
        %add3A_1513 = arith.constant 32767 : i32
        %add3A_1514 = vector.broadcast %add3A_1513 : i32 to vector<16xi32>
        %add3A_1515 = arith.addi %bitcast_convert_type3A_1512, %add3A_1514 : vector<16xi32>
        %shift_right_logical3A_1516 = arith.constant 16 : i32
        %shift_right_logical3A_1517 = vector.broadcast %shift_right_logical3A_1516 : i32 to vector<16xi32>
        %shift_right_logical3A_1518 = arith.shrui %bitcast_convert_type3A_1512, %shift_right_logical3A_1517 : vector<16xi32>
        %and3A_1519 = arith.constant 1 : i32
        %and3A_1520 = vector.broadcast %and3A_1519 : i32 to vector<16xi32>
        %and3A_1521 = arith.andi %shift_right_logical3A_1518, %and3A_1520 : vector<16xi32>
        %add3A_1522 = arith.addi %add3A_1515, %and3A_1521 : vector<16xi32>
        %and3A_1523 = arith.constant -65536 : i32
        %and3A_1524 = vector.broadcast %and3A_1523 : i32 to vector<16xi32>
        %and3A_1525 = arith.andi %add3A_1522, %and3A_1524 : vector<16xi32>
        %bitcast_convert_type3A_1526 = tpu.bitcast %and3A_1525 : vector<16xi32> -> vector<16xf32>
        %mul3A_1527 = arith.mulf %bitcast_convert_type3A_1526, %bitcast_convert_type3A_1321 : vector<16xf32>
        %add3A_1528 = arith.addf %scan3A_1297, %mul3A_1527 : vector<16xf32>
        %mul3A_1529 = arith.constant 16 : i32
        %mul3A_1530 = arith.muli %scan3A_1288, %mul3A_1529 : i32
        %get3A_1531 = arith.constant 41 : i32
        %get3A_1532 = arith.index_cast %get3A_1531 : i32 to index
        %get3A_1533 = arith.index_cast %mul3A_1530 : i32 to index
        %get3A_1534 = tpu.vector_load %arg10[%get3A_1532, %get3A_1533] {strides = array<i32>} : memref<56x768xf32, #tpu.memory_space<vmem>>, vector<16xf32>,
        %bitcast_convert_type3A_1535 = tpu.bitcast %get3A_1534 : vector<16xf32> -> vector<16xi32>
        %add3A_1536 = arith.constant 32767 : i32
        %add3A_1537 = vector.broadcast %add3A_1536 : i32 to vector<16xi32>
        %add3A_1538 = arith.addi %bitcast_convert_type3A_1535, %add3A_1537 : vector<16xi32>
        %shift_right_logical3A_1539 = arith.constant 16 : i32
        %shift_right_logical3A_1540 = vector.broadcast %shift_right_logical3A_1539 : i32 to vector<16xi32>
        %shift_right_logical3A_1541 = arith.shrui %bitcast_convert_type3A_1535, %shift_right_logical3A_1540 : vector<16xi32>
        %and3A_1542 = arith.constant 1 : i32
        %and3A_1543 = vector.broadcast %and3A_1542 : i32 to vector<16xi32>
        %and3A_1544 = arith.andi %shift_right_logical3A_1541, %and3A_1543 : vector<16xi32>
        %add3A_1545 = arith.addi %add3A_1538, %and3A_1544 : vector<16xi32>
        %and3A_1546 = arith.constant -65536 : i32
        %and3A_1547 = vector.broadcast %and3A_1546 : i32 to vector<16xi32>
        %and3A_1548 = arith.andi %add3A_1545, %and3A_1547 : vector<16xi32>
        %bitcast_convert_type3A_1549 = tpu.bitcast %and3A_1548 : vector<16xi32> -> vector<16xf32>
        %mul3A_1550 = arith.mulf %bitcast_convert_type3A_1549, %bitcast_convert_type3A_1321 : vector<16xf32>
        %add3A_1551 = arith.addf %scan3A_1298, %mul3A_1550 : vector<16xf32>
        %mul3A_1552 = arith.constant 16 : i32
        %mul3A_1553 = arith.muli %scan3A_1288, %mul3A_1552 : i32
        %get3A_1554 = arith.constant 42 : i32
        %get3A_1555 = arith.index_cast %get3A_1554 : i32 to index
        %get3A_1556 = arith.index_cast %mul3A_1553 : i32 to index
        %get3A_1557 = tpu.vector_load %arg10[%get3A_1555, %get3A_1556] {strides = array<i32>} : memref<56x768xf32, #tpu.memory_space<vmem>>, vector<16xf32>,
        %bitcast_convert_type3A_1558 = tpu.bitcast %get3A_1557 : vector<16xf32> -> vector<16xi32>
        %add3A_1559 = arith.constant 32767 : i32
        %add3A_1560 = vector.broadcast %add3A_1559 : i32 to vector<16xi32>
        %add3A_1561 = arith.addi %bitcast_convert_type3A_1558, %add3A_1560 : vector<16xi32>
        %shift_right_logical3A_1562 = arith.constant 16 : i32
        %shift_right_logical3A_1563 = vector.broadcast %shift_right_logical3A_1562 : i32 to vector<16xi32>
        %shift_right_logical3A_1564 = arith.shrui %bitcast_convert_type3A_1558, %shift_right_logical3A_1563 : vector<16xi32>
        %and3A_1565 = arith.constant 1 : i32
        %and3A_1566 = vector.broadcast %and3A_1565 : i32 to vector<16xi32>
        %and3A_1567 = arith.andi %shift_right_logical3A_1564, %and3A_1566 : vector<16xi32>
        %add3A_1568 = arith.addi %add3A_1561, %and3A_1567 : vector<16xi32>
        %and3A_1569 = arith.constant -65536 : i32
        %and3A_1570 = vector.broadcast %and3A_1569 : i32 to vector<16xi32>
        %and3A_1571 = arith.andi %add3A_1568, %and3A_1570 : vector<16xi32>
        %bitcast_convert_type3A_1572 = tpu.bitcast %and3A_1571 : vector<16xi32> -> vector<16xf32>
        %mul3A_1573 = arith.mulf %bitcast_convert_type3A_1572, %bitcast_convert_type3A_1321 : vector<16xf32>
        %add3A_1574 = arith.addf %scan3A_1299, %mul3A_1573 : vector<16xf32>
        %mul3A_1575 = arith.constant 16 : i32
        %mul3A_1576 = arith.muli %scan3A_1288, %mul3A_1575 : i32
        %get3A_1577 = arith.constant 43 : i32
        %get3A_1578 = arith.index_cast %get3A_1577 : i32 to index
        %get3A_1579 = arith.index_cast %mul3A_1576 : i32 to index
        %get3A_1580 = tpu.vector_load %arg10[%get3A_1578, %get3A_1579] {strides = array<i32>} : memref<56x768xf32, #tpu.memory_space<vmem>>, vector<16xf32>,
        %bitcast_convert_type3A_1581 = tpu.bitcast %get3A_1580 : vector<16xf32> -> vector<16xi32>
        %add3A_1582 = arith.constant 32767 : i32
        %add3A_1583 = vector.broadcast %add3A_1582 : i32 to vector<16xi32>
        %add3A_1584 = arith.addi %bitcast_convert_type3A_1581, %add3A_1583 : vector<16xi32>
        %shift_right_logical3A_1585 = arith.constant 16 : i32
        %shift_right_logical3A_1586 = vector.broadcast %shift_right_logical3A_1585 : i32 to vector<16xi32>
        %shift_right_logical3A_1587 = arith.shrui %bitcast_convert_type3A_1581, %shift_right_logical3A_1586 : vector<16xi32>
        %and3A_1588 = arith.constant 1 : i32
        %and3A_1589 = vector.broadcast %and3A_1588 : i32 to vector<16xi32>
        %and3A_1590 = arith.andi %shift_right_logical3A_1587, %and3A_1589 : vector<16xi32>
        %add3A_1591 = arith.addi %add3A_1584, %and3A_1590 : vector<16xi32>
        %and3A_1592 = arith.constant -65536 : i32
        %and3A_1593 = vector.broadcast %and3A_1592 : i32 to vector<16xi32>
        %and3A_1594 = arith.andi %add3A_1591, %and3A_1593 : vector<16xi32>
        %bitcast_convert_type3A_1595 = tpu.bitcast %and3A_1594 : vector<16xi32> -> vector<16xf32>
        %mul3A_1596 = arith.mulf %bitcast_convert_type3A_1595, %bitcast_convert_type3A_1321 : vector<16xf32>
        %add3A_1597 = arith.addf %scan3A_1300, %mul3A_1596 : vector<16xf32>
        %mul3A_1598 = arith.constant 16 : i32
        %mul3A_1599 = arith.muli %scan3A_1288, %mul3A_1598 : i32
        %get3A_1600 = arith.constant 44 : i32
        %get3A_1601 = arith.index_cast %get3A_1600 : i32 to index
        %get3A_1602 = arith.index_cast %mul3A_1599 : i32 to index
        %get3A_1603 = tpu.vector_load %arg10[%get3A_1601, %get3A_1602] {strides = array<i32>} : memref<56x768xf32, #tpu.memory_space<vmem>>, vector<16xf32>,
        %bitcast_convert_type3A_1604 = tpu.bitcast %get3A_1603 : vector<16xf32> -> vector<16xi32>
        %add3A_1605 = arith.constant 32767 : i32
        %add3A_1606 = vector.broadcast %add3A_1605 : i32 to vector<16xi32>
        %add3A_1607 = arith.addi %bitcast_convert_type3A_1604, %add3A_1606 : vector<16xi32>
        %shift_right_logical3A_1608 = arith.constant 16 : i32
        %shift_right_logical3A_1609 = vector.broadcast %shift_right_logical3A_1608 : i32 to vector<16xi32>
        %shift_right_logical3A_1610 = arith.shrui %bitcast_convert_type3A_1604, %shift_right_logical3A_1609 : vector<16xi32>
        %and3A_1611 = arith.constant 1 : i32
        %and3A_1612 = vector.broadcast %and3A_1611 : i32 to vector<16xi32>
        %and3A_1613 = arith.andi %shift_right_logical3A_1610, %and3A_1612 : vector<16xi32>
        %add3A_1614 = arith.addi %add3A_1607, %and3A_1613 : vector<16xi32>
        %and3A_1615 = arith.constant -65536 : i32
        %and3A_1616 = vector.broadcast %and3A_1615 : i32 to vector<16xi32>
        %and3A_1617 = arith.andi %add3A_1614, %and3A_1616 : vector<16xi32>
        %bitcast_convert_type3A_1618 = tpu.bitcast %and3A_1617 : vector<16xi32> -> vector<16xf32>
        %mul3A_1619 = arith.mulf %bitcast_convert_type3A_1618, %bitcast_convert_type3A_1321 : vector<16xf32>
        %add3A_1620 = arith.addf %scan3A_1301, %mul3A_1619 : vector<16xf32>
        %mul3A_1621 = arith.constant 16 : i32
        %mul3A_1622 = arith.muli %scan3A_1288, %mul3A_1621 : i32
        %get3A_1623 = arith.constant 45 : i32
        %get3A_1624 = arith.index_cast %get3A_1623 : i32 to index
        %get3A_1625 = arith.index_cast %mul3A_1622 : i32 to index
        %get3A_1626 = tpu.vector_load %arg10[%get3A_1624, %get3A_1625] {strides = array<i32>} : memref<56x768xf32, #tpu.memory_space<vmem>>, vector<16xf32>,
        %bitcast_convert_type3A_1627 = tpu.bitcast %get3A_1626 : vector<16xf32> -> vector<16xi32>
        %add3A_1628 = arith.constant 32767 : i32
        %add3A_1629 = vector.broadcast %add3A_1628 : i32 to vector<16xi32>
        %add3A_1630 = arith.addi %bitcast_convert_type3A_1627, %add3A_1629 : vector<16xi32>
        %shift_right_logical3A_1631 = arith.constant 16 : i32
        %shift_right_logical3A_1632 = vector.broadcast %shift_right_logical3A_1631 : i32 to vector<16xi32>
        %shift_right_logical3A_1633 = arith.shrui %bitcast_convert_type3A_1627, %shift_right_logical3A_1632 : vector<16xi32>
        %and3A_1634 = arith.constant 1 : i32
        %and3A_1635 = vector.broadcast %and3A_1634 : i32 to vector<16xi32>
        %and3A_1636 = arith.andi %shift_right_logical3A_1633, %and3A_1635 : vector<16xi32>
        %add3A_1637 = arith.addi %add3A_1630, %and3A_1636 : vector<16xi32>
        %and3A_1638 = arith.constant -65536 : i32
        %and3A_1639 = vector.broadcast %and3A_1638 : i32 to vector<16xi32>
        %and3A_1640 = arith.andi %add3A_1637, %and3A_1639 : vector<16xi32>
        %bitcast_convert_type3A_1641 = tpu.bitcast %and3A_1640 : vector<16xi32> -> vector<16xf32>
        %mul3A_1642 = arith.mulf %bitcast_convert_type3A_1641, %bitcast_convert_type3A_1321 : vector<16xf32>
        %add3A_1643 = arith.addf %scan3A_1302, %mul3A_1642 : vector<16xf32>
        %mul3A_1644 = arith.constant 16 : i32
        %mul3A_1645 = arith.muli %scan3A_1288, %mul3A_1644 : i32
        %get3A_1646 = arith.constant 46 : i32
        %get3A_1647 = arith.index_cast %get3A_1646 : i32 to index
        %get3A_1648 = arith.index_cast %mul3A_1645 : i32 to index
        %get3A_1649 = tpu.vector_load %arg10[%get3A_1647, %get3A_1648] {strides = array<i32>} : memref<56x768xf32, #tpu.memory_space<vmem>>, vector<16xf32>,
        %bitcast_convert_type3A_1650 = tpu.bitcast %get3A_1649 : vector<16xf32> -> vector<16xi32>
        %add3A_1651 = arith.constant 32767 : i32
        %add3A_1652 = vector.broadcast %add3A_1651 : i32 to vector<16xi32>
        %add3A_1653 = arith.addi %bitcast_convert_type3A_1650, %add3A_1652 : vector<16xi32>
        %shift_right_logical3A_1654 = arith.constant 16 : i32
        %shift_right_logical3A_1655 = vector.broadcast %shift_right_logical3A_1654 : i32 to vector<16xi32>
        %shift_right_logical3A_1656 = arith.shrui %bitcast_convert_type3A_1650, %shift_right_logical3A_1655 : vector<16xi32>
        %and3A_1657 = arith.constant 1 : i32
        %and3A_1658 = vector.broadcast %and3A_1657 : i32 to vector<16xi32>
        %and3A_1659 = arith.andi %shift_right_logical3A_1656, %and3A_1658 : vector<16xi32>
        %add3A_1660 = arith.addi %add3A_1653, %and3A_1659 : vector<16xi32>
        %and3A_1661 = arith.constant -65536 : i32
        %and3A_1662 = vector.broadcast %and3A_1661 : i32 to vector<16xi32>
        %and3A_1663 = arith.andi %add3A_1660, %and3A_1662 : vector<16xi32>
        %bitcast_convert_type3A_1664 = tpu.bitcast %and3A_1663 : vector<16xi32> -> vector<16xf32>
        %mul3A_1665 = arith.mulf %bitcast_convert_type3A_1664, %bitcast_convert_type3A_1321 : vector<16xf32>
        %add3A_1666 = arith.addf %scan3A_1303, %mul3A_1665 : vector<16xf32>
        %mul3A_1667 = arith.constant 16 : i32
        %mul3A_1668 = arith.muli %scan3A_1288, %mul3A_1667 : i32
        %get3A_1669 = arith.constant 47 : i32
        %get3A_1670 = arith.index_cast %get3A_1669 : i32 to index
        %get3A_1671 = arith.index_cast %mul3A_1668 : i32 to index
        %get3A_1672 = tpu.vector_load %arg10[%get3A_1670, %get3A_1671] {strides = array<i32>} : memref<56x768xf32, #tpu.memory_space<vmem>>, vector<16xf32>,
        %bitcast_convert_type3A_1673 = tpu.bitcast %get3A_1672 : vector<16xf32> -> vector<16xi32>
        %add3A_1674 = arith.constant 32767 : i32
        %add3A_1675 = vector.broadcast %add3A_1674 : i32 to vector<16xi32>
        %add3A_1676 = arith.addi %bitcast_convert_type3A_1673, %add3A_1675 : vector<16xi32>
        %shift_right_logical3A_1677 = arith.constant 16 : i32
        %shift_right_logical3A_1678 = vector.broadcast %shift_right_logical3A_1677 : i32 to vector<16xi32>
        %shift_right_logical3A_1679 = arith.shrui %bitcast_convert_type3A_1673, %shift_right_logical3A_1678 : vector<16xi32>
        %and3A_1680 = arith.constant 1 : i32
        %and3A_1681 = vector.broadcast %and3A_1680 : i32 to vector<16xi32>
        %and3A_1682 = arith.andi %shift_right_logical3A_1679, %and3A_1681 : vector<16xi32>
        %add3A_1683 = arith.addi %add3A_1676, %and3A_1682 : vector<16xi32>
        %and3A_1684 = arith.constant -65536 : i32
        %and3A_1685 = vector.broadcast %and3A_1684 : i32 to vector<16xi32>
        %and3A_1686 = arith.andi %add3A_1683, %and3A_1685 : vector<16xi32>
        %bitcast_convert_type3A_1687 = tpu.bitcast %and3A_1686 : vector<16xi32> -> vector<16xf32>
        %mul3A_1688 = arith.mulf %bitcast_convert_type3A_1687, %bitcast_convert_type3A_1321 : vector<16xf32>
        %add3A_1689 = arith.addf %scan3A_1304, %mul3A_1688 : vector<16xf32>
        scf.yield %add3A_1344, %add3A_1367, %add3A_1390, %add3A_1413, %add3A_1436, %add3A_1459, %add3A_1482, %add3A_1505, %add3A_1528, %add3A_1551, %add3A_1574, %add3A_1597, %add3A_1620, %add3A_1643, %add3A_1666, %add3A_1689 : vector<16xf32>, vector<16xf32>, vector<16xf32>, vector<16xf32>, vector<16xf32>, vector<16xf32>, vector<16xf32>, vector<16xf32>, vector<16xf32>, vector<16xf32>, vector<16xf32>, vector<16xf32>, vector<16xf32>, vector<16xf32>, vector<16xf32>, vector<16xf32>
      }
      %scan3A_1094 = arith.constant 48 : i32
      %get3A_1095 = arith.constant 32 : index
      %get3A_1096 = tpu.vector_load %arg12[%get3A_1095] {strides = array<i32>} : memref<64xf32, #tpu.memory_space<vmem>>, vector<16xf32>,
      %broadcast_in_dim3A_1097 = arith.constant 0.000000e+00 : f32
      %broadcast_in_dim3A_1098 = vector.broadcast %broadcast_in_dim3A_1097 : f32 to vector<16xf32>
      %eq3A_1099 = arith.constant 0 : i32
      %eq3A_1100 = vector.broadcast %eq3A_1099 : i32 to vector<16xi32>
      %eq3A_1101 = arith.cmpi eq, %iota3A, %eq3A_1100 : vector<16xi32>
      %reduce_sum3A_1102 = arith.constant true
      %reduce_sum3A_1103 = vector.broadcast %reduce_sum3A_1102 : i1 to vector<16xi1>
      %reduce_sum3A_1104 = tpu.scan <sum>, %scan3A_1093#0 masked %reduce_sum3A_1103 : vector<16xf32>, vector<16xi1> -> vector<16xf32>
      %reduce_sum3A_1105 = vector.extract %reduce_sum3A_1104[15] : f32 from vector<16xf32>
      %broadcast_in_dim3A_1106 = vector.broadcast %reduce_sum3A_1105 : f32 to vector<16xf32>
      %select_n3A_1107 = arith.select %eq3A_1101, %broadcast_in_dim3A_1106, %broadcast_in_dim3A_1098 : vector<16xi1>, vector<16xf32>
      %eq3A_1108 = arith.constant 1 : i32
      %eq3A_1109 = vector.broadcast %eq3A_1108 : i32 to vector<16xi32>
      %eq3A_1110 = arith.cmpi eq, %iota3A, %eq3A_1109 : vector<16xi32>
      %reduce_sum3A_1111 = arith.constant true
      %reduce_sum3A_1112 = vector.broadcast %reduce_sum3A_1111 : i1 to vector<16xi1>
      %reduce_sum3A_1113 = tpu.scan <sum>, %scan3A_1093#1 masked %reduce_sum3A_1112 : vector<16xf32>, vector<16xi1> -> vector<16xf32>
      %reduce_sum3A_1114 = vector.extract %reduce_sum3A_1113[15] : f32 from vector<16xf32>
      %broadcast_in_dim3A_1115 = vector.broadcast %reduce_sum3A_1114 : f32 to vector<16xf32>
      %select_n3A_1116 = arith.select %eq3A_1110, %broadcast_in_dim3A_1115, %select_n3A_1107 : vector<16xi1>, vector<16xf32>
      %eq3A_1117 = arith.constant 2 : i32
      %eq3A_1118 = vector.broadcast %eq3A_1117 : i32 to vector<16xi32>
      %eq3A_1119 = arith.cmpi eq, %iota3A, %eq3A_1118 : vector<16xi32>
      %reduce_sum3A_1120 = arith.constant true
      %reduce_sum3A_1121 = vector.broadcast %reduce_sum3A_1120 : i1 to vector<16xi1>
      %reduce_sum3A_1122 = tpu.scan <sum>, %scan3A_1093#2 masked %reduce_sum3A_1121 : vector<16xf32>, vector<16xi1> -> vector<16xf32>
      %reduce_sum3A_1123 = vector.extract %reduce_sum3A_1122[15] : f32 from vector<16xf32>
      %broadcast_in_dim3A_1124 = vector.broadcast %reduce_sum3A_1123 : f32 to vector<16xf32>
      %select_n3A_1125 = arith.select %eq3A_1119, %broadcast_in_dim3A_1124, %select_n3A_1116 : vector<16xi1>, vector<16xf32>
      %eq3A_1126 = arith.constant 3 : i32
      %eq3A_1127 = vector.broadcast %eq3A_1126 : i32 to vector<16xi32>
      %eq3A_1128 = arith.cmpi eq, %iota3A, %eq3A_1127 : vector<16xi32>
      %reduce_sum3A_1129 = arith.constant true
      %reduce_sum3A_1130 = vector.broadcast %reduce_sum3A_1129 : i1 to vector<16xi1>
      %reduce_sum3A_1131 = tpu.scan <sum>, %scan3A_1093#3 masked %reduce_sum3A_1130 : vector<16xf32>, vector<16xi1> -> vector<16xf32>
      %reduce_sum3A_1132 = vector.extract %reduce_sum3A_1131[15] : f32 from vector<16xf32>
      %broadcast_in_dim3A_1133 = vector.broadcast %reduce_sum3A_1132 : f32 to vector<16xf32>
      %select_n3A_1134 = arith.select %eq3A_1128, %broadcast_in_dim3A_1133, %select_n3A_1125 : vector<16xi1>, vector<16xf32>
      %eq3A_1135 = arith.constant 4 : i32
      %eq3A_1136 = vector.broadcast %eq3A_1135 : i32 to vector<16xi32>
      %eq3A_1137 = arith.cmpi eq, %iota3A, %eq3A_1136 : vector<16xi32>
      %reduce_sum3A_1138 = arith.constant true
      %reduce_sum3A_1139 = vector.broadcast %reduce_sum3A_1138 : i1 to vector<16xi1>
      %reduce_sum3A_1140 = tpu.scan <sum>, %scan3A_1093#4 masked %reduce_sum3A_1139 : vector<16xf32>, vector<16xi1> -> vector<16xf32>
      %reduce_sum3A_1141 = vector.extract %reduce_sum3A_1140[15] : f32 from vector<16xf32>
      %broadcast_in_dim3A_1142 = vector.broadcast %reduce_sum3A_1141 : f32 to vector<16xf32>
      %select_n3A_1143 = arith.select %eq3A_1137, %broadcast_in_dim3A_1142, %select_n3A_1134 : vector<16xi1>, vector<16xf32>
      %eq3A_1144 = arith.constant 5 : i32
      %eq3A_1145 = vector.broadcast %eq3A_1144 : i32 to vector<16xi32>
      %eq3A_1146 = arith.cmpi eq, %iota3A, %eq3A_1145 : vector<16xi32>
      %reduce_sum3A_1147 = arith.constant true
      %reduce_sum3A_1148 = vector.broadcast %reduce_sum3A_1147 : i1 to vector<16xi1>
      %reduce_sum3A_1149 = tpu.scan <sum>, %scan3A_1093#5 masked %reduce_sum3A_1148 : vector<16xf32>, vector<16xi1> -> vector<16xf32>
      %reduce_sum3A_1150 = vector.extract %reduce_sum3A_1149[15] : f32 from vector<16xf32>
      %broadcast_in_dim3A_1151 = vector.broadcast %reduce_sum3A_1150 : f32 to vector<16xf32>
      %select_n3A_1152 = arith.select %eq3A_1146, %broadcast_in_dim3A_1151, %select_n3A_1143 : vector<16xi1>, vector<16xf32>
      %eq3A_1153 = arith.constant 6 : i32
      %eq3A_1154 = vector.broadcast %eq3A_1153 : i32 to vector<16xi32>
      %eq3A_1155 = arith.cmpi eq, %iota3A, %eq3A_1154 : vector<16xi32>
      %reduce_sum3A_1156 = arith.constant true
      %reduce_sum3A_1157 = vector.broadcast %reduce_sum3A_1156 : i1 to vector<16xi1>
      %reduce_sum3A_1158 = tpu.scan <sum>, %scan3A_1093#6 masked %reduce_sum3A_1157 : vector<16xf32>, vector<16xi1> -> vector<16xf32>
      %reduce_sum3A_1159 = vector.extract %reduce_sum3A_1158[15] : f32 from vector<16xf32>
      %broadcast_in_dim3A_1160 = vector.broadcast %reduce_sum3A_1159 : f32 to vector<16xf32>
      %select_n3A_1161 = arith.select %eq3A_1155, %broadcast_in_dim3A_1160, %select_n3A_1152 : vector<16xi1>, vector<16xf32>
      %eq3A_1162 = arith.constant 7 : i32
      %eq3A_1163 = vector.broadcast %eq3A_1162 : i32 to vector<16xi32>
      %eq3A_1164 = arith.cmpi eq, %iota3A, %eq3A_1163 : vector<16xi32>
      %reduce_sum3A_1165 = arith.constant true
      %reduce_sum3A_1166 = vector.broadcast %reduce_sum3A_1165 : i1 to vector<16xi1>
      %reduce_sum3A_1167 = tpu.scan <sum>, %scan3A_1093#7 masked %reduce_sum3A_1166 : vector<16xf32>, vector<16xi1> -> vector<16xf32>
      %reduce_sum3A_1168 = vector.extract %reduce_sum3A_1167[15] : f32 from vector<16xf32>
      %broadcast_in_dim3A_1169 = vector.broadcast %reduce_sum3A_1168 : f32 to vector<16xf32>
      %select_n3A_1170 = arith.select %eq3A_1164, %broadcast_in_dim3A_1169, %select_n3A_1161 : vector<16xi1>, vector<16xf32>
      %eq3A_1171 = arith.constant 8 : i32
      %eq3A_1172 = vector.broadcast %eq3A_1171 : i32 to vector<16xi32>
      %eq3A_1173 = arith.cmpi eq, %iota3A, %eq3A_1172 : vector<16xi32>
      %reduce_sum3A_1174 = arith.constant true
      %reduce_sum3A_1175 = vector.broadcast %reduce_sum3A_1174 : i1 to vector<16xi1>
      %reduce_sum3A_1176 = tpu.scan <sum>, %scan3A_1093#8 masked %reduce_sum3A_1175 : vector<16xf32>, vector<16xi1> -> vector<16xf32>
      %reduce_sum3A_1177 = vector.extract %reduce_sum3A_1176[15] : f32 from vector<16xf32>
      %broadcast_in_dim3A_1178 = vector.broadcast %reduce_sum3A_1177 : f32 to vector<16xf32>
      %select_n3A_1179 = arith.select %eq3A_1173, %broadcast_in_dim3A_1178, %select_n3A_1170 : vector<16xi1>, vector<16xf32>
      %eq3A_1180 = arith.constant 9 : i32
      %eq3A_1181 = vector.broadcast %eq3A_1180 : i32 to vector<16xi32>
      %eq3A_1182 = arith.cmpi eq, %iota3A, %eq3A_1181 : vector<16xi32>
      %reduce_sum3A_1183 = arith.constant true
      %reduce_sum3A_1184 = vector.broadcast %reduce_sum3A_1183 : i1 to vector<16xi1>
      %reduce_sum3A_1185 = tpu.scan <sum>, %scan3A_1093#9 masked %reduce_sum3A_1184 : vector<16xf32>, vector<16xi1> -> vector<16xf32>
      %reduce_sum3A_1186 = vector.extract %reduce_sum3A_1185[15] : f32 from vector<16xf32>
      %broadcast_in_dim3A_1187 = vector.broadcast %reduce_sum3A_1186 : f32 to vector<16xf32>
      %select_n3A_1188 = arith.select %eq3A_1182, %broadcast_in_dim3A_1187, %select_n3A_1179 : vector<16xi1>, vector<16xf32>
      %eq3A_1189 = arith.constant 10 : i32
      %eq3A_1190 = vector.broadcast %eq3A_1189 : i32 to vector<16xi32>
      %eq3A_1191 = arith.cmpi eq, %iota3A, %eq3A_1190 : vector<16xi32>
      %reduce_sum3A_1192 = arith.constant true
      %reduce_sum3A_1193 = vector.broadcast %reduce_sum3A_1192 : i1 to vector<16xi1>
      %reduce_sum3A_1194 = tpu.scan <sum>, %scan3A_1093#10 masked %reduce_sum3A_1193 : vector<16xf32>, vector<16xi1> -> vector<16xf32>
      %reduce_sum3A_1195 = vector.extract %reduce_sum3A_1194[15] : f32 from vector<16xf32>
      %broadcast_in_dim3A_1196 = vector.broadcast %reduce_sum3A_1195 : f32 to vector<16xf32>
      %select_n3A_1197 = arith.select %eq3A_1191, %broadcast_in_dim3A_1196, %select_n3A_1188 : vector<16xi1>, vector<16xf32>
      %eq3A_1198 = arith.constant 11 : i32
      %eq3A_1199 = vector.broadcast %eq3A_1198 : i32 to vector<16xi32>
      %eq3A_1200 = arith.cmpi eq, %iota3A, %eq3A_1199 : vector<16xi32>
      %reduce_sum3A_1201 = arith.constant true
      %reduce_sum3A_1202 = vector.broadcast %reduce_sum3A_1201 : i1 to vector<16xi1>
      %reduce_sum3A_1203 = tpu.scan <sum>, %scan3A_1093#11 masked %reduce_sum3A_1202 : vector<16xf32>, vector<16xi1> -> vector<16xf32>
      %reduce_sum3A_1204 = vector.extract %reduce_sum3A_1203[15] : f32 from vector<16xf32>
      %broadcast_in_dim3A_1205 = vector.broadcast %reduce_sum3A_1204 : f32 to vector<16xf32>
      %select_n3A_1206 = arith.select %eq3A_1200, %broadcast_in_dim3A_1205, %select_n3A_1197 : vector<16xi1>, vector<16xf32>
      %eq3A_1207 = arith.constant 12 : i32
      %eq3A_1208 = vector.broadcast %eq3A_1207 : i32 to vector<16xi32>
      %eq3A_1209 = arith.cmpi eq, %iota3A, %eq3A_1208 : vector<16xi32>
      %reduce_sum3A_1210 = arith.constant true
      %reduce_sum3A_1211 = vector.broadcast %reduce_sum3A_1210 : i1 to vector<16xi1>
      %reduce_sum3A_1212 = tpu.scan <sum>, %scan3A_1093#12 masked %reduce_sum3A_1211 : vector<16xf32>, vector<16xi1> -> vector<16xf32>
      %reduce_sum3A_1213 = vector.extract %reduce_sum3A_1212[15] : f32 from vector<16xf32>
      %broadcast_in_dim3A_1214 = vector.broadcast %reduce_sum3A_1213 : f32 to vector<16xf32>
      %select_n3A_1215 = arith.select %eq3A_1209, %broadcast_in_dim3A_1214, %select_n3A_1206 : vector<16xi1>, vector<16xf32>
      %eq3A_1216 = arith.constant 13 : i32
      %eq3A_1217 = vector.broadcast %eq3A_1216 : i32 to vector<16xi32>
      %eq3A_1218 = arith.cmpi eq, %iota3A, %eq3A_1217 : vector<16xi32>
      %reduce_sum3A_1219 = arith.constant true
      %reduce_sum3A_1220 = vector.broadcast %reduce_sum3A_1219 : i1 to vector<16xi1>
      %reduce_sum3A_1221 = tpu.scan <sum>, %scan3A_1093#13 masked %reduce_sum3A_1220 : vector<16xf32>, vector<16xi1> -> vector<16xf32>
      %reduce_sum3A_1222 = vector.extract %reduce_sum3A_1221[15] : f32 from vector<16xf32>
      %broadcast_in_dim3A_1223 = vector.broadcast %reduce_sum3A_1222 : f32 to vector<16xf32>
      %select_n3A_1224 = arith.select %eq3A_1218, %broadcast_in_dim3A_1223, %select_n3A_1215 : vector<16xi1>, vector<16xf32>
      %eq3A_1225 = arith.constant 14 : i32
      %eq3A_1226 = vector.broadcast %eq3A_1225 : i32 to vector<16xi32>
      %eq3A_1227 = arith.cmpi eq, %iota3A, %eq3A_1226 : vector<16xi32>
      %reduce_sum3A_1228 = arith.constant true
      %reduce_sum3A_1229 = vector.broadcast %reduce_sum3A_1228 : i1 to vector<16xi1>
      %reduce_sum3A_1230 = tpu.scan <sum>, %scan3A_1093#14 masked %reduce_sum3A_1229 : vector<16xf32>, vector<16xi1> -> vector<16xf32>
      %reduce_sum3A_1231 = vector.extract %reduce_sum3A_1230[15] : f32 from vector<16xf32>
      %broadcast_in_dim3A_1232 = vector.broadcast %reduce_sum3A_1231 : f32 to vector<16xf32>
      %select_n3A_1233 = arith.select %eq3A_1227, %broadcast_in_dim3A_1232, %select_n3A_1224 : vector<16xi1>, vector<16xf32>
      %eq3A_1234 = arith.constant 15 : i32
      %eq3A_1235 = vector.broadcast %eq3A_1234 : i32 to vector<16xi32>
      %eq3A_1236 = arith.cmpi eq, %iota3A, %eq3A_1235 : vector<16xi32>
      %reduce_sum3A_1237 = arith.constant true
      %reduce_sum3A_1238 = vector.broadcast %reduce_sum3A_1237 : i1 to vector<16xi1>
      %reduce_sum3A_1239 = tpu.scan <sum>, %scan3A_1093#15 masked %reduce_sum3A_1238 : vector<16xf32>, vector<16xi1> -> vector<16xf32>
      %reduce_sum3A_1240 = vector.extract %reduce_sum3A_1239[15] : f32 from vector<16xf32>
      %broadcast_in_dim3A_1241 = vector.broadcast %reduce_sum3A_1240 : f32 to vector<16xf32>
      %select_n3A_1242 = arith.select %eq3A_1236, %broadcast_in_dim3A_1241, %select_n3A_1233 : vector<16xi1>, vector<16xf32>
      %add3A_1243 = arith.addf %select_n3A_1242, %get3A_1096 : vector<16xf32>
      %swap3A_1244 = arith.index_cast %add3A_676 : i32 to index
      %swap3A_1245 = arith.constant 32 : index
      %swap3A_1246 = tpu.vector_load %arg13[%swap3A_1244, %swap3A_1245] {strides = array<i32>} : memref<32x64xf32, #tpu.memory_space<vmem>>, vector<16xf32>,
      tpu.vector_store %arg13[%swap3A_1244, %swap3A_1245], %add3A_1243 {strides = array<i32>} : memref<32x64xf32, #tpu.memory_space<vmem>>, vector<16xf32>,
      %broadcast_in_dim3A_1247 = arith.constant 0.000000e+00 : f32
      %broadcast_in_dim3A_1248 = vector.broadcast %broadcast_in_dim3A_1247 : f32 to vector<16xf32>
      %broadcast_in_dim3A_1249 = arith.constant 0.000000e+00 : f32
      %broadcast_in_dim3A_1250 = vector.broadcast %broadcast_in_dim3A_1249 : f32 to vector<16xf32>
      %scan3A_1251 = arith.constant 0 : i32
      %scan3A_1252 = arith.constant 48 : i32
      %scan3A_1253 = arith.addi %scan3A_1251, %scan3A_1252 : i32
      %scan3A_1254 = arith.constant 1 : i32
      %scan3A_1255:2 = scf.for %scan3A_1288 = %scan3A_1251 to %scan3A_1253 step %scan3A_1254 iter_args(%scan3A_1289 = %broadcast_in_dim3A_1248, %scan3A_1290 = %broadcast_in_dim3A_1250) -> (vector<16xf32>, vector<16xf32>)  : i32 {
        %mul3A_1291 = arith.constant 16 : i32
        %mul3A_1292 = arith.muli %scan3A_1288, %mul3A_1291 : i32
        %get3A_1293 = arith.index_cast %add3A_676 : i32 to index
        %get3A_1294 = arith.index_cast %mul3A_1292 : i32 to index
        %get3A_1295 = tpu.vector_load %arg8[%get3A_1293, %get3A_1294] {strides = array<i32>} : memref<32x768xf32, #tpu.memory_space<vmem>>, vector<16xf32>,
        %bitcast_convert_type3A = tpu.bitcast %get3A_1295 : vector<16xf32> -> vector<16xi32>
        %add3A_1296 = arith.constant 32767 : i32
        %add3A_1297 = vector.broadcast %add3A_1296 : i32 to vector<16xi32>
        %add3A_1298 = arith.addi %bitcast_convert_type3A, %add3A_1297 : vector<16xi32>
        %shift_right_logical3A = arith.constant 16 : i32
        %shift_right_logical3A_1299 = vector.broadcast %shift_right_logical3A : i32 to vector<16xi32>
        %shift_right_logical3A_1300 = arith.shrui %bitcast_convert_type3A, %shift_right_logical3A_1299 : vector<16xi32>
        %and3A = arith.constant 1 : i32
        %and3A_1301 = vector.broadcast %and3A : i32 to vector<16xi32>
        %and3A_1302 = arith.andi %shift_right_logical3A_1300, %and3A_1301 : vector<16xi32>
        %add3A_1303 = arith.addi %add3A_1298, %and3A_1302 : vector<16xi32>
        %and3A_1304 = arith.constant -65536 : i32
        %and3A_1305 = vector.broadcast %and3A_1304 : i32 to vector<16xi32>
        %and3A_1306 = arith.andi %add3A_1303, %and3A_1305 : vector<16xi32>
        %bitcast_convert_type3A_1307 = tpu.bitcast %and3A_1306 : vector<16xi32> -> vector<16xf32>
        %mul3A_1308 = arith.constant 16 : i32
        %mul3A_1309 = arith.muli %scan3A_1288, %mul3A_1308 : i32
        %get3A_1310 = arith.constant 48 : i32
        %get3A_1311 = arith.index_cast %get3A_1310 : i32 to index
        %get3A_1312 = arith.index_cast %mul3A_1309 : i32 to index
        %get3A_1313 = tpu.vector_load %arg10[%get3A_1311, %get3A_1312] {strides = array<i32>} : memref<56x768xf32, #tpu.memory_space<vmem>>, vector<16xf32>,
        %bitcast_convert_type3A_1314 = tpu.bitcast %get3A_1313 : vector<16xf32> -> vector<16xi32>
        %add3A_1315 = arith.constant 32767 : i32
        %add3A_1316 = vector.broadcast %add3A_1315 : i32 to vector<16xi32>
        %add3A_1317 = arith.addi %bitcast_convert_type3A_1314, %add3A_1316 : vector<16xi32>
        %shift_right_logical3A_1318 = arith.constant 16 : i32
        %shift_right_logical3A_1319 = vector.broadcast %shift_right_logical3A_1318 : i32 to vector<16xi32>
        %shift_right_logical3A_1320 = arith.shrui %bitcast_convert_type3A_1314, %shift_right_logical3A_1319 : vector<16xi32>
        %and3A_1321 = arith.constant 1 : i32
        %and3A_1322 = vector.broadcast %and3A_1321 : i32 to vector<16xi32>
        %and3A_1323 = arith.andi %shift_right_logical3A_1320, %and3A_1322 : vector<16xi32>
        %add3A_1324 = arith.addi %add3A_1317, %and3A_1323 : vector<16xi32>
        %and3A_1325 = arith.constant -65536 : i32
        %and3A_1326 = vector.broadcast %and3A_1325 : i32 to vector<16xi32>
        %and3A_1327 = arith.andi %add3A_1324, %and3A_1326 : vector<16xi32>
        %bitcast_convert_type3A_1328 = tpu.bitcast %and3A_1327 : vector<16xi32> -> vector<16xf32>
        %mul3A_1329 = arith.mulf %bitcast_convert_type3A_1328, %bitcast_convert_type3A_1307 : vector<16xf32>
        %add3A_1330 = arith.addf %scan3A_1289, %mul3A_1329 : vector<16xf32>
        %mul3A_1331 = arith.constant 16 : i32
        %mul3A_1332 = arith.muli %scan3A_1288, %mul3A_1331 : i32
        %get3A_1333 = arith.constant 49 : i32
        %get3A_1334 = arith.index_cast %get3A_1333 : i32 to index
        %get3A_1335 = arith.index_cast %mul3A_1332 : i32 to index
        %get3A_1336 = tpu.vector_load %arg10[%get3A_1334, %get3A_1335] {strides = array<i32>} : memref<56x768xf32, #tpu.memory_space<vmem>>, vector<16xf32>,
        %bitcast_convert_type3A_1337 = tpu.bitcast %get3A_1336 : vector<16xf32> -> vector<16xi32>
        %add3A_1338 = arith.constant 32767 : i32
        %add3A_1339 = vector.broadcast %add3A_1338 : i32 to vector<16xi32>
        %add3A_1340 = arith.addi %bitcast_convert_type3A_1337, %add3A_1339 : vector<16xi32>
        %shift_right_logical3A_1341 = arith.constant 16 : i32
        %shift_right_logical3A_1342 = vector.broadcast %shift_right_logical3A_1341 : i32 to vector<16xi32>
        %shift_right_logical3A_1343 = arith.shrui %bitcast_convert_type3A_1337, %shift_right_logical3A_1342 : vector<16xi32>
        %and3A_1344 = arith.constant 1 : i32
        %and3A_1345 = vector.broadcast %and3A_1344 : i32 to vector<16xi32>
        %and3A_1346 = arith.andi %shift_right_logical3A_1343, %and3A_1345 : vector<16xi32>
        %add3A_1347 = arith.addi %add3A_1340, %and3A_1346 : vector<16xi32>
        %and3A_1348 = arith.constant -65536 : i32
        %and3A_1349 = vector.broadcast %and3A_1348 : i32 to vector<16xi32>
        %and3A_1350 = arith.andi %add3A_1347, %and3A_1349 : vector<16xi32>
        %bitcast_convert_type3A_1351 = tpu.bitcast %and3A_1350 : vector<16xi32> -> vector<16xf32>
        %mul3A_1352 = arith.mulf %bitcast_convert_type3A_1351, %bitcast_convert_type3A_1307 : vector<16xf32>
        %add3A_1353 = arith.addf %scan3A_1290, %mul3A_1352 : vector<16xf32>
        scf.yield %add3A_1330, %add3A_1353 : vector<16xf32>, vector<16xf32>
      }
      %scan3A_1256 = arith.constant 48 : i32
      %get3A_1257 = arith.constant 48 : index
      %get3A_1258 = tpu.vector_load %arg12[%get3A_1257] {strides = array<i32>} : memref<64xf32, #tpu.memory_space<vmem>>, vector<16xf32>,
      %broadcast_in_dim3A_1259 = arith.constant -1.000000e+30 : f32
      %broadcast_in_dim3A_1260 = vector.broadcast %broadcast_in_dim3A_1259 : f32 to vector<16xf32>
      %eq3A_1261 = arith.constant 0 : i32
      %eq3A_1262 = vector.broadcast %eq3A_1261 : i32 to vector<16xi32>
      %eq3A_1263 = arith.cmpi eq, %iota3A, %eq3A_1262 : vector<16xi32>
      %reduce_sum3A_1264 = arith.constant true
      %reduce_sum3A_1265 = vector.broadcast %reduce_sum3A_1264 : i1 to vector<16xi1>
      %reduce_sum3A_1266 = tpu.scan <sum>, %scan3A_1255#0 masked %reduce_sum3A_1265 : vector<16xf32>, vector<16xi1> -> vector<16xf32>
      %reduce_sum3A_1267 = vector.extract %reduce_sum3A_1266[15] : f32 from vector<16xf32>
      %broadcast_in_dim3A_1268 = vector.broadcast %reduce_sum3A_1267 : f32 to vector<16xf32>
      %select_n3A_1269 = arith.select %eq3A_1263, %broadcast_in_dim3A_1268, %broadcast_in_dim3A_1260 : vector<16xi1>, vector<16xf32>
      %eq3A_1270 = arith.constant 1 : i32
      %eq3A_1271 = vector.broadcast %eq3A_1270 : i32 to vector<16xi32>
      %eq3A_1272 = arith.cmpi eq, %iota3A, %eq3A_1271 : vector<16xi32>
      %reduce_sum3A_1273 = arith.constant true
      %reduce_sum3A_1274 = vector.broadcast %reduce_sum3A_1273 : i1 to vector<16xi1>
      %reduce_sum3A_1275 = tpu.scan <sum>, %scan3A_1255#1 masked %reduce_sum3A_1274 : vector<16xf32>, vector<16xi1> -> vector<16xf32>
      %reduce_sum3A_1276 = vector.extract %reduce_sum3A_1275[15] : f32 from vector<16xf32>
      %broadcast_in_dim3A_1277 = vector.broadcast %reduce_sum3A_1276 : f32 to vector<16xf32>
      %select_n3A_1278 = arith.select %eq3A_1272, %broadcast_in_dim3A_1277, %select_n3A_1269 : vector<16xi1>, vector<16xf32>
      %lt3A_1279 = arith.constant 2 : i32
      %lt3A_1280 = vector.broadcast %lt3A_1279 : i32 to vector<16xi32>
      %lt3A_1281 = arith.cmpi slt, %iota3A, %lt3A_1280 : vector<16xi32>
      %add3A_1282 = arith.addf %select_n3A_1278, %get3A_1258 : vector<16xf32>
      %select_n3A_1283 = arith.select %lt3A_1281, %add3A_1282, %select_n3A_1278 : vector<16xi1>, vector<16xf32>
      %swap3A_1284 = arith.index_cast %add3A_676 : i32 to index
      %swap3A_1285 = arith.constant 48 : index
      %swap3A_1286 = tpu.vector_load %arg13[%swap3A_1284, %swap3A_1285] {strides = array<i32>} : memref<32x64xf32, #tpu.memory_space<vmem>>, vector<16xf32>,
      tpu.vector_store %arg13[%swap3A_1284, %swap3A_1285], %select_n3A_1283 {strides = array<i32>} : memref<32x64xf32, #tpu.memory_space<vmem>>, vector<16xf32>,
      %scan3A_1287 = arith.constant 0 : i32
      scf.yield %scan3A_1287 : i32
    }
    %scan3A_22 = arith.constant 16 : i32
    "tpu.region"() ({
      %run_scoped3A = tpu.sem_alloc : memref<!tpu.dma_semaphore, #tpu.memory_space<semaphore_mem>>
      %dma_start3A_23 = arith.constant 0 : i32
      %dma_start3A_24 = tpu.memref_slice %arg6[%mul3A_2, %dma_start3A_23] : memref<1024x64xf32, #tpu.memory_space<hbm>> -> memref<32x64xf32, #tpu.memory_space<hbm>>
      %dma_start3A_25 = arith.constant 0 : i32
      %dma_start3A_26 = tpu.memref_slice %arg6[%mul3A_2, %dma_start3A_25] : memref<1024x64xf32, #tpu.memory_space<hbm>> -> memref<32x64xf32, #tpu.memory_space<hbm>>
      tpu.enqueue_dma source(%arg13 : memref<32x64xf32, #tpu.memory_space<vmem>>) target(%dma_start3A_26 : memref<32x64xf32, #tpu.memory_space<hbm>>) target_semaphore(%run_scoped3A : memref<!tpu.dma_semaphore, #tpu.memory_space<semaphore_mem>>)
      %dma_wait3A = arith.constant 0 : i32
      %dma_wait3A_27 = tpu.memref_slice %arg6[%mul3A_2, %dma_wait3A] : memref<1024x64xf32, #tpu.memory_space<hbm>> -> memref<32x64xf32, #tpu.memory_space<hbm>>
      %dma_wait3A_28 = arith.constant 0 : i32
      %dma_wait3A_29 = tpu.memref_slice %arg6[%mul3A_2, %dma_wait3A_28] : memref<1024x64xf32, #tpu.memory_space<hbm>> -> memref<32x64xf32, #tpu.memory_space<hbm>>
      tpu.wait_dma2 semaphore(%run_scoped3A : memref<!tpu.dma_semaphore, #tpu.memory_space<semaphore_mem>>) src(%arg13 : memref<32x64xf32, #tpu.memory_space<vmem>>) dst(%dma_wait3A_29 : memref<32x64xf32, #tpu.memory_space<hbm>>)
      tpu.yield
    }) : () -> ()
    return
  }
}

</mosaic_0001>

<sc_bundles>
// kernel: _sc_logits.3.cloned.1.call-start
scs
__scs_entry_jumppad:
0x0: {  	(pc) =	sbr.rel $0x88, $3  }
0x1: {  	(tag) =	ssettag $0x0;
	lr =	simm.s32 $0x1  }
0x2: {  	[smem:$0x3F9D] =	sst lr;
	_ =	strace $0xD0000000  }
0x3: {  	_ = 	snop  }
0x4: {  	_ = 	snop  }
0x5: {  	_ = 	snop  }
0x6: {  	_ = 	snop  }
0x7: {  	_ = 	snop  }
__scs_overlays_trampoline_lowered:
0x8: {  	[smem:$0x3FAC] =	sst s0  }
0x9: {  	[smem:$0x3FAD] =	sst s1  }
0xa: {  	[smem:$0x3FAE] =	sst s2  }
0xb: {  	[smem:$0x3FAF] =	sst s3  }
0xc: {  	[smem:$0x3FB0] =	sst s4  }
0xd: {  	[smem:$0x3FB1] =	sst s5  }
0xe: {  	[smem:$0x3FB2] =	sst s6  }
0xf: {  	[smem:$0x3FB3] =	sst s7  }
0x10: {  	[smem:$0x3FB4] =	sst s8  }
0x11: {  	[smem:$0x3FB5] =	sst s9;
	s0 =	simm.s32 @!p0 $0x0  }
0x12: {  	s1 =	sld [smem:$0x3F9B];
	s0 =	simm.s32 @p0 $0x1  }
0x13: {  	[smem:$0x3FB6] =	sst s0;
	s0 =	simm.s32 @!p1 $0x0  }
0x14: {  	s2 =	sld [smem:$0x3F9A];
	s0 =	simm.s32 @p1 $0x1  }
0x15: {  	[smem:$0x3FB7] =	sst s0;
	s0 =	simm.s32 @!p2 $0x0  }
0x16: {  	s3 =	sld [smem:$0x3FDB];
	s0 =	simm.s32 @p2 $0x1  }
0x17: {  	s4 =	simm.s32 $0x1BF5;
	[smem:$0x3FB9] =	sst s0  }
0x18: {  	s0 =	sld [smem:$0x3F9C];
	_ =	swait.ge [sflag:s4], $0x0  }
0x19: {  	s7 =	sld [smem:$0x3F9D]  }
0x1a: {  	s8 =	sadd.s32 $0xFFFFE003, lr  }
0x1b: {  	s9 =	sadd.s32 $0xFFFFFEF7, lr;
	s5 =	simm.s32 $0xFFFFFFFF;
	p2 =	slt.u32 s8, $0xFFFFF086  }
0x1c: {  	p1 =	slt.u32 s9, $0xF7A;
	s5 =	simm.s32 @!p2 $0x0  }
0x1d: {  	s5 =	simm.s32 @p1 $0x1;
	p0 =	seq.s32 s7, s2  }
0x1e: {  	s7 =	smul.u32 @!p0 $0xF7A, s2;
	p2 =	seq.s32 @!p0 s5, $0x0  }
0x1f: {  	s9 =	smul.u32 $0xF7A, s1;
	s8 =	simm.s32 @!p0 $0x1BF5;
	p2 =	por !p2, p0  }
0x20: {  	[sflag:s8] =	ssyncset.s32 @!p0 $0xFFFFF086;
	s6 =	sadd.s32 @!p0 s3, s7;
	s7 =	simm.s32 @!p0 $0x108  }
0x21: {  	s3 =	sadd.s32 s3, s9;
	s6 =	sadd.s32 @!p0 $0x88, s6;
	s7 =	simm.s32 @p2 $0x1082  }
0x22: {  	[simem:s7], [sflag:s8] =	dma.local @!p0 [hbm:s6], $0xF7A  }
0x23: {  	s9 =	sor.u32 $0xD0000000, s2;
	s6 =	simm.s32 $0x108;
	_ =	swait.ge @!p0 [sflag:s8], $0x0  }
0x24: {  	s3 =	sadd.s32 $0x88, s3;
	s6 =	simm.s32 @!p1 $0x1082;
	[sflag:s4] =	ssyncset.s32 $0xFFFFF086  }
0x25: {  	[simem:s6], [sflag:s4] =	dma.local [hbm:s3], $0xF7A  }
0x26: {  	[smem:$0x3F9D] =	sst s1;
	(tag) =	ssettag s2;
	_ =	strace s9  }
0x27: {  	s1 =	sld [smem:$0x3FAD]  }
0x28: {  	s2 =	sld [smem:$0x3FAE]  }
0x29: {  	s4 =	sld [smem:$0x3FB0]  }
0x2a: {  	p0 =	seq.s32 s5, $0x0;
	s5 =	sld [smem:$0x3FB1]  }
0x2b: {  	s6 =	sld [smem:$0x3FB2]  }
0x2c: {  	s7 =	sld [smem:$0x3FB3]  }
0x2d: {  	s3 =	simm.s32 $0x108;
	s8 =	sld [smem:$0x3FB4]  }
0x2e: {  	s3 =	simm.s32 @!p0 $0x1082;
	s9 =	sld [smem:$0x3FB5]  }
0x2f: {  	lr =	sadd.s32 s0, s3;
	s0 =	sld [smem:$0x3FAC]  }
0x30: {  	s3 =	sld [smem:$0x3FAF]  }
0x31: {  	[smem:$0x3FB8] =	sst s10  }
0x32: {  	s10 =	sld [smem:$0x3FB6];
	_ =	sdelay $0x3  }
0x33: {  	p0 =	seq.s32 s10, $0x1;
	s10 =	sld [smem:$0x3FB8];
	_ =	sdelay $0x3  }
0x34: {  	[smem:$0x3FB8] =	sst s10  }
0x35: {  	s10 =	sld [smem:$0x3FB7];
	_ =	sdelay $0x3  }
0x36: {  	p1 =	seq.s32 s10, $0x1;
	s10 =	sld [smem:$0x3FB8];
	_ =	sdelay $0x3  }
0x37: {  	[smem:$0x3FB8] =	sst s10  }
0x38: {  	s10 =	sld [smem:$0x3FB9]  }
0x39: {  	_ = 	snop;
	(pc) =	sbr.ind lr, $3  }
0x3a: {  	_ = 	snop  }
0x3b: {  	_ = 	snop  }
0x3c: {  	p2 =	seq.s32 s10, $0x1;
	s10 =	sld [smem:$0x3FB8]  }
0x3d: {  	_ =	shalt  }
0x3e: {  	_ =	shalt  }
0x3f: {  	_ =	shalt  }
0x40: {  	_ =	shalt  }
0x41: {  	_ =	shalt  }
0x42: {  	_ =	shalt  }
0x43: {  	_ =	shalt  }
0x44: {  	_ =	shalt  }
0x45: {  	_ =	shalt  }
0x46: {  	_ =	shalt  }
0x47: {  	_ =	shalt  }
0x48: {  	_ =	shalt  }
0x49: {  	_ =	shalt  }
0x4a: {  	_ =	shalt  }
0x4b: {  	_ =	shalt  }
0x4c: {  	_ =	shalt  }
0x4d: {  	_ =	shalt  }
0x4e: {  	_ =	shalt  }
0x4f: {  	_ =	shalt  }
0x50: {  	_ =	shalt  }
0x51: {  	_ =	shalt  }
0x52: {  	_ =	shalt  }
0x53: {  	_ =	shalt  }
0x54: {  	_ =	shalt  }
0x55: {  	_ =	shalt  }
0x56: {  	_ =	shalt  }
0x57: {  	_ =	shalt  }
0x58: {  	_ =	shalt  }
0x59: {  	_ =	shalt  }
0x5a: {  	_ =	shalt  }
0x5b: {  	_ =	shalt  }
0x5c: {  	_ =	shalt  }
0x5d: {  	_ =	shalt  }
0x5e: {  	_ =	shalt  }
0x5f: {  	_ =	shalt  }
0x60: {  	_ =	shalt  }
0x61: {  	_ =	shalt  }
0x62: {  	_ =	shalt  }
0x63: {  	_ =	shalt  }
0x64: {  	_ =	shalt  }
0x65: {  	_ =	shalt  }
0x66: {  	_ =	shalt  }
0x67: {  	_ =	shalt  }
0x68: {  	_ =	shalt  }
0x69: {  	_ =	shalt  }
0x6a: {  	_ =	shalt  }
0x6b: {  	_ =	shalt  }
0x6c: {  	_ =	shalt  }
0x6d: {  	_ =	shalt  }
0x6e: {  	_ =	shalt  }
0x6f: {  	_ =	shalt  }
0x70: {  	_ =	shalt  }
0x71: {  	_ =	shalt  }
0x72: {  	_ =	shalt  }
0x73: {  	_ =	shalt  }
0x74: {  	_ =	shalt  }
0x75: {  	_ =	shalt  }
0x76: {  	_ =	shalt  }
0x77: {  	_ =	shalt  }
0x78: {  	_ =	shalt  }
0x79: {  	_ =	shalt  }
0x7a: {  	_ =	shalt  }
0x7b: {  	_ =	shalt  }
0x7c: {  	_ =	shalt  }
0x7d: {  	_ =	shalt  }
0x7e: {  	_ =	shalt  }
0x7f: {  	_ =	shalt  }
0x80: {  	_ =	shalt  }
0x81: {  	_ =	shalt  }
0x82: {  	_ =	shalt  }
0x83: {  	_ =	shalt  }
0x84: {  	_ =	shalt  }
0x85: {  	_ =	shalt  }
0x86: {  	_ =	shalt  }
0x87: {  	_ =	shalt  }
.Lfunc_end0:
.L_simem_size_0:
called_computation_lowered:
.L_overlay_start_0:
0x88: {  	s2 =	sld [smem:$0x3FD9]  }
0x89: {  	s3 =	sld [smem:$0x3FFE];
	_ =	sdelay $0x1  }
0x8a: {  	s1 =	srdreg.scid  }
0x8b: {  	s0 =	sand.u32 $0x1, s1  }
0x8c: {  	s17 =	sshll.u32 s0, $0xA;
	s2 =	sadd.s32 s3, s2  }
0x8d: {  	s2 =	sadd.s32 s2, s17  }
0x8e: {  	[smem:$0x3FC4] =	sst s2  }
0x8f: {  	_ = 	snop  }
0x90: {  	s2 =	sld [smem:$0x3FC9]  }
0x91: {  	s18 =	sld [smem:$0x3FC8]  }
0x92: {  	s4 =	sld [smem:$0x3FC7];
	(tm) =	ssettm $0x1  }
0x93: {  	s5 =	sld [smem:$0x3FFB];
	_ =	sdelay $0x3  }
0x94: {  	_ =	strace s5  }
0x95: {  	s5 =	sld [smem:$0x3FFC];
	_ =	sdelay $0x3  }
0x96: {  	_ =	strace s5  }
0x97: {  	s5 =	sld [smem:$0x3FFD];
	_ =	sdelay $0x3  }
0x98: {  	_ =	strace s5  }
0x99: {  	_ =	strace $0x8FFFFFFF  }
0x9a: {  	s19 =	sld [smem:$0x3FDB];
	_ =	sdelay $0x1  }
0x9b: {  	s6 =	simm.s32 $_scs_section_size  }
0x9c: {  	s7 =	simm.s32 $_size__tile_overlayer_lowered;
	s8 =	simm.s32 $_tile_overlayer_lowered  }
0x9d: {  	s22 =	simm.s32 $0x1BFF;
	s21 =	sshll.u32 s8, $0x1;
	s5 =	sadd.s32 s6, s19  }
0x9e: {  	s9 =	simm.s32 $0x0;
	s20 =	sshll.u32 s7, $0x1;
	s7 =	sadd.s32 s21, s5  }
0x9f: {  	[timem:s9], [sflag:s22] =	dma.local [hbm:s7], s20  }
0xa0: {  	_ =	swait.ge [sflag:s22], s20  }
0xa1: {  	s6 =	ssub.s32 $0x0, s20;
	[sflag:s22] =	ssyncset.done $0x0  }
0xa2: {  	[sflag:s22] =	ssyncadd.s32 s6;
	_ =	sdelay $0x1  }
0xa3: {  	s23 =	simm.s32 $0x1B8B  }
0xa4: {  	_ =	swait.ge [sflag:s23], $0x1  }
0xa5: {  	[sflag:s23] =	ssyncset.done $0x0  }
0xa6: {  	s25 =	simm.s32 $0x1B8E;
	s24 =	sld [smem:$0x3FFE];
	[sflag:s23] =	ssyncadd.s32 $0xFFFFFFFF  }
0xa7: {  	s26 =	simm.s32 $execute0_lowered;
	[smem:$0x3FD2] =	sst s25  }
0xa8: {  	s7 =	sshll.u32 s26, $0x1;
	_ =	strace $0x80000046;
	[dreg:$0x1] =	wrdreg $0xFFFFFFFF  }
0xa9: {  	s28 =	simm.s32 $_size_execute0_lowered;
	s5 =	sadd.s32 s5, s7;
	[dreg:$0x0] =	wrdreg $0x0  }
0xaa: {  	s7 =	sshll.u32 s28, $0x1;
	[dreg:$0x2] =	wrdreg s5  }
0xab: {  	[dreg:$0x3] =	wrdreg s7  }
0xac: {  	[dreg:$0x4] =	wrdreg $0xC0  }
0xad: {  	_ =	task [dreg:s9], $0x5FFFF  }
0xae: {  	[dreg:$0x1] =	wrdreg $0xFFFFFFFF  }
0xaf: {  	[dreg:$0x0] =	wrdreg $0x60  }
0xb0: {  	[dreg:$0x2] =	wrdreg s2  }
0xb1: {  	[dreg:$0x3] =	wrdreg s18  }
0xb2: {  	[dreg:$0x4] =	wrdreg s4  }
0xb3: {  	[dreg:$0x5] =	wrdreg s24  }
0xb4: {  	[dreg:$0x6] =	wrdreg $0x9  }
0xb5: {  	_ =	task.clear_ibuf [dreg:s9], $0x7FFFF;
	_ =	strace $0x90000046  }
0xb6: {  	s29 =	simm.s32 $0x9;
	_ =	strace $0x80000048  }
0xb7: {  	_ =	swait.ge [sflag:s29], $0x1  }
0xb8: {  	[sflag:s29] =	ssyncadd.s32 $0xFFFFFFFF  }
0xb9: {  	_ =	strace $0x90000048  }
0xba: {  	_ =	sfence  }
0xbb: {  	s30 =	sld [smem:$0x0];
	_ =	sdelay $0x2  }
0xbc: {  	s31 =	sshll.u32 s1, $0xD;
	s1 =	sshrl.u32 s1, $0x2  }
0xbd: {  	s3 =	sand.u32 $0x4000, s31;
	s1 =	sadd.s32 s1, s30  }
0xbe: {  	s0 =	sor.u32 s3, s0;
	s1 =	sshll.u32 s1, $0x11  }
0xbf: {  	s0 =	sor.u32 s1, s0  }
0xc0: {  	s0 =	sadd.s32 $0x8F2B, s0  }
0xc1: {  	[sflag:s0] =	ssyncadd.remote.s32 $0x1  }
0xc2: {  	_ =	sfence.sel $0xFFFF  }
0xc3: {  	[dreg:$0x0] =	wrdreg $0xFFFFFFFF;
	(pc) =	sbr.abs _section_cstart, $3  }
0xc4: {  	[dreg:$0x1] =	wrdreg $0xFFFFFFFF  }
0xc5: {  	_ =	task.clear_ibuf [dreg:s9], $0x2FFFF;
	_ =	strace $0x9FFFFFFF  }
0xc6: {  	(tm) =	ssettm $0x7FFFFFFF  }
0xc7: {  	_ =	shalt  }
tec
execute0_lowered:
.L_overlay_start_1:
0x0: {  	(tag) =	ssettag $0x1  }
0x1: {  	s1 =	rddreg [dreg:$0x0]  }
0x2: {  	s2 =	rddreg [dreg:$0x1]  }
0x3: {  	s0 =	srdreg.scid;
	s3 =	rddreg [dreg:$0x2]  }
0x4: {  	s4 =	stileid.u32;
	s5 =	rddreg [dreg:$0x3];
	s9 =	simm.s32 $0x3  }
0x5: {  	s21 =	simm.s32 $0x17000;
	s22 =	simm.s32 $0x17800;
	s23 =	simm.s32 $0x18000  }
0x6: {  	s24 =	simm.s32 $0x18800;
	s25 =	simm.s32 $0x19000;
	s28 =	simm.s32 $0x1A000  }
0x7: {  	s29 =	simm.s32 $0x1A800;
	s30 =	simm.s32 $0x1B000;
	s31 =	simm.s32 $0x1B800  }
0x8: {  	s12 =	simm.s32 $0x2;
	s10 =	simm.s32 $0x0;
	s0 =	sand.u32 $0x1, s0  }
0x9: {  	s6 =	sshll.u32 s4, $0x6;
	s4 =	simm.s32 $0x0;
	s7 =	sshll.u32 s0, $0x5  }
0xa: {  	v2 =	vlaneseq.u32;
	vm0 =	vmmov $0xffff;
	[smem:$0x7FF] =	sst s4;
	s0 =	ssub.s32 $0x2, s0;
	s6 =	sor.u32 s7, s6  }
0xb: {  	vm1 =	vmmov $0x1;
	vm2 =	vmmov $0x3;
	vm3 =	vmmov $0x7;
	s8 =	sshrl.u32 s0, $0x1;
	_ =	strace $0x80000047;
	s7 =	sshrl.u32 s6, $0x3  }
0xc: {  	vm4 =	vmmov $0xf;
	vm5 =	vmmov $0x1f;
	vm6 =	vmmov $0x3f;
	s6 =	sshll.u32 s6, $0x4;
	s0 =	ssub.s32 s0, s8;
	s8 =	sadd.s32 $0x200, s1  }
0xd: {  	vm7 =	vmmov $0x7f;
	vm8 =	vmmov $0xff;
	vm9 =	vmmov $0x1ff;
	s7 =	smul.u32 $0x300, s7;
	s5 =	sadd.s32 s6, s5;
	s0 =	smax.u32 s0, $0x1  }
0xe: {  	vm10 =	vmmov $0x3ff;
	vm11 =	vmmov $0x7ff;
	vm12 =	vmmov $0xfff;
	s6 =	sadd.s32 $0x400, s5;
	s26 =	sadd.s32 $0x4400, s5;
	[dreg:$0x8] =	wrdreg s0  }
0xf: {  	vm13 =	vmmov $0x1fff;
	vm14 =	vmmov $0x3fff;
	v3 =	vimm.s32 $0x0;
	s5 =	simm.s32 $0x38;
	s0 =	simm.s32 $0x1;
	[dreg:$0x5] =	wrdreg s6  }
0x10: {  	vm15 =	vmmov $0x7fff;
	v1 =	vshrl.u32 v2, $0x3;
	v3 =	vsel vm3, $0xFFFFFFFF, v3;
	s3 =	sadd.s32 s3, s7;
	s7 =	sadd.s32 $0x100, s1;
	[dreg:$0x7] =	wrdreg s26  }
0x11: {  	v0 =	vand.u32 $0x7, v2;
	v2 =	vor.u32 $0x8, v2;
	v1 =	vmul.u32 $0x8, v1;
	[tilespmem:$0x1FFF0] =	vst v3;
	s26 =	simm.s32 $0x19800;
	[dreg:$0x6] =	wrdreg s3;
	s3 =	simm.s32 $0x1C080  }
.LBB2_1:
0x12: {  	[dreg:$0x9] =	wrdreg s10  }
0x13: {  	s6 =	rddreg [dreg:$0x5]  }
0x14: {  	[tilespmem:s4], [sflag:$0x3] =	stream.linear.gather [hbm4b:s6+s4], $0x1000, $0x38;
	[tilespmem:$0x1D100] =	vst v63  }
0x15: {  	_ =	swait.ge [sflag:s9], $0x1000  }
0x16: {  	[sflag:s9] =	ssyncset.done $0x0  }
0x17: {  	s20 =	simm.s32 $0x1000;
	s19 =	rddreg [dreg:$0x6];
	[sflag:s9] =	ssyncadd.s32 $0xFFFFF000  }
0x18: {  	[tilespmem:s20], [sflag:$0x3] =	stream.linear.gather [hbm4b:s19+s4], $0x6000, $0x38;
	[tilespmem:$0x1D100] =	vst v63  }
0x19: {  	_ =	swait.ge [sflag:s9], $0x6000  }
0x1a: {  	[sflag:s9] =	ssyncset.done $0x0  }
0x1b: {  	[sflag:s9] =	ssyncadd.s32 $0xFFFFA000  }
0x1c: {  	v3 =	vld [tilespmem:$0x0];
	_ =	sdelay $0x4  }
0x1d: {  	v4 =	vshrl.u32 v3, $0x3  }
0x1e: {  	v4 =	vmul.u32 $0x30, v4  }
0x1f: {  	v3 =	vand.u32 $0x7, v3  }
0x20: {  	v3 =	vor.u32 v3, v4  }
0x21: {  	v4 =	vperm.xlane v3, v0;
	_ =	sdelay $0x1  }
0x22: {  	v4 =	vadd.s32 v1, v4;
	_ =	sdelay $0x3  }
0x23: {  	s9 =	simm.s32 $0x7000;
	v3 =	vperm.xlane v3, v2  }
0x24: {  	[tilespmem:s9], [sflag:$0x1] =	stream.indirect_vreg.gather [hbm4b:s1+s4], $0x80, v4, vm0, $0xb8;
	[tilespmem:$0x1D100] =	vst v63  }
0x25: {  	s10 =	simm.s32 $0x7800;
	v3 =	vadd.s32 v1, v3  }
0x26: {  	[tilespmem:s10], [sflag:$0x1] =	stream.indirect_vreg.gather [hbm4b:s7+s4], $0x80, v4, vm0, $0xb8;
	[tilespmem:$0x1D100] =	vst v63  }
0x27: {  	s11 =	simm.s32 $0x8000  }
0x28: {  	[tilespmem:s11], [sflag:$0x1] =	stream.indirect_vreg.gather [hbm4b:s8+s4], $0x80, v4, vm0, $0xb8;
	[tilespmem:$0x1D100] =	vst v63  }
0x29: {  	s13 =	simm.s32 $0x8800  }
0x2a: {  	[tilespmem:s13], [sflag:$0x1] =	stream.indirect_vreg.gather [hbm4b:s1+s4], $0x80, v3, vm0, $0xb8;
	[tilespmem:$0x1D100] =	vst v63  }
0x2b: {  	s14 =	simm.s32 $0x9000  }
0x2c: {  	[tilespmem:s14], [sflag:$0x1] =	stream.indirect_vreg.gather [hbm4b:s7+s4], $0x80, v3, vm0, $0xb8;
	[tilespmem:$0x1D100] =	vst v63  }
0x2d: {  	s15 =	simm.s32 $0x9800  }
0x2e: {  	[tilespmem:s15], [sflag:$0x1] =	stream.indirect_vreg.gather [hbm4b:s8+s4], $0x80, v3, vm0, $0xb8;
	[tilespmem:$0x1D100] =	vst v63  }
0x2f: {  	v3 =	vld [tilespmem:$0x10];
	_ =	sdelay $0x4  }
0x30: {  	v61 =	vshrl.u32 v3, $0x3  }
0x31: {  	v4 =	vmul.u32 $0x30, v61  }
0x32: {  	v3 =	vand.u32 $0x7, v3  }
0x33: {  	v3 =	vor.u32 v3, v4  }
0x34: {  	v4 =	vperm.xlane v3, v0;
	_ =	sdelay $0x1  }
0x35: {  	v4 =	vadd.s32 v1, v4;
	_ =	sdelay $0x3  }
0x36: {  	s16 =	simm.s32 $0xA000;
	v3 =	vperm.xlane v3, v2  }
0x37: {  	[tilespmem:s16], [sflag:$0x1] =	stream.indirect_vreg.gather [hbm4b:s1+s4], $0x80, v4, vm0, $0xb8;
	[tilespmem:$0x1D100] =	vst v63  }
0x38: {  	s17 =	simm.s32 $0xA800;
	v3 =	vadd.s32 v1, v3  }
0x39: {  	[tilespmem:s17], [sflag:$0x1] =	stream.indirect_vreg.gather [hbm4b:s7+s4], $0x80, v4, vm0, $0xb8;
	[tilespmem:$0x1D100] =	vst v63  }
0x3a: {  	s18 =	simm.s32 $0xB000  }
0x3b: {  	[tilespmem:s18], [sflag:$0x1] =	stream.indirect_vreg.gather [hbm4b:s8+s4], $0x80, v4, vm0, $0xb8;
	[tilespmem:$0x1D100] =	vst v63  }
0x3c: {  	s19 =	simm.s32 $0xB800  }
0x3d: {  	[tilespmem:s19], [sflag:$0x1] =	stream.indirect_vreg.gather [hbm4b:s1+s4], $0x80, v3, vm0, $0xb8;
	[tilespmem:$0x1D100] =	vst v63  }
0x3e: {  	s20 =	simm.s32 $0xC000  }
0x3f: {  	[tilespmem:s20], [sflag:$0x1] =	stream.indirect_vreg.gather [hbm4b:s7+s4], $0x80, v3, vm0, $0xb8;
	[tilespmem:$0x1D100] =	vst v63  }
0x40: {  	s9 =	simm.s32 $0xC800  }
0x41: {  	[tilespmem:s9], [sflag:$0x1] =	stream.indirect_vreg.gather [hbm4b:s8+s4], $0x80, v3, vm0, $0xb8;
	[tilespmem:$0x1D100] =	vst v63  }
0x42: {  	v3 =	vld [tilespmem:$0x20];
	_ =	sdelay $0x4  }
0x43: {  	v62 =	vshrl.u32 v3, $0x3  }
0x44: {  	v4 =	vmul.u32 $0x30, v62  }
0x45: {  	v3 =	vand.u32 $0x7, v3  }
0x46: {  	v3 =	vor.u32 v3, v4  }
0x47: {  	v4 =	vperm.xlane v3, v0;
	_ =	sdelay $0x1  }
0x48: {  	v4 =	vadd.s32 v1, v4;
	_ =	sdelay $0x3  }
0x49: {  	s10 =	simm.s32 $0xD000;
	v3 =	vperm.xlane v3, v2  }
0x4a: {  	[tilespmem:s10], [sflag:$0x1] =	stream.indirect_vreg.gather [hbm4b:s1+s4], $0x80, v4, vm0, $0xb8;
	[tilespmem:$0x1D100] =	vst v63  }
0x4b: {  	s11 =	simm.s32 $0xD800;
	v3 =	vadd.s32 v1, v3  }
0x4c: {  	[tilespmem:s11], [sflag:$0x1] =	stream.indirect_vreg.gather [hbm4b:s7+s4], $0x80, v4, vm0, $0xb8;
	[tilespmem:$0x1D100] =	vst v63  }
0x4d: {  	s13 =	simm.s32 $0xE000  }
0x4e: {  	[tilespmem:s13], [sflag:$0x1] =	stream.indirect_vreg.gather [hbm4b:s8+s4], $0x80, v4, vm0, $0xb8;
	[tilespmem:$0x1D100] =	vst v63  }
0x4f: {  	s14 =	simm.s32 $0xE800  }
0x50: {  	[tilespmem:s14], [sflag:$0x1] =	stream.indirect_vreg.gather [hbm4b:s1+s4], $0x80, v3, vm0, $0xb8;
	[tilespmem:$0x1D100] =	vst v63  }
0x51: {  	s15 =	simm.s32 $0xF000  }
0x52: {  	[tilespmem:s15], [sflag:$0x1] =	stream.indirect_vreg.gather [hbm4b:s7+s4], $0x80, v3, vm0, $0xb8;
	[tilespmem:$0x1D100] =	vst v63  }
0x53: {  	s16 =	simm.s32 $0xF800  }
0x54: {  	[tilespmem:s16], [sflag:$0x1] =	stream.indirect_vreg.gather [hbm4b:s8+s4], $0x80, v3, vm0, $0xb8;
	[tilespmem:$0x1D100] =	vst v63  }
0x55: {  	v3 =	vld.msk [tilespmem:$0x30], $0xff;
	_ =	sdelay $0x4  }
0x56: {  	v63 =	vshrl.u32 v3, $0x3  }
0x57: {  	v4 =	vmul.u32 $0x30, v63  }
0x58: {  	v3 =	vand.u32 $0x7, v3  }
0x59: {  	v3 =	vor.u32 v3, v4  }
0x5a: {  	v3 =	vperm.xlane v3, v0;
	_ =	sdelay $0x1  }
0x5b: {  	v3 =	vadd.s32 v1, v3;
	_ =	sdelay $0x3  }
0x5c: {  	s17 =	simm.s32 $0x10000  }
0x5d: {  	[tilespmem:s17], [sflag:$0x1] =	stream.indirect_vreg.gather [hbm4b:s1+s4], $0x80, v3, vm0, $0xb8;
	[tilespmem:$0x1D100] =	vst v63  }
0x5e: {  	s18 =	simm.s32 $0x10800  }
0x5f: {  	[tilespmem:s18], [sflag:$0x1] =	stream.indirect_vreg.gather [hbm4b:s7+s4], $0x80, v3, vm0, $0xb8;
	[tilespmem:$0x1D100] =	vst v63  }
0x60: {  	s19 =	simm.s32 $0x11000  }
0x61: {  	[tilespmem:s19], [sflag:$0x1] =	stream.indirect_vreg.gather [hbm4b:s8+s4], $0x80, v3, vm0, $0xb8;
	[tilespmem:$0x1D100] =	vst v63  }
0x62: {  	s6 =	simm.s32 $0x0;
	s20 =	simm.s32 $0x1C000  }
0x63: {  	[tilespmem:s20], [sflag:$0x1] =	stream.indirect.gather [hbm4b:s2+s5], $0x1, s4, s5, $0xb8;
	[tilespmem:$0x1D100] =	vst v63  }
.LBB2_2:
0x64: {  	s11 =	sshll.u32 s6, $0x8  }
0x65: {  	v3 =	vld [tilespmem:s11+$0x80];
	_ =	sdelay $0x4  }
0x66: {  	v4 =	vshrl.u32 v3, $0x3  }
0x67: {  	v4 =	vmul.u32 $0x30, v4  }
0x68: {  	v3 =	vand.u32 $0x7, v3  }
0x69: {  	v3 =	vor.u32 v3, v4  }
0x6a: {  	v4 =	vperm.xlane v3, v0;
	_ =	sdelay $0x1  }
0x6b: {  	v4 =	vadd.s32 v1, v4;
	_ =	sdelay $0x3  }
0x6c: {  	s10 =	simm.s32 $0x0;
	s9 =	simm.s32 $0x11800;
	v3 =	vperm.xlane v3, v2  }
0x6d: {  	[tilespmem:s9], [sflag:$0x2] =	stream.indirect_vreg.gather [hbm4b:s1+s10], $0x80, v4, vm0, $0xb8;
	[tilespmem:$0x1D100] =	vst v63  }
0x6e: {  	s16 =	simm.s32 $0x12000;
	v3 =	vadd.s32 v1, v3  }
0x6f: {  	[tilespmem:s16], [sflag:$0x2] =	stream.indirect_vreg.gather [hbm4b:s7+s10], $0x80, v4, vm0, $0xb8;
	[tilespmem:$0x1D100] =	vst v63  }
0x70: {  	s17 =	simm.s32 $0x12800  }
0x71: {  	[tilespmem:s17], [sflag:$0x2] =	stream.indirect_vreg.gather [hbm4b:s8+s10], $0x80, v4, vm0, $0xb8;
	[tilespmem:$0x1D100] =	vst v63  }
0x72: {  	s18 =	simm.s32 $0x13000  }
0x73: {  	[tilespmem:s18], [sflag:$0x2] =	stream.indirect_vreg.gather [hbm4b:s1+s10], $0x80, v3, vm0, $0xb8;
	[tilespmem:$0x1D100] =	vst v63  }
0x74: {  	s19 =	simm.s32 $0x13800  }
0x75: {  	[tilespmem:s19], [sflag:$0x2] =	stream.indirect_vreg.gather [hbm4b:s7+s10], $0x80, v3, vm0, $0xb8;
	[tilespmem:$0x1D100] =	vst v63  }
0x76: {  	s20 =	simm.s32 $0x14000  }
0x77: {  	[tilespmem:s20], [sflag:$0x2] =	stream.indirect_vreg.gather [hbm4b:s8+s10], $0x80, v3, vm0, $0xb8;
	[tilespmem:$0x1D100] =	vst v63  }
0x78: {  	v3 =	vld [tilespmem:s11+$0x90];
	_ =	sdelay $0x4  }
0x79: {  	v4 =	vshrl.u32 v3, $0x3  }
0x7a: {  	v4 =	vmul.u32 $0x30, v4  }
0x7b: {  	v3 =	vand.u32 $0x7, v3  }
0x7c: {  	v3 =	vor.u32 v3, v4  }
0x7d: {  	v4 =	vperm.xlane v3, v0;
	_ =	sdelay $0x1  }
0x7e: {  	v4 =	vadd.s32 v1, v4;
	_ =	sdelay $0x3  }
0x7f: {  	s13 =	simm.s32 $0x14800;
	v3 =	vperm.xlane v3, v2  }
0x80: {  	[tilespmem:s13], [sflag:$0x2] =	stream.indirect_vreg.gather [hbm4b:s1+s10], $0x80, v4, vm0, $0xb8;
	[tilespmem:$0x1D100] =	vst v63  }
0x81: {  	s14 =	simm.s32 $0x15000;
	v3 =	vadd.s32 v1, v3  }
0x82: {  	[tilespmem:s14], [sflag:$0x2] =	stream.indirect_vreg.gather [hbm4b:s7+s10], $0x80, v4, vm0, $0xb8;
	[tilespmem:$0x1D100] =	vst v63  }
0x83: {  	s15 =	simm.s32 $0x15800  }
0x84: {  	[tilespmem:s15], [sflag:$0x2] =	stream.indirect_vreg.gather [hbm4b:s8+s10], $0x80, v4, vm0, $0xb8;
	[tilespmem:$0x1D100] =	vst v63  }
0x85: {  	s16 =	simm.s32 $0x16000  }
0x86: {  	[tilespmem:s16], [sflag:$0x2] =	stream.indirect_vreg.gather [hbm4b:s1+s10], $0x80, v3, vm0, $0xb8;
	[tilespmem:$0x1D100] =	vst v63  }
0x87: {  	s17 =	simm.s32 $0x16800  }
0x88: {  	[tilespmem:s17], [sflag:$0x2] =	stream.indirect_vreg.gather [hbm4b:s7+s10], $0x80, v3, vm0, $0xb8;
	[tilespmem:$0x1D100] =	vst v63  }
0x89: {  	_ = 	snop  }
0x8a: {  	[tilespmem:s21], [sflag:$0x2] =	stream.indirect_vreg.gather [hbm4b:s8+s10], $0x80, v3, vm0, $0xb8;
	[tilespmem:$0x1D100] =	vst v63  }
0x8b: {  	v3 =	vld [tilespmem:s11+$0xA0];
	_ =	sdelay $0x4  }
0x8c: {  	v4 =	vshrl.u32 v3, $0x3  }
0x8d: {  	v4 =	vmul.u32 $0x30, v4  }
0x8e: {  	v3 =	vand.u32 $0x7, v3  }
0x8f: {  	v3 =	vor.u32 v3, v4  }
0x90: {  	v4 =	vperm.xlane v3, v0;
	_ =	sdelay $0x1  }
0x91: {  	v4 =	vadd.s32 v1, v4;
	_ =	sdelay $0x3  }
0x92: {  	v3 =	vperm.xlane v3, v2  }
0x93: {  	[tilespmem:s22], [sflag:$0x2] =	stream.indirect_vreg.gather [hbm4b:s1+s10], $0x80, v4, vm0, $0xb8;
	[tilespmem:$0x1D100] =	vst v63  }
0x94: {  	v3 =	vadd.s32 v1, v3  }
0x95: {  	[tilespmem:s23], [sflag:$0x2] =	stream.indirect_vreg.gather [hbm4b:s7+s10], $0x80, v4, vm0, $0xb8;
	[tilespmem:$0x1D100] =	vst v63  }
0x96: {  	_ = 	snop  }
0x97: {  	[tilespmem:s24], [sflag:$0x2] =	stream.indirect_vreg.gather [hbm4b:s8+s10], $0x80, v4, vm0, $0xb8;
	[tilespmem:$0x1D100] =	vst v63  }
0x98: {  	_ = 	snop  }
0x99: {  	[tilespmem:s25], [sflag:$0x2] =	stream.indirect_vreg.gather [hbm4b:s1+s10], $0x80, v3, vm0, $0xb8;
	[tilespmem:$0x1D100] =	vst v63  }
0x9a: {  	_ = 	snop  }
0x9b: {  	[tilespmem:s26], [sflag:$0x2] =	stream.indirect_vreg.gather [hbm4b:s7+s10], $0x80, v3, vm0, $0xb8;
	[tilespmem:$0x1D100] =	vst v63  }
0x9c: {  	s18 =	sor.u32 $0xB0, s11  }
0x9d: {  	[tilespmem:s28], [sflag:$0x2] =	stream.indirect_vreg.gather [hbm4b:s8+s10], $0x80, v3, vm0, $0xb8;
	[tilespmem:$0x1D100] =	vst v63  }
0x9e: {  	v3 =	vld.msk [tilespmem:s18+$0x0], $0xff;
	_ =	sdelay $0x4  }
0x9f: {  	v4 =	vshrl.u32 v3, $0x3  }
0xa0: {  	v4 =	vmul.u32 $0x30, v4  }
0xa1: {  	v3 =	vand.u32 $0x7, v3  }
0xa2: {  	v3 =	vor.u32 v3, v4  }
0xa3: {  	v3 =	vperm.xlane v3, v0;
	_ =	sdelay $0x1  }
0xa4: {  	v3 =	vadd.s32 v1, v3;
	_ =	sdelay $0x4  }
0xa5: {  	[tilespmem:s29], [sflag:$0x2] =	stream.indirect_vreg.gather [hbm4b:s1+s10], $0x80, v3, vm0, $0xb8;
	[tilespmem:$0x1D100] =	vst v63  }
0xa6: {  	_ = 	snop  }
0xa7: {  	[tilespmem:s30], [sflag:$0x2] =	stream.indirect_vreg.gather [hbm4b:s7+s10], $0x80, v3, vm0, $0xb8;
	[tilespmem:$0x1D100] =	vst v63  }
0xa8: {  	_ = 	snop  }
0xa9: {  	[tilespmem:s31], [sflag:$0x2] =	stream.indirect_vreg.gather [hbm4b:s8+s10], $0x80, v3, vm0, $0xb8;
	[tilespmem:$0x1D100] =	vst v63  }
0xaa: {  	s9 =	sor.u32 $0x80, s11  }
0xab: {  	[tilespmem:s3], [sflag:$0x2] =	stream.indirect.gather [hbm4b:s2+s5], $0x1, s9, s5, $0xb8;
	[tilespmem:$0x1D100] =	vst v63  }
0xac: {  	_ =	swait.ge [sflag:s0], $0xA800  }
0xad: {  	[sflag:s0] =	ssyncset.done $0x0  }
0xae: {  	[sflag:s0] =	ssyncadd.s32 $0xFFFF5800  }
0xaf: {  	_ =	swait.ge [sflag:s0], $0x38  }
0xb0: {  	s15 =	sand.u32 $0x70, s10;
	s16 =	sand.u32 $0x1C00, s10;
	[sflag:s0] =	ssyncset.done $0x0  }
0xb1: {  	s14 =	sor.u32 s15, s16;
	[sflag:s0] =	ssyncadd.s32 $0xFFFFFFC8  }
0xb2: {  	v6 =	vld [tilespmem:s14+$0x8B00]  }
0xb3: {  	v7 =	vld [tilespmem:s14+$0x8A80]  }
0xb4: {  	v8 =	vld [tilespmem:s14+$0x8A00]  }
0xb5: {  	v9 =	vld [tilespmem:s14+$0x8900]  }
0xb6: {  	s10 =	sor.u32 s10, s10;
	v10 =	vld [tilespmem:s14+$0x8980]  }
0xb7: {  	s10 =	sor.u32 $0x380, s10;
	v11 =	vld [tilespmem:s14+$0x8880]  }
0xb8: {  	v12 =	vld [tilespmem:s10+$0x7000]  }
0xb9: {  	v5 =	vld [tilespmem:s14+$0x7200]  }
0xba: {  	v13 =	vld [tilespmem:s14+$0x7280]  }
0xbb: {  	v16 =	vld [tilespmem:s14+$0x7100]  }
0xbc: {  	v18 =	vld [tilespmem:s14+$0x7180]  }
0xbd: {  	v22 =	vld [tilespmem:s14+$0x7000]  }
0xbe: {  	v3 =	vimm.f32 $0.0e+00;
	v14 =	vshrl.u32 v8, $0x10  }
0xbf: {  	v15 =	vshrl.u32 v9, $0x10;
	v17 =	vshrl.u32 v7, $0x10;
	v19 =	vshrl.u32 v6, $0x10  }
0xc0: {  	v20 =	vshrl.u32 v12, $0x10;
	v21 =	vshrl.u32 v11, $0x10;
	v30 =	vshrl.u32 v5, $0x10  }
0xc1: {  	v4 =	vld [tilespmem:s14+$0x8B80];
	v23 =	vshrl.u32 v13, $0x10;
	v25 =	vshrl.u32 v10, $0x10;
	v26 =	vshrl.u32 v16, $0x10  }
0xc2: {  	v27 =	vshrl.u32 v18, $0x10;
	v28 =	vshrl.u32 v22, $0x10;
	v14 =	vand.u32 $0x1, v14  }
0xc3: {  	v15 =	vand.u32 $0x1, v15;
	v17 =	vand.u32 $0x1, v17;
	v19 =	vand.u32 $0x1, v19  }
0xc4: {  	s13 =	sshrl.u32 s6, $0x2;
	v24 =	vand.u32 $0x1, v21;
	v26 =	vand.u32 $0x1, v26;
	v27 =	vand.u32 $0x1, v27  }
0xc5: {  	s13 =	smul.u32 $0x6000, s13;
	v35 =	vand.u32 $0x1, v23;
	v20 =	vand.u32 $0x1, v20;
	v25 =	vand.u32 $0x1, v25  }
0xc6: {  	v34 =	vand.u32 $0x1, v30;
	v6 =	vadd.s32 v19, v6;
	v19 =	vshrl.u32 v4, $0x10  }
0xc7: {  	s19 =	sshra.s32 s13, $0x2;
	v9 =	vadd.s32 v15, v9;
	v7 =	vadd.s32 v17, v7;
	v8 =	vadd.s32 v14, v8  }
0xc8: {  	s20 =	sand.u32 $0x300, s11;
	s10 =	sadd.s32 $0x1000, s19;
	v14 =	vand.u32 $0x1, v28;
	v18 =	vadd.s32 v27, v18;
	v12 =	vadd.s32 v20, v12  }
0xc9: {  	s13 =	sor.u32 s20, s10;
	v10 =	vadd.s32 v25, v10;
	v32 =	vadd.s32 v24, v11;
	v35 =	vadd.s32 v35, v13  }
0xca: {  	s16 =	sadd.s32 s16, s13;
	v11 =	vimm.f32 $0.0e+00;
	v13 =	vimm.f32 $0.0e+00;
	v15 =	vand.u32 $0x1, v19  }
0xcb: {  	s15 =	sadd.s32 s15, s16;
	v9 =	vadd.s32 $0x7FFF, v9;
	v7 =	vadd.s32 $0x7FFF, v7;
	v14 =	vadd.s32 v14, v22  }
0xcc: {  	v21 =	vld [tilespmem:s15+$0x0];
	v8 =	vadd.s32 $0x7FFF, v8;
	v6 =	vadd.s32 $0x7FFF, v6;
	v18 =	vadd.s32 $0x7FFF, v18  }
0xcd: {  	v19 =	vld [tilespmem:s14+$0x7080];
	v12 =	vadd.s32 $0x7FFF, v12;
	v10 =	vadd.s32 $0x7FFF, v10;
	v4 =	vadd.s32 v15, v4  }
0xce: {  	v15 =	vld [tilespmem:s14+$0x7300];
	v20 =	vand.u32 $0xFFFF0000, v7;
	v7 =	vadd.s32 v26, v16;
	v8 =	vand.u32 $0xFFFF0000, v8  }
0xcf: {  	v6 =	vand.u32 $0xFFFF0000, v6;
	v28 =	vand.u32 $0xFFFF0000, v18;
	v25 =	vand.u32 $0xFFFF0000, v10  }
0xd0: {  	v27 =	vand.u32 $0xFFFF0000, v12;
	v10 =	vimm.f32 $0.0e+00;
	v12 =	vimm.f32 $0.0e+00  }
0xd1: {  	v31 =	vld [tilespmem:s14+$0x8800];
	v4 =	vadd.s32 $0x7FFF, v4;
	v7 =	vadd.s32 $0x7FFF, v7;
	v17 =	vshrl.u32 v21, $0x10  }
0xd2: {  	v4 =	vand.u32 $0xFFFF0000, v4;
	v17 =	vand.u32 $0x1, v17;
	v23 =	vshrl.u32 v19, $0x10  }
0xd3: {  	v17 =	vadd.s32 v17, v21;
	v23 =	vand.u32 $0x1, v23;
	v29 =	vshrl.u32 v15, $0x10  }
0xd4: {  	v16 =	vand.u32 $0x1, v29;
	v18 =	vadd.s32 v23, v19;
	v23 =	vand.u32 $0xFFFF0000, v9  }
0xd5: {  	v9 =	vadd.s32 $0x7FFF, v17;
	v29 =	vand.u32 $0xFFFF0000, v7;
	v17 =	vimm.f32 $0.0e+00  }
0xd6: {  	v19 =	vimm.f32 $0.0e+00;
	v15 =	vadd.s32 v16, v15;
	v16 =	vshrl.u32 v31, $0x10  }
0xd7: {  	v21 =	vand.u32 $0xFFFF0000, v9;
	v7 =	vadd.s32 $0x7FFF, v18;
	v9 =	vimm.f32 $0.0e+00  }
0xd8: {  	v18 =	vimm.f32 $0.0e+00;
	v15 =	vadd.s32 $0x7FFF, v15;
	v24 =	vmul.f32 v8, v21  }
0xd9: {  	v16 =	vand.u32 $0x1, v16;
	v30 =	vmul.f32 v6, v21;
	v22 =	vmul.f32 v4, v21  }
0xda: {  	v4 =	vadd.s32 $0x7FFF, v14;
	v6 =	vand.u32 $0xFFFF0000, v7;
	v14 =	vimm.f32 $0.0e+00  }
0xdb: {  	v7 =	vimm.f32 $0.0e+00;
	v8 =	vimm.f32 $0.0e+00;
	v16 =	vadd.s32 v16, v31  }
0xdc: {  	v26 =	vand.u32 $0xFFFF0000, v15;
	v33 =	vand.u32 $0xFFFF0000, v4;
	v36 =	vmul.f32 v6, v21  }
0xdd: {  	v6 =	vimm.f32 $0.0e+00;
	v4 =	vimm.f32 $0.0e+00;
	v16 =	vadd.s32 $0x7FFF, v16  }
0xde: {  	s17 =	simm.s32 $0x10;
	s14 =	simm.s32 $0x80;
	v15 =	vimm.f32 $0.0e+00;
	v31 =	vand.u32 $0xFFFF0000, v16;
	v16 =	vimm.f32 $0.0e+00  }
.LBB2_3:
0xdf: {  	s18 =	sand.u32 $0x70, s17  }
0xe0: {  	s16 =	sand.u32 $0x1C00, s14;
	v5 =	vadd.s32 v34, v5;
	v20 =	vmul.f32 v20, v21;
	v3 =	vadd.f32 v30, v3;
	s19 =	smov.u32 s17;
	s15 =	sadd.s32 $0x10, s17  }
0xe1: {  	p0 =	sne.s32 s17, $0x2F0;
	v28 =	vmul.f32 v28, v21;
	v30 =	vadd.s32 $0x7FFF, v35;
	s20 =	sadd.s32 s16, s13;
	s16 =	sor.u32 s18, s16;
	v16 =	vadd.f32 v36, v16  }
0xe2: {  	v32 =	vadd.s32 $0x7FFF, v32;
	v25 =	vmul.f32 v25, v21;
	s17 =	sadd.s32 s18, s20;
	s18 =	sor.u32 s14, s19;
	v34 =	vld [tilespmem:s16+$0x8B80];
	v6 =	vadd.f32 v20, v6  }
0xe3: {  	v33 =	vmul.f32 v33, v21;
	v14 =	vadd.f32 v28, v14;
	v28 =	vand.u32 $0xFFFF0000, v30;
	s18 =	sor.u32 $0x380, s18;
	v20 =	vld [tilespmem:s16+$0x8B00]  }
0xe4: {  	v29 =	vmul.f32 v29, v21;
	v27 =	vmul.f32 v27, v21;
	v32 =	vand.u32 $0xFFFF0000, v32;
	v30 =	vld [tilespmem:s16+$0x8A80]  }
0xe5: {  	v31 =	vmul.f32 v31, v21;
	v23 =	vmul.f32 v23, v21;
	v17 =	vadd.f32 v33, v17;
	v35 =	vld [tilespmem:s16+$0x8A00]  }
0xe6: {  	v26 =	vmul.f32 v26, v21;
	v7 =	vadd.f32 v24, v7;
	v11 =	vadd.f32 v27, v11;
	v33 =	vld [tilespmem:s16+$0x8900]  }
0xe7: {  	v5 =	vadd.s32 $0x7FFF, v5;
	v9 =	vadd.f32 v31, v9;
	v27 =	vmul.f32 v32, v21;
	v24 =	vld [tilespmem:s16+$0x8980]  }
0xe8: {  	v4 =	vadd.f32 v22, v4;
	v32 =	vand.u32 $0xFFFF0000, v5;
	v8 =	vadd.f32 v25, v8;
	v31 =	vld [tilespmem:s16+$0x8880]  }
0xe9: {  	v18 =	vadd.f32 v29, v18;
	v25 =	vmul.f32 v28, v21;
	v10 =	vadd.f32 v27, v10;
	v22 =	vld [tilespmem:s18+$0x7000]  }
0xea: {  	v13 =	vadd.f32 v26, v13;
	v12 =	vadd.f32 v23, v12;
	v21 =	vmul.f32 v32, v21;
	v5 =	vld [tilespmem:s16+$0x7200]  }
0xeb: {  	v15 =	vadd.f32 v25, v15;
	v26 =	vshrl.u32 v35, $0x10;
	v37 =	vld [tilespmem:s16+$0x7280];
	v23 =	vshrl.u32 v33, $0x10  }
0xec: {  	v19 =	vadd.f32 v21, v19;
	v27 =	vshrl.u32 v30, $0x10;
	v26 =	vand.u32 $0x1, v26;
	v25 =	vld [tilespmem:s16+$0x7100]  }
0xed: {  	v28 =	vshrl.u32 v20, $0x10;
	v27 =	vand.u32 $0x1, v27;
	v23 =	vand.u32 $0x1, v23;
	v21 =	vld [tilespmem:s16+$0x7180]  }
0xee: {  	v28 =	vand.u32 $0x1, v28;
	v36 =	vshrl.u32 v31, $0x10;
	v29 =	vld [tilespmem:s16+$0x7300];
	v32 =	vshrl.u32 v22, $0x10  }
0xef: {  	v28 =	vadd.s32 v28, v20;
	v20 =	vshrl.u32 v34, $0x10;
	v36 =	vand.u32 $0x1, v36;
	v38 =	vld [tilespmem:s16+$0x7000]  }
0xf0: {  	v20 =	vand.u32 $0x1, v20;
	v23 =	vadd.s32 v23, v33;
	v40 =	vshrl.u32 v5, $0x10;
	v39 =	vld [tilespmem:s17+$0x0]  }
0xf1: {  	v42 =	vshrl.u32 v24, $0x10;
	v20 =	vadd.s32 v20, v34;
	v41 =	vshrl.u32 v37, $0x10;
	v33 =	vld [tilespmem:s16+$0x7080]  }
0xf2: {  	v20 =	vadd.s32 $0x7FFF, v20;
	v34 =	vshrl.u32 v25, $0x10;
	v43 =	vshrl.u32 v21, $0x10  }
0xf3: {  	v44 =	vand.u32 $0xFFFF0000, v20;
	v34 =	vand.u32 $0x1, v34;
	v43 =	vand.u32 $0x1, v43  }
0xf4: {  	v27 =	vadd.s32 v27, v30;
	v23 =	vadd.s32 $0x7FFF, v23;
	v20 =	vshrl.u32 v38, $0x10  }
0xf5: {  	v32 =	vand.u32 $0x1, v32;
	v41 =	vand.u32 $0x1, v41;
	v30 =	vshrl.u32 v39, $0x10  }
0xf6: {  	v27 =	vadd.s32 $0x7FFF, v27;
	v42 =	vand.u32 $0x1, v42;
	v45 =	vshrl.u32 v33, $0x10  }
0xf7: {  	v26 =	vadd.s32 v26, v35;
	v46 =	vshrl.u32 v29, $0x10;
	v45 =	vand.u32 $0x1, v45;
	v47 =	vld [tilespmem:s16+$0x8800]  }
0xf8: {  	v22 =	vadd.s32 v32, v22;
	v21 =	vadd.s32 v43, v21;
	v20 =	vand.u32 $0x1, v20  }
0xf9: {  	v30 =	vand.u32 $0x1, v30;
	v35 =	vadd.s32 v20, v38;
	v20 =	vand.u32 $0xFFFF0000, v27  }
0xfa: {  	v26 =	vadd.s32 $0x7FFF, v26;
	v25 =	vadd.s32 v34, v25;
	v27 =	vand.u32 $0x1, v46  }
0xfb: {  	v34 =	vand.u32 $0xFFFF0000, v26;
	v26 =	vadd.s32 $0x7FFF, v28;
	v25 =	vadd.s32 $0x7FFF, v25  }
0xfc: {  	v38 =	vand.u32 $0xFFFF0000, v26;
	v27 =	vadd.s32 v27, v29;
	v28 =	vshrl.u32 v47, $0x10  }
0xfd: {  	v26 =	vadd.s32 v30, v39;
	v27 =	vadd.s32 $0x7FFF, v27;
	v29 =	vand.u32 $0x1, v28  }
0xfe: {  	v24 =	vadd.s32 v42, v24;
	v22 =	vadd.s32 $0x7FFF, v22;
	v21 =	vadd.s32 $0x7FFF, v21  }
0xff: {  	v24 =	vadd.s32 $0x7FFF, v24;
	v28 =	vand.u32 $0xFFFF0000, v21;
	v21 =	vadd.s32 v29, v47  }
0x100: {  	v23 =	vand.u32 $0xFFFF0000, v23;
	v30 =	vadd.s32 v45, v33;
	v33 =	vadd.s32 $0x7FFF, v21  }
0x101: {  	v29 =	vand.u32 $0xFFFF0000, v25;
	v25 =	vand.u32 $0xFFFF0000, v24;
	v21 =	vadd.s32 $0x7FFF, v26  }
.Ltmp0:
0x102: {  	v39 =	vadd.s32 $0x7FFF, v30;
	v26 =	vand.u32 $0xFFFF0000, v27;
	v21 =	vand.u32 $0xFFFF0000, v21;
	(pc) =	sbr.rel @p0 .LBB2_3-.Ltmp0, $4  }
0x103: {  	v32 =	vadd.s32 v36, v31;
	v27 =	vand.u32 $0xFFFF0000, v22;
	v24 =	vmul.f32 v34, v21  }
0x104: {  	v34 =	vand.u32 $0x1, v40;
	v30 =	vmul.f32 v38, v21;
	v22 =	vmul.f32 v44, v21  }
0x105: {  	v35 =	vadd.s32 $0x7FFF, v35;
	v36 =	vand.u32 $0xFFFF0000, v39;
	v31 =	vand.u32 $0xFFFF0000, v33  }
0x106: {  	s14 =	sadd.s32 $0x80, s14;
	s17 =	smov.u32 s15;
	v33 =	vand.u32 $0xFFFF0000, v35;
	v35 =	vadd.s32 v41, v37;
	v36 =	vmul.f32 v36, v21  }
0x107: {  	v33 =	vmul.f32 v33, v21  }
0x108: {  	v5 =	vadd.s32 v34, v5;
	v29 =	vmul.f32 v29, v21  }
0x109: {  	v28 =	vmul.f32 v28, v21;
	v5 =	vadd.s32 $0x7FFF, v5;
	v17 =	vadd.f32 v33, v17  }
0x10a: {  	v63 =	vadd.s32 $0x7FFF, v35;
	v16 =	vadd.f32 v36, v16;
	v5 =	vand.u32 $0xFFFF0000, v5  }
0x10b: {  	v33 =	vand.u32 $0xFFFF0000, v63;
	v18 =	vadd.f32 v29, v18;
	v5 =	vmul.f32 v5, v21;
	(xrf2) =	vadd.scan.msk.f32 $0xffff, v17  }
0x10c: {  	v14 =	vadd.f32 v28, v14;
	v17 =	vmul.f32 v33, v21;
	(xrf2) =	vadd.scan.msk.f32 $0xffff, v16;
	v16 =	vmul.f32 v26, v21  }
0x10d: {  	v5 =	vadd.f32 v5, v19;
	v19 =	vmul.f32 v27, v21;
	(xrf2) =	vadd.scan.msk.f32 $0xffff, v18;
	v18 =	vadd.s32 $0x7FFF, v32  }
0x10e: {  	v15 =	vadd.f32 v17, v15;
	v17 =	vmul.f32 v31, v21;
	(xrf2) =	vadd.scan.msk.f32 $0xffff, v14;
	v14 =	vand.u32 $0xFFFF0000, v18  }
0x10f: {  	v13 =	vadd.f32 v16, v13;
	(xrf2) =	vadd.scan.msk.f32 $0xffff, v5;
	v5 =	vadd.f32 v19, v11;
	v11 =	vmul.f32 v14, v21  }
0x110: {  	(xrf2) =	vadd.scan.msk.f32 $0xffff, v15  }
0x111: {  	v14 =	vmul.f32 v23, v21;
	v9 =	vadd.f32 v17, v9;
	(xrf2) =	vadd.scan.msk.f32 $0xffff, v13;
	v10 =	vadd.f32 v11, v10  }
0x112: {  	v13 =	vmul.f32 v25, v21;
	(xrf2) =	vadd.scan.msk.f32 $0xffff, v5  }
0x113: {  	v5 =	vadd.f32 v14, v12;
	(xrf2) =	vadd.scan.msk.f32 $0xffff, v9  }
0x114: {  	v9 =	vmul.f32 v20, v21;
	v8 =	vadd.f32 v13, v8;
	(xrf2) =	vadd.scan.msk.f32 $0xffff, v10  }
0x115: {  	v10, _, _ =	vpop (xrf2);
	(xrf2) =	vadd.scan.msk.f32 $0xffff, v5  }
0x116: {  	v5 =	vadd.f32 v9, v6;
	v6, _, _ =	vpop (xrf2);
	(xrf2) =	vadd.scan.msk.f32 $0xffff, v8;
	v8 =	vbroadcast v10, $0xF  }
0x117: {  	v7 =	vadd.f32 v24, v7  }
0x118: {  	v3 =	vadd.f32 v30, v3;
	v6 =	vbroadcast v6, $0xF;
	v9, _, _ =	vpop (xrf2)  }
0x119: {  	(xrf2) =	vadd.scan.msk.f32 $0xffff, v7;
	v7 =	vbroadcast v9, $0xF;
	v9, _, _ =	vpop (xrf2)  }
0x11a: {  	(xrf2) =	vadd.scan.msk.f32 $0xffff, v5;
	v5 =	vsel vm1, v8, v6;
	v8, _, _ =	vpop (xrf2)  }
0x11b: {  	v5 =	vsel vm2, v5, v7;
	v7 =	vbroadcast v8, $0xF  }
0x11c: {  	v4 =	vadd.f32 v22, v4;
	v6 =	vbroadcast v9, $0xF;
	(xrf2) =	vadd.scan.msk.f32 $0xffff, v3;
	v3, _, _ =	vpop (xrf2)  }
0x11d: {  	v8, _, _ =	vpop (xrf2)  }
0x11e: {  	v5 =	vsel vm3, v5, v6;
	v3 =	vbroadcast v3, $0xF;
	v6 =	vbroadcast v8, $0xF  }
0x11f: {  	v5 =	vsel vm4, v5, v7;
	v7, _, _ =	vpop (xrf2)  }
0x120: {  	(xrf2) =	vadd.scan.msk.f32 $0xffff, v4;
	v3 =	vsel vm5, v5, v3;
	v4, _, _ =	vpop (xrf2);
	v5 =	vbroadcast v7, $0xF  }
0x121: {  	v3 =	vsel vm6, v3, v6;
	v7, _, _ =	vpop (xrf2);
	v4 =	vbroadcast v4, $0xF  }
0x122: {  	v6, _, _ =	vpop (xrf2);
	v3 =	vsel vm7, v3, v5;
	v5 =	vbroadcast v7, $0xF  }
0x123: {  	v7, _, _ =	vpop (xrf2);
	v3 =	vsel vm8, v3, v4;
	v4 =	vbroadcast v6, $0xF  }
0x124: {  	v6, _, _ =	vpop (xrf2);
	v3 =	vsel vm9, v3, v5;
	v5 =	vbroadcast v7, $0xF  }
0x125: {  	v7, _, _ =	vpop (xrf2);
	v3 =	vsel vm10, v3, v4;
	v4 =	vbroadcast v6, $0xF  }
0x126: {  	v6, _, _ =	vpop (xrf2);
	v3 =	vsel vm11, v3, v5  }
0x127: {  	v3 =	vsel vm12, v3, v4;
	v4 =	vbroadcast v6, $0xF  }
0x128: {  	v8 =	vld [tilespmem:$0x1C000];
	v5 =	vbroadcast v7, $0xF;
	_ =	sdelay $0x1  }
0x129: {  	v3 =	vsel vm13, v3, v5  }
0x12a: {  	v3 =	vsel vm14, v3, v4;
	v4, _, _ =	vpop (xrf2)  }
0x12b: {  	v3 =	vsel vm15, v3, v4  }
0x12c: {  	s14 =	simm.s32 $0x0;
	v3 =	vadd.f32 v8, v3  }
0x12d: {  	s15 =	sand.u32 $0x70, s14;
	s14 =	sand.u32 $0x1C00, s14  }
0x12e: {  	s16 =	sor.u32 s15, s14;
	[tilespmem:s11+$0x1C100] =	vst v3  }
0x12f: {  	v4 =	vld [tilespmem:s16+$0xBA80]  }
0x130: {  	v5 =	vld [tilespmem:s16+$0xBB00]  }
0x131: {  	v6 =	vld [tilespmem:s16+$0xB900]  }
0x132: {  	v8 =	vld [tilespmem:s16+$0xA380]  }
0x133: {  	v10 =	vld [tilespmem:s16+$0xB980];
	_ =	sdelay $0x3  }
0x134: {  	v3 =	vimm.f32 $0.0e+00;
	v7 =	vld [tilespmem:s16+$0xBB80];
	v9 =	vshrl.u32 v4, $0x10;
	v11 =	vshrl.u32 v5, $0x10  }
0x135: {  	v27 =	vld [tilespmem:s16+$0xA280];
	v13 =	vshrl.u32 v6, $0x10;
	v15 =	vshrl.u32 v8, $0x10;
	v17 =	vshrl.u32 v10, $0x10  }
0x136: {  	v9 =	vand.u32 $0x1, v9;
	v13 =	vand.u32 $0x1, v13;
	v15 =	vand.u32 $0x1, v15  }
0x137: {  	v12 =	vld [tilespmem:s16+$0xB800];
	v4 =	vadd.s32 v9, v4;
	v9 =	vand.u32 $0x1, v11;
	v8 =	vadd.s32 v15, v8  }
0x138: {  	s14 =	sadd.s32 s14, s13;
	v16 =	vld [tilespmem:s16+$0xA080];
	v15 =	vand.u32 $0x1, v17;
	v14 =	vadd.s32 $0x7FFF, v4;
	v5 =	vadd.s32 v9, v5  }
0x139: {  	s14 =	sadd.s32 s15, s14;
	v11 =	vld [tilespmem:s16+$0xB880];
	v4 =	vadd.s32 v13, v6;
	v6 =	vshrl.u32 v7, $0x10;
	v8 =	vadd.s32 $0x7FFF, v8  }
0x13a: {  	v17 =	vld [tilespmem:s14+$0x0];
	v10 =	vadd.s32 v15, v10;
	v15 =	vshrl.u32 v27, $0x10;
	v4 =	vadd.s32 $0x7FFF, v4  }
0x13b: {  	v9 =	vld [tilespmem:s16+$0xA200];
	v6 =	vand.u32 $0x1, v6;
	v25 =	vand.u32 $0xFFFF0000, v8;
	v15 =	vand.u32 $0x1, v15  }
0x13c: {  	v13 =	vld [tilespmem:s16+$0xBA00];
	v10 =	vadd.s32 $0x7FFF, v10;
	v5 =	vadd.s32 $0x7FFF, v5;
	v7 =	vadd.s32 v6, v7  }
0x13d: {  	v6 =	vand.u32 $0xFFFF0000, v4;
	v4 =	vshrl.u32 v12, $0x10;
	v15 =	vadd.s32 v15, v27  }
0x13e: {  	v20 =	vld [tilespmem:s16+$0xA000];
	v7 =	vadd.s32 $0x7FFF, v7;
	v22 =	vand.u32 $0x1, v4;
	v19 =	vshrl.u32 v11, $0x10  }
0x13f: {  	v28 =	vld [tilespmem:s16+$0xA100];
	v4 =	vand.u32 $0xFFFF0000, v7;
	v7 =	vshrl.u32 v16, $0x10;
	v12 =	vadd.s32 v22, v12  }
0x140: {  	v26 =	vshrl.u32 v17, $0x10;
	v21 =	vshrl.u32 v9, $0x10;
	v19 =	vand.u32 $0x1, v19  }
0x141: {  	v18 =	vld [tilespmem:s16+$0xA300];
	v23 =	vshrl.u32 v13, $0x10;
	v7 =	vand.u32 $0x1, v7;
	v12 =	vadd.s32 $0x7FFF, v12  }
0x142: {  	v8 =	vand.u32 $0x1, v26;
	v26 =	vand.u32 $0xFFFF0000, v10;
	v22 =	vand.u32 $0x1, v23  }
0x143: {  	v23 =	vshrl.u32 v20, $0x10;
	v11 =	vadd.s32 v19, v11;
	v30 =	vand.u32 $0x1, v21  }
0x144: {  	v21 =	vand.u32 $0xFFFF0000, v14;
	v7 =	vadd.s32 v7, v16;
	v14 =	vshrl.u32 v28, $0x10  }
0x145: {  	v8 =	vadd.s32 v8, v17;
	v17 =	vimm.f32 $0.0e+00;
	v13 =	vadd.s32 v22, v13  }
0x146: {  	v24 =	vld [tilespmem:s16+$0xA180];
	v22 =	vshrl.u32 v18, $0x10;
	v19 =	vand.u32 $0x1, v23;
	v23 =	vand.u32 $0xFFFF0000, v12  }
0x147: {  	v7 =	vadd.s32 $0x7FFF, v7;
	v9 =	vadd.s32 v30, v9;
	v11 =	vadd.s32 $0x7FFF, v11  }
0x148: {  	v8 =	vadd.s32 $0x7FFF, v8;
	v13 =	vadd.s32 $0x7FFF, v13;
	v29 =	vand.u32 $0x1, v22  }
0x149: {  	v12 =	vadd.s32 v19, v20;
	v9 =	vadd.s32 $0x7FFF, v9;
	v7 =	vand.u32 $0xFFFF0000, v7  }
0x14a: {  	v30 =	vand.u32 $0xFFFF0000, v11;
	v20 =	vimm.f32 $0.0e+00;
	v19 =	vimm.f32 $0.0e+00  }
0x14b: {  	v22 =	vand.u32 $0xFFFF0000, v13;
	v13 =	vshrl.u32 v24, $0x10;
	v12 =	vadd.s32 $0x7FFF, v12  }
0x14c: {  	v9 =	vand.u32 $0xFFFF0000, v9;
	v11 =	vadd.s32 v29, v18;
	v18 =	vimm.f32 $0.0e+00  }
0x14d: {  	v13 =	vand.u32 $0x1, v13;
	v27 =	vand.u32 $0xFFFF0000, v12;
	v32 =	vadd.s32 $0x7FFF, v11  }
0x14e: {  	v11 =	vimm.f32 $0.0e+00;
	v12 =	vadd.s32 v13, v24;
	v13 =	vand.u32 $0x1, v14  }
0x14f: {  	v24 =	vand.u32 $0xFFFF0000, v8;
	v10 =	vadd.s32 v13, v28;
	v13 =	vadd.s32 $0x7FFF, v15  }
0x150: {  	v8 =	vadd.s32 $0x7FFF, v12;
	v9 =	vmul.f32 v9, v24;
	v28 =	vand.u32 $0xFFFF0000, v5  }
0x151: {  	v31 =	vmul.f32 v7, v24;
	v12 =	vimm.f32 $0.0e+00;
	v7 =	vimm.f32 $0.0e+00  }
0x152: {  	v5 =	vimm.f32 $0.0e+00;
	v10 =	vadd.s32 $0x7FFF, v10;
	v8 =	vand.u32 $0xFFFF0000, v8  }
0x153: {  	v13 =	vand.u32 $0xFFFF0000, v13;
	v10 =	vand.u32 $0xFFFF0000, v10;
	v8 =	vmul.f32 v8, v24  }
0x154: {  	v29 =	vmul.f32 v13, v24;
	v14 =	vadd.f32 v9, v3;
	v10 =	vmul.f32 v10, v24  }
0x155: {  	v13 =	vimm.f32 $0.0e+00;
	v9 =	vimm.f32 $0.0e+00;
	v16 =	vadd.f32 v8, v3  }
0x156: {  	s17 =	simm.s32 $0x10;
	s14 =	simm.s32 $0x80;
	v8 =	vimm.f32 $0.0e+00;
	v15 =	vadd.f32 v10, v3;
	v10 =	vimm.f32 $0.0e+00  }
.LBB2_5:
0x157: {  	s15 =	smov.u32 s17  }
0x158: {  	s18 =	sand.u32 $0x70, s17;
	s16 =	sand.u32 $0x1C00, s14;
	v32 =	vand.u32 $0xFFFF0000, v32;
	v25 =	vmul.f32 v25, v24;
	v30 =	vmul.f32 v30, v24;
	s15 =	sadd.s32 $0x10, s17  }
0x159: {  	p0 =	sne.s32 s17, $0x2F0;
	v23 =	vmul.f32 v23, v24;
	s19 =	sadd.s32 s16, s13;
	s16 =	sor.u32 s18, s16;
	v3 =	vadd.f32 v31, v3;
	v31 =	vmul.f32 v32, v24  }
0x15a: {  	v27 =	vmul.f32 v27, v24;
	v6 =	vmul.f32 v6, v24;
	s17 =	sadd.s32 s18, s19;
	v13 =	vadd.f32 v25, v13;
	v32 =	vld [tilespmem:s16+$0xBA80]  }
0x15b: {  	v12 =	vadd.f32 v23, v12;
	v23 =	vmul.f32 v26, v24;
	v17 =	vadd.f32 v31, v17;
	v25 =	vld [tilespmem:s16+$0xBB00]  }
0x15c: {  	v21 =	vmul.f32 v21, v24;
	v11 =	vadd.f32 v6, v11;
	v6 =	vmul.f32 v22, v24;
	v26 =	vld [tilespmem:s16+$0xB900]  }
0x15d: {  	v20 =	vadd.f32 v27, v20;
	v10 =	vadd.f32 v23, v10;
	v23 =	vmul.f32 v28, v24;
	v22 =	vld [tilespmem:s16+$0xBA00]  }
0x15e: {  	v19 =	vadd.f32 v29, v19;
	v4 =	vmul.f32 v4, v24;
	v9 =	vadd.f32 v6, v9;
	v27 =	vld [tilespmem:s16+$0xBB80]  }
0x15f: {  	v7 =	vadd.f32 v21, v7;
	v8 =	vadd.f32 v23, v8;
	v6 =	vld [tilespmem:s16+$0xA380];
	v24 =	vshrl.u32 v32, $0x10  }
0x160: {  	v5 =	vadd.f32 v4, v5;
	v21 =	vld [tilespmem:s16+$0xB980];
	v23 =	vand.u32 $0x1, v24;
	v24 =	vshrl.u32 v25, $0x10  }
0x161: {  	v28 =	vld [tilespmem:s16+$0xB800];
	v4 =	vshrl.u32 v26, $0x10;
	v23 =	vadd.s32 v23, v32;
	v24 =	vand.u32 $0x1, v24  }
0x162: {  	v29 =	vld [tilespmem:s16+$0xB880];
	v4 =	vand.u32 $0x1, v4;
	v31 =	vadd.s32 $0x7FFF, v23;
	v32 =	vadd.s32 v24, v25  }
0x163: {  	v18 =	vadd.f32 v30, v18;
	v24 =	vld [tilespmem:s16+$0xA200];
	v4 =	vadd.s32 v4, v26;
	v23 =	vshrl.u32 v27, $0x10  }
0x164: {  	v26 =	vld [tilespmem:s16+$0xA080];
	v25 =	vshrl.u32 v6, $0x10;
	v4 =	vadd.s32 $0x7FFF, v4;
	v23 =	vand.u32 $0x1, v23  }
0x165: {  	v33 =	vld [tilespmem:s16+$0xA300];
	v25 =	vand.u32 $0x1, v25;
	v30 =	vshrl.u32 v21, $0x10;
	v23 =	vadd.s32 v23, v27  }
0x166: {  	v27 =	vld [tilespmem:s16+$0xA000];
	v25 =	vadd.s32 v25, v6;
	v6 =	vand.u32 $0xFFFF0000, v4;
	v30 =	vand.u32 $0x1, v30  }
0x167: {  	v4 =	vshrl.u32 v28, $0x10;
	v34 =	vld [tilespmem:s17+$0x0];
	v25 =	vadd.s32 $0x7FFF, v25;
	v35 =	vshrl.u32 v29, $0x10  }
0x168: {  	v23 =	vadd.s32 $0x7FFF, v23;
	v36 =	vshrl.u32 v24, $0x10;
	v35 =	vand.u32 $0x1, v35  }
0x169: {  	v38 =	vshrl.u32 v22, $0x10;
	v37 =	vand.u32 $0x1, v4;
	v4 =	vand.u32 $0xFFFF0000, v23  }
0x16a: {  	v28 =	vadd.s32 v37, v28;
	v37 =	vand.u32 $0x1, v38;
	v23 =	vshrl.u32 v26, $0x10  }
0x16b: {  	v22 =	vadd.s32 v37, v22;
	v38 =	vand.u32 $0x1, v23;
	v23 =	vadd.s32 $0x7FFF, v28;
	v39 =	vld [tilespmem:s16+$0xA180]  }
0x16c: {  	v40 =	vshrl.u32 v33, $0x10;
	v22 =	vadd.s32 $0x7FFF, v22;
	v28 =	vshrl.u32 v34, $0x10;
	v37 =	vld [tilespmem:s16+$0xA100]  }
0x16d: {  	v29 =	vadd.s32 v35, v29;
	v41 =	vshrl.u32 v27, $0x10;
	v40 =	vand.u32 $0x1, v40;
	v42 =	vld [tilespmem:s16+$0xA280]  }
0x16e: {  	v36 =	vand.u32 $0x1, v36;
	v23 =	vand.u32 $0xFFFF0000, v23;
	v35 =	vand.u32 $0x1, v41  }
0x16f: {  	v30 =	vadd.s32 v30, v21;
	v21 =	vand.u32 $0xFFFF0000, v31;
	v22 =	vand.u32 $0xFFFF0000, v22  }
0x170: {  	v25 =	vand.u32 $0xFFFF0000, v25;
	v27 =	vadd.s32 v35, v27;
	v31 =	vshrl.u32 v39, $0x10  }
0x171: {  	v26 =	vadd.s32 v38, v26;
	v28 =	vand.u32 $0x1, v28;
	v35 =	vshrl.u32 v37, $0x10  }
0x172: {  	v24 =	vadd.s32 v36, v24;
	v26 =	vadd.s32 $0x7FFF, v26;
	v36 =	vshrl.u32 v42, $0x10  }
0x173: {  	v38 =	vadd.s32 $0x7FFF, v24;
	v31 =	vand.u32 $0x1, v31;
	v24 =	vand.u32 $0x1, v36  }
0x174: {  	v29 =	vadd.s32 $0x7FFF, v29;
	v27 =	vadd.s32 $0x7FFF, v27;
	v24 =	vadd.s32 v24, v42  }
0x175: {  	v30 =	vadd.s32 $0x7FFF, v30;
	v27 =	vand.u32 $0xFFFF0000, v27;
	v31 =	vadd.s32 v31, v39  }
0x176: {  	v35 =	vand.u32 $0x1, v35;
	v36 =	vand.u32 $0xFFFF0000, v26;
	v26 =	vand.u32 $0xFFFF0000, v30  }
0x177: {  	v28 =	vadd.s32 v28, v34;
	v30 =	vadd.s32 v35, v37;
	v24 =	vadd.s32 $0x7FFF, v24  }
0x178: {  	v28 =	vadd.s32 $0x7FFF, v28;
	v34 =	vadd.s32 $0x7FFF, v30;
	v35 =	vand.u32 $0xFFFF0000, v24  }
0x179: {  	v30 =	vand.u32 $0xFFFF0000, v29;
	v24 =	vand.u32 $0xFFFF0000, v28;
	v28 =	vadd.s32 $0x7FFF, v31  }
.Ltmp1:
0x17a: {  	v29 =	vand.u32 $0xFFFF0000, v34;
	v31 =	vand.u32 $0xFFFF0000, v38;
	v28 =	vand.u32 $0xFFFF0000, v28;
	(pc) =	sbr.rel @p0 .LBB2_5-.Ltmp1, $4  }
0x17b: {  	v29 =	vmul.f32 v29, v24;
	v34 =	vmul.f32 v28, v24;
	v28 =	vadd.s32 $0x7FFF, v32  }
0x17c: {  	v37 =	vmul.f32 v31, v24;
	v31 =	vadd.s32 v40, v33;
	v28 =	vand.u32 $0xFFFF0000, v28  }
0x17d: {  	v32 =	vadd.s32 $0x7FFF, v31;
	v15 =	vadd.f32 v29, v15;
	v29 =	vmul.f32 v35, v24  }
0x17e: {  	s14 =	sadd.s32 $0x80, s14;
	s17 =	smov.u32 s15;
	v31 =	vmul.f32 v36, v24;
	v14 =	vadd.f32 v37, v14;
	v16 =	vadd.f32 v34, v16  }
0x17f: {  	v27 =	vmul.f32 v27, v24;
	_ =	sdelay $0x1  }
0x180: {  	v20 =	vadd.f32 v27, v20  }
0x181: {  	v3 =	vadd.f32 v31, v3  }
0x182: {  	(xrf2) =	vadd.scan.msk.f32 $0xffff, v20  }
0x183: {  	v20 =	vand.u32 $0xFFFF0000, v32;
	(xrf2) =	vadd.scan.msk.f32 $0xffff, v3  }
0x184: {  	v3 =	vmul.f32 v20, v24;
	(xrf2) =	vadd.scan.msk.f32 $0xffff, v15  }
0x185: {  	v19 =	vadd.f32 v29, v19;
	v15 =	vmul.f32 v25, v24;
	(xrf2) =	vadd.scan.msk.f32 $0xffff, v16  }
0x186: {  	v6 =	vmul.f32 v6, v24;
	v16 =	vmul.f32 v23, v24;
	v3 =	vadd.f32 v3, v17;
	(xrf2) =	vadd.scan.msk.f32 $0xffff, v14  }
0x187: {  	v14 =	vmul.f32 v30, v24;
	v13 =	vadd.f32 v15, v13;
	(xrf2) =	vadd.scan.msk.f32 $0xffff, v19  }
0x188: {  	v6 =	vadd.f32 v6, v11;
	v11 =	vmul.f32 v22, v24;
	v12 =	vadd.f32 v16, v12;
	(xrf2) =	vadd.scan.msk.f32 $0xffff, v3  }
0x189: {  	v3 =	vmul.f32 v26, v24;
	v14 =	vadd.f32 v14, v18;
	(xrf2) =	vadd.scan.msk.f32 $0xffff, v13  }
0x18a: {  	(xrf2) =	vadd.scan.msk.f32 $0xffff, v12  }
0x18b: {  	v12 =	vmul.f32 v21, v24;
	v3 =	vadd.f32 v3, v10;
	v10 =	vmul.f32 v28, v24;
	(xrf2) =	vadd.scan.msk.f32 $0xffff, v14  }
0x18c: {  	v9 =	vadd.f32 v11, v9;
	v11, _, _ =	vpop (xrf2);
	(xrf2) =	vadd.scan.msk.f32 $0xffff, v6  }
0x18d: {  	v6 =	vadd.f32 v12, v7;
	v7, _, _ =	vpop (xrf2);
	(xrf2) =	vadd.scan.msk.f32 $0xffff, v3;
	v3 =	vadd.f32 v10, v8;
	v8 =	vbroadcast v11, $0xF;
	_ =	sdelay $0x1  }
0x18e: {  	v7 =	vbroadcast v7, $0xF;
	v10, _, _ =	vpop (xrf2)  }
0x18f: {  	v4 =	vmul.f32 v4, v24;
	(xrf2) =	vadd.scan.msk.f32 $0xffff, v9;
	v9 =	vbroadcast v10, $0xF;
	v10, _, _ =	vpop (xrf2)  }
0x190: {  	(xrf2) =	vadd.scan.msk.f32 $0xffff, v6;
	v6 =	vsel vm1, v8, v7;
	v7 =	vbroadcast v10, $0xF;
	v8, _, _ =	vpop (xrf2)  }
0x191: {  	v4 =	vadd.f32 v4, v5;
	(xrf2) =	vadd.scan.msk.f32 $0xffff, v3;
	v5 =	vsel vm2, v6, v9;
	v3, _, _ =	vpop (xrf2);
	v6 =	vbroadcast v8, $0xF  }
0x192: {  	v5 =	vsel vm3, v5, v7;
	v8, _, _ =	vpop (xrf2)  }
0x193: {  	v3 =	vbroadcast v3, $0xF;
	v5 =	vsel vm4, v5, v6;
	v6 =	vbroadcast v8, $0xF  }
0x194: {  	v7, _, _ =	vpop (xrf2)  }
0x195: {  	(xrf2) =	vadd.scan.msk.f32 $0xffff, v4;
	v4, _, _ =	vpop (xrf2);
	v3 =	vsel vm5, v5, v3;
	v5 =	vbroadcast v7, $0xF  }
0x196: {  	v7, _, _ =	vpop (xrf2);
	v3 =	vsel vm6, v3, v6;
	v4 =	vbroadcast v4, $0xF  }
0x197: {  	v3 =	vsel vm7, v3, v5;
	v5 =	vbroadcast v7, $0xF;
	v6, _, _ =	vpop (xrf2)  }
0x198: {  	v3 =	vsel vm8, v3, v4;
	v7, _, _ =	vpop (xrf2);
	v4 =	vbroadcast v6, $0xF  }
0x199: {  	v3 =	vsel vm9, v3, v5;
	v6, _, _ =	vpop (xrf2);
	v5 =	vbroadcast v7, $0xF  }
0x19a: {  	v7, _, _ =	vpop (xrf2);
	v3 =	vsel vm10, v3, v4;
	v4 =	vbroadcast v6, $0xF  }
0x19b: {  	v6, _, _ =	vpop (xrf2);
	v3 =	vsel vm11, v3, v5  }
0x19c: {  	v3 =	vsel vm12, v3, v4;
	v4 =	vbroadcast v6, $0xF  }
0x19d: {  	v8 =	vld [tilespmem:$0x1C010];
	v5 =	vbroadcast v7, $0xF;
	_ =	sdelay $0x1  }
0x19e: {  	v3 =	vsel vm13, v3, v5  }
0x19f: {  	v3 =	vsel vm14, v3, v4;
	v4, _, _ =	vpop (xrf2)  }
0x1a0: {  	v3 =	vsel vm15, v3, v4  }
0x1a1: {  	s14 =	simm.s32 $0x0;
	v3 =	vadd.f32 v8, v3  }
0x1a2: {  	s15 =	sand.u32 $0x70, s14;
	s14 =	sand.u32 $0x1C00, s14  }
0x1a3: {  	s16 =	sor.u32 s15, s14;
	[tilespmem:s11+$0x1C110] =	vst v3  }
0x1a4: {  	v4 =	vld [tilespmem:s16+$0xEA80]  }
0x1a5: {  	v5 =	vld [tilespmem:s16+$0xEB00]  }
0x1a6: {  	v6 =	vld [tilespmem:s16+$0xE900]  }
0x1a7: {  	v8 =	vld [tilespmem:s16+$0xD380]  }
0x1a8: {  	v10 =	vld [tilespmem:s16+$0xE980];
	_ =	sdelay $0x3  }
0x1a9: {  	v3 =	vimm.f32 $0.0e+00;
	v7 =	vld [tilespmem:s16+$0xEB80];
	v9 =	vshrl.u32 v4, $0x10;
	v11 =	vshrl.u32 v5, $0x10  }
0x1aa: {  	v27 =	vld [tilespmem:s16+$0xD280];
	v13 =	vshrl.u32 v6, $0x10;
	v15 =	vshrl.u32 v8, $0x10;
	v17 =	vshrl.u32 v10, $0x10  }
0x1ab: {  	v9 =	vand.u32 $0x1, v9;
	v13 =	vand.u32 $0x1, v13;
	v15 =	vand.u32 $0x1, v15  }
0x1ac: {  	v12 =	vld [tilespmem:s16+$0xE800];
	v4 =	vadd.s32 v9, v4;
	v9 =	vand.u32 $0x1, v11;
	v8 =	vadd.s32 v15, v8  }
0x1ad: {  	s14 =	sadd.s32 s14, s13;
	v16 =	vld [tilespmem:s16+$0xD080];
	v15 =	vand.u32 $0x1, v17;
	v14 =	vadd.s32 $0x7FFF, v4;
	v5 =	vadd.s32 v9, v5  }
0x1ae: {  	s14 =	sadd.s32 s15, s14;
	v11 =	vld [tilespmem:s16+$0xE880];
	v4 =	vadd.s32 v13, v6;
	v6 =	vshrl.u32 v7, $0x10;
	v8 =	vadd.s32 $0x7FFF, v8  }
0x1af: {  	v17 =	vld [tilespmem:s14+$0x0];
	v10 =	vadd.s32 v15, v10;
	v15 =	vshrl.u32 v27, $0x10;
	v4 =	vadd.s32 $0x7FFF, v4  }
0x1b0: {  	v9 =	vld [tilespmem:s16+$0xD200];
	v6 =	vand.u32 $0x1, v6;
	v25 =	vand.u32 $0xFFFF0000, v8;
	v15 =	vand.u32 $0x1, v15  }
0x1b1: {  	v13 =	vld [tilespmem:s16+$0xEA00];
	v10 =	vadd.s32 $0x7FFF, v10;
	v5 =	vadd.s32 $0x7FFF, v5;
	v7 =	vadd.s32 v6, v7  }
0x1b2: {  	v6 =	vand.u32 $0xFFFF0000, v4;
	v4 =	vshrl.u32 v12, $0x10;
	v15 =	vadd.s32 v15, v27  }
0x1b3: {  	v20 =	vld [tilespmem:s16+$0xD000];
	v7 =	vadd.s32 $0x7FFF, v7;
	v22 =	vand.u32 $0x1, v4;
	v19 =	vshrl.u32 v11, $0x10  }
0x1b4: {  	v28 =	vld [tilespmem:s16+$0xD100];
	v4 =	vand.u32 $0xFFFF0000, v7;
	v7 =	vshrl.u32 v16, $0x10;
	v12 =	vadd.s32 v22, v12  }
0x1b5: {  	v26 =	vshrl.u32 v17, $0x10;
	v21 =	vshrl.u32 v9, $0x10;
	v19 =	vand.u32 $0x1, v19  }
0x1b6: {  	v18 =	vld [tilespmem:s16+$0xD300];
	v23 =	vshrl.u32 v13, $0x10;
	v7 =	vand.u32 $0x1, v7;
	v12 =	vadd.s32 $0x7FFF, v12  }
0x1b7: {  	v8 =	vand.u32 $0x1, v26;
	v26 =	vand.u32 $0xFFFF0000, v10;
	v22 =	vand.u32 $0x1, v23  }
0x1b8: {  	v23 =	vshrl.u32 v20, $0x10;
	v11 =	vadd.s32 v19, v11;
	v30 =	vand.u32 $0x1, v21  }
0x1b9: {  	v21 =	vand.u32 $0xFFFF0000, v14;
	v7 =	vadd.s32 v7, v16;
	v14 =	vshrl.u32 v28, $0x10  }
0x1ba: {  	v8 =	vadd.s32 v8, v17;
	v17 =	vimm.f32 $0.0e+00;
	v13 =	vadd.s32 v22, v13  }
0x1bb: {  	v24 =	vld [tilespmem:s16+$0xD180];
	v22 =	vshrl.u32 v18, $0x10;
	v19 =	vand.u32 $0x1, v23;
	v23 =	vand.u32 $0xFFFF0000, v12  }
0x1bc: {  	v7 =	vadd.s32 $0x7FFF, v7;
	v9 =	vadd.s32 v30, v9;
	v11 =	vadd.s32 $0x7FFF, v11  }
0x1bd: {  	v8 =	vadd.s32 $0x7FFF, v8;
	v13 =	vadd.s32 $0x7FFF, v13;
	v29 =	vand.u32 $0x1, v22  }
0x1be: {  	v12 =	vadd.s32 v19, v20;
	v9 =	vadd.s32 $0x7FFF, v9;
	v7 =	vand.u32 $0xFFFF0000, v7  }
0x1bf: {  	v30 =	vand.u32 $0xFFFF0000, v11;
	v20 =	vimm.f32 $0.0e+00;
	v19 =	vimm.f32 $0.0e+00  }
0x1c0: {  	v22 =	vand.u32 $0xFFFF0000, v13;
	v13 =	vshrl.u32 v24, $0x10;
	v12 =	vadd.s32 $0x7FFF, v12  }
0x1c1: {  	v9 =	vand.u32 $0xFFFF0000, v9;
	v11 =	vadd.s32 v29, v18;
	v18 =	vimm.f32 $0.0e+00  }
0x1c2: {  	v13 =	vand.u32 $0x1, v13;
	v27 =	vand.u32 $0xFFFF0000, v12;
	v32 =	vadd.s32 $0x7FFF, v11  }
0x1c3: {  	v11 =	vimm.f32 $0.0e+00;
	v12 =	vadd.s32 v13, v24;
	v13 =	vand.u32 $0x1, v14  }
0x1c4: {  	v24 =	vand.u32 $0xFFFF0000, v8;
	v10 =	vadd.s32 v13, v28;
	v13 =	vadd.s32 $0x7FFF, v15  }
0x1c5: {  	v8 =	vadd.s32 $0x7FFF, v12;
	v9 =	vmul.f32 v9, v24;
	v28 =	vand.u32 $0xFFFF0000, v5  }
0x1c6: {  	v31 =	vmul.f32 v7, v24;
	v12 =	vimm.f32 $0.0e+00;
	v7 =	vimm.f32 $0.0e+00  }
0x1c7: {  	v5 =	vimm.f32 $0.0e+00;
	v10 =	vadd.s32 $0x7FFF, v10;
	v8 =	vand.u32 $0xFFFF0000, v8  }
0x1c8: {  	v13 =	vand.u32 $0xFFFF0000, v13;
	v10 =	vand.u32 $0xFFFF0000, v10;
	v8 =	vmul.f32 v8, v24  }
0x1c9: {  	v29 =	vmul.f32 v13, v24;
	v14 =	vadd.f32 v9, v3;
	v10 =	vmul.f32 v10, v24  }
0x1ca: {  	v13 =	vimm.f32 $0.0e+00;
	v9 =	vimm.f32 $0.0e+00;
	v16 =	vadd.f32 v8, v3  }
0x1cb: {  	s17 =	simm.s32 $0x10;
	s14 =	simm.s32 $0x80;
	v8 =	vimm.f32 $0.0e+00;
	v15 =	vadd.f32 v10, v3;
	v10 =	vimm.f32 $0.0e+00  }
.LBB2_7:
0x1cc: {  	s15 =	smov.u32 s17  }
0x1cd: {  	s18 =	sand.u32 $0x70, s17;
	s16 =	sand.u32 $0x1C00, s14;
	v32 =	vand.u32 $0xFFFF0000, v32;
	v25 =	vmul.f32 v25, v24;
	v30 =	vmul.f32 v30, v24;
	s15 =	sadd.s32 $0x10, s17  }
0x1ce: {  	p0 =	sne.s32 s17, $0x2F0;
	v23 =	vmul.f32 v23, v24;
	s19 =	sadd.s32 s16, s13;
	s16 =	sor.u32 s18, s16;
	v3 =	vadd.f32 v31, v3;
	v31 =	vmul.f32 v32, v24  }
0x1cf: {  	v27 =	vmul.f32 v27, v24;
	v6 =	vmul.f32 v6, v24;
	s17 =	sadd.s32 s18, s19;
	v13 =	vadd.f32 v25, v13;
	v32 =	vld [tilespmem:s16+$0xEA80]  }
0x1d0: {  	v12 =	vadd.f32 v23, v12;
	v23 =	vmul.f32 v26, v24;
	v17 =	vadd.f32 v31, v17;
	v25 =	vld [tilespmem:s16+$0xEB00]  }
0x1d1: {  	v21 =	vmul.f32 v21, v24;
	v11 =	vadd.f32 v6, v11;
	v6 =	vmul.f32 v22, v24;
	v26 =	vld [tilespmem:s16+$0xE900]  }
0x1d2: {  	v20 =	vadd.f32 v27, v20;
	v10 =	vadd.f32 v23, v10;
	v23 =	vmul.f32 v28, v24;
	v22 =	vld [tilespmem:s16+$0xEA00]  }
0x1d3: {  	v19 =	vadd.f32 v29, v19;
	v4 =	vmul.f32 v4, v24;
	v9 =	vadd.f32 v6, v9;
	v27 =	vld [tilespmem:s16+$0xEB80]  }
0x1d4: {  	v7 =	vadd.f32 v21, v7;
	v8 =	vadd.f32 v23, v8;
	v6 =	vld [tilespmem:s16+$0xD380];
	v24 =	vshrl.u32 v32, $0x10  }
0x1d5: {  	v5 =	vadd.f32 v4, v5;
	v21 =	vld [tilespmem:s16+$0xE980];
	v23 =	vand.u32 $0x1, v24;
	v24 =	vshrl.u32 v25, $0x10  }
0x1d6: {  	v28 =	vld [tilespmem:s16+$0xE800];
	v4 =	vshrl.u32 v26, $0x10;
	v23 =	vadd.s32 v23, v32;
	v24 =	vand.u32 $0x1, v24  }
0x1d7: {  	v29 =	vld [tilespmem:s16+$0xE880];
	v4 =	vand.u32 $0x1, v4;
	v31 =	vadd.s32 $0x7FFF, v23;
	v32 =	vadd.s32 v24, v25  }
0x1d8: {  	v18 =	vadd.f32 v30, v18;
	v24 =	vld [tilespmem:s16+$0xD200];
	v4 =	vadd.s32 v4, v26;
	v23 =	vshrl.u32 v27, $0x10  }
0x1d9: {  	v26 =	vld [tilespmem:s16+$0xD080];
	v25 =	vshrl.u32 v6, $0x10;
	v4 =	vadd.s32 $0x7FFF, v4;
	v23 =	vand.u32 $0x1, v23  }
0x1da: {  	v33 =	vld [tilespmem:s16+$0xD300];
	v25 =	vand.u32 $0x1, v25;
	v30 =	vshrl.u32 v21, $0x10;
	v23 =	vadd.s32 v23, v27  }
0x1db: {  	v27 =	vld [tilespmem:s16+$0xD000];
	v25 =	vadd.s32 v25, v6;
	v6 =	vand.u32 $0xFFFF0000, v4;
	v30 =	vand.u32 $0x1, v30  }
0x1dc: {  	v4 =	vshrl.u32 v28, $0x10;
	v34 =	vld [tilespmem:s17+$0x0];
	v25 =	vadd.s32 $0x7FFF, v25;
	v35 =	vshrl.u32 v29, $0x10  }
0x1dd: {  	v23 =	vadd.s32 $0x7FFF, v23;
	v36 =	vshrl.u32 v24, $0x10;
	v35 =	vand.u32 $0x1, v35  }
0x1de: {  	v38 =	vshrl.u32 v22, $0x10;
	v37 =	vand.u32 $0x1, v4;
	v4 =	vand.u32 $0xFFFF0000, v23  }
0x1df: {  	v28 =	vadd.s32 v37, v28;
	v37 =	vand.u32 $0x1, v38;
	v23 =	vshrl.u32 v26, $0x10  }
0x1e0: {  	v22 =	vadd.s32 v37, v22;
	v38 =	vand.u32 $0x1, v23;
	v23 =	vadd.s32 $0x7FFF, v28;
	v39 =	vld [tilespmem:s16+$0xD180]  }
0x1e1: {  	v40 =	vshrl.u32 v33, $0x10;
	v22 =	vadd.s32 $0x7FFF, v22;
	v28 =	vshrl.u32 v34, $0x10;
	v37 =	vld [tilespmem:s16+$0xD100]  }
0x1e2: {  	v29 =	vadd.s32 v35, v29;
	v41 =	vshrl.u32 v27, $0x10;
	v40 =	vand.u32 $0x1, v40;
	v42 =	vld [tilespmem:s16+$0xD280]  }
0x1e3: {  	v36 =	vand.u32 $0x1, v36;
	v23 =	vand.u32 $0xFFFF0000, v23;
	v35 =	vand.u32 $0x1, v41  }
0x1e4: {  	v30 =	vadd.s32 v30, v21;
	v21 =	vand.u32 $0xFFFF0000, v31;
	v22 =	vand.u32 $0xFFFF0000, v22  }
0x1e5: {  	v25 =	vand.u32 $0xFFFF0000, v25;
	v27 =	vadd.s32 v35, v27;
	v31 =	vshrl.u32 v39, $0x10  }
0x1e6: {  	v26 =	vadd.s32 v38, v26;
	v28 =	vand.u32 $0x1, v28;
	v35 =	vshrl.u32 v37, $0x10  }
0x1e7: {  	v24 =	vadd.s32 v36, v24;
	v26 =	vadd.s32 $0x7FFF, v26;
	v36 =	vshrl.u32 v42, $0x10  }
0x1e8: {  	v38 =	vadd.s32 $0x7FFF, v24;
	v31 =	vand.u32 $0x1, v31;
	v24 =	vand.u32 $0x1, v36  }
0x1e9: {  	v29 =	vadd.s32 $0x7FFF, v29;
	v27 =	vadd.s32 $0x7FFF, v27;
	v24 =	vadd.s32 v24, v42  }
0x1ea: {  	v30 =	vadd.s32 $0x7FFF, v30;
	v27 =	vand.u32 $0xFFFF0000, v27;
	v31 =	vadd.s32 v31, v39  }
0x1eb: {  	v35 =	vand.u32 $0x1, v35;
	v36 =	vand.u32 $0xFFFF0000, v26;
	v26 =	vand.u32 $0xFFFF0000, v30  }
0x1ec: {  	v28 =	vadd.s32 v28, v34;
	v30 =	vadd.s32 v35, v37;
	v24 =	vadd.s32 $0x7FFF, v24  }
0x1ed: {  	v28 =	vadd.s32 $0x7FFF, v28;
	v34 =	vadd.s32 $0x7FFF, v30;
	v35 =	vand.u32 $0xFFFF0000, v24  }
0x1ee: {  	v30 =	vand.u32 $0xFFFF0000, v29;
	v24 =	vand.u32 $0xFFFF0000, v28;
	v28 =	vadd.s32 $0x7FFF, v31  }
.Ltmp2:
0x1ef: {  	v29 =	vand.u32 $0xFFFF0000, v34;
	v31 =	vand.u32 $0xFFFF0000, v38;
	v28 =	vand.u32 $0xFFFF0000, v28;
	(pc) =	sbr.rel @p0 .LBB2_7-.Ltmp2, $4  }
0x1f0: {  	v29 =	vmul.f32 v29, v24;
	v34 =	vmul.f32 v28, v24;
	v28 =	vadd.s32 $0x7FFF, v32  }
0x1f1: {  	v37 =	vmul.f32 v31, v24;
	v31 =	vadd.s32 v40, v33;
	v28 =	vand.u32 $0xFFFF0000, v28  }
0x1f2: {  	v32 =	vadd.s32 $0x7FFF, v31;
	v15 =	vadd.f32 v29, v15;
	v29 =	vmul.f32 v35, v24  }
0x1f3: {  	s14 =	sadd.s32 $0x80, s14;
	s17 =	smov.u32 s15;
	v31 =	vmul.f32 v36, v24;
	v14 =	vadd.f32 v37, v14;
	v16 =	vadd.f32 v34, v16  }
0x1f4: {  	v27 =	vmul.f32 v27, v24;
	_ =	sdelay $0x1  }
0x1f5: {  	v20 =	vadd.f32 v27, v20  }
0x1f6: {  	v3 =	vadd.f32 v31, v3  }
0x1f7: {  	(xrf2) =	vadd.scan.msk.f32 $0xffff, v20  }
0x1f8: {  	v59 =	vand.u32 $0xFFFF0000, v32;
	(xrf2) =	vadd.scan.msk.f32 $0xffff, v3  }
0x1f9: {  	v3 =	vmul.f32 v59, v24;
	(xrf2) =	vadd.scan.msk.f32 $0xffff, v15  }
0x1fa: {  	v60 =	vmul.f32 v25, v24;
	v19 =	vadd.f32 v29, v19;
	(xrf2) =	vadd.scan.msk.f32 $0xffff, v16  }
0x1fb: {  	v61 =	vmul.f32 v23, v24;
	v6 =	vmul.f32 v6, v24;
	v3 =	vadd.f32 v3, v17;
	(xrf2) =	vadd.scan.msk.f32 $0xffff, v14  }
0x1fc: {  	v62 =	vmul.f32 v30, v24;
	v13 =	vadd.f32 v60, v13;
	(xrf2) =	vadd.scan.msk.f32 $0xffff, v19  }
0x1fd: {  	v12 =	vadd.f32 v61, v12;
	v6 =	vadd.f32 v6, v11;
	v11 =	vmul.f32 v22, v24;
	(xrf2) =	vadd.scan.msk.f32 $0xffff, v3  }
0x1fe: {  	v14 =	vadd.f32 v62, v18;
	v3 =	vmul.f32 v26, v24;
	(xrf2) =	vadd.scan.msk.f32 $0xffff, v13  }
0x1ff: {  	(xrf2) =	vadd.scan.msk.f32 $0xffff, v12  }
0x200: {  	v63 =	vmul.f32 v21, v24;
	v3 =	vadd.f32 v3, v10;
	v10 =	vmul.f32 v28, v24;
	(xrf2) =	vadd.scan.msk.f32 $0xffff, v14  }
0x201: {  	v9 =	vadd.f32 v11, v9;
	v11, _, _ =	vpop (xrf2);
	(xrf2) =	vadd.scan.msk.f32 $0xffff, v6  }
0x202: {  	v6 =	vadd.f32 v63, v7;
	v7, _, _ =	vpop (xrf2);
	(xrf2) =	vadd.scan.msk.f32 $0xffff, v3;
	v3 =	vadd.f32 v10, v8;
	v8 =	vbroadcast v11, $0xF;
	_ =	sdelay $0x1  }
0x203: {  	v7 =	vbroadcast v7, $0xF;
	v10, _, _ =	vpop (xrf2)  }
0x204: {  	v4 =	vmul.f32 v4, v24;
	(xrf2) =	vadd.scan.msk.f32 $0xffff, v9;
	v9 =	vbroadcast v10, $0xF;
	v10, _, _ =	vpop (xrf2)  }
0x205: {  	(xrf2) =	vadd.scan.msk.f32 $0xffff, v6;
	v6 =	vsel vm1, v8, v7;
	v7 =	vbroadcast v10, $0xF;
	v8, _, _ =	vpop (xrf2)  }
0x206: {  	v4 =	vadd.f32 v4, v5;
	(xrf2) =	vadd.scan.msk.f32 $0xffff, v3;
	v5 =	vsel vm2, v6, v9;
	v3, _, _ =	vpop (xrf2);
	v6 =	vbroadcast v8, $0xF  }
0x207: {  	v5 =	vsel vm3, v5, v7;
	v8, _, _ =	vpop (xrf2)  }
0x208: {  	v3 =	vbroadcast v3, $0xF;
	v5 =	vsel vm4, v5, v6;
	v6 =	vbroadcast v8, $0xF  }
0x209: {  	v7, _, _ =	vpop (xrf2)  }
0x20a: {  	(xrf2) =	vadd.scan.msk.f32 $0xffff, v4;
	v4, _, _ =	vpop (xrf2);
	v3 =	vsel vm5, v5, v3;
	v5 =	vbroadcast v7, $0xF  }
0x20b: {  	v7, _, _ =	vpop (xrf2);
	v3 =	vsel vm6, v3, v6;
	v4 =	vbroadcast v4, $0xF  }
0x20c: {  	v3 =	vsel vm7, v3, v5;
	v5 =	vbroadcast v7, $0xF;
	v6, _, _ =	vpop (xrf2)  }
0x20d: {  	v3 =	vsel vm8, v3, v4;
	v7, _, _ =	vpop (xrf2);
	v4 =	vbroadcast v6, $0xF  }
0x20e: {  	v3 =	vsel vm9, v3, v5;
	v6, _, _ =	vpop (xrf2);
	v5 =	vbroadcast v7, $0xF  }
0x20f: {  	v7, _, _ =	vpop (xrf2);
	v3 =	vsel vm10, v3, v4;
	v4 =	vbroadcast v6, $0xF  }
0x210: {  	v6, _, _ =	vpop (xrf2);
	v3 =	vsel vm11, v3, v5  }
0x211: {  	v3 =	vsel vm12, v3, v4;
	v4 =	vbroadcast v6, $0xF  }
0x212: {  	v8 =	vld [tilespmem:$0x1C020];
	v5 =	vbroadcast v7, $0xF;
	_ =	sdelay $0x1  }
0x213: {  	v3 =	vsel vm13, v3, v5  }
0x214: {  	v3 =	vsel vm14, v3, v4;
	v4, _, _ =	vpop (xrf2)  }
0x215: {  	v3 =	vsel vm15, v3, v4  }
0x216: {  	s14 =	simm.s32 $0x0;
	v3 =	vadd.f32 v8, v3  }
0x217: {  	s15 =	sand.u32 $0x70, s14;
	s14 =	sand.u32 $0x1C00, s14  }
0x218: {  	s16 =	sadd.s32 s14, s13;
	s14 =	sor.u32 s15, s14;
	[tilespmem:s11+$0x1C120] =	vst v3  }
0x219: {  	s15 =	sadd.s32 s15, s16;
	v4 =	vld [tilespmem:s14+$0x10080]  }
0x21a: {  	v5 =	vld [tilespmem:s15+$0x0]  }
0x21b: {  	v6 =	vld [tilespmem:s14+$0x10000];
	_ =	sdelay $0x3  }
0x21c: {  	s17 =	simm.s32 $0x10;
	s18 =	simm.s32 $0x80  }
0x21d: {  	s14 =	sand.u32 $0x70, s17;
	s15 =	sand.u32 $0x1C00, s18;
	v7 =	vshrl.u32 v5, $0x10;
	v8 =	vshrl.u32 v4, $0x10;
	v9 =	vshrl.u32 v6, $0x10  }
0x21e: {  	s19 =	sadd.s32 s15, s13;
	s15 =	sor.u32 s14, s15;
	v7 =	vand.u32 $0x1, v7;
	v8 =	vand.u32 $0x1, v8;
	v9 =	vand.u32 $0x1, v9  }
0x21f: {  	s14 =	sadd.s32 s14, s19;
	v5 =	vadd.s32 v7, v5;
	v4 =	vadd.s32 v8, v4;
	v6 =	vadd.s32 v9, v6;
	v8 =	vld [tilespmem:s15+$0x10080]  }
0x220: {  	v7 =	vadd.s32 $0x7FFF, v5;
	v6 =	vadd.s32 $0x7FFF, v6;
	v5 =	vld [tilespmem:s14+$0x0]  }
0x221: {  	v4 =	vadd.s32 $0x7FFF, v4;
	v10 =	vand.u32 $0xFFFF0000, v6;
	v6 =	vld [tilespmem:s15+$0x10000]  }
0x222: {  	v7 =	vand.u32 $0xFFFF0000, v7;
	v4 =	vand.u32 $0xFFFF0000, v4  }
0x223: {  	s20 =	simm.s32 $0x20;
	s14 =	simm.s32 $0x100;
	v9 =	vmul.f32 v4, v7  }
0x224: {  	s16 =	sand.u32 $0x70, s20;
	v3 =	vimm.f32 $0.0e+00;
	s17 =	sand.u32 $0x1C00, s14;
	s15 =	simm.s32 $0x30;
	v7 =	vmul.f32 v10, v7;
	v4 =	vimm.f32 $0.0e+00  }
.LBB2_9:
0x225: {  	p0 =	sne.s32 s15, $0x2F0;
	s18 =	sadd.s32 s17, s13;
	s17 =	sor.u32 s16, s17;
	v10 =	vshrl.u32 v5, $0x10;
	v11 =	vshrl.u32 v8, $0x10;
	v3 =	vadd.f32 v9, v3  }
0x226: {  	s16 =	sadd.s32 s16, s18;
	v12 =	vld [tilespmem:s17+$0x10080];
	v9 =	vand.u32 $0x1, v10;
	v10 =	vshrl.u32 v6, $0x10;
	v11 =	vand.u32 $0x1, v11  }
.Ltmp3:
0x227: {  	v9 =	vadd.s32 v9, v5;
	v5 =	vld [tilespmem:s16+$0x0];
	v10 =	vand.u32 $0x1, v10;
	v8 =	vadd.s32 v11, v8;
	(pc) =	sbr.rel @p0 .LBB2_9-.Ltmp3, $4  }
0x228: {  	v9 =	vadd.s32 $0x7FFF, v9;
	v10 =	vadd.s32 v10, v6;
	v6 =	vld [tilespmem:s17+$0x10000];
	v8 =	vadd.s32 $0x7FFF, v8  }
0x229: {  	v11 =	vand.u32 $0xFFFF0000, v9;
	v9 =	vadd.s32 $0x7FFF, v10;
	v13 =	vand.u32 $0xFFFF0000, v8  }
0x22a: {  	s14 =	sadd.s32 $0x80, s14;
	v4 =	vadd.f32 v7, v4;
	v10 =	vand.u32 $0xFFFF0000, v9;
	v9 =	vmul.f32 v13, v11  }
0x22b: {  	s16 =	sand.u32 $0x70, s15;
	s15 =	sadd.s32 $0x10, s15;
	s17 =	sand.u32 $0x1C00, s14;
	v7 =	vmul.f32 v10, v11;
	v8 =	vmov v12  }
0x22c: {  	s13 =	sadd.s32 s17, s13;
	s14 =	sor.u32 s16, s17  }
0x22d: {  	v10 =	vshrl.u32 v5, $0x10;
	v11 =	vshrl.u32 v8, $0x10;
	v3 =	vadd.f32 v9, v3;
	s13 =	sadd.s32 s16, s13;
	v13 =	vld [tilespmem:s14+$0x10000]  }
0x22e: {  	v10 =	vand.u32 $0x1, v10;
	v12 =	vshrl.u32 v6, $0x10;
	v11 =	vand.u32 $0x1, v11;
	v52 =	vld [tilespmem:s13+$0x0]  }
0x22f: {  	v54 =	vld [tilespmem:s14+$0x10080];
	v53 =	vadd.s32 v10, v5;
	v12 =	vand.u32 $0x1, v12;
	v55 =	vadd.s32 v11, v8  }
0x230: {  	v5 =	vadd.s32 $0x7FFF, v53;
	v56 =	vadd.s32 v12, v6;
	v8 =	vadd.s32 $0x7FFF, v55  }
0x231: {  	v5 =	vand.u32 $0xFFFF0000, v5;
	v6 =	vadd.s32 $0x7FFF, v56;
	v8 =	vand.u32 $0xFFFF0000, v8  }
0x232: {  	v4 =	vadd.f32 v7, v4;
	v6 =	vand.u32 $0xFFFF0000, v6;
	v8 =	vmul.f32 v8, v5  }
0x233: {  	v5 =	vmul.f32 v6, v5;
	v58 =	vshrl.u32 v13, $0x10;
	v57 =	vshrl.u32 v52, $0x10  }
0x234: {  	v59 =	vshrl.u32 v54, $0x10;
	v7 =	vand.u32 $0x1, v58;
	v6 =	vand.u32 $0x1, v57  }
0x235: {  	v11 =	vand.u32 $0x1, v59;
	v7 =	vadd.s32 v7, v13;
	v6 =	vadd.s32 v6, v52  }
0x236: {  	v60 =	vadd.s32 v11, v54;
	v7 =	vadd.s32 $0x7FFF, v7;
	v6 =	vadd.s32 $0x7FFF, v6  }
0x237: {  	v9 =	vadd.s32 $0x7FFF, v60;
	v7 =	vand.u32 $0xFFFF0000, v7;
	v6 =	vand.u32 $0xFFFF0000, v6  }
0x238: {  	v4 =	vadd.f32 v5, v4;
	v9 =	vand.u32 $0xFFFF0000, v9;
	v61 =	vmul.f32 v7, v6  }
0x239: {  	v3 =	vadd.f32 v8, v3;
	v6 =	vmul.f32 v9, v6  }
0x23a: {  	v4 =	vadd.f32 v61, v4  }
0x23b: {  	v3 =	vadd.f32 v6, v3  }
0x23c: {  	(xrf2) =	vadd.scan.msk.f32 $0xffff, v4  }
0x23d: {  	(xrf2) =	vadd.scan.msk.f32 $0xffff, v3;
	_ =	sdelay $0x8  }
0x23e: {  	v62 =	vld [tilespmem:$0x1C030];
	v3, _, _ =	vpop (xrf2)  }
0x23f: {  	v3 =	vbroadcast v3, $0xF;
	v63, _, _ =	vpop (xrf2)  }
0x240: {  	v5 =	vbroadcast v63, $0xF  }
0x241: {  	vm3 =	vcmask $0x308;
	p0 =	seq.s32 s6, $0xF;
	v3 =	vnsel vm1, $0xF149F2CA, v3  }
.Ltmp4:
0x242: {  	v3 =	vsel vm3, v3, v5;
	(pc) =	sbr.rel @p0 .LBB2_12-.Ltmp4, $3  }
0x243: {  	v4 =	vadd.f32 v62, v3;
	_ =	sdelay $0x1  }
0x244: {  	v3 =	vsel vm2, v4, v3  }
0x245: {  	[tilespmem:s11+$0x1C130] =	vst v3  }
0x246: {  	s11 =	sand.u32 $0x3FFFFF00, s11  }
0x247: {  	v3 =	vld [tilespmem:s11+$0x100];
	_ =	sdelay $0x4  }
0x248: {  	v4 =	vshrl.u32 v3, $0x3  }
0x249: {  	v4 =	vmul.u32 $0x30, v4  }
0x24a: {  	v3 =	vand.u32 $0x7, v3  }
0x24b: {  	v3 =	vor.u32 v3, v4  }
0x24c: {  	v4 =	vperm.xlane v3, v0;
	_ =	sdelay $0x1  }
0x24d: {  	v4 =	vadd.s32 v1, v4;
	_ =	sdelay $0x3  }
0x24e: {  	s13 =	simm.s32 $0x7000;
	v3 =	vperm.xlane v3, v2  }
0x24f: {  	[tilespmem:s13], [sflag:$0x1] =	stream.indirect_vreg.gather [hbm4b:s1+s4], $0x80, v4, vm0, $0xb8;
	[tilespmem:$0x1D100] =	vst v63  }
0x250: {  	s14 =	simm.s32 $0x7800;
	v3 =	vadd.s32 v1, v3  }
0x251: {  	[tilespmem:s14], [sflag:$0x1] =	stream.indirect_vreg.gather [hbm4b:s7+s4], $0x80, v4, vm0, $0xb8;
	[tilespmem:$0x1D100] =	vst v63  }
0x252: {  	s15 =	simm.s32 $0x8000  }
0x253: {  	[tilespmem:s15], [sflag:$0x1] =	stream.indirect_vreg.gather [hbm4b:s8+s4], $0x80, v4, vm0, $0xb8;
	[tilespmem:$0x1D100] =	vst v63  }
0x254: {  	s16 =	simm.s32 $0x8800  }
0x255: {  	[tilespmem:s16], [sflag:$0x1] =	stream.indirect_vreg.gather [hbm4b:s1+s4], $0x80, v3, vm0, $0xb8;
	[tilespmem:$0x1D100] =	vst v63  }
0x256: {  	s17 =	simm.s32 $0x9000  }
0x257: {  	[tilespmem:s17], [sflag:$0x1] =	stream.indirect_vreg.gather [hbm4b:s7+s4], $0x80, v3, vm0, $0xb8;
	[tilespmem:$0x1D100] =	vst v63  }
0x258: {  	s18 =	simm.s32 $0x9800  }
0x259: {  	[tilespmem:s18], [sflag:$0x1] =	stream.indirect_vreg.gather [hbm4b:s8+s4], $0x80, v3, vm0, $0xb8;
	[tilespmem:$0x1D100] =	vst v63  }
0x25a: {  	v3 =	vld [tilespmem:s11+$0x110];
	_ =	sdelay $0x4  }
0x25b: {  	v61 =	vshrl.u32 v3, $0x3  }
0x25c: {  	v4 =	vmul.u32 $0x30, v61  }
0x25d: {  	v3 =	vand.u32 $0x7, v3  }
0x25e: {  	v3 =	vor.u32 v3, v4  }
0x25f: {  	v4 =	vperm.xlane v3, v0;
	_ =	sdelay $0x1  }
0x260: {  	v4 =	vadd.s32 v1, v4;
	_ =	sdelay $0x3  }
0x261: {  	s19 =	simm.s32 $0xA000;
	v3 =	vperm.xlane v3, v2  }
0x262: {  	[tilespmem:s19], [sflag:$0x1] =	stream.indirect_vreg.gather [hbm4b:s1+s4], $0x80, v4, vm0, $0xb8;
	[tilespmem:$0x1D100] =	vst v63  }
0x263: {  	s20 =	simm.s32 $0xA800;
	v3 =	vadd.s32 v1, v3  }
0x264: {  	[tilespmem:s20], [sflag:$0x1] =	stream.indirect_vreg.gather [hbm4b:s7+s4], $0x80, v4, vm0, $0xb8;
	[tilespmem:$0x1D100] =	vst v63  }
0x265: {  	s14 =	simm.s32 $0xB000  }
0x266: {  	[tilespmem:s14], [sflag:$0x1] =	stream.indirect_vreg.gather [hbm4b:s8+s4], $0x80, v4, vm0, $0xb8;
	[tilespmem:$0x1D100] =	vst v63  }
0x267: {  	s15 =	simm.s32 $0xB800  }
0x268: {  	[tilespmem:s15], [sflag:$0x1] =	stream.indirect_vreg.gather [hbm4b:s1+s4], $0x80, v3, vm0, $0xb8;
	[tilespmem:$0x1D100] =	vst v63  }
0x269: {  	s16 =	simm.s32 $0xC000  }
0x26a: {  	[tilespmem:s16], [sflag:$0x1] =	stream.indirect_vreg.gather [hbm4b:s7+s4], $0x80, v3, vm0, $0xb8;
	[tilespmem:$0x1D100] =	vst v63  }
0x26b: {  	s17 =	simm.s32 $0xC800  }
0x26c: {  	[tilespmem:s17], [sflag:$0x1] =	stream.indirect_vreg.gather [hbm4b:s8+s4], $0x80, v3, vm0, $0xb8;
	[tilespmem:$0x1D100] =	vst v63  }
0x26d: {  	v3 =	vld [tilespmem:s11+$0x120];
	_ =	sdelay $0x4  }
0x26e: {  	v62 =	vshrl.u32 v3, $0x3  }
0x26f: {  	v4 =	vmul.u32 $0x30, v62  }
0x270: {  	v3 =	vand.u32 $0x7, v3  }
0x271: {  	v3 =	vor.u32 v3, v4  }
0x272: {  	v4 =	vperm.xlane v3, v0;
	_ =	sdelay $0x1  }
0x273: {  	v4 =	vadd.s32 v1, v4;
	_ =	sdelay $0x3  }
0x274: {  	s18 =	simm.s32 $0xD000;
	v3 =	vperm.xlane v3, v2  }
0x275: {  	[tilespmem:s18], [sflag:$0x1] =	stream.indirect_vreg.gather [hbm4b:s1+s4], $0x80, v4, vm0, $0xb8;
	[tilespmem:$0x1D100] =	vst v63  }
0x276: {  	s19 =	simm.s32 $0xD800;
	v3 =	vadd.s32 v1, v3  }
0x277: {  	[tilespmem:s19], [sflag:$0x1] =	stream.indirect_vreg.gather [hbm4b:s7+s4], $0x80, v4, vm0, $0xb8;
	[tilespmem:$0x1D100] =	vst v63  }
0x278: {  	s20 =	simm.s32 $0xE000  }
0x279: {  	[tilespmem:s20], [sflag:$0x1] =	stream.indirect_vreg.gather [hbm4b:s8+s4], $0x80, v4, vm0, $0xb8;
	[tilespmem:$0x1D100] =	vst v63  }
0x27a: {  	s14 =	simm.s32 $0xE800  }
0x27b: {  	[tilespmem:s14], [sflag:$0x1] =	stream.indirect_vreg.gather [hbm4b:s1+s4], $0x80, v3, vm0, $0xb8;
	[tilespmem:$0x1D100] =	vst v63  }
0x27c: {  	s15 =	simm.s32 $0xF000  }
0x27d: {  	[tilespmem:s15], [sflag:$0x1] =	stream.indirect_vreg.gather [hbm4b:s7+s4], $0x80, v3, vm0, $0xb8;
	[tilespmem:$0x1D100] =	vst v63  }
0x27e: {  	s16 =	simm.s32 $0xF800  }
0x27f: {  	[tilespmem:s16], [sflag:$0x1] =	stream.indirect_vreg.gather [hbm4b:s8+s4], $0x80, v3, vm0, $0xb8;
	[tilespmem:$0x1D100] =	vst v63  }
0x280: {  	v3 =	vld.msk [tilespmem:s11+$0x130], $0xff;
	_ =	sdelay $0x4  }
0x281: {  	v63 =	vshrl.u32 v3, $0x3  }
0x282: {  	v4 =	vmul.u32 $0x30, v63  }
0x283: {  	v3 =	vand.u32 $0x7, v3  }
0x284: {  	v3 =	vor.u32 v3, v4  }
0x285: {  	v3 =	vperm.xlane v3, v0;
	_ =	sdelay $0x1  }
0x286: {  	v3 =	vadd.s32 v1, v3;
	_ =	sdelay $0x3  }
0x287: {  	s17 =	simm.s32 $0x10000  }
0x288: {  	[tilespmem:s17], [sflag:$0x1] =	stream.indirect_vreg.gather [hbm4b:s1+s4], $0x80, v3, vm0, $0xb8;
	[tilespmem:$0x1D100] =	vst v63  }
0x289: {  	s18 =	simm.s32 $0x10800  }
0x28a: {  	[tilespmem:s18], [sflag:$0x1] =	stream.indirect_vreg.gather [hbm4b:s7+s4], $0x80, v3, vm0, $0xb8;
	[tilespmem:$0x1D100] =	vst v63  }
0x28b: {  	s19 =	simm.s32 $0x11000  }
0x28c: {  	[tilespmem:s19], [sflag:$0x1] =	stream.indirect_vreg.gather [hbm4b:s8+s4], $0x80, v3, vm0, $0xb8;
	[tilespmem:$0x1D100] =	vst v63  }
0x28d: {  	s20 =	simm.s32 $0x1C000;
	s11 =	sadd.s32 $0x100, s11  }
0x28e: {  	[tilespmem:s20], [sflag:$0x1] =	stream.indirect.gather [hbm4b:s2+s5], $0x1, s11, s5, $0xb8;
	[tilespmem:$0x1D100] =	vst v63  }
.LBB2_12:
0x28f: {  	_ =	swait.ge [sflag:s12], $0xA800  }
0x290: {  	[sflag:s12] =	ssyncset.done $0x0  }
0x291: {  	[sflag:s12] =	ssyncadd.s32 $0xFFFF5800  }
0x292: {  	s11 =	simm.s32 $0x0;
	_ =	swait.ge [sflag:s12], $0x38  }
0x293: {  	s13 =	sand.u32 $0x70, s11;
	s14 =	sand.u32 $0x1C00, s11;
	[sflag:s12] =	ssyncset.done $0x0  }
0x294: {  	s15 =	sor.u32 s13, s14;
	v33 =	vld [tilespmem:$0x1FFF0];
	[sflag:s12] =	ssyncadd.s32 $0xFFFFFFC8  }
0x295: {  	v4 =	vld [tilespmem:s15+$0x13380]  }
0x296: {  	v5 =	vld [tilespmem:s15+$0x13300]  }
0x297: {  	s11 =	sor.u32 s11, s11;
	v6 =	vld [tilespmem:s15+$0x13280]  }
0x298: {  	s11 =	sor.u32 $0x380, s11;
	v7 =	vld [tilespmem:s15+$0x13200]  }
0x299: {  	v8 =	vld [tilespmem:s11+$0x11800]  }
0x29a: {  	s16 =	sadd.s32 $0x11800, s15;
	v9 =	vld [tilespmem:s15+$0x13000]  }
0x29b: {  	v18 =	vld [tilespmem:s16+$0x280]  }
0x29c: {  	v19 =	vld [tilespmem:s16+$0x100]  }
0x29d: {  	v23 =	vld [tilespmem:s15+$0x13100];
	_ =	sdelay $0x1  }
0x29e: {  	v3 =	vimm.f32 $0.0e+00;
	vm3 =	vnez.u8 v33  }
0x29f: {  	v10 =	vshrl.u32 v4, $0x10;
	v11 =	vshrl.u32 v5, $0x10;
	v13 =	vshrl.u32 v6, $0x10  }
0x2a0: {  	v12 =	vld [tilespmem:s15+$0x11800];
	v14 =	vshrl.u32 v8, $0x10;
	v15 =	vshrl.u32 v9, $0x10;
	v16 =	vshrl.u32 v7, $0x10  }
0x2a1: {  	v28 =	vld [tilespmem:s16+$0x180];
	v24 =	vshrl.u32 v19, $0x10;
	v25 =	vshrl.u32 v18, $0x10;
	v26 =	vshrl.u32 v23, $0x10  }
0x2a2: {  	v10 =	vand.u32 $0x1, v10;
	v11 =	vand.u32 $0x1, v11;
	v13 =	vand.u32 $0x1, v13  }
0x2a3: {  	s20 =	sand.u32 $0x380, s9;
	v14 =	vand.u32 $0x1, v14;
	v24 =	vand.u32 $0x1, v24;
	v4 =	vadd.s32 v10, v4  }
0x2a4: {  	s10 =	sadd.s32 s20, s10;
	v5 =	vadd.s32 v11, v5;
	v6 =	vadd.s32 v13, v6;
	v8 =	vadd.s32 v14, v8  }
0x2a5: {  	s11 =	sadd.s32 s14, s10;
	v10 =	vld [tilespmem:s15+$0x13080];
	v14 =	vand.u32 $0x1, v15;
	v15 =	vand.u32 $0x1, v16;
	v16 =	vshrl.u32 v12, $0x10  }
0x2a6: {  	s11 =	sadd.s32 s13, s11;
	v13 =	vld [tilespmem:s16+$0x300];
	v19 =	vadd.s32 v24, v19;
	v24 =	vshrl.u32 v28, $0x10;
	v4 =	vadd.s32 $0x7FFF, v4  }
0x2a7: {  	v5 =	vadd.s32 $0x7FFF, v5;
	v9 =	vadd.s32 v14, v9;
	v7 =	vadd.s32 v15, v7;
	v14 =	vld [tilespmem:s11+$0x0]  }
0x2a8: {  	v17 =	vld [tilespmem:s16+$0x200];
	v15 =	vand.u32 $0x1, v16;
	v6 =	vadd.s32 $0x7FFF, v6;
	v27 =	vadd.s32 $0x7FFF, v19  }
0x2a9: {  	v11 =	vld [tilespmem:s15+$0x13180];
	v19 =	vand.u32 $0x1, v25;
	v7 =	vadd.s32 $0x7FFF, v7;
	v4 =	vand.u32 $0xFFFF0000, v4  }
0x2aa: {  	v6 =	vand.u32 $0xFFFF0000, v6;
	v9 =	vadd.s32 $0x7FFF, v9;
	v16 =	vshrl.u32 v10, $0x10  }
0x2ab: {  	v18 =	vadd.s32 v19, v18;
	v21 =	vshrl.u32 v13, $0x10;
	v16 =	vand.u32 $0x1, v16  }
0x2ac: {  	v20 =	vld [tilespmem:s16+$0x80];
	v21 =	vand.u32 $0x1, v21;
	v22 =	vshrl.u32 v14, $0x10;
	v10 =	vadd.s32 v16, v10  }
0x2ad: {  	v16 =	vand.u32 $0xFFFF0000, v5;
	v5 =	vshrl.u32 v17, $0x10;
	v13 =	vadd.s32 v21, v13  }
0x2ae: {  	v21 =	vshrl.u32 v11, $0x10;
	v22 =	vand.u32 $0x1, v22;
	v13 =	vadd.s32 $0x7FFF, v13  }
0x2af: {  	v21 =	vand.u32 $0x1, v21;
	v14 =	vadd.s32 v22, v14;
	v10 =	vadd.s32 $0x7FFF, v10  }
0x2b0: {  	v5 =	vand.u32 $0x1, v5;
	v22 =	vadd.s32 v15, v12;
	v15 =	vand.u32 $0xFFFF0000, v27  }
0x2b1: {  	v11 =	vadd.s32 v21, v11;
	v21 =	vshrl.u32 v20, $0x10;
	v14 =	vadd.s32 $0x7FFF, v14  }
0x2b2: {  	v13 =	vand.u32 $0xFFFF0000, v13;
	v11 =	vadd.s32 $0x7FFF, v11;
	v21 =	vand.u32 $0x1, v21  }
0x2b3: {  	v19 =	vand.u32 $0xFFFF0000, v14;
	v14 =	vadd.s32 $0x7FFF, v18;
	v18 =	vimm.f32 $0.0e+00  }
0x2b4: {  	v21 =	vadd.s32 v21, v20;
	v12 =	vmul.f32 v13, v19;
	v20 =	vand.u32 $0xFFFF0000, v7  }
0x2b5: {  	v7 =	vadd.s32 $0x7FFF, v8;
	v8 =	vand.u32 $0xFFFF0000, v9;
	v9 =	vand.u32 $0xFFFF0000, v11  }
0x2b6: {  	v11 =	vadd.s32 v5, v17;
	v4 =	vmul.f32 v4, v19;
	v13 =	vand.u32 $0x1, v24  }
0x2b7: {  	v25 =	vmul.f32 v6, v19;
	v6 =	vand.u32 $0xFFFF0000, v14;
	v31 =	vmul.f32 v15, v19  }
0x2b8: {  	v17 =	vimm.f32 $0.0e+00;
	v15 =	vimm.f32 $0.0e+00;
	v14 =	vimm.f32 $0.0e+00  }
0x2b9: {  	v11 =	vadd.s32 $0x7FFF, v11;
	v29 =	vmul.f32 v6, v19;
	v6 =	vimm.f32 $0.0e+00  }
0x2ba: {  	v5 =	vadd.f32 v12, v3;
	v12 =	vadd.s32 $0x7FFF, v21;
	v21 =	vmul.f32 v9, v19  }
0x2bb: {  	v4 =	vadd.f32 v4, v3;
	v27 =	vand.u32 $0xFFFF0000, v11;
	v11 =	vimm.f32 $0.0e+00  }
0x2bc: {  	v9 =	vand.u32 $0xFFFF0000, v12;
	v12 =	vand.u32 $0xFFFF0000, v7;
	v7 =	vand.u32 $0x1, v26  }
0x2bd: {  	v26 =	vand.u32 $0xFFFF0000, v10;
	v10 =	vimm.f32 $0.0e+00;
	v9 =	vmul.f32 v9, v19  }
0x2be: {  	v24 =	vadd.s32 v7, v23;
	v23 =	vmul.f32 v8, v19;
	v8 =	vadd.s32 v13, v28  }
0x2bf: {  	v28 =	vmul.f32 v16, v19;
	v30 =	vmul.f32 v12, v19;
	v12 =	vimm.f32 $0.0e+00  }
0x2c0: {  	v16 =	vimm.f32 $0.0e+00;
	v13 =	vimm.f32 $0.0e+00;
	v32 =	vadd.s32 $0x7FFF, v8  }
0x2c1: {  	s17 =	simm.s32 $0x10;
	s11 =	simm.s32 $0x80;
	v8 =	vimm.f32 $0.0e+00;
	v7 =	vadd.f32 v9, v3;
	v9 =	vimm.f32 $0.0e+00  }
.LBB2_13:
0x2c2: {  	s13 =	sand.u32 $0x70, s17  }
0x2c3: {  	s14 =	sand.u32 $0x1C00, s11;
	s15 =	sor.u32 s11, s17;
	v32 =	vand.u32 $0xFFFF0000, v32;
	v3 =	vadd.f32 v25, v3;
	v6 =	vadd.f32 v28, v6;
	s16 =	smov.u32 s17  }
0x2c4: {  	s18 =	sadd.s32 s14, s10;
	s16 =	sor.u32 s13, s14;
	s19 =	sor.u32 $0x380, s15;
	v17 =	vadd.f32 v31, v17;
	v25 =	vmul.f32 v32, v19;
	v12 =	vadd.f32 v30, v12  }
0x2c5: {  	v22 =	vadd.s32 $0x7FFF, v22;
	v27 =	vmul.f32 v27, v19;
	v24 =	vadd.s32 $0x7FFF, v24;
	s15 =	sadd.s32 s13, s18;
	s14 =	sadd.s32 $0x11800, s16;
	v28 =	vld [tilespmem:s16+$0x13380];
	s13 =	sadd.s32 $0x10, s17  }
0x2c6: {  	p0 =	sne.s32 s17, $0x2F0;
	v14 =	vadd.f32 v29, v14;
	v30 =	vld [tilespmem:s16+$0x13300];
	v15 =	vadd.f32 v25, v15;
	v25 =	vmul.f32 v26, v19  }
0x2c7: {  	v22 =	vand.u32 $0xFFFF0000, v22;
	v24 =	vand.u32 $0xFFFF0000, v24;
	v16 =	vadd.f32 v27, v16;
	v26 =	vld [tilespmem:s16+$0x13280]  }
0x2c8: {  	v20 =	vmul.f32 v20, v19;
	v24 =	vmul.f32 v24, v19;
	v27 =	vld [tilespmem:s16+$0x13200];
	v10 =	vadd.f32 v25, v10  }
0x2c9: {  	v13 =	vadd.f32 v23, v13;
	v8 =	vadd.f32 v21, v8;
	v19 =	vmul.f32 v22, v19;
	v25 =	vld [tilespmem:s19+$0x11800]  }
0x2ca: {  	v9 =	vadd.f32 v20, v9;
	v11 =	vadd.f32 v24, v11;
	v21 =	vld [tilespmem:s16+$0x13000];
	v22 =	vshrl.u32 v28, $0x10  }
0x2cb: {  	v18 =	vadd.f32 v19, v18;
	v20 =	vld [tilespmem:s16+$0x13180];
	v23 =	vshrl.u32 v30, $0x10;
	v22 =	vand.u32 $0x1, v22  }
0x2cc: {  	v24 =	vld [tilespmem:s16+$0x11800];
	v19 =	vshrl.u32 v26, $0x10;
	v23 =	vand.u32 $0x1, v23;
	v22 =	vadd.s32 v22, v28  }
0x2cd: {  	v28 =	vld [tilespmem:s16+$0x13080];
	v19 =	vand.u32 $0x1, v19;
	v23 =	vadd.s32 v23, v30;
	v22 =	vadd.s32 $0x7FFF, v22  }
0x2ce: {  	v29 =	vld [tilespmem:s14+$0x300];
	v30 =	vshrl.u32 v25, $0x10;
	v19 =	vadd.s32 v19, v26;
	v23 =	vadd.s32 $0x7FFF, v23  }
0x2cf: {  	v32 =	vshrl.u32 v27, $0x10;
	v26 =	vld [tilespmem:s14+$0x200];
	v30 =	vand.u32 $0x1, v30;
	v31 =	vshrl.u32 v21, $0x10  }
0x2d0: {  	v32 =	vand.u32 $0x1, v32;
	v25 =	vadd.s32 v30, v25;
	v30 =	vand.u32 $0x1, v31;
	v31 =	vld [tilespmem:s16+$0x13100]  }
0x2d1: {  	v27 =	vadd.s32 v32, v27;
	v33 =	vshrl.u32 v24, $0x10;
	v34 =	vld [tilespmem:s14+$0x280];
	v21 =	vadd.s32 v30, v21  }
0x2d2: {  	v27 =	vadd.s32 $0x7FFF, v27;
	v30 =	vld [tilespmem:s15+$0x0];
	v32 =	vand.u32 $0x1, v33;
	v33 =	vshrl.u32 v28, $0x10  }
0x2d3: {  	v36 =	vand.u32 $0xFFFF0000, v22;
	v19 =	vadd.s32 $0x7FFF, v19;
	v35 =	vld [tilespmem:s14+$0x100];
	v33 =	vand.u32 $0x1, v33  }
0x2d4: {  	v37 =	vshrl.u32 v29, $0x10;
	v22 =	vld [tilespmem:s14+$0x80];
	v28 =	vadd.s32 v33, v28;
	v33 =	vand.u32 $0xFFFF0000, v23  }
0x2d5: {  	v39 =	vand.u32 $0xFFFF0000, v19;
	v23 =	vshrl.u32 v26, $0x10;
	v37 =	vand.u32 $0x1, v37;
	v38 =	vld [tilespmem:s14+$0x180]  }
0x2d6: {  	v21 =	vadd.s32 $0x7FFF, v21;
	v19 =	vadd.s32 v37, v29;
	v29 =	vshrl.u32 v20, $0x10  }
0x2d7: {  	v40 =	vadd.s32 $0x7FFF, v19;
	v19 =	vand.u32 $0x1, v29;
	v37 =	vshrl.u32 v30, $0x10  }
0x2d8: {  	v19 =	vadd.s32 v19, v20;
	v29 =	vand.u32 $0x1, v37;
	v37 =	vshrl.u32 v35, $0x10  }
0x2d9: {  	v41 =	vadd.s32 $0x7FFF, v19;
	v20 =	vshrl.u32 v22, $0x10;
	v37 =	vand.u32 $0x1, v37  }
0x2da: {  	v19 =	vadd.s32 v37, v35;
	v35 =	vshrl.u32 v38, $0x10;
	v37 =	vshrl.u32 v34, $0x10  }
0x2db: {  	v29 =	vadd.s32 v29, v30;
	v30 =	vshrl.u32 v31, $0x10;
	v20 =	vand.u32 $0x1, v20  }
0x2dc: {  	v42 =	vadd.s32 v20, v22;
	v43 =	vadd.s32 $0x7FFF, v19;
	v19 =	vand.u32 $0x1, v37  }
0x2dd: {  	v28 =	vadd.s32 $0x7FFF, v28;
	v20 =	vadd.s32 $0x7FFF, v29;
	v29 =	vadd.s32 v19, v34  }
0x2de: {  	v23 =	vand.u32 $0x1, v23;
	v19 =	vand.u32 $0xFFFF0000, v20;
	v20 =	vand.u32 $0xFFFF0000, v40  }
0x2df: {  	v22 =	vadd.s32 v32, v24;
	v24 =	vmul.f32 v20, v19;
	v20 =	vand.u32 $0xFFFF0000, v27  }
0x2e0: {  	v25 =	vadd.s32 $0x7FFF, v25;
	v32 =	vand.u32 $0xFFFF0000, v21;
	v21 =	vand.u32 $0xFFFF0000, v41  }
0x2e1: {  	v23 =	vadd.s32 v23, v26;
	v5 =	vadd.f32 v24, v5;
	v24 =	vmul.f32 v36, v19  }
0x2e2: {  	v26 =	vadd.s32 $0x7FFF, v42;
	v34 =	vand.u32 $0x1, v35;
	v21 =	vmul.f32 v21, v19  }
0x2e3: {  	v35 =	vand.u32 $0xFFFF0000, v25;
	v25 =	vand.u32 $0x1, v30;
	v26 =	vand.u32 $0xFFFF0000, v26  }
0x2e4: {  	v29 =	vadd.s32 $0x7FFF, v29;
	v26 =	vmul.f32 v26, v19;
	v4 =	vadd.f32 v24, v4  }
.Ltmp5:
0x2e5: {  	v23 =	vadd.s32 $0x7FFF, v23;
	v30 =	vand.u32 $0xFFFF0000, v43;
	v24 =	vadd.s32 v25, v31;
	(pc) =	sbr.rel @p0 .LBB2_13-.Ltmp5, $4  }
0x2e6: {  	v27 =	vand.u32 $0xFFFF0000, v23;
	v7 =	vadd.f32 v26, v7;
	v25 =	vmul.f32 v39, v19  }
0x2e7: {  	v23 =	vmul.f32 v32, v19;
	v29 =	vand.u32 $0xFFFF0000, v29;
	v26 =	vand.u32 $0xFFFF0000, v28  }
0x2e8: {  	v32 =	vadd.s32 v34, v38;
	v29 =	vmul.f32 v29, v19;
	v28 =	vmul.f32 v33, v19  }
0x2e9: {  	s11 =	sadd.s32 $0x80, s11;
	s17 =	smov.u32 s13;
	v32 =	vadd.s32 $0x7FFF, v32;
	v31 =	vmul.f32 v30, v19;
	v30 =	vmul.f32 v35, v19  }
0x2ea: {  	v22 =	vadd.s32 $0x7FFF, v22  }
0x2eb: {  	v22 =	vand.u32 $0xFFFF0000, v22  }
0x2ec: {  	v22 =	vmul.f32 v22, v19;
	_ =	sdelay $0x1  }
0x2ed: {  	v32 =	vand.u32 $0xFFFF0000, v32;
	v18 =	vadd.f32 v22, v18  }
0x2ee: {  	v22 =	vmul.f32 v32, v19  }
0x2ef: {  	v27 =	vmul.f32 v27, v19;
	v17 =	vadd.f32 v31, v17;
	(xrf2) =	vadd.scan.msk.f32 $0xffff, v18  }
0x2f0: {  	v15 =	vadd.f32 v22, v15;
	(xrf2) =	vadd.scan.msk.f32 $0xffff, v7  }
0x2f1: {  	v7 =	vadd.f32 v27, v16;
	(xrf2) =	vadd.scan.msk.f32 $0xffff, v17  }
0x2f2: {  	v14 =	vadd.f32 v29, v14;
	(xrf2) =	vadd.scan.msk.f32 $0xffff, v15  }
0x2f3: {  	(xrf2) =	vadd.scan.msk.f32 $0xffff, v7  }
0x2f4: {  	v7 =	vadd.f32 v30, v12;
	(xrf2) =	vadd.scan.msk.f32 $0xffff, v14  }
0x2f5: {  	v15 =	vadd.s32 $0x7FFF, v24;
	(xrf2) =	vadd.scan.msk.f32 $0xffff, v5  }
0x2f6: {  	v12 =	vmul.f32 v26, v19;
	v15 =	vand.u32 $0xFFFF0000, v15;
	(xrf2) =	vadd.scan.msk.f32 $0xffff, v7;
	v7 =	vmul.f32 v20, v19  }
0x2f7: {  	v13 =	vadd.f32 v23, v13;
	v14 =	vmul.f32 v15, v19  }
0x2f8: {  	v5 =	vadd.f32 v12, v10  }
0x2f9: {  	v10 =	vadd.f32 v14, v11;
	(xrf2) =	vadd.scan.msk.f32 $0xffff, v13  }
0x2fa: {  	v8 =	vadd.f32 v21, v8;
	(xrf2) =	vadd.scan.msk.f32 $0xffff, v5;
	v5 =	vadd.f32 v7, v9;
	v7, _, _ =	vpop (xrf2)  }
0x2fb: {  	(xrf2) =	vadd.scan.msk.f32 $0xffff, v10;
	v9, _, _ =	vpop (xrf2)  }
0x2fc: {  	(xrf2) =	vadd.scan.msk.f32 $0xffff, v8;
	v8 =	vbroadcast v9, $0xF  }
0x2fd: {  	v6 =	vadd.f32 v28, v6  }
0x2fe: {  	v3 =	vadd.f32 v25, v3;
	v7 =	vbroadcast v7, $0xF;
	v9, _, _ =	vpop (xrf2)  }
0x2ff: {  	(xrf2) =	vadd.scan.msk.f32 $0xffff, v5;
	v5 =	vbroadcast v9, $0xF;
	v9, _, _ =	vpop (xrf2)  }
0x300: {  	(xrf2) =	vadd.scan.msk.f32 $0xffff, v3;
	v3 =	vsel vm1, v7, v8;
	v7 =	vbroadcast v9, $0xF;
	v8, _, _ =	vpop (xrf2)  }
0x301: {  	v3 =	vsel vm2, v3, v5;
	(xrf2) =	vadd.scan.msk.f32 $0xffff, v6;
	v6, _, _ =	vpop (xrf2);
	v5 =	vbroadcast v8, $0xF  }
0x302: {  	v3 =	vsel vm3, v3, v7;
	v8, _, _ =	vpop (xrf2)  }
0x303: {  	v6 =	vbroadcast v6, $0xF;
	v3 =	vsel vm4, v3, v5;
	v5 =	vbroadcast v8, $0xF  }
0x304: {  	v7, _, _ =	vpop (xrf2)  }
0x305: {  	(xrf2) =	vadd.scan.msk.f32 $0xffff, v4;
	v4, _, _ =	vpop (xrf2);
	v3 =	vsel vm5, v3, v6;
	v6 =	vbroadcast v7, $0xF  }
0x306: {  	v7, _, _ =	vpop (xrf2);
	v3 =	vsel vm6, v3, v5;
	v4 =	vbroadcast v4, $0xF  }
0x307: {  	v3 =	vsel vm7, v3, v6;
	v6 =	vbroadcast v7, $0xF;
	v5, _, _ =	vpop (xrf2)  }
0x308: {  	v3 =	vsel vm8, v3, v4;
	v7, _, _ =	vpop (xrf2);
	v4 =	vbroadcast v5, $0xF  }
0x309: {  	v3 =	vsel vm9, v3, v6;
	v5, _, _ =	vpop (xrf2);
	v6 =	vbroadcast v7, $0xF  }
0x30a: {  	v7, _, _ =	vpop (xrf2);
	v3 =	vsel vm10, v3, v4;
	v4 =	vbroadcast v5, $0xF  }
0x30b: {  	v5, _, _ =	vpop (xrf2);
	v3 =	vsel vm11, v3, v6  }
0x30c: {  	v3 =	vsel vm12, v3, v4;
	v4 =	vbroadcast v5, $0xF  }
0x30d: {  	v8 =	vld [tilespmem:$0x1C080];
	v6 =	vbroadcast v7, $0xF;
	_ =	sdelay $0x1  }
0x30e: {  	v3 =	vsel vm13, v3, v6  }
0x30f: {  	v3 =	vsel vm14, v3, v4;
	v4, _, _ =	vpop (xrf2)  }
0x310: {  	v3 =	vsel vm15, v3, v4  }
0x311: {  	s11 =	simm.s32 $0x0;
	v3 =	vadd.f32 v8, v3  }
0x312: {  	s13 =	sand.u32 $0x70, s11;
	s11 =	sand.u32 $0x1C00, s11  }
0x313: {  	s14 =	sor.u32 s13, s11;
	[tilespmem:s9+$0x1C100] =	vst v3  }
0x314: {  	v4 =	vld [tilespmem:s14+$0x16280]  }
0x315: {  	v5 =	vld [tilespmem:s14+$0x16300]  }
0x316: {  	v6 =	vld [tilespmem:s14+$0x16100]  }
0x317: {  	v8 =	vld [tilespmem:s14+$0x14B80]  }
0x318: {  	v10 =	vld [tilespmem:s14+$0x16180];
	_ =	sdelay $0x3  }
0x319: {  	v3 =	vimm.f32 $0.0e+00;
	v7 =	vld [tilespmem:s14+$0x16380];
	v9 =	vshrl.u32 v4, $0x10;
	v11 =	vshrl.u32 v5, $0x10  }
0x31a: {  	v27 =	vld [tilespmem:s14+$0x14A80];
	v13 =	vshrl.u32 v6, $0x10;
	v15 =	vshrl.u32 v8, $0x10;
	v17 =	vshrl.u32 v10, $0x10  }
0x31b: {  	v9 =	vand.u32 $0x1, v9;
	v13 =	vand.u32 $0x1, v13;
	v15 =	vand.u32 $0x1, v15  }
0x31c: {  	v12 =	vld [tilespmem:s14+$0x16000];
	v4 =	vadd.s32 v9, v4;
	v9 =	vand.u32 $0x1, v11;
	v8 =	vadd.s32 v15, v8  }
0x31d: {  	s11 =	sadd.s32 s11, s10;
	v16 =	vld [tilespmem:s14+$0x14880];
	v15 =	vand.u32 $0x1, v17;
	v14 =	vadd.s32 $0x7FFF, v4;
	v5 =	vadd.s32 v9, v5  }
0x31e: {  	s11 =	sadd.s32 s13, s11;
	v11 =	vld [tilespmem:s14+$0x16080];
	v4 =	vadd.s32 v13, v6;
	v6 =	vshrl.u32 v7, $0x10;
	v8 =	vadd.s32 $0x7FFF, v8  }
0x31f: {  	v17 =	vld [tilespmem:s11+$0x0];
	v10 =	vadd.s32 v15, v10;
	v15 =	vshrl.u32 v27, $0x10;
	v4 =	vadd.s32 $0x7FFF, v4  }
0x320: {  	v9 =	vld [tilespmem:s14+$0x14A00];
	v6 =	vand.u32 $0x1, v6;
	v25 =	vand.u32 $0xFFFF0000, v8;
	v15 =	vand.u32 $0x1, v15  }
0x321: {  	v13 =	vld [tilespmem:s14+$0x16200];
	v10 =	vadd.s32 $0x7FFF, v10;
	v5 =	vadd.s32 $0x7FFF, v5;
	v7 =	vadd.s32 v6, v7  }
0x322: {  	v6 =	vand.u32 $0xFFFF0000, v4;
	v4 =	vshrl.u32 v12, $0x10;
	v15 =	vadd.s32 v15, v27  }
0x323: {  	v20 =	vld [tilespmem:s14+$0x14800];
	v7 =	vadd.s32 $0x7FFF, v7;
	v22 =	vand.u32 $0x1, v4;
	v19 =	vshrl.u32 v11, $0x10  }
0x324: {  	v28 =	vld [tilespmem:s14+$0x14900];
	v4 =	vand.u32 $0xFFFF0000, v7;
	v7 =	vshrl.u32 v16, $0x10;
	v12 =	vadd.s32 v22, v12  }
0x325: {  	v26 =	vshrl.u32 v17, $0x10;
	v21 =	vshrl.u32 v9, $0x10;
	v19 =	vand.u32 $0x1, v19  }
0x326: {  	v18 =	vld [tilespmem:s14+$0x14B00];
	v23 =	vshrl.u32 v13, $0x10;
	v7 =	vand.u32 $0x1, v7;
	v12 =	vadd.s32 $0x7FFF, v12  }
0x327: {  	v8 =	vand.u32 $0x1, v26;
	v26 =	vand.u32 $0xFFFF0000, v10;
	v22 =	vand.u32 $0x1, v23  }
0x328: {  	v23 =	vshrl.u32 v20, $0x10;
	v11 =	vadd.s32 v19, v11;
	v30 =	vand.u32 $0x1, v21  }
0x329: {  	v21 =	vand.u32 $0xFFFF0000, v14;
	v7 =	vadd.s32 v7, v16;
	v14 =	vshrl.u32 v28, $0x10  }
0x32a: {  	v8 =	vadd.s32 v8, v17;
	v17 =	vimm.f32 $0.0e+00;
	v13 =	vadd.s32 v22, v13  }
0x32b: {  	v24 =	vld [tilespmem:s14+$0x14980];
	v22 =	vshrl.u32 v18, $0x10;
	v19 =	vand.u32 $0x1, v23;
	v23 =	vand.u32 $0xFFFF0000, v12  }
0x32c: {  	v7 =	vadd.s32 $0x7FFF, v7;
	v9 =	vadd.s32 v30, v9;
	v11 =	vadd.s32 $0x7FFF, v11  }
0x32d: {  	v8 =	vadd.s32 $0x7FFF, v8;
	v13 =	vadd.s32 $0x7FFF, v13;
	v29 =	vand.u32 $0x1, v22  }
0x32e: {  	v12 =	vadd.s32 v19, v20;
	v9 =	vadd.s32 $0x7FFF, v9;
	v7 =	vand.u32 $0xFFFF0000, v7  }
0x32f: {  	v30 =	vand.u32 $0xFFFF0000, v11;
	v20 =	vimm.f32 $0.0e+00;
	v19 =	vimm.f32 $0.0e+00  }
0x330: {  	v22 =	vand.u32 $0xFFFF0000, v13;
	v13 =	vshrl.u32 v24, $0x10;
	v12 =	vadd.s32 $0x7FFF, v12  }
0x331: {  	v9 =	vand.u32 $0xFFFF0000, v9;
	v11 =	vadd.s32 v29, v18;
	v18 =	vimm.f32 $0.0e+00  }
0x332: {  	v13 =	vand.u32 $0x1, v13;
	v27 =	vand.u32 $0xFFFF0000, v12;
	v32 =	vadd.s32 $0x7FFF, v11  }
0x333: {  	v11 =	vimm.f32 $0.0e+00;
	v12 =	vadd.s32 v13, v24;
	v13 =	vand.u32 $0x1, v14  }
0x334: {  	v24 =	vand.u32 $0xFFFF0000, v8;
	v10 =	vadd.s32 v13, v28;
	v13 =	vadd.s32 $0x7FFF, v15  }
0x335: {  	v8 =	vadd.s32 $0x7FFF, v12;
	v9 =	vmul.f32 v9, v24;
	v28 =	vand.u32 $0xFFFF0000, v5  }
0x336: {  	v31 =	vmul.f32 v7, v24;
	v12 =	vimm.f32 $0.0e+00;
	v7 =	vimm.f32 $0.0e+00  }
0x337: {  	v5 =	vimm.f32 $0.0e+00;
	v10 =	vadd.s32 $0x7FFF, v10;
	v8 =	vand.u32 $0xFFFF0000, v8  }
0x338: {  	v13 =	vand.u32 $0xFFFF0000, v13;
	v10 =	vand.u32 $0xFFFF0000, v10;
	v8 =	vmul.f32 v8, v24  }
0x339: {  	v29 =	vmul.f32 v13, v24;
	v14 =	vadd.f32 v9, v3;
	v10 =	vmul.f32 v10, v24  }
0x33a: {  	v13 =	vimm.f32 $0.0e+00;
	v9 =	vimm.f32 $0.0e+00;
	v16 =	vadd.f32 v8, v3  }
0x33b: {  	s15 =	simm.s32 $0x10;
	s11 =	simm.s32 $0x80;
	v8 =	vimm.f32 $0.0e+00;
	v15 =	vadd.f32 v10, v3;
	v10 =	vimm.f32 $0.0e+00  }
.LBB2_15:
0x33c: {  	s13 =	smov.u32 s15  }
0x33d: {  	s16 =	sand.u32 $0x70, s15;
	s14 =	sand.u32 $0x1C00, s11;
	v32 =	vand.u32 $0xFFFF0000, v32;
	v25 =	vmul.f32 v25, v24;
	v30 =	vmul.f32 v30, v24;
	s13 =	sadd.s32 $0x10, s15  }
0x33e: {  	p0 =	sne.s32 s15, $0x2F0;
	v23 =	vmul.f32 v23, v24;
	s17 =	sadd.s32 s14, s10;
	s14 =	sor.u32 s16, s14;
	v3 =	vadd.f32 v31, v3;
	v31 =	vmul.f32 v32, v24  }
0x33f: {  	v27 =	vmul.f32 v27, v24;
	v6 =	vmul.f32 v6, v24;
	s15 =	sadd.s32 s16, s17;
	v13 =	vadd.f32 v25, v13;
	v32 =	vld [tilespmem:s14+$0x16280]  }
0x340: {  	v12 =	vadd.f32 v23, v12;
	v23 =	vmul.f32 v26, v24;
	v17 =	vadd.f32 v31, v17;
	v25 =	vld [tilespmem:s14+$0x16300]  }
0x341: {  	v21 =	vmul.f32 v21, v24;
	v11 =	vadd.f32 v6, v11;
	v6 =	vmul.f32 v22, v24;
	v26 =	vld [tilespmem:s14+$0x16100]  }
0x342: {  	v20 =	vadd.f32 v27, v20;
	v10 =	vadd.f32 v23, v10;
	v23 =	vmul.f32 v28, v24;
	v22 =	vld [tilespmem:s14+$0x16200]  }
0x343: {  	v19 =	vadd.f32 v29, v19;
	v4 =	vmul.f32 v4, v24;
	v9 =	vadd.f32 v6, v9;
	v27 =	vld [tilespmem:s14+$0x16380]  }
0x344: {  	v7 =	vadd.f32 v21, v7;
	v8 =	vadd.f32 v23, v8;
	v6 =	vld [tilespmem:s14+$0x14B80];
	v24 =	vshrl.u32 v32, $0x10  }
0x345: {  	v5 =	vadd.f32 v4, v5;
	v21 =	vld [tilespmem:s14+$0x16180];
	v23 =	vand.u32 $0x1, v24;
	v24 =	vshrl.u32 v25, $0x10  }
0x346: {  	v28 =	vld [tilespmem:s14+$0x16000];
	v4 =	vshrl.u32 v26, $0x10;
	v23 =	vadd.s32 v23, v32;
	v24 =	vand.u32 $0x1, v24  }
0x347: {  	v29 =	vld [tilespmem:s14+$0x16080];
	v4 =	vand.u32 $0x1, v4;
	v31 =	vadd.s32 $0x7FFF, v23;
	v32 =	vadd.s32 v24, v25  }
0x348: {  	v18 =	vadd.f32 v30, v18;
	v24 =	vld [tilespmem:s14+$0x14A00];
	v4 =	vadd.s32 v4, v26;
	v23 =	vshrl.u32 v27, $0x10  }
0x349: {  	v26 =	vld [tilespmem:s14+$0x14880];
	v25 =	vshrl.u32 v6, $0x10;
	v4 =	vadd.s32 $0x7FFF, v4;
	v23 =	vand.u32 $0x1, v23  }
0x34a: {  	v33 =	vld [tilespmem:s14+$0x14B00];
	v25 =	vand.u32 $0x1, v25;
	v30 =	vshrl.u32 v21, $0x10;
	v23 =	vadd.s32 v23, v27  }
0x34b: {  	v27 =	vld [tilespmem:s14+$0x14800];
	v25 =	vadd.s32 v25, v6;
	v6 =	vand.u32 $0xFFFF0000, v4;
	v30 =	vand.u32 $0x1, v30  }
0x34c: {  	v4 =	vshrl.u32 v28, $0x10;
	v34 =	vld [tilespmem:s15+$0x0];
	v25 =	vadd.s32 $0x7FFF, v25;
	v35 =	vshrl.u32 v29, $0x10  }
0x34d: {  	v23 =	vadd.s32 $0x7FFF, v23;
	v36 =	vshrl.u32 v24, $0x10;
	v35 =	vand.u32 $0x1, v35  }
0x34e: {  	v38 =	vshrl.u32 v22, $0x10;
	v37 =	vand.u32 $0x1, v4;
	v4 =	vand.u32 $0xFFFF0000, v23  }
0x34f: {  	v28 =	vadd.s32 v37, v28;
	v37 =	vand.u32 $0x1, v38;
	v23 =	vshrl.u32 v26, $0x10  }
0x350: {  	v22 =	vadd.s32 v37, v22;
	v38 =	vand.u32 $0x1, v23;
	v23 =	vadd.s32 $0x7FFF, v28;
	v39 =	vld [tilespmem:s14+$0x14980]  }
0x351: {  	v40 =	vshrl.u32 v33, $0x10;
	v22 =	vadd.s32 $0x7FFF, v22;
	v28 =	vshrl.u32 v34, $0x10;
	v37 =	vld [tilespmem:s14+$0x14900]  }
0x352: {  	v29 =	vadd.s32 v35, v29;
	v41 =	vshrl.u32 v27, $0x10;
	v40 =	vand.u32 $0x1, v40;
	v42 =	vld [tilespmem:s14+$0x14A80]  }
0x353: {  	v36 =	vand.u32 $0x1, v36;
	v23 =	vand.u32 $0xFFFF0000, v23;
	v35 =	vand.u32 $0x1, v41  }
0x354: {  	v30 =	vadd.s32 v30, v21;
	v21 =	vand.u32 $0xFFFF0000, v31;
	v22 =	vand.u32 $0xFFFF0000, v22  }
0x355: {  	v25 =	vand.u32 $0xFFFF0000, v25;
	v27 =	vadd.s32 v35, v27;
	v31 =	vshrl.u32 v39, $0x10  }
0x356: {  	v26 =	vadd.s32 v38, v26;
	v28 =	vand.u32 $0x1, v28;
	v35 =	vshrl.u32 v37, $0x10  }
0x357: {  	v24 =	vadd.s32 v36, v24;
	v26 =	vadd.s32 $0x7FFF, v26;
	v36 =	vshrl.u32 v42, $0x10  }
0x358: {  	v38 =	vadd.s32 $0x7FFF, v24;
	v31 =	vand.u32 $0x1, v31;
	v24 =	vand.u32 $0x1, v36  }
0x359: {  	v29 =	vadd.s32 $0x7FFF, v29;
	v27 =	vadd.s32 $0x7FFF, v27;
	v24 =	vadd.s32 v24, v42  }
0x35a: {  	v30 =	vadd.s32 $0x7FFF, v30;
	v27 =	vand.u32 $0xFFFF0000, v27;
	v31 =	vadd.s32 v31, v39  }
0x35b: {  	v35 =	vand.u32 $0x1, v35;
	v36 =	vand.u32 $0xFFFF0000, v26;
	v26 =	vand.u32 $0xFFFF0000, v30  }
0x35c: {  	v28 =	vadd.s32 v28, v34;
	v30 =	vadd.s32 v35, v37;
	v24 =	vadd.s32 $0x7FFF, v24  }
0x35d: {  	v28 =	vadd.s32 $0x7FFF, v28;
	v34 =	vadd.s32 $0x7FFF, v30;
	v35 =	vand.u32 $0xFFFF0000, v24  }
0x35e: {  	v30 =	vand.u32 $0xFFFF0000, v29;
	v24 =	vand.u32 $0xFFFF0000, v28;
	v28 =	vadd.s32 $0x7FFF, v31  }
.Ltmp6:
0x35f: {  	v29 =	vand.u32 $0xFFFF0000, v34;
	v31 =	vand.u32 $0xFFFF0000, v38;
	v28 =	vand.u32 $0xFFFF0000, v28;
	(pc) =	sbr.rel @p0 .LBB2_15-.Ltmp6, $4  }
0x360: {  	v29 =	vmul.f32 v29, v24;
	v34 =	vmul.f32 v28, v24;
	v28 =	vadd.s32 $0x7FFF, v32  }
0x361: {  	v37 =	vmul.f32 v31, v24;
	v31 =	vadd.s32 v40, v33;
	v28 =	vand.u32 $0xFFFF0000, v28  }
0x362: {  	v32 =	vadd.s32 $0x7FFF, v31;
	v15 =	vadd.f32 v29, v15;
	v29 =	vmul.f32 v35, v24  }
0x363: {  	s11 =	sadd.s32 $0x80, s11;
	s15 =	smov.u32 s13;
	v31 =	vmul.f32 v36, v24;
	v14 =	vadd.f32 v37, v14;
	v16 =	vadd.f32 v34, v16  }
0x364: {  	v27 =	vmul.f32 v27, v24;
	_ =	sdelay $0x1  }
0x365: {  	v20 =	vadd.f32 v27, v20  }
0x366: {  	v3 =	vadd.f32 v31, v3  }
0x367: {  	(xrf2) =	vadd.scan.msk.f32 $0xffff, v20  }
0x368: {  	v20 =	vand.u32 $0xFFFF0000, v32;
	(xrf2) =	vadd.scan.msk.f32 $0xffff, v3  }
0x369: {  	v3 =	vmul.f32 v20, v24;
	(xrf2) =	vadd.scan.msk.f32 $0xffff, v15  }
0x36a: {  	v19 =	vadd.f32 v29, v19;
	v15 =	vmul.f32 v25, v24;
	(xrf2) =	vadd.scan.msk.f32 $0xffff, v16  }
0x36b: {  	v6 =	vmul.f32 v6, v24;
	v16 =	vmul.f32 v23, v24;
	v3 =	vadd.f32 v3, v17;
	(xrf2) =	vadd.scan.msk.f32 $0xffff, v14  }
0x36c: {  	v14 =	vmul.f32 v30, v24;
	v13 =	vadd.f32 v15, v13;
	(xrf2) =	vadd.scan.msk.f32 $0xffff, v19  }
0x36d: {  	v6 =	vadd.f32 v6, v11;
	v11 =	vmul.f32 v22, v24;
	v12 =	vadd.f32 v16, v12;
	(xrf2) =	vadd.scan.msk.f32 $0xffff, v3  }
0x36e: {  	v3 =	vmul.f32 v26, v24;
	v14 =	vadd.f32 v14, v18;
	(xrf2) =	vadd.scan.msk.f32 $0xffff, v13  }
0x36f: {  	(xrf2) =	vadd.scan.msk.f32 $0xffff, v12  }
0x370: {  	v12 =	vmul.f32 v21, v24;
	v3 =	vadd.f32 v3, v10;
	v10 =	vmul.f32 v28, v24;
	(xrf2) =	vadd.scan.msk.f32 $0xffff, v14  }
0x371: {  	v9 =	vadd.f32 v11, v9;
	v11, _, _ =	vpop (xrf2);
	(xrf2) =	vadd.scan.msk.f32 $0xffff, v6  }
0x372: {  	v6 =	vadd.f32 v12, v7;
	v7, _, _ =	vpop (xrf2);
	(xrf2) =	vadd.scan.msk.f32 $0xffff, v3;
	v3 =	vadd.f32 v10, v8;
	v8 =	vbroadcast v11, $0xF;
	_ =	sdelay $0x1  }
0x373: {  	v7 =	vbroadcast v7, $0xF;
	v10, _, _ =	vpop (xrf2)  }
0x374: {  	v4 =	vmul.f32 v4, v24;
	(xrf2) =	vadd.scan.msk.f32 $0xffff, v9;
	v9 =	vbroadcast v10, $0xF;
	v10, _, _ =	vpop (xrf2)  }
0x375: {  	(xrf2) =	vadd.scan.msk.f32 $0xffff, v6;
	v6 =	vsel vm1, v8, v7;
	v7 =	vbroadcast v10, $0xF;
	v8, _, _ =	vpop (xrf2)  }
0x376: {  	v4 =	vadd.f32 v4, v5;
	(xrf2) =	vadd.scan.msk.f32 $0xffff, v3;
	v5 =	vsel vm2, v6, v9;
	v3, _, _ =	vpop (xrf2);
	v6 =	vbroadcast v8, $0xF  }
0x377: {  	v5 =	vsel vm3, v5, v7;
	v8, _, _ =	vpop (xrf2)  }
0x378: {  	v3 =	vbroadcast v3, $0xF;
	v5 =	vsel vm4, v5, v6;
	v6 =	vbroadcast v8, $0xF  }
0x379: {  	v7, _, _ =	vpop (xrf2)  }
0x37a: {  	(xrf2) =	vadd.scan.msk.f32 $0xffff, v4;
	v4, _, _ =	vpop (xrf2);
	v3 =	vsel vm5, v5, v3;
	v5 =	vbroadcast v7, $0xF  }
0x37b: {  	v7, _, _ =	vpop (xrf2);
	v3 =	vsel vm6, v3, v6;
	v4 =	vbroadcast v4, $0xF  }
0x37c: {  	v3 =	vsel vm7, v3, v5;
	v5 =	vbroadcast v7, $0xF;
	v6, _, _ =	vpop (xrf2)  }
0x37d: {  	v3 =	vsel vm8, v3, v4;
	v7, _, _ =	vpop (xrf2);
	v4 =	vbroadcast v6, $0xF  }
0x37e: {  	v3 =	vsel vm9, v3, v5;
	v6, _, _ =	vpop (xrf2);
	v5 =	vbroadcast v7, $0xF  }
0x37f: {  	v7, _, _ =	vpop (xrf2);
	v3 =	vsel vm10, v3, v4;
	v4 =	vbroadcast v6, $0xF  }
0x380: {  	v6, _, _ =	vpop (xrf2);
	v3 =	vsel vm11, v3, v5  }
0x381: {  	v3 =	vsel vm12, v3, v4;
	v4 =	vbroadcast v6, $0xF  }
0x382: {  	v8 =	vld [tilespmem:$0x1C090];
	v5 =	vbroadcast v7, $0xF;
	_ =	sdelay $0x1  }
0x383: {  	v3 =	vsel vm13, v3, v5  }
0x384: {  	v3 =	vsel vm14, v3, v4;
	v4, _, _ =	vpop (xrf2)  }
0x385: {  	v3 =	vsel vm15, v3, v4  }
0x386: {  	s11 =	simm.s32 $0x0;
	v3 =	vadd.f32 v8, v3  }
0x387: {  	s13 =	sand.u32 $0x70, s11;
	s11 =	sand.u32 $0x1C00, s11  }
0x388: {  	s14 =	sor.u32 s13, s11;
	[tilespmem:s9+$0x1C110] =	vst v3  }
0x389: {  	v4 =	vld [tilespmem:s14+$0x19280]  }
0x38a: {  	v5 =	vld [tilespmem:s14+$0x19300]  }
0x38b: {  	v6 =	vld [tilespmem:s14+$0x19100]  }
0x38c: {  	v8 =	vld [tilespmem:s14+$0x17B80]  }
0x38d: {  	v10 =	vld [tilespmem:s14+$0x19180];
	_ =	sdelay $0x3  }
0x38e: {  	v3 =	vimm.f32 $0.0e+00;
	v7 =	vld [tilespmem:s14+$0x19380];
	v9 =	vshrl.u32 v4, $0x10;
	v11 =	vshrl.u32 v5, $0x10  }
0x38f: {  	v27 =	vld [tilespmem:s14+$0x17A80];
	v13 =	vshrl.u32 v6, $0x10;
	v15 =	vshrl.u32 v8, $0x10;
	v17 =	vshrl.u32 v10, $0x10  }
0x390: {  	v9 =	vand.u32 $0x1, v9;
	v13 =	vand.u32 $0x1, v13;
	v15 =	vand.u32 $0x1, v15  }
0x391: {  	v12 =	vld [tilespmem:s14+$0x19000];
	v4 =	vadd.s32 v9, v4;
	v9 =	vand.u32 $0x1, v11;
	v8 =	vadd.s32 v15, v8  }
0x392: {  	s11 =	sadd.s32 s11, s10;
	v16 =	vld [tilespmem:s14+$0x17880];
	v15 =	vand.u32 $0x1, v17;
	v14 =	vadd.s32 $0x7FFF, v4;
	v5 =	vadd.s32 v9, v5  }
0x393: {  	s11 =	sadd.s32 s13, s11;
	v11 =	vld [tilespmem:s14+$0x19080];
	v4 =	vadd.s32 v13, v6;
	v6 =	vshrl.u32 v7, $0x10;
	v8 =	vadd.s32 $0x7FFF, v8  }
0x394: {  	v17 =	vld [tilespmem:s11+$0x0];
	v10 =	vadd.s32 v15, v10;
	v15 =	vshrl.u32 v27, $0x10;
	v4 =	vadd.s32 $0x7FFF, v4  }
0x395: {  	v9 =	vld [tilespmem:s14+$0x17A00];
	v6 =	vand.u32 $0x1, v6;
	v25 =	vand.u32 $0xFFFF0000, v8;
	v15 =	vand.u32 $0x1, v15  }
0x396: {  	v13 =	vld [tilespmem:s14+$0x19200];
	v10 =	vadd.s32 $0x7FFF, v10;
	v5 =	vadd.s32 $0x7FFF, v5;
	v7 =	vadd.s32 v6, v7  }
0x397: {  	v6 =	vand.u32 $0xFFFF0000, v4;
	v4 =	vshrl.u32 v12, $0x10;
	v15 =	vadd.s32 v15, v27  }
0x398: {  	v20 =	vld [tilespmem:s14+$0x17800];
	v7 =	vadd.s32 $0x7FFF, v7;
	v22 =	vand.u32 $0x1, v4;
	v19 =	vshrl.u32 v11, $0x10  }
0x399: {  	v28 =	vld [tilespmem:s14+$0x17900];
	v4 =	vand.u32 $0xFFFF0000, v7;
	v7 =	vshrl.u32 v16, $0x10;
	v12 =	vadd.s32 v22, v12  }
0x39a: {  	v26 =	vshrl.u32 v17, $0x10;
	v21 =	vshrl.u32 v9, $0x10;
	v19 =	vand.u32 $0x1, v19  }
0x39b: {  	v18 =	vld [tilespmem:s14+$0x17B00];
	v23 =	vshrl.u32 v13, $0x10;
	v7 =	vand.u32 $0x1, v7;
	v12 =	vadd.s32 $0x7FFF, v12  }
0x39c: {  	v8 =	vand.u32 $0x1, v26;
	v26 =	vand.u32 $0xFFFF0000, v10;
	v22 =	vand.u32 $0x1, v23  }
0x39d: {  	v23 =	vshrl.u32 v20, $0x10;
	v11 =	vadd.s32 v19, v11;
	v30 =	vand.u32 $0x1, v21  }
0x39e: {  	v21 =	vand.u32 $0xFFFF0000, v14;
	v7 =	vadd.s32 v7, v16;
	v14 =	vshrl.u32 v28, $0x10  }
0x39f: {  	v8 =	vadd.s32 v8, v17;
	v17 =	vimm.f32 $0.0e+00;
	v13 =	vadd.s32 v22, v13  }
0x3a0: {  	v24 =	vld [tilespmem:s14+$0x17980];
	v22 =	vshrl.u32 v18, $0x10;
	v19 =	vand.u32 $0x1, v23;
	v23 =	vand.u32 $0xFFFF0000, v12  }
0x3a1: {  	v7 =	vadd.s32 $0x7FFF, v7;
	v9 =	vadd.s32 v30, v9;
	v11 =	vadd.s32 $0x7FFF, v11  }
0x3a2: {  	v8 =	vadd.s32 $0x7FFF, v8;
	v13 =	vadd.s32 $0x7FFF, v13;
	v29 =	vand.u32 $0x1, v22  }
0x3a3: {  	v12 =	vadd.s32 v19, v20;
	v9 =	vadd.s32 $0x7FFF, v9;
	v7 =	vand.u32 $0xFFFF0000, v7  }
0x3a4: {  	v30 =	vand.u32 $0xFFFF0000, v11;
	v20 =	vimm.f32 $0.0e+00;
	v19 =	vimm.f32 $0.0e+00  }
0x3a5: {  	v22 =	vand.u32 $0xFFFF0000, v13;
	v13 =	vshrl.u32 v24, $0x10;
	v12 =	vadd.s32 $0x7FFF, v12  }
0x3a6: {  	v9 =	vand.u32 $0xFFFF0000, v9;
	v11 =	vadd.s32 v29, v18;
	v18 =	vimm.f32 $0.0e+00  }
0x3a7: {  	v13 =	vand.u32 $0x1, v13;
	v27 =	vand.u32 $0xFFFF0000, v12;
	v32 =	vadd.s32 $0x7FFF, v11  }
0x3a8: {  	v11 =	vimm.f32 $0.0e+00;
	v12 =	vadd.s32 v13, v24;
	v13 =	vand.u32 $0x1, v14  }
0x3a9: {  	v24 =	vand.u32 $0xFFFF0000, v8;
	v10 =	vadd.s32 v13, v28;
	v13 =	vadd.s32 $0x7FFF, v15  }
0x3aa: {  	v8 =	vadd.s32 $0x7FFF, v12;
	v9 =	vmul.f32 v9, v24;
	v28 =	vand.u32 $0xFFFF0000, v5  }
0x3ab: {  	v31 =	vmul.f32 v7, v24;
	v12 =	vimm.f32 $0.0e+00;
	v7 =	vimm.f32 $0.0e+00  }
0x3ac: {  	v5 =	vimm.f32 $0.0e+00;
	v10 =	vadd.s32 $0x7FFF, v10;
	v8 =	vand.u32 $0xFFFF0000, v8  }
0x3ad: {  	v13 =	vand.u32 $0xFFFF0000, v13;
	v10 =	vand.u32 $0xFFFF0000, v10;
	v8 =	vmul.f32 v8, v24  }
0x3ae: {  	v29 =	vmul.f32 v13, v24;
	v14 =	vadd.f32 v9, v3;
	v10 =	vmul.f32 v10, v24  }
0x3af: {  	v13 =	vimm.f32 $0.0e+00;
	v9 =	vimm.f32 $0.0e+00;
	v16 =	vadd.f32 v8, v3  }
0x3b0: {  	s15 =	simm.s32 $0x10;
	s11 =	simm.s32 $0x80;
	v8 =	vimm.f32 $0.0e+00;
	v15 =	vadd.f32 v10, v3;
	v10 =	vimm.f32 $0.0e+00  }
.LBB2_17:
0x3b1: {  	s13 =	smov.u32 s15  }
0x3b2: {  	s16 =	sand.u32 $0x70, s15;
	s14 =	sand.u32 $0x1C00, s11;
	v32 =	vand.u32 $0xFFFF0000, v32;
	v25 =	vmul.f32 v25, v24;
	v30 =	vmul.f32 v30, v24;
	s13 =	sadd.s32 $0x10, s15  }
0x3b3: {  	p0 =	sne.s32 s15, $0x2F0;
	v23 =	vmul.f32 v23, v24;
	s17 =	sadd.s32 s14, s10;
	s14 =	sor.u32 s16, s14;
	v3 =	vadd.f32 v31, v3;
	v31 =	vmul.f32 v32, v24  }
0x3b4: {  	v27 =	vmul.f32 v27, v24;
	v6 =	vmul.f32 v6, v24;
	s15 =	sadd.s32 s16, s17;
	v13 =	vadd.f32 v25, v13;
	v32 =	vld [tilespmem:s14+$0x19280]  }
0x3b5: {  	v12 =	vadd.f32 v23, v12;
	v23 =	vmul.f32 v26, v24;
	v17 =	vadd.f32 v31, v17;
	v25 =	vld [tilespmem:s14+$0x19300]  }
0x3b6: {  	v21 =	vmul.f32 v21, v24;
	v11 =	vadd.f32 v6, v11;
	v6 =	vmul.f32 v22, v24;
	v26 =	vld [tilespmem:s14+$0x19100]  }
0x3b7: {  	v20 =	vadd.f32 v27, v20;
	v10 =	vadd.f32 v23, v10;
	v23 =	vmul.f32 v28, v24;
	v22 =	vld [tilespmem:s14+$0x19200]  }
0x3b8: {  	v19 =	vadd.f32 v29, v19;
	v4 =	vmul.f32 v4, v24;
	v9 =	vadd.f32 v6, v9;
	v27 =	vld [tilespmem:s14+$0x19380]  }
0x3b9: {  	v7 =	vadd.f32 v21, v7;
	v8 =	vadd.f32 v23, v8;
	v6 =	vld [tilespmem:s14+$0x17B80];
	v24 =	vshrl.u32 v32, $0x10  }
0x3ba: {  	v5 =	vadd.f32 v4, v5;
	v21 =	vld [tilespmem:s14+$0x19180];
	v23 =	vand.u32 $0x1, v24;
	v24 =	vshrl.u32 v25, $0x10  }
0x3bb: {  	v28 =	vld [tilespmem:s14+$0x19000];
	v4 =	vshrl.u32 v26, $0x10;
	v23 =	vadd.s32 v23, v32;
	v24 =	vand.u32 $0x1, v24  }
0x3bc: {  	v29 =	vld [tilespmem:s14+$0x19080];
	v4 =	vand.u32 $0x1, v4;
	v31 =	vadd.s32 $0x7FFF, v23;
	v32 =	vadd.s32 v24, v25  }
0x3bd: {  	v18 =	vadd.f32 v30, v18;
	v24 =	vld [tilespmem:s14+$0x17A00];
	v4 =	vadd.s32 v4, v26;
	v23 =	vshrl.u32 v27, $0x10  }
0x3be: {  	v26 =	vld [tilespmem:s14+$0x17880];
	v25 =	vshrl.u32 v6, $0x10;
	v4 =	vadd.s32 $0x7FFF, v4;
	v23 =	vand.u32 $0x1, v23  }
0x3bf: {  	v33 =	vld [tilespmem:s14+$0x17B00];
	v25 =	vand.u32 $0x1, v25;
	v30 =	vshrl.u32 v21, $0x10;
	v23 =	vadd.s32 v23, v27  }
0x3c0: {  	v27 =	vld [tilespmem:s14+$0x17800];
	v25 =	vadd.s32 v25, v6;
	v6 =	vand.u32 $0xFFFF0000, v4;
	v30 =	vand.u32 $0x1, v30  }
0x3c1: {  	v4 =	vshrl.u32 v28, $0x10;
	v34 =	vld [tilespmem:s15+$0x0];
	v25 =	vadd.s32 $0x7FFF, v25;
	v35 =	vshrl.u32 v29, $0x10  }
0x3c2: {  	v23 =	vadd.s32 $0x7FFF, v23;
	v36 =	vshrl.u32 v24, $0x10;
	v35 =	vand.u32 $0x1, v35  }
0x3c3: {  	v38 =	vshrl.u32 v22, $0x10;
	v37 =	vand.u32 $0x1, v4;
	v4 =	vand.u32 $0xFFFF0000, v23  }
0x3c4: {  	v28 =	vadd.s32 v37, v28;
	v37 =	vand.u32 $0x1, v38;
	v23 =	vshrl.u32 v26, $0x10  }
0x3c5: {  	v22 =	vadd.s32 v37, v22;
	v38 =	vand.u32 $0x1, v23;
	v23 =	vadd.s32 $0x7FFF, v28;
	v39 =	vld [tilespmem:s14+$0x17980]  }
0x3c6: {  	v40 =	vshrl.u32 v33, $0x10;
	v22 =	vadd.s32 $0x7FFF, v22;
	v28 =	vshrl.u32 v34, $0x10;
	v37 =	vld [tilespmem:s14+$0x17900]  }
0x3c7: {  	v29 =	vadd.s32 v35, v29;
	v41 =	vshrl.u32 v27, $0x10;
	v40 =	vand.u32 $0x1, v40;
	v42 =	vld [tilespmem:s14+$0x17A80]  }
0x3c8: {  	v36 =	vand.u32 $0x1, v36;
	v23 =	vand.u32 $0xFFFF0000, v23;
	v35 =	vand.u32 $0x1, v41  }
0x3c9: {  	v30 =	vadd.s32 v30, v21;
	v21 =	vand.u32 $0xFFFF0000, v31;
	v22 =	vand.u32 $0xFFFF0000, v22  }
0x3ca: {  	v25 =	vand.u32 $0xFFFF0000, v25;
	v27 =	vadd.s32 v35, v27;
	v31 =	vshrl.u32 v39, $0x10  }
0x3cb: {  	v26 =	vadd.s32 v38, v26;
	v28 =	vand.u32 $0x1, v28;
	v35 =	vshrl.u32 v37, $0x10  }
0x3cc: {  	v24 =	vadd.s32 v36, v24;
	v26 =	vadd.s32 $0x7FFF, v26;
	v36 =	vshrl.u32 v42, $0x10  }
0x3cd: {  	v38 =	vadd.s32 $0x7FFF, v24;
	v31 =	vand.u32 $0x1, v31;
	v24 =	vand.u32 $0x1, v36  }
0x3ce: {  	v29 =	vadd.s32 $0x7FFF, v29;
	v27 =	vadd.s32 $0x7FFF, v27;
	v24 =	vadd.s32 v24, v42  }
0x3cf: {  	v30 =	vadd.s32 $0x7FFF, v30;
	v27 =	vand.u32 $0xFFFF0000, v27;
	v31 =	vadd.s32 v31, v39  }
0x3d0: {  	v35 =	vand.u32 $0x1, v35;
	v36 =	vand.u32 $0xFFFF0000, v26;
	v26 =	vand.u32 $0xFFFF0000, v30  }
0x3d1: {  	v28 =	vadd.s32 v28, v34;
	v30 =	vadd.s32 v35, v37;
	v24 =	vadd.s32 $0x7FFF, v24  }
0x3d2: {  	v28 =	vadd.s32 $0x7FFF, v28;
	v34 =	vadd.s32 $0x7FFF, v30;
	v35 =	vand.u32 $0xFFFF0000, v24  }
0x3d3: {  	v30 =	vand.u32 $0xFFFF0000, v29;
	v24 =	vand.u32 $0xFFFF0000, v28;
	v28 =	vadd.s32 $0x7FFF, v31  }
.Ltmp7:
0x3d4: {  	v29 =	vand.u32 $0xFFFF0000, v34;
	v31 =	vand.u32 $0xFFFF0000, v38;
	v28 =	vand.u32 $0xFFFF0000, v28;
	(pc) =	sbr.rel @p0 .LBB2_17-.Ltmp7, $4  }
0x3d5: {  	v29 =	vmul.f32 v29, v24;
	v34 =	vmul.f32 v28, v24;
	v28 =	vadd.s32 $0x7FFF, v32  }
0x3d6: {  	v37 =	vmul.f32 v31, v24;
	v31 =	vadd.s32 v40, v33;
	v28 =	vand.u32 $0xFFFF0000, v28  }
0x3d7: {  	v32 =	vadd.s32 $0x7FFF, v31;
	v15 =	vadd.f32 v29, v15;
	v29 =	vmul.f32 v35, v24  }
0x3d8: {  	s11 =	sadd.s32 $0x80, s11;
	s15 =	smov.u32 s13;
	v31 =	vmul.f32 v36, v24;
	v14 =	vadd.f32 v37, v14;
	v16 =	vadd.f32 v34, v16  }
0x3d9: {  	v27 =	vmul.f32 v27, v24;
	_ =	sdelay $0x1  }
0x3da: {  	v20 =	vadd.f32 v27, v20  }
0x3db: {  	v3 =	vadd.f32 v31, v3  }
0x3dc: {  	(xrf2) =	vadd.scan.msk.f32 $0xffff, v20  }
0x3dd: {  	v59 =	vand.u32 $0xFFFF0000, v32;
	(xrf2) =	vadd.scan.msk.f32 $0xffff, v3  }
0x3de: {  	v3 =	vmul.f32 v59, v24;
	(xrf2) =	vadd.scan.msk.f32 $0xffff, v15  }
0x3df: {  	v60 =	vmul.f32 v25, v24;
	v19 =	vadd.f32 v29, v19;
	(xrf2) =	vadd.scan.msk.f32 $0xffff, v16  }
0x3e0: {  	v61 =	vmul.f32 v23, v24;
	v6 =	vmul.f32 v6, v24;
	v3 =	vadd.f32 v3, v17;
	(xrf2) =	vadd.scan.msk.f32 $0xffff, v14  }
0x3e1: {  	v62 =	vmul.f32 v30, v24;
	v13 =	vadd.f32 v60, v13;
	(xrf2) =	vadd.scan.msk.f32 $0xffff, v19  }
0x3e2: {  	v12 =	vadd.f32 v61, v12;
	v6 =	vadd.f32 v6, v11;
	v11 =	vmul.f32 v22, v24;
	(xrf2) =	vadd.scan.msk.f32 $0xffff, v3  }
0x3e3: {  	v14 =	vadd.f32 v62, v18;
	v3 =	vmul.f32 v26, v24;
	(xrf2) =	vadd.scan.msk.f32 $0xffff, v13  }
0x3e4: {  	(xrf2) =	vadd.scan.msk.f32 $0xffff, v12  }
0x3e5: {  	v63 =	vmul.f32 v21, v24;
	v3 =	vadd.f32 v3, v10;
	v10 =	vmul.f32 v28, v24;
	(xrf2) =	vadd.scan.msk.f32 $0xffff, v14  }
0x3e6: {  	v9 =	vadd.f32 v11, v9;
	v11, _, _ =	vpop (xrf2);
	(xrf2) =	vadd.scan.msk.f32 $0xffff, v6  }
0x3e7: {  	v6 =	vadd.f32 v63, v7;
	v7, _, _ =	vpop (xrf2);
	(xrf2) =	vadd.scan.msk.f32 $0xffff, v3;
	v3 =	vadd.f32 v10, v8;
	v8 =	vbroadcast v11, $0xF;
	_ =	sdelay $0x1  }
0x3e8: {  	v7 =	vbroadcast v7, $0xF;
	v10, _, _ =	vpop (xrf2)  }
0x3e9: {  	v4 =	vmul.f32 v4, v24;
	(xrf2) =	vadd.scan.msk.f32 $0xffff, v9;
	v9 =	vbroadcast v10, $0xF;
	v10, _, _ =	vpop (xrf2)  }
0x3ea: {  	(xrf2) =	vadd.scan.msk.f32 $0xffff, v6;
	v6 =	vsel vm1, v8, v7;
	v7 =	vbroadcast v10, $0xF;
	v8, _, _ =	vpop (xrf2)  }
0x3eb: {  	v4 =	vadd.f32 v4, v5;
	(xrf2) =	vadd.scan.msk.f32 $0xffff, v3;
	v5 =	vsel vm2, v6, v9;
	v3, _, _ =	vpop (xrf2);
	v6 =	vbroadcast v8, $0xF  }
0x3ec: {  	v5 =	vsel vm3, v5, v7;
	v8, _, _ =	vpop (xrf2)  }
0x3ed: {  	v3 =	vbroadcast v3, $0xF;
	v5 =	vsel vm4, v5, v6;
	v6 =	vbroadcast v8, $0xF  }
0x3ee: {  	v7, _, _ =	vpop (xrf2)  }
0x3ef: {  	(xrf2) =	vadd.scan.msk.f32 $0xffff, v4;
	v4, _, _ =	vpop (xrf2);
	v3 =	vsel vm5, v5, v3;
	v5 =	vbroadcast v7, $0xF  }
0x3f0: {  	v7, _, _ =	vpop (xrf2);
	v3 =	vsel vm6, v3, v6;
	v4 =	vbroadcast v4, $0xF  }
0x3f1: {  	v3 =	vsel vm7, v3, v5;
	v5 =	vbroadcast v7, $0xF;
	v6, _, _ =	vpop (xrf2)  }
0x3f2: {  	v3 =	vsel vm8, v3, v4;
	v7, _, _ =	vpop (xrf2);
	v4 =	vbroadcast v6, $0xF  }
0x3f3: {  	v3 =	vsel vm9, v3, v5;
	v6, _, _ =	vpop (xrf2);
	v5 =	vbroadcast v7, $0xF  }
0x3f4: {  	v7, _, _ =	vpop (xrf2);
	v3 =	vsel vm10, v3, v4;
	v4 =	vbroadcast v6, $0xF  }
0x3f5: {  	v6, _, _ =	vpop (xrf2);
	v3 =	vsel vm11, v3, v5  }
0x3f6: {  	v3 =	vsel vm12, v3, v4;
	v4 =	vbroadcast v6, $0xF  }
0x3f7: {  	v8 =	vld [tilespmem:$0x1C0A0];
	v5 =	vbroadcast v7, $0xF;
	_ =	sdelay $0x1  }
0x3f8: {  	v3 =	vsel vm13, v3, v5  }
0x3f9: {  	v3 =	vsel vm14, v3, v4;
	v4, _, _ =	vpop (xrf2)  }
0x3fa: {  	v3 =	vsel vm15, v3, v4  }
0x3fb: {  	s11 =	simm.s32 $0x0;
	v3 =	vadd.f32 v8, v3  }
0x3fc: {  	s13 =	sand.u32 $0x70, s11;
	s11 =	sand.u32 $0x1C00, s11  }
0x3fd: {  	s14 =	sadd.s32 s11, s10;
	s11 =	sor.u32 s13, s11;
	[tilespmem:s9+$0x1C120] =	vst v3  }
0x3fe: {  	s13 =	sadd.s32 s13, s14;
	v4 =	vld [tilespmem:s11+$0x1A880]  }
0x3ff: {  	v5 =	vld [tilespmem:s13+$0x0]  }
0x400: {  	v6 =	vld [tilespmem:s11+$0x1A800];
	_ =	sdelay $0x3  }
0x401: {  	s17 =	simm.s32 $0x10;
	s18 =	simm.s32 $0x80  }
0x402: {  	s11 =	sand.u32 $0x70, s17;
	s13 =	sand.u32 $0x1C00, s18;
	v7 =	vshrl.u32 v5, $0x10;
	v8 =	vshrl.u32 v4, $0x10;
	v9 =	vshrl.u32 v6, $0x10  }
0x403: {  	s19 =	sadd.s32 s13, s10;
	s13 =	sor.u32 s11, s13;
	v7 =	vand.u32 $0x1, v7;
	v8 =	vand.u32 $0x1, v8;
	v9 =	vand.u32 $0x1, v9  }
0x404: {  	s11 =	sadd.s32 s11, s19;
	v5 =	vadd.s32 v7, v5;
	v4 =	vadd.s32 v8, v4;
	v6 =	vadd.s32 v9, v6;
	v8 =	vld [tilespmem:s13+$0x1A880]  }
0x405: {  	v7 =	vadd.s32 $0x7FFF, v5;
	v6 =	vadd.s32 $0x7FFF, v6;
	v5 =	vld [tilespmem:s11+$0x0]  }
0x406: {  	v4 =	vadd.s32 $0x7FFF, v4;
	v10 =	vand.u32 $0xFFFF0000, v6;
	v6 =	vld [tilespmem:s13+$0x1A800]  }
0x407: {  	v7 =	vand.u32 $0xFFFF0000, v7;
	v4 =	vand.u32 $0xFFFF0000, v4  }
0x408: {  	s20 =	simm.s32 $0x20;
	s11 =	simm.s32 $0x100;
	v9 =	vmul.f32 v4, v7  }
0x409: {  	s14 =	sand.u32 $0x70, s20;
	v3 =	vimm.f32 $0.0e+00;
	s15 =	sand.u32 $0x1C00, s11;
	s13 =	simm.s32 $0x30;
	v7 =	vmul.f32 v10, v7;
	v4 =	vimm.f32 $0.0e+00  }
.LBB2_19:
0x40a: {  	p0 =	sne.s32 s13, $0x2F0;
	s16 =	sadd.s32 s15, s10;
	s15 =	sor.u32 s14, s15;
	v10 =	vshrl.u32 v5, $0x10;
	v11 =	vshrl.u32 v8, $0x10;
	v3 =	vadd.f32 v9, v3  }
0x40b: {  	s14 =	sadd.s32 s14, s16;
	v12 =	vld [tilespmem:s15+$0x1A880];
	v9 =	vand.u32 $0x1, v10;
	v10 =	vshrl.u32 v6, $0x10;
	v11 =	vand.u32 $0x1, v11  }
.Ltmp8:
0x40c: {  	v9 =	vadd.s32 v9, v5;
	v5 =	vld [tilespmem:s14+$0x0];
	v10 =	vand.u32 $0x1, v10;
	v8 =	vadd.s32 v11, v8;
	(pc) =	sbr.rel @p0 .LBB2_19-.Ltmp8, $4  }
0x40d: {  	v9 =	vadd.s32 $0x7FFF, v9;
	v10 =	vadd.s32 v10, v6;
	v6 =	vld [tilespmem:s15+$0x1A800];
	v8 =	vadd.s32 $0x7FFF, v8  }
0x40e: {  	v11 =	vand.u32 $0xFFFF0000, v9;
	v9 =	vadd.s32 $0x7FFF, v10;
	v13 =	vand.u32 $0xFFFF0000, v8  }
0x40f: {  	s11 =	sadd.s32 $0x80, s11;
	v4 =	vadd.f32 v7, v4;
	v10 =	vand.u32 $0xFFFF0000, v9;
	v9 =	vmul.f32 v13, v11  }
0x410: {  	s14 =	sand.u32 $0x70, s13;
	s13 =	sadd.s32 $0x10, s13;
	s15 =	sand.u32 $0x1C00, s11;
	v7 =	vmul.f32 v10, v11;
	v8 =	vmov v12  }
0x411: {  	s10 =	sadd.s32 s15, s10;
	s11 =	sor.u32 s14, s15  }
0x412: {  	v10 =	vshrl.u32 v5, $0x10;
	v11 =	vshrl.u32 v8, $0x10;
	v3 =	vadd.f32 v9, v3;
	s10 =	sadd.s32 s14, s10;
	v13 =	vld [tilespmem:s11+$0x1A800]  }
0x413: {  	v10 =	vand.u32 $0x1, v10;
	v12 =	vshrl.u32 v6, $0x10;
	v11 =	vand.u32 $0x1, v11;
	v52 =	vld [tilespmem:s10+$0x0]  }
0x414: {  	v54 =	vld [tilespmem:s11+$0x1A880];
	v53 =	vadd.s32 v10, v5;
	v12 =	vand.u32 $0x1, v12;
	v55 =	vadd.s32 v11, v8  }
0x415: {  	v5 =	vadd.s32 $0x7FFF, v53;
	v56 =	vadd.s32 v12, v6;
	v8 =	vadd.s32 $0x7FFF, v55  }
0x416: {  	v5 =	vand.u32 $0xFFFF0000, v5;
	v6 =	vadd.s32 $0x7FFF, v56;
	v8 =	vand.u32 $0xFFFF0000, v8  }
0x417: {  	v4 =	vadd.f32 v7, v4;
	v6 =	vand.u32 $0xFFFF0000, v6;
	v8 =	vmul.f32 v8, v5  }
0x418: {  	v5 =	vmul.f32 v6, v5;
	v58 =	vshrl.u32 v13, $0x10;
	v57 =	vshrl.u32 v52, $0x10  }
0x419: {  	v59 =	vshrl.u32 v54, $0x10;
	v7 =	vand.u32 $0x1, v58;
	v6 =	vand.u32 $0x1, v57  }
0x41a: {  	v11 =	vand.u32 $0x1, v59;
	v7 =	vadd.s32 v7, v13;
	v6 =	vadd.s32 v6, v52  }
0x41b: {  	v60 =	vadd.s32 v11, v54;
	v7 =	vadd.s32 $0x7FFF, v7;
	v6 =	vadd.s32 $0x7FFF, v6  }
0x41c: {  	v9 =	vadd.s32 $0x7FFF, v60;
	v7 =	vand.u32 $0xFFFF0000, v7;
	v6 =	vand.u32 $0xFFFF0000, v6  }
0x41d: {  	v4 =	vadd.f32 v5, v4;
	v9 =	vand.u32 $0xFFFF0000, v9;
	v61 =	vmul.f32 v7, v6  }
0x41e: {  	v3 =	vadd.f32 v8, v3;
	v6 =	vmul.f32 v9, v6  }
0x41f: {  	v4 =	vadd.f32 v61, v4  }
0x420: {  	v3 =	vadd.f32 v6, v3  }
0x421: {  	(xrf2) =	vadd.scan.msk.f32 $0xffff, v4  }
0x422: {  	(xrf2) =	vadd.scan.msk.f32 $0xffff, v3;
	_ =	sdelay $0x8  }
0x423: {  	v62 =	vld [tilespmem:$0x1C0B0];
	v3, _, _ =	vpop (xrf2)  }
0x424: {  	v3 =	vbroadcast v3, $0xF;
	v63, _, _ =	vpop (xrf2)  }
0x425: {  	v5 =	vbroadcast v63, $0xF  }
0x426: {  	vm3 =	vcmask $0x308;
	v3 =	vnsel vm1, $0xF149F2CA, v3  }
0x427: {  	v3 =	vsel vm3, v3, v5  }
0x428: {  	v4 =	vadd.f32 v62, v3;
	_ =	sdelay $0x1  }
0x429: {  	s6 =	sadd.s32 $0x1, s6;
	v3 =	vsel vm2, v4, v3  }
0x42a: {  	p0 =	sne.s32 s6, $0x10;
	[tilespmem:s9+$0x1C130] =	vst v3;
	v3 =	vld [tilespmem:$0x1FFF0]  }
.Ltmp9:
0x42b: {  	_ = 	snop;
	(pc) =	sbr.rel @p0 .LBB2_2-.Ltmp9, $2  }
0x42c: {  	_ =	sdelay $0x2  }
0x42d: {  	vm3 =	vnez.u8 v3  }
0x42e: {  	s6 =	rddreg [dreg:$0x7];
	s9 =	simm.s32 $0x1C100  }
0x42f: {  	[hbm4b:s6+s4] =	stream.linear.scatter [tilespmem:s9], [sflag:$0x3], $0x1000, $0x38;
	[tilespmem:$0x1D100] =	vst v63  }
0x430: {  	s9 =	simm.s32 $0x3  }
0x431: {  	_ =	swait.ge [sflag:s9], $0x1000  }
0x432: {  	s10 =	rddreg [dreg:$0x9]  }
0x433: {  	s20 =	rddreg [dreg:$0x8];
	s10 =	sadd.s32 $0x1, s10  }
0x434: {  	p0 =	sne.s32 s10, s20  }
.Ltmp10:
0x435: {  	_ = 	snop;
	(pc) =	sbr.rel @p0 .LBB2_1-.Ltmp10, $3  }
0x436: {  	_ =	sdelay $0x1  }
0x437: {  	[sflag:s9] =	ssyncset.done $0x0  }
0x438: {  	[sflag:s9] =	ssyncadd.s32 $0xFFFFF000  }
0x439: {  	_ =	sfence.sel $0x180000  }
0x43a: {  	[bflag:$0x0] =	sbarrier.arrive $0xFFFF  }
0x43b: {  	_ =	strace $0x90000047  }
0x43c: {  	s0 =	stileid.u32;
	[bflag:$0x2] =	sbarrier.arrive $0xFFFF  }
0x43d: {  	p0 =	sne.s32 s0, $0x0;
	s0 =	rddreg [dreg:$0x4]  }
0x43e: {  	s0 =	sadd.s32 @!p0 $0x100000, s0  }
0x43f: {  	[sflag:s0] =	ssyncadd.tile.s32 @!p0 $0x1;
	_ =	shalt  }
.Lfunc_end2:
_tile_overlayer_lowered:
.L_overlay_start_2:
0x440: {  	(tag) =	ssettag $0x2  }
0x441: {  	s0 =	rddreg [dreg:$0x0];
	s2 =	stileid.u32  }
0x442: {  	s1 =	rddreg [dreg:$0x1];
	p0 =	sne.s32 s2, $0x0  }
0x443: {  	s3 =	rddreg [dreg:$0x2];
	[bflag:$0x3] =	sbarrier.arrive $0xFFFF;
	s2 =	simm.s32 @!p0 $0x1C03  }
0x444: {  	[timem:s3], [sflag:s2] =	dma.local @!p0 [hbm:s0], s1  }
0x445: {  	s0 =	simm.s32 @!p0 $0x3  }
0x446: {  	_ =	swait.ge @!p0 [sflag:s0], s1  }
0x447: {  	s1 =	ssub.s32 @!p0 $0x0, s1;
	[sflag:s0] =	ssyncset.done @!p0 $0x0  }
0x448: {  	[sflag:s0] =	ssyncadd.s32 @!p0 s1  }
0x449: {  	[bflag:$0x3] =	sbarrier.arrive $0xFFFF  }
0x44a: {  	_ =	shalt  }

</sc_bundles>
